<compile_context>
chip_gen: v7x
topology: tpu7x:2x2x1
jax: 0.10.2.dev20260603
libtpu: 0.0.44.dev20260713+nightly
codegen_flags: <defaults>
</compile_context>

<pallas_src>
import jax
import jax.numpy as jnp
from jax import lax
from jax.experimental import pallas as pl
from jax.experimental.pallas import tpu as pltpu
from jax.experimental.pallas import tpu_sc as plsc

NN = 10000
EE = 320000
D = 128
NPAD = 10240
EPAD = 327680
NBROWS = EPAD // 128
NB = 80
CH = 16
NCH = NB // CH
EB = 80
ANB = EPAD // (32 * EB)
ACH = 8
ANCH = ANB // ACH
AROWS = EPAD // EB
ROWS_PER_TILE = NPAD // 16
BLK = 400
GRID = NN // BLK

_mesh = plsc.VectorSubcoreMesh(core_axis_name="c", subcore_axis_name="s")



def _deg_body(cols_hbm, out_hbm, dacc, ones_v, zeros_v, cidx):
    c = lax.axis_index("c")
    s = lax.axis_index("s")
    tb = c * 16 + s

    def initz(j, _):
        zeros_v[pl.ds(j * 16, 16)] = jnp.zeros((16,), jnp.float32)
        return 0
    lax.fori_loop(0, ROWS_PER_TILE // 16, initz, 0)
    for j in range(8):
        ones_v[pl.ds(j * 16, 16)] = jnp.ones((16,), jnp.float32)

    pltpu.sync_copy(zeros_v, dacc.at[pl.ds(s * ROWS_PER_TILE, ROWS_PER_TILE)])
    plsc.subcore_barrier()

    pltpu.sync_copy(cols_hbm.at[pl.ds(tb * NB, NB)], cidx)

    def ebody(b, _):
        pltpu.sync_copy(ones_v, dacc.at[cidx.at[b]], add=True)
        return 0
    lax.fori_loop(0, NB, ebody, 0)
    plsc.subcore_barrier()

    pltpu.sync_copy(dacc.at[pl.ds(s * ROWS_PER_TILE, ROWS_PER_TILE)],
                    out_hbm.at[c, pl.ds(s * ROWS_PER_TILE, ROWS_PER_TILE)])


_deg_kernel = pl.kernel(
    _deg_body,
    out_type=jax.ShapeDtypeStruct((2, NPAD), jnp.float32),
    mesh=_mesh,
    scratch_types=[
        pltpu.VMEM_SHARED((NPAD,), jnp.float32),
        pltpu.VMEM((128,), jnp.float32),
        pltpu.VMEM((ROWS_PER_TILE,), jnp.float32),
        pltpu.VMEM((NB, 128), jnp.int32),
    ],
)



NB0 = 240
NB1 = 16


def _agg_body(y_hbm, rows_hbm, cols_hbm, out_hbm, acc, gbuf, ridx, cidx,
              gs0, gs1, gs2, gs3, ss0, ss1, ss2, ss3):
    gsem = (gs0, gs1, gs2, gs3)
    ssem = (ss0, ss1, ss2, ss3)
    c = lax.axis_index("c")
    s = lax.axis_index("s")
    nb_me = jnp.where(c == 0, NB0, NB1)
    nch_me = nb_me // ACH
    base_b = jnp.where(c == 0, s * NB0, 16 * NB0 + s * NB1)

    def zrow(i, _):
        for j in range(8):
            gbuf[0, i, pl.ds(j * 16, 16)] = jnp.zeros((16,), jnp.float32)
        return 0
    lax.fori_loop(0, EB, zrow, 0)
    for j in range(ROWS_PER_TILE // EB):
        pltpu.sync_copy(gbuf.at[0],
                        acc.at[pl.ds(s * ROWS_PER_TILE + j * EB, EB)])
    plsc.subcore_barrier()

    pltpu.sync_copy(rows_hbm.at[pl.ds(base_b, ACH)], ridx.at[0])
    pltpu.sync_copy(cols_hbm.at[pl.ds(base_b, ACH)], cidx.at[0])
    pltpu.async_copy(y_hbm.at[ridx.at[0, 0]], gbuf.at[0], gsem[0])
    pltpu.async_copy(y_hbm.at[ridx.at[0, 1]], gbuf.at[1], gsem[1])

    def chunk(m, _):
        cur = lax.rem(m, 2)
        nxt = lax.rem(m + 1, 2)
        for bl in range(ACH):
            k = bl % 4
            kn = (bl + 2) % 4
            pltpu.make_async_copy(y_hbm.at[ridx.at[cur, bl]], gbuf.at[k],
                                  gsem[k]).wait()
            pltpu.async_copy(gbuf.at[k], acc.at[cidx.at[cur, bl]], ssem[k],
                             add=True)
            if bl < 2:
                @pl.when(m >= 1)
                def _():
                    pltpu.make_async_copy(gbuf.at[kn], acc.at[pl.ds(0, EB)],
                                          ssem[kn]).wait()
            else:
                pltpu.make_async_copy(gbuf.at[kn], acc.at[pl.ds(0, EB)],
                                      ssem[kn]).wait()
            if bl == 1:
                @pl.when(m + 1 < nch_me)
                def _():
                    pltpu.sync_copy(
                        rows_hbm.at[pl.ds(base_b + (m + 1) * ACH, ACH)],
                        ridx.at[nxt])
                    pltpu.sync_copy(
                        cols_hbm.at[pl.ds(base_b + (m + 1) * ACH, ACH)],
                        cidx.at[nxt])
            if bl < ACH - 2:
                pltpu.async_copy(y_hbm.at[ridx.at[cur, bl + 2]], gbuf.at[kn],
                                 gsem[kn])
            else:
                @pl.when(m + 1 < nch_me)
                def _():
                    pltpu.async_copy(y_hbm.at[ridx.at[nxt, bl + 2 - ACH]],
                                     gbuf.at[kn], gsem[kn])
        return 0
    lax.fori_loop(0, nch_me, chunk, 0)
    pltpu.make_async_copy(gbuf.at[2], acc.at[pl.ds(0, EB)], ssem[2]).wait()
    pltpu.make_async_copy(gbuf.at[3], acc.at[pl.ds(0, EB)], ssem[3]).wait()
    plsc.subcore_barrier()

    pltpu.sync_copy(acc.at[pl.ds(s * ROWS_PER_TILE, ROWS_PER_TILE)],
                    out_hbm.at[c, pl.ds(s * ROWS_PER_TILE, ROWS_PER_TILE)])


_agg_kernel = pl.kernel(
    _agg_body,
    out_type=jax.ShapeDtypeStruct((2, NPAD, D), jnp.float32),
    mesh=_mesh,
    scratch_types=[
        pltpu.VMEM_SHARED((NPAD, D), jnp.float32),
        pltpu.VMEM((4, EB, D), jnp.float32),
        pltpu.VMEM((2, ACH, EB), jnp.int32),
        pltpu.VMEM((2, ACH, EB), jnp.int32),
        pltpu.SemaphoreType.DMA,
        pltpu.SemaphoreType.DMA,
        pltpu.SemaphoreType.DMA,
        pltpu.SemaphoreType.DMA,
        pltpu.SemaphoreType.DMA,
        pltpu.SemaphoreType.DMA,
        pltpu.SemaphoreType.DMA,
        pltpu.SemaphoreType.DMA,
    ],
)



def _tc_first_body(x_ref, w_ref, d0_ref, d1_ref, y_ref, dis_ref):
    deg = d0_ref[0] + d1_ref[0] + 1.0
    dis = lax.rsqrt(deg)
    xw = jnp.dot(x_ref[...], w_ref[...], preferred_element_type=jnp.float32)
    y_ref[...] = dis * xw
    dis_ref[...] = dis


_tc_first = pl.pallas_call(
    _tc_first_body,
    grid=(GRID,),
    in_specs=[
        pl.BlockSpec((BLK, D), lambda i: (i, 0)),
        pl.BlockSpec((D, D), lambda i: (0, 0)),
        pl.BlockSpec((1, BLK, 1), lambda i: (0, i, 0)),
        pl.BlockSpec((1, BLK, 1), lambda i: (1, i, 0)),
    ],
    out_specs=[
        pl.BlockSpec((BLK, D), lambda i: (i, 0)),
        pl.BlockSpec((BLK, 1), lambda i: (i, 0)),
    ],
    out_shape=[
        jax.ShapeDtypeStruct((NN, D), jnp.float32),
        jax.ShapeDtypeStruct((NN, 1), jnp.float32),
    ],
)


def _tc_mid_body(q0_ref, q1_ref, y1_ref, dis_ref, w_ref, b_ref, y2_ref):
    dis = dis_ref[...]
    h = dis * (q0_ref[0] + q1_ref[0] + y1_ref[...]) + b_ref[...]
    h = jnp.maximum(h, 0.0)
    xw = jnp.dot(h, w_ref[...], preferred_element_type=jnp.float32)
    y2_ref[...] = dis * xw


_tc_mid = pl.pallas_call(
    _tc_mid_body,
    grid=(GRID,),
    in_specs=[
        pl.BlockSpec((1, BLK, D), lambda i: (0, i, 0)),
        pl.BlockSpec((1, BLK, D), lambda i: (1, i, 0)),
        pl.BlockSpec((BLK, D), lambda i: (i, 0)),
        pl.BlockSpec((BLK, 1), lambda i: (i, 0)),
        pl.BlockSpec((D, D), lambda i: (0, 0)),
        pl.BlockSpec((1, D), lambda i: (0, 0)),
    ],
    out_specs=pl.BlockSpec((BLK, D), lambda i: (i, 0)),
    out_shape=jax.ShapeDtypeStruct((NN, D), jnp.float32),
)


def _tc_last_body(q0_ref, q1_ref, y2_ref, dis_ref, b_ref, out_ref):
    dis = dis_ref[...]
    out_ref[...] = dis * (q0_ref[0] + q1_ref[0] + y2_ref[...]) + b_ref[...]


_tc_last = pl.pallas_call(
    _tc_last_body,
    grid=(GRID,),
    in_specs=[
        pl.BlockSpec((1, BLK, D), lambda i: (0, i, 0)),
        pl.BlockSpec((1, BLK, D), lambda i: (1, i, 0)),
        pl.BlockSpec((BLK, D), lambda i: (i, 0)),
        pl.BlockSpec((BLK, 1), lambda i: (i, 0)),
        pl.BlockSpec((1, D), lambda i: (0, 0)),
    ],
    out_specs=pl.BlockSpec((BLK, D), lambda i: (i, 0)),
    out_shape=jax.ShapeDtypeStruct((NN, D), jnp.float32),
)



def kernel(x, edge_index, W1, b1, W2, b2):
    row = edge_index[0]
    col = edge_index[1]
    pad = EPAD - EE
    rows_p = jnp.concatenate([row, jnp.zeros((pad,), jnp.int32)]).reshape(NBROWS, 128)
    cols_p = jnp.concatenate([col, jnp.full((pad,), NN, jnp.int32)]).reshape(NBROWS, 128)

    degp = _deg_kernel(cols_p)
    dd = degp.reshape(2, NPAD, 1)

    rows_a = rows_p.reshape(AROWS, EB)
    cols_a = cols_p.reshape(AROWS, EB)

    y1, dis = _tc_first(x, W1, dd, dd)
    q = _agg_kernel(y1, rows_a, cols_a)
    y2 = _tc_mid(q, q, y1, dis, W2, b1.reshape(1, D))
    q2 = _agg_kernel(y2, rows_a, cols_a)
    out = _tc_last(q2, q2, y2, dis, b2.reshape(1, D))
    return out

# --- scband reference (transcript-rebuilt; emitter-appended) ---
"""Pipeline reference for scband-static-graph-gnn-75247827025979 (READ-ONLY COPY).

The authoritative reference and input builder live on the scoring server;
editing this copy changes nothing except your own understanding.
"""

import jax, jax.numpy as jnp
import numpy as np

N = 10000
E = 320000
D_IN, D_HID, D_OUT = 128, 128, 128


def gcn_conv(x, edge_index, W, b, num_nodes):
    # linear transform (PyG GCNConv lin has bias=False; bias added after aggregation)
    x = x @ W
    row, col = edge_index[0], edge_index[1]
    # add self loops
    loop = jnp.arange(num_nodes, dtype=edge_index.dtype)
    row = jnp.concatenate([row, loop])
    col = jnp.concatenate([col, loop])
    ones = jnp.ones(row.shape[0], dtype=x.dtype)
    # symmetric normalization: deg computed on destination (col)
    deg = jnp.zeros((num_nodes,), dtype=x.dtype).at[col].add(ones)
    deg_inv_sqrt = jnp.where(deg > 0, jax.lax.rsqrt(jnp.maximum(deg, 1e-12)), 0.0)
    norm = deg_inv_sqrt[row] * deg_inv_sqrt[col]
    # message = norm * x_j (gather from source), aggregate sum at destination
    msg = x[row] * norm[:, None]
    out = jnp.zeros((num_nodes, x.shape[1]), dtype=x.dtype).at[col].add(msg)
    return out + b


def setup_inputs(seed: int = 0) -> dict:
    key = jax.random.key(seed)
    k1, k2, k3, k4, k5, k6 = jax.random.split(key, 6)
    x = jax.random.normal(k1, (N, D_IN), dtype=jnp.float32)
    edge_index = jax.random.randint(k2, (2, E), 0, N, dtype=jnp.int32)
    s1 = 1.0 / np.sqrt(D_IN)
    s2 = 1.0 / np.sqrt(D_HID)
    W1 = jax.random.uniform(k3, (D_IN, D_HID), dtype=jnp.float32, minval=-s1, maxval=s1)
    b1 = jnp.zeros((D_HID,), dtype=jnp.float32)
    W2 = jax.random.uniform(k4, (D_HID, D_OUT), dtype=jnp.float32, minval=-s2, maxval=s2)
    b2 = jnp.zeros((D_OUT,), dtype=jnp.float32)
    return {"x": x, "edge_index": edge_index, "W1": W1, "b1": b1, "W2": W2, "b2": b2}


def reference(x, edge_index, W1, b1, W2, b2):
    # layer 1 (GCNConv) + relu (dropout is identity in eval)
    h = gcn_conv(x, edge_index, W1, b1, N)
    h = jax.nn.relu(h)
    # layer 2 (GCNConv), no activation on final layer
    out = gcn_conv(h, edge_index, W2, b2, N)
    return out

if __name__ == "__main__":
    import jax
    _d = setup_inputs()
    print(jax.jit(kernel)(*tuple(_d.values())))

</pallas_src>

<mosaic_0001>
#map = affine_map<(d0, d1) -> (0, 0)>
module attributes {stable_mosaic.version = 14 : i64} {
  func.func @_deg_body(%arg0: i32, %arg1: i32, %arg2: memref<2560x128xi32, #tpu.memory_space<hbm>>, %arg3: memref<2x10240xf32, #tpu.memory_space<hbm>>, %arg4: memref<10240xf32, #tpu.memory_space<vmem_shared>>, %arg5: memref<128xf32, #tpu.memory_space<vmem>>, %arg6: memref<640xf32, #tpu.memory_space<vmem>>, %arg7: memref<80x128xi32, #tpu.memory_space<vmem>>) attributes {dimension_semantics = [#tpu.dimension_semantics<core_parallel>, #tpu.dimension_semantics<subcore_parallel>], iteration_bounds = array<i64: 2, 16>, scalar_prefetch = 0 : i64, scratch_operands = 4 : i64, tpu.core_type = #tpu.core_type<sc_vector_subcore>, window_params = [{transform_indices = #map}, {transform_indices = #map}]} {
    %mul3A = arith.constant 16 : i32
    %mul3A_0 = arith.muli %arg0, %mul3A : i32
    %add3A = arith.addi %mul3A_0, %arg1 : i32
    %scan3A = arith.constant 0 : i32
    %scan3A_1 = arith.constant 0 : i32
    %scan3A_2 = arith.constant 40 : i32
    %scan3A_3 = arith.addi %scan3A_1, %scan3A_2 : i32
    %scan3A_4 = arith.constant 1 : i32
    %scan3A_5 = scf.for %scan3A_69 = %scan3A_1 to %scan3A_3 step %scan3A_4 iter_args(%scan3A_70 = %scan3A) -> (i32)  : i32 {
      %broadcast_in_dim3A_71 = arith.constant 0.000000e+00 : f32
      %broadcast_in_dim3A_72 = vector.broadcast %broadcast_in_dim3A_71 : f32 to vector<16xf32>
      %mul3A_73 = arith.constant 16 : i32
      %mul3A_74 = arith.muli %scan3A_69, %mul3A_73 : i32
      %swap3A_75 = arith.index_cast %mul3A_74 : i32 to index
      %swap3A_76 = tpu.vector_load %arg6[%swap3A_75] {strides = array<i32>} : memref<640xf32, #tpu.memory_space<vmem>>, vector<16xf32>,
      %swap3A_77 = vector.shape_cast %swap3A_76 : vector<16xf32> to vector<16xf32>
      %swap3A_78 = vector.shape_cast %broadcast_in_dim3A_72 : vector<16xf32> to vector<16xf32>
      tpu.vector_store %arg6[%swap3A_75], %swap3A_78 {strides = array<i32>} : memref<640xf32, #tpu.memory_space<vmem>>, vector<16xf32>,
      %scan3A_79 = arith.constant 0 : i32
      scf.yield %scan3A_79 : i32
    }
    %scan3A_6 = arith.constant 40 : i32
    %broadcast_in_dim3A = arith.constant 1.000000e+00 : f32
    %broadcast_in_dim3A_7 = vector.broadcast %broadcast_in_dim3A : f32 to vector<16xf32>
    %swap3A = arith.constant 0 : index
    %swap3A_8 = tpu.vector_load %arg5[%swap3A] {strides = array<i32>} : memref<128xf32, #tpu.memory_space<vmem>>, vector<16xf32>,
    %swap3A_9 = vector.shape_cast %swap3A_8 : vector<16xf32> to vector<16xf32>
    %swap3A_10 = vector.shape_cast %broadcast_in_dim3A_7 : vector<16xf32> to vector<16xf32>
    tpu.vector_store %arg5[%swap3A], %swap3A_10 {strides = array<i32>} : memref<128xf32, #tpu.memory_space<vmem>>, vector<16xf32>,
    %broadcast_in_dim3A_11 = arith.constant 1.000000e+00 : f32
    %broadcast_in_dim3A_12 = vector.broadcast %broadcast_in_dim3A_11 : f32 to vector<16xf32>
    %swap3A_13 = arith.constant 16 : index
    %swap3A_14 = tpu.vector_load %arg5[%swap3A_13] {strides = array<i32>} : memref<128xf32, #tpu.memory_space<vmem>>, vector<16xf32>,
    %swap3A_15 = vector.shape_cast %swap3A_14 : vector<16xf32> to vector<16xf32>
    %swap3A_16 = vector.shape_cast %broadcast_in_dim3A_12 : vector<16xf32> to vector<16xf32>
    tpu.vector_store %arg5[%swap3A_13], %swap3A_16 {strides = array<i32>} : memref<128xf32, #tpu.memory_space<vmem>>, vector<16xf32>,
    %broadcast_in_dim3A_17 = arith.constant 1.000000e+00 : f32
    %broadcast_in_dim3A_18 = vector.broadcast %broadcast_in_dim3A_17 : f32 to vector<16xf32>
    %swap3A_19 = arith.constant 32 : index
    %swap3A_20 = tpu.vector_load %arg5[%swap3A_19] {strides = array<i32>} : memref<128xf32, #tpu.memory_space<vmem>>, vector<16xf32>,
    %swap3A_21 = vector.shape_cast %swap3A_20 : vector<16xf32> to vector<16xf32>
    %swap3A_22 = vector.shape_cast %broadcast_in_dim3A_18 : vector<16xf32> to vector<16xf32>
    tpu.vector_store %arg5[%swap3A_19], %swap3A_22 {strides = array<i32>} : memref<128xf32, #tpu.memory_space<vmem>>, vector<16xf32>,
    %broadcast_in_dim3A_23 = arith.constant 1.000000e+00 : f32
    %broadcast_in_dim3A_24 = vector.broadcast %broadcast_in_dim3A_23 : f32 to vector<16xf32>
    %swap3A_25 = arith.constant 48 : index
    %swap3A_26 = tpu.vector_load %arg5[%swap3A_25] {strides = array<i32>} : memref<128xf32, #tpu.memory_space<vmem>>, vector<16xf32>,
    %swap3A_27 = vector.shape_cast %swap3A_26 : vector<16xf32> to vector<16xf32>
    %swap3A_28 = vector.shape_cast %broadcast_in_dim3A_24 : vector<16xf32> to vector<16xf32>
    tpu.vector_store %arg5[%swap3A_25], %swap3A_28 {strides = array<i32>} : memref<128xf32, #tpu.memory_space<vmem>>, vector<16xf32>,
    %broadcast_in_dim3A_29 = arith.constant 1.000000e+00 : f32
    %broadcast_in_dim3A_30 = vector.broadcast %broadcast_in_dim3A_29 : f32 to vector<16xf32>
    %swap3A_31 = arith.constant 64 : index
    %swap3A_32 = tpu.vector_load %arg5[%swap3A_31] {strides = array<i32>} : memref<128xf32, #tpu.memory_space<vmem>>, vector<16xf32>,
    %swap3A_33 = vector.shape_cast %swap3A_32 : vector<16xf32> to vector<16xf32>
    %swap3A_34 = vector.shape_cast %broadcast_in_dim3A_30 : vector<16xf32> to vector<16xf32>
    tpu.vector_store %arg5[%swap3A_31], %swap3A_34 {strides = array<i32>} : memref<128xf32, #tpu.memory_space<vmem>>, vector<16xf32>,
    %broadcast_in_dim3A_35 = arith.constant 1.000000e+00 : f32
    %broadcast_in_dim3A_36 = vector.broadcast %broadcast_in_dim3A_35 : f32 to vector<16xf32>
    %swap3A_37 = arith.constant 80 : index
    %swap3A_38 = tpu.vector_load %arg5[%swap3A_37] {strides = array<i32>} : memref<128xf32, #tpu.memory_space<vmem>>, vector<16xf32>,
    %swap3A_39 = vector.shape_cast %swap3A_38 : vector<16xf32> to vector<16xf32>
    %swap3A_40 = vector.shape_cast %broadcast_in_dim3A_36 : vector<16xf32> to vector<16xf32>
    tpu.vector_store %arg5[%swap3A_37], %swap3A_40 {strides = array<i32>} : memref<128xf32, #tpu.memory_space<vmem>>, vector<16xf32>,
    %broadcast_in_dim3A_41 = arith.constant 1.000000e+00 : f32
    %broadcast_in_dim3A_42 = vector.broadcast %broadcast_in_dim3A_41 : f32 to vector<16xf32>
    %swap3A_43 = arith.constant 96 : index
    %swap3A_44 = tpu.vector_load %arg5[%swap3A_43] {strides = array<i32>} : memref<128xf32, #tpu.memory_space<vmem>>, vector<16xf32>,
    %swap3A_45 = vector.shape_cast %swap3A_44 : vector<16xf32> to vector<16xf32>
    %swap3A_46 = vector.shape_cast %broadcast_in_dim3A_42 : vector<16xf32> to vector<16xf32>
    tpu.vector_store %arg5[%swap3A_43], %swap3A_46 {strides = array<i32>} : memref<128xf32, #tpu.memory_space<vmem>>, vector<16xf32>,
    %broadcast_in_dim3A_47 = arith.constant 1.000000e+00 : f32
    %broadcast_in_dim3A_48 = vector.broadcast %broadcast_in_dim3A_47 : f32 to vector<16xf32>
    %swap3A_49 = arith.constant 112 : index
    %swap3A_50 = tpu.vector_load %arg5[%swap3A_49] {strides = array<i32>} : memref<128xf32, #tpu.memory_space<vmem>>, vector<16xf32>,
    %swap3A_51 = vector.shape_cast %swap3A_50 : vector<16xf32> to vector<16xf32>
    %swap3A_52 = vector.shape_cast %broadcast_in_dim3A_48 : vector<16xf32> to vector<16xf32>
    tpu.vector_store %arg5[%swap3A_49], %swap3A_52 {strides = array<i32>} : memref<128xf32, #tpu.memory_space<vmem>>, vector<16xf32>,
    %mul3A_53 = arith.constant 640 : i32
    %mul3A_54 = arith.muli %arg1, %mul3A_53 : i32
    "tpu.region"() ({
      %run_scoped3A = tpu.sem_alloc : memref<!tpu.dma_semaphore, #tpu.memory_space<semaphore_mem>>
      %dma_start3A = tpu.memref_slice %arg4[%mul3A_54] : memref<10240xf32, #tpu.memory_space<vmem_shared>> -> memref<640xf32, #tpu.memory_space<vmem_shared>>
      %dma_start3A_69 = tpu.memref_slice %arg4[%mul3A_54] : memref<10240xf32, #tpu.memory_space<vmem_shared>> -> memref<640xf32, #tpu.memory_space<vmem_shared>>
      tpu.enqueue_dma source(%arg6 : memref<640xf32, #tpu.memory_space<vmem>>) target(%dma_start3A_69 : memref<640xf32, #tpu.memory_space<vmem_shared>>) target_semaphore(%run_scoped3A : memref<!tpu.dma_semaphore, #tpu.memory_space<semaphore_mem>>)
      %dma_wait3A = tpu.memref_slice %arg4[%mul3A_54] : memref<10240xf32, #tpu.memory_space<vmem_shared>> -> memref<640xf32, #tpu.memory_space<vmem_shared>>
      %dma_wait3A_70 = tpu.memref_slice %arg4[%mul3A_54] : memref<10240xf32, #tpu.memory_space<vmem_shared>> -> memref<640xf32, #tpu.memory_space<vmem_shared>>
      tpu.wait_dma2 semaphore(%run_scoped3A : memref<!tpu.dma_semaphore, #tpu.memory_space<semaphore_mem>>) src(%arg6 : memref<640xf32, #tpu.memory_space<vmem>>) dst(%dma_wait3A_70 : memref<640xf32, #tpu.memory_space<vmem_shared>>)
      tpu.yield
    }) : () -> ()
    %barrier3A = arith.constant 0 : index
    tpu.barrier barrier_id(%barrier3A)
    %mul3A_55 = arith.constant 80 : i32
    %mul3A_56 = arith.muli %add3A, %mul3A_55 : i32
    "tpu.region"() ({
      %run_scoped3A = tpu.sem_alloc : memref<!tpu.dma_semaphore, #tpu.memory_space<semaphore_mem>>
      %dma_start3A = arith.constant 0 : i32
      %dma_start3A_69 = tpu.memref_slice %arg2[%mul3A_56, %dma_start3A] : memref<2560x128xi32, #tpu.memory_space<hbm>> -> memref<80x128xi32, #tpu.memory_space<hbm>>
      %dma_start3A_70 = arith.constant 0 : i32
      %dma_start3A_71 = tpu.memref_slice %arg2[%mul3A_56, %dma_start3A_70] : memref<2560x128xi32, #tpu.memory_space<hbm>> -> memref<80x128xi32, #tpu.memory_space<hbm>>
      tpu.enqueue_dma source(%dma_start3A_71 : memref<80x128xi32, #tpu.memory_space<hbm>>) target(%arg7 : memref<80x128xi32, #tpu.memory_space<vmem>>) target_semaphore(%run_scoped3A : memref<!tpu.dma_semaphore, #tpu.memory_space<semaphore_mem>>)
      %dma_wait3A = arith.constant 0 : i32
      %dma_wait3A_72 = tpu.memref_slice %arg2[%mul3A_56, %dma_wait3A] : memref<2560x128xi32, #tpu.memory_space<hbm>> -> memref<80x128xi32, #tpu.memory_space<hbm>>
      %dma_wait3A_73 = arith.constant 0 : i32
      %dma_wait3A_74 = tpu.memref_slice %arg2[%mul3A_56, %dma_wait3A_73] : memref<2560x128xi32, #tpu.memory_space<hbm>> -> memref<80x128xi32, #tpu.memory_space<hbm>>
      tpu.wait_dma2 semaphore(%run_scoped3A : memref<!tpu.dma_semaphore, #tpu.memory_space<semaphore_mem>>) src(%dma_wait3A_74 : memref<80x128xi32, #tpu.memory_space<hbm>>) dst(%arg7 : memref<80x128xi32, #tpu.memory_space<vmem>>)
      tpu.yield
    }) : () -> ()
    %scan3A_57 = arith.constant 0 : i32
    %scan3A_58 = arith.constant 0 : i32
    %scan3A_59 = arith.constant 80 : i32
    %scan3A_60 = arith.addi %scan3A_58, %scan3A_59 : i32
    %scan3A_61 = arith.constant 1 : i32
    %scan3A_62 = scf.for %scan3A_69 = %scan3A_58 to %scan3A_60 step %scan3A_61 iter_args(%scan3A_70 = %scan3A_57) -> (i32)  : i32 {
      "tpu.region"() ({
        %run_scoped3A = tpu.sem_alloc : memref<!tpu.dma_semaphore, #tpu.memory_space<semaphore_mem>>
        %dma_start3A = arith.constant 0 : i32
        %dma_start3A_72 = tpu.memref_slice %arg7[%scan3A_69, %dma_start3A] : memref<80x128xi32, #tpu.memory_space<vmem>> -> memref<1x128xi32, #tpu.memory_space<vmem>>
        %dma_start3A_73 = tpu.memref_squeeze %dma_start3A_72 : memref<1x128xi32, #tpu.memory_space<vmem>> -> memref<128xi32, #tpu.memory_space<vmem>>
        %dma_start3A_74 = arith.constant 0 : i32
        %dma_start3A_75 = tpu.memref_slice %arg4[%dma_start3A_74] : memref<10240xf32, #tpu.memory_space<vmem_shared>> -> memref<10240xf32, #tpu.memory_space<vmem_shared>>
        tpu.enqueue_indirect_dma source(%arg5 : memref<128xf32, #tpu.memory_space<vmem>>) target(%dma_start3A_75 : memref<10240xf32, #tpu.memory_space<vmem_shared>>) offsets(%dma_start3A_73 : memref<128xi32, #tpu.memory_space<vmem>>) semaphore(%run_scoped3A : memref<!tpu.dma_semaphore, #tpu.memory_space<semaphore_mem>>) {add = true}
        %dma_wait3A = arith.constant 0 : i32
        %dma_wait3A_76 = tpu.memref_slice %arg7[%scan3A_69, %dma_wait3A] : memref<80x128xi32, #tpu.memory_space<vmem>> -> memref<1x128xi32, #tpu.memory_space<vmem>>
        %dma_wait3A_77 = tpu.memref_squeeze %dma_wait3A_76 : memref<1x128xi32, #tpu.memory_space<vmem>> -> memref<128xi32, #tpu.memory_space<vmem>>
        %dma_wait3A_78 = arith.constant 0 : i32
        %dma_wait3A_79 = tpu.memref_slice %arg4[%dma_wait3A_78] : memref<10240xf32, #tpu.memory_space<vmem_shared>> -> memref<10240xf32, #tpu.memory_space<vmem_shared>>
        tpu.wait_indirect_dma semaphore(%run_scoped3A : memref<!tpu.dma_semaphore, #tpu.memory_space<semaphore_mem>>) src(%arg5 : memref<128xf32, #tpu.memory_space<vmem>>) dst(%dma_wait3A_79 : memref<10240xf32, #tpu.memory_space<vmem_shared>>)
        tpu.yield
      }) : () -> ()
      %scan3A_71 = arith.constant 0 : i32
      scf.yield %scan3A_71 : i32
    }
    %scan3A_63 = arith.constant 80 : i32
    %barrier3A_64 = arith.constant 0 : index
    tpu.barrier barrier_id(%barrier3A_64)
    %mul3A_65 = arith.constant 640 : i32
    %mul3A_66 = arith.muli %arg1, %mul3A_65 : i32
    %mul3A_67 = arith.constant 640 : i32
    %mul3A_68 = arith.muli %arg1, %mul3A_67 : i32
    "tpu.region"() ({
      %run_scoped3A = tpu.sem_alloc : memref<!tpu.dma_semaphore, #tpu.memory_space<semaphore_mem>>
      %dma_start3A = tpu.memref_slice %arg3[%arg0, %mul3A_68] : memref<2x10240xf32, #tpu.memory_space<hbm>> -> memref<1x640xf32, #tpu.memory_space<hbm>>
      %dma_start3A_69 = tpu.memref_squeeze %dma_start3A : memref<1x640xf32, #tpu.memory_space<hbm>> -> memref<640xf32, #tpu.memory_space<hbm>>
      %dma_start3A_70 = tpu.memref_slice %arg4[%mul3A_66] : memref<10240xf32, #tpu.memory_space<vmem_shared>> -> memref<640xf32, #tpu.memory_space<vmem_shared>>
      tpu.enqueue_dma source(%dma_start3A_70 : memref<640xf32, #tpu.memory_space<vmem_shared>>) target(%dma_start3A_69 : memref<640xf32, #tpu.memory_space<hbm>>) target_semaphore(%run_scoped3A : memref<!tpu.dma_semaphore, #tpu.memory_space<semaphore_mem>>)
      %dma_wait3A = tpu.memref_slice %arg3[%arg0, %mul3A_68] : memref<2x10240xf32, #tpu.memory_space<hbm>> -> memref<1x640xf32, #tpu.memory_space<hbm>>
      %dma_wait3A_71 = tpu.memref_squeeze %dma_wait3A : memref<1x640xf32, #tpu.memory_space<hbm>> -> memref<640xf32, #tpu.memory_space<hbm>>
      %dma_wait3A_72 = tpu.memref_slice %arg4[%mul3A_66] : memref<10240xf32, #tpu.memory_space<vmem_shared>> -> memref<640xf32, #tpu.memory_space<vmem_shared>>
      tpu.wait_dma2 semaphore(%run_scoped3A : memref<!tpu.dma_semaphore, #tpu.memory_space<semaphore_mem>>) src(%dma_wait3A_72 : memref<640xf32, #tpu.memory_space<vmem_shared>>) dst(%dma_wait3A_71 : memref<640xf32, #tpu.memory_space<hbm>>)
      tpu.yield
    }) : () -> ()
    return
  }
}

#map = affine_map<(d0, d1) -> (0, 0)>
#map1 = affine_map<(d0, d1) -> (0, 0, 0)>
module attributes {stable_mosaic.version = 14 : i64} {
  func.func @_agg_body(%arg0: i32, %arg1: i32, %arg2: memref<10000x128xf32, #tpu.memory_space<hbm>>, %arg3: memref<4096x80xi32, #tpu.memory_space<hbm>>, %arg4: memref<4096x80xi32, #tpu.memory_space<hbm>>, %arg5: memref<2x10240x128xf32, #tpu.memory_space<hbm>>, %arg6: memref<10240x128xf32, #tpu.memory_space<vmem_shared>>, %arg7: memref<4x80x128xf32, #tpu.memory_space<vmem>>, %arg8: memref<2x8x80xi32, #tpu.memory_space<vmem>>, %arg9: memref<2x8x80xi32, #tpu.memory_space<vmem>>, %arg10: memref<!tpu.dma_semaphore, #tpu.memory_space<semaphore_mem>>, %arg11: memref<!tpu.dma_semaphore, #tpu.memory_space<semaphore_mem>>, %arg12: memref<!tpu.dma_semaphore, #tpu.memory_space<semaphore_mem>>, %arg13: memref<!tpu.dma_semaphore, #tpu.memory_space<semaphore_mem>>, %arg14: memref<!tpu.dma_semaphore, #tpu.memory_space<semaphore_mem>>, %arg15: memref<!tpu.dma_semaphore, #tpu.memory_space<semaphore_mem>>, %arg16: memref<!tpu.dma_semaphore, #tpu.memory_space<semaphore_mem>>, %arg17: memref<!tpu.dma_semaphore, #tpu.memory_space<semaphore_mem>>) attributes {dimension_semantics = [#tpu.dimension_semantics<core_parallel>, #tpu.dimension_semantics<subcore_parallel>], iteration_bounds = array<i64: 2, 16>, scalar_prefetch = 0 : i64, scratch_operands = 12 : i64, tpu.core_type = #tpu.core_type<sc_vector_subcore>, window_params = [{transform_indices = #map}, {transform_indices = #map}, {transform_indices = #map}, {transform_indices = #map1}]} {
    %eq3A = arith.constant 0 : i32
    %eq3A_0 = arith.cmpi eq, %arg0, %eq3A : i32
    %jit3A = arith.constant 240 : i32
    %jit3A_1 = arith.constant 16 : i32
    %select_n3A = arith.select %eq3A_0, %jit3A, %jit3A_1 : i32
    %jit3A_2 = arith.constant 8 : i32
    %div3A = arith.divsi %select_n3A, %jit3A_2 : i32
    %sign3A = arith.constant 0 : i32
    %sign3A_3 = arith.cmpi sgt, %select_n3A, %sign3A : i32
    %sign3A_4 = arith.extui %sign3A_3 : i1 to i32
    %sign3A_5 = arith.constant 0 : i32
    %sign3A_6 = arith.cmpi slt, %select_n3A, %sign3A_5 : i32
    %sign3A_7 = arith.extui %sign3A_6 : i1 to i32
    %sign3A_8 = arith.subi %sign3A_4, %sign3A_7 : i32
    %sign3A_9 = arith.constant 0 : i32
    %sign3A_10 = arith.cmpi sgt, %jit3A_2, %sign3A_9 : i32
    %sign3A_11 = arith.extui %sign3A_10 : i1 to i32
    %sign3A_12 = arith.constant 0 : i32
    %sign3A_13 = arith.cmpi slt, %jit3A_2, %sign3A_12 : i32
    %sign3A_14 = arith.extui %sign3A_13 : i1 to i32
    %sign3A_15 = arith.subi %sign3A_11, %sign3A_14 : i32
    %ne3A = arith.cmpi ne, %sign3A_8, %sign3A_15 : i32
    %rem3A = arith.remsi %select_n3A, %jit3A_2 : i32
    %ne3A_16 = arith.constant 0 : i32
    %ne3A_17 = arith.cmpi ne, %rem3A, %ne3A_16 : i32
    %and3A = arith.andi %ne3A, %ne3A_17 : i1
    %sub3A = arith.constant 1 : i32
    %sub3A_18 = arith.subi %div3A, %sub3A : i32
    %select_n3A_19 = arith.select %and3A, %sub3A_18, %div3A : i32
    %eq3A_20 = arith.constant 0 : i32
    %eq3A_21 = arith.cmpi eq, %arg0, %eq3A_20 : i32
    %mul3A = arith.constant 240 : i32
    %mul3A_22 = arith.muli %arg1, %mul3A : i32
    %mul3A_23 = arith.constant 16 : i32
    %mul3A_24 = arith.muli %arg1, %mul3A_23 : i32
    %add3A = arith.constant 3840 : i32
    %add3A_25 = arith.addi %add3A, %mul3A_24 : i32
    %select_n3A_26 = arith.select %eq3A_21, %mul3A_22, %add3A_25 : i32
    %scan3A = arith.constant 0 : i32
    %scan3A_27 = arith.constant 0 : i32
    %scan3A_28 = arith.constant 80 : i32
    %scan3A_29 = arith.addi %scan3A_27, %scan3A_28 : i32
    %scan3A_30 = arith.constant 1 : i32
    %scan3A_31 = scf.for %scan3A_144 = %scan3A_27 to %scan3A_29 step %scan3A_30 iter_args(%scan3A_145 = %scan3A) -> (i32)  : i32 {
      %broadcast_in_dim3A = arith.constant 0.000000e+00 : f32
      %broadcast_in_dim3A_146 = vector.broadcast %broadcast_in_dim3A : f32 to vector<16xf32>
      %swap3A = arith.constant 0 : i32
      %swap3A_147 = arith.index_cast %swap3A : i32 to index
      %swap3A_148 = arith.index_cast %scan3A_144 : i32 to index
      %swap3A_149 = arith.constant 0 : index
      %swap3A_150 = tpu.vector_load %arg7[%swap3A_147, %swap3A_148, %swap3A_149] {strides = array<i32>} : memref<4x80x128xf32, #tpu.memory_space<vmem>>, vector<1x1x16xf32>,
      %swap3A_151 = vector.shape_cast %swap3A_150 : vector<1x1x16xf32> to vector<16xf32>
      %swap3A_152 = vector.shape_cast %broadcast_in_dim3A_146 : vector<16xf32> to vector<1x1x16xf32>
      tpu.vector_store %arg7[%swap3A_147, %swap3A_148, %swap3A_149], %swap3A_152 {strides = array<i32>} : memref<4x80x128xf32, #tpu.memory_space<vmem>>, vector<1x1x16xf32>,
      %broadcast_in_dim3A_153 = arith.constant 0.000000e+00 : f32
      %broadcast_in_dim3A_154 = vector.broadcast %broadcast_in_dim3A_153 : f32 to vector<16xf32>
      %swap3A_155 = arith.constant 0 : i32
      %swap3A_156 = arith.index_cast %swap3A_155 : i32 to index
      %swap3A_157 = arith.index_cast %scan3A_144 : i32 to index
      %swap3A_158 = arith.constant 16 : index
      %swap3A_159 = tpu.vector_load %arg7[%swap3A_156, %swap3A_157, %swap3A_158] {strides = array<i32>} : memref<4x80x128xf32, #tpu.memory_space<vmem>>, vector<1x1x16xf32>,
      %swap3A_160 = vector.shape_cast %swap3A_159 : vector<1x1x16xf32> to vector<16xf32>
      %swap3A_161 = vector.shape_cast %broadcast_in_dim3A_154 : vector<16xf32> to vector<1x1x16xf32>
      tpu.vector_store %arg7[%swap3A_156, %swap3A_157, %swap3A_158], %swap3A_161 {strides = array<i32>} : memref<4x80x128xf32, #tpu.memory_space<vmem>>, vector<1x1x16xf32>,
      %broadcast_in_dim3A_162 = arith.constant 0.000000e+00 : f32
      %broadcast_in_dim3A_163 = vector.broadcast %broadcast_in_dim3A_162 : f32 to vector<16xf32>
      %swap3A_164 = arith.constant 0 : i32
      %swap3A_165 = arith.index_cast %swap3A_164 : i32 to index
      %swap3A_166 = arith.index_cast %scan3A_144 : i32 to index
      %swap3A_167 = arith.constant 32 : index
      %swap3A_168 = tpu.vector_load %arg7[%swap3A_165, %swap3A_166, %swap3A_167] {strides = array<i32>} : memref<4x80x128xf32, #tpu.memory_space<vmem>>, vector<1x1x16xf32>,
      %swap3A_169 = vector.shape_cast %swap3A_168 : vector<1x1x16xf32> to vector<16xf32>
      %swap3A_170 = vector.shape_cast %broadcast_in_dim3A_163 : vector<16xf32> to vector<1x1x16xf32>
      tpu.vector_store %arg7[%swap3A_165, %swap3A_166, %swap3A_167], %swap3A_170 {strides = array<i32>} : memref<4x80x128xf32, #tpu.memory_space<vmem>>, vector<1x1x16xf32>,
      %broadcast_in_dim3A_171 = arith.constant 0.000000e+00 : f32
      %broadcast_in_dim3A_172 = vector.broadcast %broadcast_in_dim3A_171 : f32 to vector<16xf32>
      %swap3A_173 = arith.constant 0 : i32
      %swap3A_174 = arith.index_cast %swap3A_173 : i32 to index
      %swap3A_175 = arith.index_cast %scan3A_144 : i32 to index
      %swap3A_176 = arith.constant 48 : index
      %swap3A_177 = tpu.vector_load %arg7[%swap3A_174, %swap3A_175, %swap3A_176] {strides = array<i32>} : memref<4x80x128xf32, #tpu.memory_space<vmem>>, vector<1x1x16xf32>,
      %swap3A_178 = vector.shape_cast %swap3A_177 : vector<1x1x16xf32> to vector<16xf32>
      %swap3A_179 = vector.shape_cast %broadcast_in_dim3A_172 : vector<16xf32> to vector<1x1x16xf32>
      tpu.vector_store %arg7[%swap3A_174, %swap3A_175, %swap3A_176], %swap3A_179 {strides = array<i32>} : memref<4x80x128xf32, #tpu.memory_space<vmem>>, vector<1x1x16xf32>,
      %broadcast_in_dim3A_180 = arith.constant 0.000000e+00 : f32
      %broadcast_in_dim3A_181 = vector.broadcast %broadcast_in_dim3A_180 : f32 to vector<16xf32>
      %swap3A_182 = arith.constant 0 : i32
      %swap3A_183 = arith.index_cast %swap3A_182 : i32 to index
      %swap3A_184 = arith.index_cast %scan3A_144 : i32 to index
      %swap3A_185 = arith.constant 64 : index
      %swap3A_186 = tpu.vector_load %arg7[%swap3A_183, %swap3A_184, %swap3A_185] {strides = array<i32>} : memref<4x80x128xf32, #tpu.memory_space<vmem>>, vector<1x1x16xf32>,
      %swap3A_187 = vector.shape_cast %swap3A_186 : vector<1x1x16xf32> to vector<16xf32>
      %swap3A_188 = vector.shape_cast %broadcast_in_dim3A_181 : vector<16xf32> to vector<1x1x16xf32>
      tpu.vector_store %arg7[%swap3A_183, %swap3A_184, %swap3A_185], %swap3A_188 {strides = array<i32>} : memref<4x80x128xf32, #tpu.memory_space<vmem>>, vector<1x1x16xf32>,
      %broadcast_in_dim3A_189 = arith.constant 0.000000e+00 : f32
      %broadcast_in_dim3A_190 = vector.broadcast %broadcast_in_dim3A_189 : f32 to vector<16xf32>
      %swap3A_191 = arith.constant 0 : i32
      %swap3A_192 = arith.index_cast %swap3A_191 : i32 to index
      %swap3A_193 = arith.index_cast %scan3A_144 : i32 to index
      %swap3A_194 = arith.constant 80 : index
      %swap3A_195 = tpu.vector_load %arg7[%swap3A_192, %swap3A_193, %swap3A_194] {strides = array<i32>} : memref<4x80x128xf32, #tpu.memory_space<vmem>>, vector<1x1x16xf32>,
      %swap3A_196 = vector.shape_cast %swap3A_195 : vector<1x1x16xf32> to vector<16xf32>
      %swap3A_197 = vector.shape_cast %broadcast_in_dim3A_190 : vector<16xf32> to vector<1x1x16xf32>
      tpu.vector_store %arg7[%swap3A_192, %swap3A_193, %swap3A_194], %swap3A_197 {strides = array<i32>} : memref<4x80x128xf32, #tpu.memory_space<vmem>>, vector<1x1x16xf32>,
      %broadcast_in_dim3A_198 = arith.constant 0.000000e+00 : f32
      %broadcast_in_dim3A_199 = vector.broadcast %broadcast_in_dim3A_198 : f32 to vector<16xf32>
      %swap3A_200 = arith.constant 0 : i32
      %swap3A_201 = arith.index_cast %swap3A_200 : i32 to index
      %swap3A_202 = arith.index_cast %scan3A_144 : i32 to index
      %swap3A_203 = arith.constant 96 : index
      %swap3A_204 = tpu.vector_load %arg7[%swap3A_201, %swap3A_202, %swap3A_203] {strides = array<i32>} : memref<4x80x128xf32, #tpu.memory_space<vmem>>, vector<1x1x16xf32>,
      %swap3A_205 = vector.shape_cast %swap3A_204 : vector<1x1x16xf32> to vector<16xf32>
      %swap3A_206 = vector.shape_cast %broadcast_in_dim3A_199 : vector<16xf32> to vector<1x1x16xf32>
      tpu.vector_store %arg7[%swap3A_201, %swap3A_202, %swap3A_203], %swap3A_206 {strides = array<i32>} : memref<4x80x128xf32, #tpu.memory_space<vmem>>, vector<1x1x16xf32>,
      %broadcast_in_dim3A_207 = arith.constant 0.000000e+00 : f32
      %broadcast_in_dim3A_208 = vector.broadcast %broadcast_in_dim3A_207 : f32 to vector<16xf32>
      %swap3A_209 = arith.constant 0 : i32
      %swap3A_210 = arith.index_cast %swap3A_209 : i32 to index
      %swap3A_211 = arith.index_cast %scan3A_144 : i32 to index
      %swap3A_212 = arith.constant 112 : index
      %swap3A_213 = tpu.vector_load %arg7[%swap3A_210, %swap3A_211, %swap3A_212] {strides = array<i32>} : memref<4x80x128xf32, #tpu.memory_space<vmem>>, vector<1x1x16xf32>,
      %swap3A_214 = vector.shape_cast %swap3A_213 : vector<1x1x16xf32> to vector<16xf32>
      %swap3A_215 = vector.shape_cast %broadcast_in_dim3A_208 : vector<16xf32> to vector<1x1x16xf32>
      tpu.vector_store %arg7[%swap3A_210, %swap3A_211, %swap3A_212], %swap3A_215 {strides = array<i32>} : memref<4x80x128xf32, #tpu.memory_space<vmem>>, vector<1x1x16xf32>,
      %scan3A_216 = arith.constant 0 : i32
      scf.yield %scan3A_216 : i32
    }
    %scan3A_32 = arith.constant 80 : i32
    %mul3A_33 = arith.constant 640 : i32
    %mul3A_34 = arith.muli %arg1, %mul3A_33 : i32
    %add3A_35 = arith.constant 0 : i32
    %add3A_36 = arith.addi %mul3A_34, %add3A_35 : i32
    %run_scoped3A = arith.constant 0 : i32
    "tpu.region"() ({
      %run_scoped3A_144 = tpu.sem_alloc : memref<!tpu.dma_semaphore, #tpu.memory_space<semaphore_mem>>
      %dma_start3A_145 = arith.constant 0 : i32
      %dma_start3A_146 = arith.constant 0 : i32
      %dma_start3A_147 = tpu.memref_slice %arg7[%run_scoped3A, %dma_start3A_145, %dma_start3A_146] : memref<4x80x128xf32, #tpu.memory_space<vmem>> -> memref<1x80x128xf32, #tpu.memory_space<vmem>>
      %dma_start3A_148 = tpu.memref_squeeze %dma_start3A_147 : memref<1x80x128xf32, #tpu.memory_space<vmem>> -> memref<80x128xf32, #tpu.memory_space<vmem>>
      %dma_start3A_149 = arith.constant 0 : i32
      %dma_start3A_150 = tpu.memref_slice %arg6[%add3A_36, %dma_start3A_149] : memref<10240x128xf32, #tpu.memory_space<vmem_shared>> -> memref<80x128xf32, #tpu.memory_space<vmem_shared>>
      %dma_start3A_151 = arith.constant 0 : i32
      %dma_start3A_152 = tpu.memref_slice %arg6[%add3A_36, %dma_start3A_151] : memref<10240x128xf32, #tpu.memory_space<vmem_shared>> -> memref<80x128xf32, #tpu.memory_space<vmem_shared>>
      %dma_start3A_153 = arith.constant 0 : i32
      %dma_start3A_154 = arith.constant 0 : i32
      %dma_start3A_155 = tpu.memref_slice %arg7[%run_scoped3A, %dma_start3A_153, %dma_start3A_154] : memref<4x80x128xf32, #tpu.memory_space<vmem>> -> memref<1x80x128xf32, #tpu.memory_space<vmem>>
      %dma_start3A_156 = tpu.memref_squeeze %dma_start3A_155 : memref<1x80x128xf32, #tpu.memory_space<vmem>> -> memref<80x128xf32, #tpu.memory_space<vmem>>
      tpu.enqueue_dma source(%dma_start3A_156 : memref<80x128xf32, #tpu.memory_space<vmem>>) target(%dma_start3A_152 : memref<80x128xf32, #tpu.memory_space<vmem_shared>>) target_semaphore(%run_scoped3A_144 : memref<!tpu.dma_semaphore, #tpu.memory_space<semaphore_mem>>)
      %dma_wait3A_157 = arith.constant 0 : i32
      %dma_wait3A_158 = arith.constant 0 : i32
      %dma_wait3A_159 = tpu.memref_slice %arg7[%run_scoped3A, %dma_wait3A_157, %dma_wait3A_158] : memref<4x80x128xf32, #tpu.memory_space<vmem>> -> memref<1x80x128xf32, #tpu.memory_space<vmem>>
      %dma_wait3A_160 = tpu.memref_squeeze %dma_wait3A_159 : memref<1x80x128xf32, #tpu.memory_space<vmem>> -> memref<80x128xf32, #tpu.memory_space<vmem>>
      %dma_wait3A_161 = arith.constant 0 : i32
      %dma_wait3A_162 = tpu.memref_slice %arg6[%add3A_36, %dma_wait3A_161] : memref<10240x128xf32, #tpu.memory_space<vmem_shared>> -> memref<80x128xf32, #tpu.memory_space<vmem_shared>>
      %dma_wait3A_163 = arith.constant 0 : i32
      %dma_wait3A_164 = tpu.memref_slice %arg6[%add3A_36, %dma_wait3A_163] : memref<10240x128xf32, #tpu.memory_space<vmem_shared>> -> memref<80x128xf32, #tpu.memory_space<vmem_shared>>
      %dma_wait3A_165 = arith.constant 0 : i32
      %dma_wait3A_166 = arith.constant 0 : i32
      %dma_wait3A_167 = tpu.memref_slice %arg7[%run_scoped3A, %dma_wait3A_165, %dma_wait3A_166] : memref<4x80x128xf32, #tpu.memory_space<vmem>> -> memref<1x80x128xf32, #tpu.memory_space<vmem>>
      %dma_wait3A_168 = tpu.memref_squeeze %dma_wait3A_167 : memref<1x80x128xf32, #tpu.memory_space<vmem>> -> memref<80x128xf32, #tpu.memory_space<vmem>>
      tpu.wait_dma2 semaphore(%run_scoped3A_144 : memref<!tpu.dma_semaphore, #tpu.memory_space<semaphore_mem>>) src(%dma_wait3A_168 : memref<80x128xf32, #tpu.memory_space<vmem>>) dst(%dma_wait3A_164 : memref<80x128xf32, #tpu.memory_space<vmem_shared>>)
      tpu.yield
    }) : () -> ()
    %mul3A_37 = arith.constant 640 : i32
    %mul3A_38 = arith.muli %arg1, %mul3A_37 : i32
    %add3A_39 = arith.constant 80 : i32
    %add3A_40 = arith.addi %mul3A_38, %add3A_39 : i32
    %run_scoped3A_41 = arith.constant 0 : i32
    "tpu.region"() ({
      %run_scoped3A_144 = tpu.sem_alloc : memref<!tpu.dma_semaphore, #tpu.memory_space<semaphore_mem>>
      %dma_start3A_145 = arith.constant 0 : i32
      %dma_start3A_146 = arith.constant 0 : i32
      %dma_start3A_147 = tpu.memref_slice %arg7[%run_scoped3A_41, %dma_start3A_145, %dma_start3A_146] : memref<4x80x128xf32, #tpu.memory_space<vmem>> -> memref<1x80x128xf32, #tpu.memory_space<vmem>>
      %dma_start3A_148 = tpu.memref_squeeze %dma_start3A_147 : memref<1x80x128xf32, #tpu.memory_space<vmem>> -> memref<80x128xf32, #tpu.memory_space<vmem>>
      %dma_start3A_149 = arith.constant 0 : i32
      %dma_start3A_150 = tpu.memref_slice %arg6[%add3A_40, %dma_start3A_149] : memref<10240x128xf32, #tpu.memory_space<vmem_shared>> -> memref<80x128xf32, #tpu.memory_space<vmem_shared>>
      %dma_start3A_151 = arith.constant 0 : i32
      %dma_start3A_152 = tpu.memref_slice %arg6[%add3A_40, %dma_start3A_151] : memref<10240x128xf32, #tpu.memory_space<vmem_shared>> -> memref<80x128xf32, #tpu.memory_space<vmem_shared>>
      %dma_start3A_153 = arith.constant 0 : i32
      %dma_start3A_154 = arith.constant 0 : i32
      %dma_start3A_155 = tpu.memref_slice %arg7[%run_scoped3A_41, %dma_start3A_153, %dma_start3A_154] : memref<4x80x128xf32, #tpu.memory_space<vmem>> -> memref<1x80x128xf32, #tpu.memory_space<vmem>>
      %dma_start3A_156 = tpu.memref_squeeze %dma_start3A_155 : memref<1x80x128xf32, #tpu.memory_space<vmem>> -> memref<80x128xf32, #tpu.memory_space<vmem>>
      tpu.enqueue_dma source(%dma_start3A_156 : memref<80x128xf32, #tpu.memory_space<vmem>>) target(%dma_start3A_152 : memref<80x128xf32, #tpu.memory_space<vmem_shared>>) target_semaphore(%run_scoped3A_144 : memref<!tpu.dma_semaphore, #tpu.memory_space<semaphore_mem>>)
      %dma_wait3A_157 = arith.constant 0 : i32
      %dma_wait3A_158 = arith.constant 0 : i32
      %dma_wait3A_159 = tpu.memref_slice %arg7[%run_scoped3A_41, %dma_wait3A_157, %dma_wait3A_158] : memref<4x80x128xf32, #tpu.memory_space<vmem>> -> memref<1x80x128xf32, #tpu.memory_space<vmem>>
      %dma_wait3A_160 = tpu.memref_squeeze %dma_wait3A_159 : memref<1x80x128xf32, #tpu.memory_space<vmem>> -> memref<80x128xf32, #tpu.memory_space<vmem>>
      %dma_wait3A_161 = arith.constant 0 : i32
      %dma_wait3A_162 = tpu.memref_slice %arg6[%add3A_40, %dma_wait3A_161] : memref<10240x128xf32, #tpu.memory_space<vmem_shared>> -> memref<80x128xf32, #tpu.memory_space<vmem_shared>>
      %dma_wait3A_163 = arith.constant 0 : i32
      %dma_wait3A_164 = tpu.memref_slice %arg6[%add3A_40, %dma_wait3A_163] : memref<10240x128xf32, #tpu.memory_space<vmem_shared>> -> memref<80x128xf32, #tpu.memory_space<vmem_shared>>
      %dma_wait3A_165 = arith.constant 0 : i32
      %dma_wait3A_166 = arith.constant 0 : i32
      %dma_wait3A_167 = tpu.memref_slice %arg7[%run_scoped3A_41, %dma_wait3A_165, %dma_wait3A_166] : memref<4x80x128xf32, #tpu.memory_space<vmem>> -> memref<1x80x128xf32, #tpu.memory_space<vmem>>
      %dma_wait3A_168 = tpu.memref_squeeze %dma_wait3A_167 : memref<1x80x128xf32, #tpu.memory_space<vmem>> -> memref<80x128xf32, #tpu.memory_space<vmem>>
      tpu.wait_dma2 semaphore(%run_scoped3A_144 : memref<!tpu.dma_semaphore, #tpu.memory_space<semaphore_mem>>) src(%dma_wait3A_168 : memref<80x128xf32, #tpu.memory_space<vmem>>) dst(%dma_wait3A_164 : memref<80x128xf32, #tpu.memory_space<vmem_shared>>)
      tpu.yield
    }) : () -> ()
    %mul3A_42 = arith.constant 640 : i32
    %mul3A_43 = arith.muli %arg1, %mul3A_42 : i32
    %add3A_44 = arith.constant 160 : i32
    %add3A_45 = arith.addi %mul3A_43, %add3A_44 : i32
    %run_scoped3A_46 = arith.constant 0 : i32
    "tpu.region"() ({
      %run_scoped3A_144 = tpu.sem_alloc : memref<!tpu.dma_semaphore, #tpu.memory_space<semaphore_mem>>
      %dma_start3A_145 = arith.constant 0 : i32
      %dma_start3A_146 = arith.constant 0 : i32
      %dma_start3A_147 = tpu.memref_slice %arg7[%run_scoped3A_46, %dma_start3A_145, %dma_start3A_146] : memref<4x80x128xf32, #tpu.memory_space<vmem>> -> memref<1x80x128xf32, #tpu.memory_space<vmem>>
      %dma_start3A_148 = tpu.memref_squeeze %dma_start3A_147 : memref<1x80x128xf32, #tpu.memory_space<vmem>> -> memref<80x128xf32, #tpu.memory_space<vmem>>
      %dma_start3A_149 = arith.constant 0 : i32
      %dma_start3A_150 = tpu.memref_slice %arg6[%add3A_45, %dma_start3A_149] : memref<10240x128xf32, #tpu.memory_space<vmem_shared>> -> memref<80x128xf32, #tpu.memory_space<vmem_shared>>
      %dma_start3A_151 = arith.constant 0 : i32
      %dma_start3A_152 = tpu.memref_slice %arg6[%add3A_45, %dma_start3A_151] : memref<10240x128xf32, #tpu.memory_space<vmem_shared>> -> memref<80x128xf32, #tpu.memory_space<vmem_shared>>
      %dma_start3A_153 = arith.constant 0 : i32
      %dma_start3A_154 = arith.constant 0 : i32
      %dma_start3A_155 = tpu.memref_slice %arg7[%run_scoped3A_46, %dma_start3A_153, %dma_start3A_154] : memref<4x80x128xf32, #tpu.memory_space<vmem>> -> memref<1x80x128xf32, #tpu.memory_space<vmem>>
      %dma_start3A_156 = tpu.memref_squeeze %dma_start3A_155 : memref<1x80x128xf32, #tpu.memory_space<vmem>> -> memref<80x128xf32, #tpu.memory_space<vmem>>
      tpu.enqueue_dma source(%dma_start3A_156 : memref<80x128xf32, #tpu.memory_space<vmem>>) target(%dma_start3A_152 : memref<80x128xf32, #tpu.memory_space<vmem_shared>>) target_semaphore(%run_scoped3A_144 : memref<!tpu.dma_semaphore, #tpu.memory_space<semaphore_mem>>)
      %dma_wait3A_157 = arith.constant 0 : i32
      %dma_wait3A_158 = arith.constant 0 : i32
      %dma_wait3A_159 = tpu.memref_slice %arg7[%run_scoped3A_46, %dma_wait3A_157, %dma_wait3A_158] : memref<4x80x128xf32, #tpu.memory_space<vmem>> -> memref<1x80x128xf32, #tpu.memory_space<vmem>>
      %dma_wait3A_160 = tpu.memref_squeeze %dma_wait3A_159 : memref<1x80x128xf32, #tpu.memory_space<vmem>> -> memref<80x128xf32, #tpu.memory_space<vmem>>
      %dma_wait3A_161 = arith.constant 0 : i32
      %dma_wait3A_162 = tpu.memref_slice %arg6[%add3A_45, %dma_wait3A_161] : memref<10240x128xf32, #tpu.memory_space<vmem_shared>> -> memref<80x128xf32, #tpu.memory_space<vmem_shared>>
      %dma_wait3A_163 = arith.constant 0 : i32
      %dma_wait3A_164 = tpu.memref_slice %arg6[%add3A_45, %dma_wait3A_163] : memref<10240x128xf32, #tpu.memory_space<vmem_shared>> -> memref<80x128xf32, #tpu.memory_space<vmem_shared>>
      %dma_wait3A_165 = arith.constant 0 : i32
      %dma_wait3A_166 = arith.constant 0 : i32
      %dma_wait3A_167 = tpu.memref_slice %arg7[%run_scoped3A_46, %dma_wait3A_165, %dma_wait3A_166] : memref<4x80x128xf32, #tpu.memory_space<vmem>> -> memref<1x80x128xf32, #tpu.memory_space<vmem>>
      %dma_wait3A_168 = tpu.memref_squeeze %dma_wait3A_167 : memref<1x80x128xf32, #tpu.memory_space<vmem>> -> memref<80x128xf32, #tpu.memory_space<vmem>>
      tpu.wait_dma2 semaphore(%run_scoped3A_144 : memref<!tpu.dma_semaphore, #tpu.memory_space<semaphore_mem>>) src(%dma_wait3A_168 : memref<80x128xf32, #tpu.memory_space<vmem>>) dst(%dma_wait3A_164 : memref<80x128xf32, #tpu.memory_space<vmem_shared>>)
      tpu.yield
    }) : () -> ()
    %mul3A_47 = arith.constant 640 : i32
    %mul3A_48 = arith.muli %arg1, %mul3A_47 : i32
    %add3A_49 = arith.constant 240 : i32
    %add3A_50 = arith.addi %mul3A_48, %add3A_49 : i32
    %run_scoped3A_51 = arith.constant 0 : i32
    "tpu.region"() ({
      %run_scoped3A_144 = tpu.sem_alloc : memref<!tpu.dma_semaphore, #tpu.memory_space<semaphore_mem>>
      %dma_start3A_145 = arith.constant 0 : i32
      %dma_start3A_146 = arith.constant 0 : i32
      %dma_start3A_147 = tpu.memref_slice %arg7[%run_scoped3A_51, %dma_start3A_145, %dma_start3A_146] : memref<4x80x128xf32, #tpu.memory_space<vmem>> -> memref<1x80x128xf32, #tpu.memory_space<vmem>>
      %dma_start3A_148 = tpu.memref_squeeze %dma_start3A_147 : memref<1x80x128xf32, #tpu.memory_space<vmem>> -> memref<80x128xf32, #tpu.memory_space<vmem>>
      %dma_start3A_149 = arith.constant 0 : i32
      %dma_start3A_150 = tpu.memref_slice %arg6[%add3A_50, %dma_start3A_149] : memref<10240x128xf32, #tpu.memory_space<vmem_shared>> -> memref<80x128xf32, #tpu.memory_space<vmem_shared>>
      %dma_start3A_151 = arith.constant 0 : i32
      %dma_start3A_152 = tpu.memref_slice %arg6[%add3A_50, %dma_start3A_151] : memref<10240x128xf32, #tpu.memory_space<vmem_shared>> -> memref<80x128xf32, #tpu.memory_space<vmem_shared>>
      %dma_start3A_153 = arith.constant 0 : i32
      %dma_start3A_154 = arith.constant 0 : i32
      %dma_start3A_155 = tpu.memref_slice %arg7[%run_scoped3A_51, %dma_start3A_153, %dma_start3A_154] : memref<4x80x128xf32, #tpu.memory_space<vmem>> -> memref<1x80x128xf32, #tpu.memory_space<vmem>>
      %dma_start3A_156 = tpu.memref_squeeze %dma_start3A_155 : memref<1x80x128xf32, #tpu.memory_space<vmem>> -> memref<80x128xf32, #tpu.memory_space<vmem>>
      tpu.enqueue_dma source(%dma_start3A_156 : memref<80x128xf32, #tpu.memory_space<vmem>>) target(%dma_start3A_152 : memref<80x128xf32, #tpu.memory_space<vmem_shared>>) target_semaphore(%run_scoped3A_144 : memref<!tpu.dma_semaphore, #tpu.memory_space<semaphore_mem>>)
      %dma_wait3A_157 = arith.constant 0 : i32
      %dma_wait3A_158 = arith.constant 0 : i32
      %dma_wait3A_159 = tpu.memref_slice %arg7[%run_scoped3A_51, %dma_wait3A_157, %dma_wait3A_158] : memref<4x80x128xf32, #tpu.memory_space<vmem>> -> memref<1x80x128xf32, #tpu.memory_space<vmem>>
      %dma_wait3A_160 = tpu.memref_squeeze %dma_wait3A_159 : memref<1x80x128xf32, #tpu.memory_space<vmem>> -> memref<80x128xf32, #tpu.memory_space<vmem>>
      %dma_wait3A_161 = arith.constant 0 : i32
      %dma_wait3A_162 = tpu.memref_slice %arg6[%add3A_50, %dma_wait3A_161] : memref<10240x128xf32, #tpu.memory_space<vmem_shared>> -> memref<80x128xf32, #tpu.memory_space<vmem_shared>>
      %dma_wait3A_163 = arith.constant 0 : i32
      %dma_wait3A_164 = tpu.memref_slice %arg6[%add3A_50, %dma_wait3A_163] : memref<10240x128xf32, #tpu.memory_space<vmem_shared>> -> memref<80x128xf32, #tpu.memory_space<vmem_shared>>
      %dma_wait3A_165 = arith.constant 0 : i32
      %dma_wait3A_166 = arith.constant 0 : i32
      %dma_wait3A_167 = tpu.memref_slice %arg7[%run_scoped3A_51, %dma_wait3A_165, %dma_wait3A_166] : memref<4x80x128xf32, #tpu.memory_space<vmem>> -> memref<1x80x128xf32, #tpu.memory_space<vmem>>
      %dma_wait3A_168 = tpu.memref_squeeze %dma_wait3A_167 : memref<1x80x128xf32, #tpu.memory_space<vmem>> -> memref<80x128xf32, #tpu.memory_space<vmem>>
      tpu.wait_dma2 semaphore(%run_scoped3A_144 : memref<!tpu.dma_semaphore, #tpu.memory_space<semaphore_mem>>) src(%dma_wait3A_168 : memref<80x128xf32, #tpu.memory_space<vmem>>) dst(%dma_wait3A_164 : memref<80x128xf32, #tpu.memory_space<vmem_shared>>)
      tpu.yield
    }) : () -> ()
    %mul3A_52 = arith.constant 640 : i32
    %mul3A_53 = arith.muli %arg1, %mul3A_52 : i32
    %add3A_54 = arith.constant 320 : i32
    %add3A_55 = arith.addi %mul3A_53, %add3A_54 : i32
    %run_scoped3A_56 = arith.constant 0 : i32
    "tpu.region"() ({
      %run_scoped3A_144 = tpu.sem_alloc : memref<!tpu.dma_semaphore, #tpu.memory_space<semaphore_mem>>
      %dma_start3A_145 = arith.constant 0 : i32
      %dma_start3A_146 = arith.constant 0 : i32
      %dma_start3A_147 = tpu.memref_slice %arg7[%run_scoped3A_56, %dma_start3A_145, %dma_start3A_146] : memref<4x80x128xf32, #tpu.memory_space<vmem>> -> memref<1x80x128xf32, #tpu.memory_space<vmem>>
      %dma_start3A_148 = tpu.memref_squeeze %dma_start3A_147 : memref<1x80x128xf32, #tpu.memory_space<vmem>> -> memref<80x128xf32, #tpu.memory_space<vmem>>
      %dma_start3A_149 = arith.constant 0 : i32
      %dma_start3A_150 = tpu.memref_slice %arg6[%add3A_55, %dma_start3A_149] : memref<10240x128xf32, #tpu.memory_space<vmem_shared>> -> memref<80x128xf32, #tpu.memory_space<vmem_shared>>
      %dma_start3A_151 = arith.constant 0 : i32
      %dma_start3A_152 = tpu.memref_slice %arg6[%add3A_55, %dma_start3A_151] : memref<10240x128xf32, #tpu.memory_space<vmem_shared>> -> memref<80x128xf32, #tpu.memory_space<vmem_shared>>
      %dma_start3A_153 = arith.constant 0 : i32
      %dma_start3A_154 = arith.constant 0 : i32
      %dma_start3A_155 = tpu.memref_slice %arg7[%run_scoped3A_56, %dma_start3A_153, %dma_start3A_154] : memref<4x80x128xf32, #tpu.memory_space<vmem>> -> memref<1x80x128xf32, #tpu.memory_space<vmem>>
      %dma_start3A_156 = tpu.memref_squeeze %dma_start3A_155 : memref<1x80x128xf32, #tpu.memory_space<vmem>> -> memref<80x128xf32, #tpu.memory_space<vmem>>
      tpu.enqueue_dma source(%dma_start3A_156 : memref<80x128xf32, #tpu.memory_space<vmem>>) target(%dma_start3A_152 : memref<80x128xf32, #tpu.memory_space<vmem_shared>>) target_semaphore(%run_scoped3A_144 : memref<!tpu.dma_semaphore, #tpu.memory_space<semaphore_mem>>)
      %dma_wait3A_157 = arith.constant 0 : i32
      %dma_wait3A_158 = arith.constant 0 : i32
      %dma_wait3A_159 = tpu.memref_slice %arg7[%run_scoped3A_56, %dma_wait3A_157, %dma_wait3A_158] : memref<4x80x128xf32, #tpu.memory_space<vmem>> -> memref<1x80x128xf32, #tpu.memory_space<vmem>>
      %dma_wait3A_160 = tpu.memref_squeeze %dma_wait3A_159 : memref<1x80x128xf32, #tpu.memory_space<vmem>> -> memref<80x128xf32, #tpu.memory_space<vmem>>
      %dma_wait3A_161 = arith.constant 0 : i32
      %dma_wait3A_162 = tpu.memref_slice %arg6[%add3A_55, %dma_wait3A_161] : memref<10240x128xf32, #tpu.memory_space<vmem_shared>> -> memref<80x128xf32, #tpu.memory_space<vmem_shared>>
      %dma_wait3A_163 = arith.constant 0 : i32
      %dma_wait3A_164 = tpu.memref_slice %arg6[%add3A_55, %dma_wait3A_163] : memref<10240x128xf32, #tpu.memory_space<vmem_shared>> -> memref<80x128xf32, #tpu.memory_space<vmem_shared>>
      %dma_wait3A_165 = arith.constant 0 : i32
      %dma_wait3A_166 = arith.constant 0 : i32
      %dma_wait3A_167 = tpu.memref_slice %arg7[%run_scoped3A_56, %dma_wait3A_165, %dma_wait3A_166] : memref<4x80x128xf32, #tpu.memory_space<vmem>> -> memref<1x80x128xf32, #tpu.memory_space<vmem>>
      %dma_wait3A_168 = tpu.memref_squeeze %dma_wait3A_167 : memref<1x80x128xf32, #tpu.memory_space<vmem>> -> memref<80x128xf32, #tpu.memory_space<vmem>>
      tpu.wait_dma2 semaphore(%run_scoped3A_144 : memref<!tpu.dma_semaphore, #tpu.memory_space<semaphore_mem>>) src(%dma_wait3A_168 : memref<80x128xf32, #tpu.memory_space<vmem>>) dst(%dma_wait3A_164 : memref<80x128xf32, #tpu.memory_space<vmem_shared>>)
      tpu.yield
    }) : () -> ()
    %mul3A_57 = arith.constant 640 : i32
    %mul3A_58 = arith.muli %arg1, %mul3A_57 : i32
    %add3A_59 = arith.constant 400 : i32
    %add3A_60 = arith.addi %mul3A_58, %add3A_59 : i32
    %run_scoped3A_61 = arith.constant 0 : i32
    "tpu.region"() ({
      %run_scoped3A_144 = tpu.sem_alloc : memref<!tpu.dma_semaphore, #tpu.memory_space<semaphore_mem>>
      %dma_start3A_145 = arith.constant 0 : i32
      %dma_start3A_146 = arith.constant 0 : i32
      %dma_start3A_147 = tpu.memref_slice %arg7[%run_scoped3A_61, %dma_start3A_145, %dma_start3A_146] : memref<4x80x128xf32, #tpu.memory_space<vmem>> -> memref<1x80x128xf32, #tpu.memory_space<vmem>>
      %dma_start3A_148 = tpu.memref_squeeze %dma_start3A_147 : memref<1x80x128xf32, #tpu.memory_space<vmem>> -> memref<80x128xf32, #tpu.memory_space<vmem>>
      %dma_start3A_149 = arith.constant 0 : i32
      %dma_start3A_150 = tpu.memref_slice %arg6[%add3A_60, %dma_start3A_149] : memref<10240x128xf32, #tpu.memory_space<vmem_shared>> -> memref<80x128xf32, #tpu.memory_space<vmem_shared>>
      %dma_start3A_151 = arith.constant 0 : i32
      %dma_start3A_152 = tpu.memref_slice %arg6[%add3A_60, %dma_start3A_151] : memref<10240x128xf32, #tpu.memory_space<vmem_shared>> -> memref<80x128xf32, #tpu.memory_space<vmem_shared>>
      %dma_start3A_153 = arith.constant 0 : i32
      %dma_start3A_154 = arith.constant 0 : i32
      %dma_start3A_155 = tpu.memref_slice %arg7[%run_scoped3A_61, %dma_start3A_153, %dma_start3A_154] : memref<4x80x128xf32, #tpu.memory_space<vmem>> -> memref<1x80x128xf32, #tpu.memory_space<vmem>>
      %dma_start3A_156 = tpu.memref_squeeze %dma_start3A_155 : memref<1x80x128xf32, #tpu.memory_space<vmem>> -> memref<80x128xf32, #tpu.memory_space<vmem>>
      tpu.enqueue_dma source(%dma_start3A_156 : memref<80x128xf32, #tpu.memory_space<vmem>>) target(%dma_start3A_152 : memref<80x128xf32, #tpu.memory_space<vmem_shared>>) target_semaphore(%run_scoped3A_144 : memref<!tpu.dma_semaphore, #tpu.memory_space<semaphore_mem>>)
      %dma_wait3A_157 = arith.constant 0 : i32
      %dma_wait3A_158 = arith.constant 0 : i32
      %dma_wait3A_159 = tpu.memref_slice %arg7[%run_scoped3A_61, %dma_wait3A_157, %dma_wait3A_158] : memref<4x80x128xf32, #tpu.memory_space<vmem>> -> memref<1x80x128xf32, #tpu.memory_space<vmem>>
      %dma_wait3A_160 = tpu.memref_squeeze %dma_wait3A_159 : memref<1x80x128xf32, #tpu.memory_space<vmem>> -> memref<80x128xf32, #tpu.memory_space<vmem>>
      %dma_wait3A_161 = arith.constant 0 : i32
      %dma_wait3A_162 = tpu.memref_slice %arg6[%add3A_60, %dma_wait3A_161] : memref<10240x128xf32, #tpu.memory_space<vmem_shared>> -> memref<80x128xf32, #tpu.memory_space<vmem_shared>>
      %dma_wait3A_163 = arith.constant 0 : i32
      %dma_wait3A_164 = tpu.memref_slice %arg6[%add3A_60, %dma_wait3A_163] : memref<10240x128xf32, #tpu.memory_space<vmem_shared>> -> memref<80x128xf32, #tpu.memory_space<vmem_shared>>
      %dma_wait3A_165 = arith.constant 0 : i32
      %dma_wait3A_166 = arith.constant 0 : i32
      %dma_wait3A_167 = tpu.memref_slice %arg7[%run_scoped3A_61, %dma_wait3A_165, %dma_wait3A_166] : memref<4x80x128xf32, #tpu.memory_space<vmem>> -> memref<1x80x128xf32, #tpu.memory_space<vmem>>
      %dma_wait3A_168 = tpu.memref_squeeze %dma_wait3A_167 : memref<1x80x128xf32, #tpu.memory_space<vmem>> -> memref<80x128xf32, #tpu.memory_space<vmem>>
      tpu.wait_dma2 semaphore(%run_scoped3A_144 : memref<!tpu.dma_semaphore, #tpu.memory_space<semaphore_mem>>) src(%dma_wait3A_168 : memref<80x128xf32, #tpu.memory_space<vmem>>) dst(%dma_wait3A_164 : memref<80x128xf32, #tpu.memory_space<vmem_shared>>)
      tpu.yield
    }) : () -> ()
    %mul3A_62 = arith.constant 640 : i32
    %mul3A_63 = arith.muli %arg1, %mul3A_62 : i32
    %add3A_64 = arith.constant 480 : i32
    %add3A_65 = arith.addi %mul3A_63, %add3A_64 : i32
    %run_scoped3A_66 = arith.constant 0 : i32
    "tpu.region"() ({
      %run_scoped3A_144 = tpu.sem_alloc : memref<!tpu.dma_semaphore, #tpu.memory_space<semaphore_mem>>
      %dma_start3A_145 = arith.constant 0 : i32
      %dma_start3A_146 = arith.constant 0 : i32
      %dma_start3A_147 = tpu.memref_slice %arg7[%run_scoped3A_66, %dma_start3A_145, %dma_start3A_146] : memref<4x80x128xf32, #tpu.memory_space<vmem>> -> memref<1x80x128xf32, #tpu.memory_space<vmem>>
      %dma_start3A_148 = tpu.memref_squeeze %dma_start3A_147 : memref<1x80x128xf32, #tpu.memory_space<vmem>> -> memref<80x128xf32, #tpu.memory_space<vmem>>
      %dma_start3A_149 = arith.constant 0 : i32
      %dma_start3A_150 = tpu.memref_slice %arg6[%add3A_65, %dma_start3A_149] : memref<10240x128xf32, #tpu.memory_space<vmem_shared>> -> memref<80x128xf32, #tpu.memory_space<vmem_shared>>
      %dma_start3A_151 = arith.constant 0 : i32
      %dma_start3A_152 = tpu.memref_slice %arg6[%add3A_65, %dma_start3A_151] : memref<10240x128xf32, #tpu.memory_space<vmem_shared>> -> memref<80x128xf32, #tpu.memory_space<vmem_shared>>
      %dma_start3A_153 = arith.constant 0 : i32
      %dma_start3A_154 = arith.constant 0 : i32
      %dma_start3A_155 = tpu.memref_slice %arg7[%run_scoped3A_66, %dma_start3A_153, %dma_start3A_154] : memref<4x80x128xf32, #tpu.memory_space<vmem>> -> memref<1x80x128xf32, #tpu.memory_space<vmem>>
      %dma_start3A_156 = tpu.memref_squeeze %dma_start3A_155 : memref<1x80x128xf32, #tpu.memory_space<vmem>> -> memref<80x128xf32, #tpu.memory_space<vmem>>
      tpu.enqueue_dma source(%dma_start3A_156 : memref<80x128xf32, #tpu.memory_space<vmem>>) target(%dma_start3A_152 : memref<80x128xf32, #tpu.memory_space<vmem_shared>>) target_semaphore(%run_scoped3A_144 : memref<!tpu.dma_semaphore, #tpu.memory_space<semaphore_mem>>)
      %dma_wait3A_157 = arith.constant 0 : i32
      %dma_wait3A_158 = arith.constant 0 : i32
      %dma_wait3A_159 = tpu.memref_slice %arg7[%run_scoped3A_66, %dma_wait3A_157, %dma_wait3A_158] : memref<4x80x128xf32, #tpu.memory_space<vmem>> -> memref<1x80x128xf32, #tpu.memory_space<vmem>>
      %dma_wait3A_160 = tpu.memref_squeeze %dma_wait3A_159 : memref<1x80x128xf32, #tpu.memory_space<vmem>> -> memref<80x128xf32, #tpu.memory_space<vmem>>
      %dma_wait3A_161 = arith.constant 0 : i32
      %dma_wait3A_162 = tpu.memref_slice %arg6[%add3A_65, %dma_wait3A_161] : memref<10240x128xf32, #tpu.memory_space<vmem_shared>> -> memref<80x128xf32, #tpu.memory_space<vmem_shared>>
      %dma_wait3A_163 = arith.constant 0 : i32
      %dma_wait3A_164 = tpu.memref_slice %arg6[%add3A_65, %dma_wait3A_163] : memref<10240x128xf32, #tpu.memory_space<vmem_shared>> -> memref<80x128xf32, #tpu.memory_space<vmem_shared>>
      %dma_wait3A_165 = arith.constant 0 : i32
      %dma_wait3A_166 = arith.constant 0 : i32
      %dma_wait3A_167 = tpu.memref_slice %arg7[%run_scoped3A_66, %dma_wait3A_165, %dma_wait3A_166] : memref<4x80x128xf32, #tpu.memory_space<vmem>> -> memref<1x80x128xf32, #tpu.memory_space<vmem>>
      %dma_wait3A_168 = tpu.memref_squeeze %dma_wait3A_167 : memref<1x80x128xf32, #tpu.memory_space<vmem>> -> memref<80x128xf32, #tpu.memory_space<vmem>>
      tpu.wait_dma2 semaphore(%run_scoped3A_144 : memref<!tpu.dma_semaphore, #tpu.memory_space<semaphore_mem>>) src(%dma_wait3A_168 : memref<80x128xf32, #tpu.memory_space<vmem>>) dst(%dma_wait3A_164 : memref<80x128xf32, #tpu.memory_space<vmem_shared>>)
      tpu.yield
    }) : () -> ()
    %mul3A_67 = arith.constant 640 : i32
    %mul3A_68 = arith.muli %arg1, %mul3A_67 : i32
    %add3A_69 = arith.constant 560 : i32
    %add3A_70 = arith.addi %mul3A_68, %add3A_69 : i32
    %run_scoped3A_71 = arith.constant 0 : i32
    "tpu.region"() ({
      %run_scoped3A_144 = tpu.sem_alloc : memref<!tpu.dma_semaphore, #tpu.memory_space<semaphore_mem>>
      %dma_start3A_145 = arith.constant 0 : i32
      %dma_start3A_146 = arith.constant 0 : i32
      %dma_start3A_147 = tpu.memref_slice %arg7[%run_scoped3A_71, %dma_start3A_145, %dma_start3A_146] : memref<4x80x128xf32, #tpu.memory_space<vmem>> -> memref<1x80x128xf32, #tpu.memory_space<vmem>>
      %dma_start3A_148 = tpu.memref_squeeze %dma_start3A_147 : memref<1x80x128xf32, #tpu.memory_space<vmem>> -> memref<80x128xf32, #tpu.memory_space<vmem>>
      %dma_start3A_149 = arith.constant 0 : i32
      %dma_start3A_150 = tpu.memref_slice %arg6[%add3A_70, %dma_start3A_149] : memref<10240x128xf32, #tpu.memory_space<vmem_shared>> -> memref<80x128xf32, #tpu.memory_space<vmem_shared>>
      %dma_start3A_151 = arith.constant 0 : i32
      %dma_start3A_152 = tpu.memref_slice %arg6[%add3A_70, %dma_start3A_151] : memref<10240x128xf32, #tpu.memory_space<vmem_shared>> -> memref<80x128xf32, #tpu.memory_space<vmem_shared>>
      %dma_start3A_153 = arith.constant 0 : i32
      %dma_start3A_154 = arith.constant 0 : i32
      %dma_start3A_155 = tpu.memref_slice %arg7[%run_scoped3A_71, %dma_start3A_153, %dma_start3A_154] : memref<4x80x128xf32, #tpu.memory_space<vmem>> -> memref<1x80x128xf32, #tpu.memory_space<vmem>>
      %dma_start3A_156 = tpu.memref_squeeze %dma_start3A_155 : memref<1x80x128xf32, #tpu.memory_space<vmem>> -> memref<80x128xf32, #tpu.memory_space<vmem>>
      tpu.enqueue_dma source(%dma_start3A_156 : memref<80x128xf32, #tpu.memory_space<vmem>>) target(%dma_start3A_152 : memref<80x128xf32, #tpu.memory_space<vmem_shared>>) target_semaphore(%run_scoped3A_144 : memref<!tpu.dma_semaphore, #tpu.memory_space<semaphore_mem>>)
      %dma_wait3A_157 = arith.constant 0 : i32
      %dma_wait3A_158 = arith.constant 0 : i32
      %dma_wait3A_159 = tpu.memref_slice %arg7[%run_scoped3A_71, %dma_wait3A_157, %dma_wait3A_158] : memref<4x80x128xf32, #tpu.memory_space<vmem>> -> memref<1x80x128xf32, #tpu.memory_space<vmem>>
      %dma_wait3A_160 = tpu.memref_squeeze %dma_wait3A_159 : memref<1x80x128xf32, #tpu.memory_space<vmem>> -> memref<80x128xf32, #tpu.memory_space<vmem>>
      %dma_wait3A_161 = arith.constant 0 : i32
      %dma_wait3A_162 = tpu.memref_slice %arg6[%add3A_70, %dma_wait3A_161] : memref<10240x128xf32, #tpu.memory_space<vmem_shared>> -> memref<80x128xf32, #tpu.memory_space<vmem_shared>>
      %dma_wait3A_163 = arith.constant 0 : i32
      %dma_wait3A_164 = tpu.memref_slice %arg6[%add3A_70, %dma_wait3A_163] : memref<10240x128xf32, #tpu.memory_space<vmem_shared>> -> memref<80x128xf32, #tpu.memory_space<vmem_shared>>
      %dma_wait3A_165 = arith.constant 0 : i32
      %dma_wait3A_166 = arith.constant 0 : i32
      %dma_wait3A_167 = tpu.memref_slice %arg7[%run_scoped3A_71, %dma_wait3A_165, %dma_wait3A_166] : memref<4x80x128xf32, #tpu.memory_space<vmem>> -> memref<1x80x128xf32, #tpu.memory_space<vmem>>
      %dma_wait3A_168 = tpu.memref_squeeze %dma_wait3A_167 : memref<1x80x128xf32, #tpu.memory_space<vmem>> -> memref<80x128xf32, #tpu.memory_space<vmem>>
      tpu.wait_dma2 semaphore(%run_scoped3A_144 : memref<!tpu.dma_semaphore, #tpu.memory_space<semaphore_mem>>) src(%dma_wait3A_168 : memref<80x128xf32, #tpu.memory_space<vmem>>) dst(%dma_wait3A_164 : memref<80x128xf32, #tpu.memory_space<vmem_shared>>)
      tpu.yield
    }) : () -> ()
    %barrier3A = arith.constant 0 : index
    tpu.barrier barrier_id(%barrier3A)
    %run_scoped3A_72 = arith.constant 0 : i32
    "tpu.region"() ({
      %run_scoped3A_144 = tpu.sem_alloc : memref<!tpu.dma_semaphore, #tpu.memory_space<semaphore_mem>>
      %dma_start3A_145 = arith.constant 0 : i32
      %dma_start3A_146 = arith.constant 0 : i32
      %dma_start3A_147 = tpu.memref_slice %arg8[%run_scoped3A_72, %dma_start3A_145, %dma_start3A_146] : memref<2x8x80xi32, #tpu.memory_space<vmem>> -> memref<1x8x80xi32, #tpu.memory_space<vmem>>
      %dma_start3A_148 = tpu.memref_squeeze %dma_start3A_147 : memref<1x8x80xi32, #tpu.memory_space<vmem>> -> memref<8x80xi32, #tpu.memory_space<vmem>>
      %dma_start3A_149 = arith.constant 0 : i32
      %dma_start3A_150 = tpu.memref_slice %arg3[%select_n3A_26, %dma_start3A_149] : memref<4096x80xi32, #tpu.memory_space<hbm>> -> memref<8x80xi32, #tpu.memory_space<hbm>>
      %dma_start3A_151 = arith.constant 0 : i32
      %dma_start3A_152 = arith.constant 0 : i32
      %dma_start3A_153 = tpu.memref_slice %arg8[%run_scoped3A_72, %dma_start3A_151, %dma_start3A_152] : memref<2x8x80xi32, #tpu.memory_space<vmem>> -> memref<1x8x80xi32, #tpu.memory_space<vmem>>
      %dma_start3A_154 = tpu.memref_squeeze %dma_start3A_153 : memref<1x8x80xi32, #tpu.memory_space<vmem>> -> memref<8x80xi32, #tpu.memory_space<vmem>>
      %dma_start3A_155 = arith.constant 0 : i32
      %dma_start3A_156 = tpu.memref_slice %arg3[%select_n3A_26, %dma_start3A_155] : memref<4096x80xi32, #tpu.memory_space<hbm>> -> memref<8x80xi32, #tpu.memory_space<hbm>>
      tpu.enqueue_dma source(%dma_start3A_156 : memref<8x80xi32, #tpu.memory_space<hbm>>) target(%dma_start3A_154 : memref<8x80xi32, #tpu.memory_space<vmem>>) target_semaphore(%run_scoped3A_144 : memref<!tpu.dma_semaphore, #tpu.memory_space<semaphore_mem>>)
      %dma_wait3A_157 = arith.constant 0 : i32
      %dma_wait3A_158 = arith.constant 0 : i32
      %dma_wait3A_159 = tpu.memref_slice %arg8[%run_scoped3A_72, %dma_wait3A_157, %dma_wait3A_158] : memref<2x8x80xi32, #tpu.memory_space<vmem>> -> memref<1x8x80xi32, #tpu.memory_space<vmem>>
      %dma_wait3A_160 = tpu.memref_squeeze %dma_wait3A_159 : memref<1x8x80xi32, #tpu.memory_space<vmem>> -> memref<8x80xi32, #tpu.memory_space<vmem>>
      %dma_wait3A_161 = arith.constant 0 : i32
      %dma_wait3A_162 = tpu.memref_slice %arg3[%select_n3A_26, %dma_wait3A_161] : memref<4096x80xi32, #tpu.memory_space<hbm>> -> memref<8x80xi32, #tpu.memory_space<hbm>>
      %dma_wait3A_163 = arith.constant 0 : i32
      %dma_wait3A_164 = arith.constant 0 : i32
      %dma_wait3A_165 = tpu.memref_slice %arg8[%run_scoped3A_72, %dma_wait3A_163, %dma_wait3A_164] : memref<2x8x80xi32, #tpu.memory_space<vmem>> -> memref<1x8x80xi32, #tpu.memory_space<vmem>>
      %dma_wait3A_166 = tpu.memref_squeeze %dma_wait3A_165 : memref<1x8x80xi32, #tpu.memory_space<vmem>> -> memref<8x80xi32, #tpu.memory_space<vmem>>
      %dma_wait3A_167 = arith.constant 0 : i32
      %dma_wait3A_168 = tpu.memref_slice %arg3[%select_n3A_26, %dma_wait3A_167] : memref<4096x80xi32, #tpu.memory_space<hbm>> -> memref<8x80xi32, #tpu.memory_space<hbm>>
      tpu.wait_dma2 semaphore(%run_scoped3A_144 : memref<!tpu.dma_semaphore, #tpu.memory_space<semaphore_mem>>) src(%dma_wait3A_168 : memref<8x80xi32, #tpu.memory_space<hbm>>) dst(%dma_wait3A_166 : memref<8x80xi32, #tpu.memory_space<vmem>>)
      tpu.yield
    }) : () -> ()
    %run_scoped3A_73 = arith.constant 0 : i32
    "tpu.region"() ({
      %run_scoped3A_144 = tpu.sem_alloc : memref<!tpu.dma_semaphore, #tpu.memory_space<semaphore_mem>>
      %dma_start3A_145 = arith.constant 0 : i32
      %dma_start3A_146 = arith.constant 0 : i32
      %dma_start3A_147 = tpu.memref_slice %arg9[%run_scoped3A_73, %dma_start3A_145, %dma_start3A_146] : memref<2x8x80xi32, #tpu.memory_space<vmem>> -> memref<1x8x80xi32, #tpu.memory_space<vmem>>
      %dma_start3A_148 = tpu.memref_squeeze %dma_start3A_147 : memref<1x8x80xi32, #tpu.memory_space<vmem>> -> memref<8x80xi32, #tpu.memory_space<vmem>>
      %dma_start3A_149 = arith.constant 0 : i32
      %dma_start3A_150 = tpu.memref_slice %arg4[%select_n3A_26, %dma_start3A_149] : memref<4096x80xi32, #tpu.memory_space<hbm>> -> memref<8x80xi32, #tpu.memory_space<hbm>>
      %dma_start3A_151 = arith.constant 0 : i32
      %dma_start3A_152 = arith.constant 0 : i32
      %dma_start3A_153 = tpu.memref_slice %arg9[%run_scoped3A_73, %dma_start3A_151, %dma_start3A_152] : memref<2x8x80xi32, #tpu.memory_space<vmem>> -> memref<1x8x80xi32, #tpu.memory_space<vmem>>
      %dma_start3A_154 = tpu.memref_squeeze %dma_start3A_153 : memref<1x8x80xi32, #tpu.memory_space<vmem>> -> memref<8x80xi32, #tpu.memory_space<vmem>>
      %dma_start3A_155 = arith.constant 0 : i32
      %dma_start3A_156 = tpu.memref_slice %arg4[%select_n3A_26, %dma_start3A_155] : memref<4096x80xi32, #tpu.memory_space<hbm>> -> memref<8x80xi32, #tpu.memory_space<hbm>>
      tpu.enqueue_dma source(%dma_start3A_156 : memref<8x80xi32, #tpu.memory_space<hbm>>) target(%dma_start3A_154 : memref<8x80xi32, #tpu.memory_space<vmem>>) target_semaphore(%run_scoped3A_144 : memref<!tpu.dma_semaphore, #tpu.memory_space<semaphore_mem>>)
      %dma_wait3A_157 = arith.constant 0 : i32
      %dma_wait3A_158 = arith.constant 0 : i32
      %dma_wait3A_159 = tpu.memref_slice %arg9[%run_scoped3A_73, %dma_wait3A_157, %dma_wait3A_158] : memref<2x8x80xi32, #tpu.memory_space<vmem>> -> memref<1x8x80xi32, #tpu.memory_space<vmem>>
      %dma_wait3A_160 = tpu.memref_squeeze %dma_wait3A_159 : memref<1x8x80xi32, #tpu.memory_space<vmem>> -> memref<8x80xi32, #tpu.memory_space<vmem>>
      %dma_wait3A_161 = arith.constant 0 : i32
      %dma_wait3A_162 = tpu.memref_slice %arg4[%select_n3A_26, %dma_wait3A_161] : memref<4096x80xi32, #tpu.memory_space<hbm>> -> memref<8x80xi32, #tpu.memory_space<hbm>>
      %dma_wait3A_163 = arith.constant 0 : i32
      %dma_wait3A_164 = arith.constant 0 : i32
      %dma_wait3A_165 = tpu.memref_slice %arg9[%run_scoped3A_73, %dma_wait3A_163, %dma_wait3A_164] : memref<2x8x80xi32, #tpu.memory_space<vmem>> -> memref<1x8x80xi32, #tpu.memory_space<vmem>>
      %dma_wait3A_166 = tpu.memref_squeeze %dma_wait3A_165 : memref<1x8x80xi32, #tpu.memory_space<vmem>> -> memref<8x80xi32, #tpu.memory_space<vmem>>
      %dma_wait3A_167 = arith.constant 0 : i32
      %dma_wait3A_168 = tpu.memref_slice %arg4[%select_n3A_26, %dma_wait3A_167] : memref<4096x80xi32, #tpu.memory_space<hbm>> -> memref<8x80xi32, #tpu.memory_space<hbm>>
      tpu.wait_dma2 semaphore(%run_scoped3A_144 : memref<!tpu.dma_semaphore, #tpu.memory_space<semaphore_mem>>) src(%dma_wait3A_168 : memref<8x80xi32, #tpu.memory_space<hbm>>) dst(%dma_wait3A_166 : memref<8x80xi32, #tpu.memory_space<vmem>>)
      tpu.yield
    }) : () -> ()
    %dma_start3A = arith.constant 0 : i32
    %dma_start3A_74 = arith.constant 0 : i32
    %dma_start3A_75 = arith.constant 0 : i32
    %dma_start3A_76 = arith.constant 0 : i32
    %dma_start3A_77 = arith.constant 0 : i32
    %dma_start3A_78 = tpu.memref_slice %arg7[%dma_start3A_75, %dma_start3A_76, %dma_start3A_77] : memref<4x80x128xf32, #tpu.memory_space<vmem>> -> memref<1x80x128xf32, #tpu.memory_space<vmem>>
    %dma_start3A_79 = tpu.memref_squeeze %dma_start3A_78 : memref<1x80x128xf32, #tpu.memory_space<vmem>> -> memref<80x128xf32, #tpu.memory_space<vmem>>
    %dma_start3A_80 = arith.constant 0 : i32
    %dma_start3A_81 = tpu.memref_slice %arg8[%dma_start3A, %dma_start3A_74, %dma_start3A_80] : memref<2x8x80xi32, #tpu.memory_space<vmem>> -> memref<1x1x80xi32, #tpu.memory_space<vmem>>
    %dma_start3A_82 = tpu.memref_squeeze %dma_start3A_81 : memref<1x1x80xi32, #tpu.memory_space<vmem>> -> memref<80xi32, #tpu.memory_space<vmem>>
    %dma_start3A_83 = arith.constant 0 : i32
    %dma_start3A_84 = arith.constant 0 : i32
    %dma_start3A_85 = tpu.memref_slice %arg2[%dma_start3A_83, %dma_start3A_84] : memref<10000x128xf32, #tpu.memory_space<hbm>> -> memref<10000x128xf32, #tpu.memory_space<hbm>>
    tpu.enqueue_indirect_dma source(%dma_start3A_85 : memref<10000x128xf32, #tpu.memory_space<hbm>>) target(%dma_start3A_79 : memref<80x128xf32, #tpu.memory_space<vmem>>) offsets(%dma_start3A_82 : memref<80xi32, #tpu.memory_space<vmem>>) semaphore(%arg10 : memref<!tpu.dma_semaphore, #tpu.memory_space<semaphore_mem>>)
    %dma_start3A_86 = arith.constant 0 : i32
    %dma_start3A_87 = arith.constant 1 : i32
    %dma_start3A_88 = arith.constant 1 : i32
    %dma_start3A_89 = arith.constant 0 : i32
    %dma_start3A_90 = arith.constant 0 : i32
    %dma_start3A_91 = tpu.memref_slice %arg7[%dma_start3A_88, %dma_start3A_89, %dma_start3A_90] : memref<4x80x128xf32, #tpu.memory_space<vmem>> -> memref<1x80x128xf32, #tpu.memory_space<vmem>>
    %dma_start3A_92 = tpu.memref_squeeze %dma_start3A_91 : memref<1x80x128xf32, #tpu.memory_space<vmem>> -> memref<80x128xf32, #tpu.memory_space<vmem>>
    %dma_start3A_93 = arith.constant 0 : i32
    %dma_start3A_94 = tpu.memref_slice %arg8[%dma_start3A_86, %dma_start3A_87, %dma_start3A_93] : memref<2x8x80xi32, #tpu.memory_space<vmem>> -> memref<1x1x80xi32, #tpu.memory_space<vmem>>
    %dma_start3A_95 = tpu.memref_squeeze %dma_start3A_94 : memref<1x1x80xi32, #tpu.memory_space<vmem>> -> memref<80xi32, #tpu.memory_space<vmem>>
    %dma_start3A_96 = arith.constant 0 : i32
    %dma_start3A_97 = arith.constant 0 : i32
    %dma_start3A_98 = tpu.memref_slice %arg2[%dma_start3A_96, %dma_start3A_97] : memref<10000x128xf32, #tpu.memory_space<hbm>> -> memref<10000x128xf32, #tpu.memory_space<hbm>>
    tpu.enqueue_indirect_dma source(%dma_start3A_98 : memref<10000x128xf32, #tpu.memory_space<hbm>>) target(%dma_start3A_92 : memref<80x128xf32, #tpu.memory_space<vmem>>) offsets(%dma_start3A_95 : memref<80xi32, #tpu.memory_space<vmem>>) semaphore(%arg11 : memref<!tpu.dma_semaphore, #tpu.memory_space<semaphore_mem>>)
    %while3A = arith.constant 0 : i32
    %while3A_99 = arith.constant 0 : i32
    %while3A_100 = arith.subi %select_n3A_19, %while3A : i32
    %while3A_101 = arith.addi %while3A, %while3A_100 : i32
    %while3A_102 = arith.constant 1 : i32
    %while3A_103 = arith.divsi %while3A_100, %while3A_102 : i32
    %while3A_104 = arith.muli %while3A_103, %while3A_102 : i32
    %while3A_105 = arith.addi %while3A, %while3A_104 : i32
    %while3A_106 = arith.constant 1 : i32
    %while3A_107 = scf.for %while3A_144 = %while3A to %while3A_105 step %while3A_106 iter_args(%while3A_145 = %while3A_99) -> (i32)  : i32 {
      %rem3A_146 = arith.constant 2 : i32
      %rem3A_147 = arith.remsi %while3A_144, %rem3A_146 : i32
      %add3A_148 = arith.constant 1 : i32
      %add3A_149 = arith.addi %while3A_144, %add3A_148 : i32
      %rem3A_150 = arith.constant 2 : i32
      %rem3A_151 = arith.remsi %add3A_149, %rem3A_150 : i32
      %dma_wait3A_152 = arith.constant 0 : i32
      %dma_wait3A_153 = arith.constant 0 : i32
      %dma_wait3A_154 = arith.constant 0 : i32
      %dma_wait3A_155 = arith.constant 0 : i32
      %dma_wait3A_156 = tpu.memref_slice %arg7[%dma_wait3A_153, %dma_wait3A_154, %dma_wait3A_155] : memref<4x80x128xf32, #tpu.memory_space<vmem>> -> memref<1x80x128xf32, #tpu.memory_space<vmem>>
      %dma_wait3A_157 = tpu.memref_squeeze %dma_wait3A_156 : memref<1x80x128xf32, #tpu.memory_space<vmem>> -> memref<80x128xf32, #tpu.memory_space<vmem>>
      %dma_wait3A_158 = arith.constant 0 : i32
      %dma_wait3A_159 = tpu.memref_slice %arg8[%rem3A_147, %dma_wait3A_152, %dma_wait3A_158] : memref<2x8x80xi32, #tpu.memory_space<vmem>> -> memref<1x1x80xi32, #tpu.memory_space<vmem>>
      %dma_wait3A_160 = tpu.memref_squeeze %dma_wait3A_159 : memref<1x1x80xi32, #tpu.memory_space<vmem>> -> memref<80xi32, #tpu.memory_space<vmem>>
      %dma_wait3A_161 = arith.constant 0 : i32
      %dma_wait3A_162 = arith.constant 0 : i32
      %dma_wait3A_163 = tpu.memref_slice %arg2[%dma_wait3A_161, %dma_wait3A_162] : memref<10000x128xf32, #tpu.memory_space<hbm>> -> memref<10000x128xf32, #tpu.memory_space<hbm>>
      tpu.wait_indirect_dma semaphore(%arg10 : memref<!tpu.dma_semaphore, #tpu.memory_space<semaphore_mem>>) src(%dma_wait3A_163 : memref<10000x128xf32, #tpu.memory_space<hbm>>) dst(%dma_wait3A_157 : memref<80x128xf32, #tpu.memory_space<vmem>>)
      %dma_start3A_164 = arith.constant 0 : i32
      %dma_start3A_165 = arith.constant 0 : i32
      %dma_start3A_166 = arith.constant 0 : i32
      %dma_start3A_167 = arith.constant 0 : i32
      %dma_start3A_168 = tpu.memref_slice %arg7[%dma_start3A_164, %dma_start3A_166, %dma_start3A_167] : memref<4x80x128xf32, #tpu.memory_space<vmem>> -> memref<1x80x128xf32, #tpu.memory_space<vmem>>
      %dma_start3A_169 = tpu.memref_squeeze %dma_start3A_168 : memref<1x80x128xf32, #tpu.memory_space<vmem>> -> memref<80x128xf32, #tpu.memory_space<vmem>>
      %dma_start3A_170 = arith.constant 0 : i32
      %dma_start3A_171 = tpu.memref_slice %arg9[%rem3A_147, %dma_start3A_165, %dma_start3A_170] : memref<2x8x80xi32, #tpu.memory_space<vmem>> -> memref<1x1x80xi32, #tpu.memory_space<vmem>>
      %dma_start3A_172 = tpu.memref_squeeze %dma_start3A_171 : memref<1x1x80xi32, #tpu.memory_space<vmem>> -> memref<80xi32, #tpu.memory_space<vmem>>
      %dma_start3A_173 = arith.constant 0 : i32
      %dma_start3A_174 = arith.constant 0 : i32
      %dma_start3A_175 = tpu.memref_slice %arg6[%dma_start3A_173, %dma_start3A_174] : memref<10240x128xf32, #tpu.memory_space<vmem_shared>> -> memref<10240x128xf32, #tpu.memory_space<vmem_shared>>
      tpu.enqueue_indirect_dma source(%dma_start3A_169 : memref<80x128xf32, #tpu.memory_space<vmem>>) target(%dma_start3A_175 : memref<10240x128xf32, #tpu.memory_space<vmem_shared>>) offsets(%dma_start3A_172 : memref<80xi32, #tpu.memory_space<vmem>>) semaphore(%arg14 : memref<!tpu.dma_semaphore, #tpu.memory_space<semaphore_mem>>) {add = true}
      %ge3A = arith.constant 1 : i32
      %ge3A_176 = arith.cmpi sge, %while3A_144, %ge3A : i32
      %convert_element_type3A = arith.extui %ge3A_176 : i1 to i32
      %cond3A = arith.constant 0 : i32
      %cond3A_177 = arith.cmpi ne, %convert_element_type3A, %cond3A : i32
      scf.if %cond3A_177 {
        %dma_wait3A_531 = arith.constant 2 : i32
        %dma_wait3A_532 = arith.constant 0 : i32
        %dma_wait3A_533 = arith.constant 0 : i32
        %dma_wait3A_534 = tpu.memref_slice %arg7[%dma_wait3A_531, %dma_wait3A_532, %dma_wait3A_533] : memref<4x80x128xf32, #tpu.memory_space<vmem>> -> memref<1x80x128xf32, #tpu.memory_space<vmem>>
        %dma_wait3A_535 = tpu.memref_squeeze %dma_wait3A_534 : memref<1x80x128xf32, #tpu.memory_space<vmem>> -> memref<80x128xf32, #tpu.memory_space<vmem>>
        %dma_wait3A_536 = arith.constant 0 : i32
        %dma_wait3A_537 = arith.constant 0 : i32
        %dma_wait3A_538 = tpu.memref_slice %arg6[%dma_wait3A_536, %dma_wait3A_537] : memref<10240x128xf32, #tpu.memory_space<vmem_shared>> -> memref<80x128xf32, #tpu.memory_space<vmem_shared>>
        %dma_wait3A_539 = arith.constant 0 : i32
        %dma_wait3A_540 = arith.constant 0 : i32
        %dma_wait3A_541 = tpu.memref_slice %arg6[%dma_wait3A_539, %dma_wait3A_540] : memref<10240x128xf32, #tpu.memory_space<vmem_shared>> -> memref<80x128xf32, #tpu.memory_space<vmem_shared>>
        %dma_wait3A_542 = arith.constant 0 : i32
        %dma_wait3A_543 = arith.constant 0 : i32
        %dma_wait3A_544 = tpu.memref_slice %arg7[%dma_wait3A_531, %dma_wait3A_542, %dma_wait3A_543] : memref<4x80x128xf32, #tpu.memory_space<vmem>> -> memref<1x80x128xf32, #tpu.memory_space<vmem>>
        %dma_wait3A_545 = tpu.memref_squeeze %dma_wait3A_544 : memref<1x80x128xf32, #tpu.memory_space<vmem>> -> memref<80x128xf32, #tpu.memory_space<vmem>>
        tpu.wait_dma2 semaphore(%arg16 : memref<!tpu.dma_semaphore, #tpu.memory_space<semaphore_mem>>) src(%dma_wait3A_545 : memref<80x128xf32, #tpu.memory_space<vmem>>) dst(%dma_wait3A_541 : memref<80x128xf32, #tpu.memory_space<vmem_shared>>)
      } else {
      }
      %dma_start3A_178 = arith.constant 2 : i32
      %dma_start3A_179 = arith.constant 2 : i32
      %dma_start3A_180 = arith.constant 0 : i32
      %dma_start3A_181 = arith.constant 0 : i32
      %dma_start3A_182 = tpu.memref_slice %arg7[%dma_start3A_179, %dma_start3A_180, %dma_start3A_181] : memref<4x80x128xf32, #tpu.memory_space<vmem>> -> memref<1x80x128xf32, #tpu.memory_space<vmem>>
      %dma_start3A_183 = tpu.memref_squeeze %dma_start3A_182 : memref<1x80x128xf32, #tpu.memory_space<vmem>> -> memref<80x128xf32, #tpu.memory_space<vmem>>
      %dma_start3A_184 = arith.constant 0 : i32
      %dma_start3A_185 = tpu.memref_slice %arg8[%rem3A_147, %dma_start3A_178, %dma_start3A_184] : memref<2x8x80xi32, #tpu.memory_space<vmem>> -> memref<1x1x80xi32, #tpu.memory_space<vmem>>
      %dma_start3A_186 = tpu.memref_squeeze %dma_start3A_185 : memref<1x1x80xi32, #tpu.memory_space<vmem>> -> memref<80xi32, #tpu.memory_space<vmem>>
      %dma_start3A_187 = arith.constant 0 : i32
      %dma_start3A_188 = arith.constant 0 : i32
      %dma_start3A_189 = tpu.memref_slice %arg2[%dma_start3A_187, %dma_start3A_188] : memref<10000x128xf32, #tpu.memory_space<hbm>> -> memref<10000x128xf32, #tpu.memory_space<hbm>>
      tpu.enqueue_indirect_dma source(%dma_start3A_189 : memref<10000x128xf32, #tpu.memory_space<hbm>>) target(%dma_start3A_183 : memref<80x128xf32, #tpu.memory_space<vmem>>) offsets(%dma_start3A_186 : memref<80xi32, #tpu.memory_space<vmem>>) semaphore(%arg12 : memref<!tpu.dma_semaphore, #tpu.memory_space<semaphore_mem>>)
      %dma_wait3A_190 = arith.constant 1 : i32
      %dma_wait3A_191 = arith.constant 1 : i32
      %dma_wait3A_192 = arith.constant 0 : i32
      %dma_wait3A_193 = arith.constant 0 : i32
      %dma_wait3A_194 = tpu.memref_slice %arg7[%dma_wait3A_191, %dma_wait3A_192, %dma_wait3A_193] : memref<4x80x128xf32, #tpu.memory_space<vmem>> -> memref<1x80x128xf32, #tpu.memory_space<vmem>>
      %dma_wait3A_195 = tpu.memref_squeeze %dma_wait3A_194 : memref<1x80x128xf32, #tpu.memory_space<vmem>> -> memref<80x128xf32, #tpu.memory_space<vmem>>
      %dma_wait3A_196 = arith.constant 0 : i32
      %dma_wait3A_197 = tpu.memref_slice %arg8[%rem3A_147, %dma_wait3A_190, %dma_wait3A_196] : memref<2x8x80xi32, #tpu.memory_space<vmem>> -> memref<1x1x80xi32, #tpu.memory_space<vmem>>
      %dma_wait3A_198 = tpu.memref_squeeze %dma_wait3A_197 : memref<1x1x80xi32, #tpu.memory_space<vmem>> -> memref<80xi32, #tpu.memory_space<vmem>>
      %dma_wait3A_199 = arith.constant 0 : i32
      %dma_wait3A_200 = arith.constant 0 : i32
      %dma_wait3A_201 = tpu.memref_slice %arg2[%dma_wait3A_199, %dma_wait3A_200] : memref<10000x128xf32, #tpu.memory_space<hbm>> -> memref<10000x128xf32, #tpu.memory_space<hbm>>
      tpu.wait_indirect_dma semaphore(%arg11 : memref<!tpu.dma_semaphore, #tpu.memory_space<semaphore_mem>>) src(%dma_wait3A_201 : memref<10000x128xf32, #tpu.memory_space<hbm>>) dst(%dma_wait3A_195 : memref<80x128xf32, #tpu.memory_space<vmem>>)
      %dma_start3A_202 = arith.constant 1 : i32
      %dma_start3A_203 = arith.constant 1 : i32
      %dma_start3A_204 = arith.constant 0 : i32
      %dma_start3A_205 = arith.constant 0 : i32
      %dma_start3A_206 = tpu.memref_slice %arg7[%dma_start3A_202, %dma_start3A_204, %dma_start3A_205] : memref<4x80x128xf32, #tpu.memory_space<vmem>> -> memref<1x80x128xf32, #tpu.memory_space<vmem>>
      %dma_start3A_207 = tpu.memref_squeeze %dma_start3A_206 : memref<1x80x128xf32, #tpu.memory_space<vmem>> -> memref<80x128xf32, #tpu.memory_space<vmem>>
      %dma_start3A_208 = arith.constant 0 : i32
      %dma_start3A_209 = tpu.memref_slice %arg9[%rem3A_147, %dma_start3A_203, %dma_start3A_208] : memref<2x8x80xi32, #tpu.memory_space<vmem>> -> memref<1x1x80xi32, #tpu.memory_space<vmem>>
      %dma_start3A_210 = tpu.memref_squeeze %dma_start3A_209 : memref<1x1x80xi32, #tpu.memory_space<vmem>> -> memref<80xi32, #tpu.memory_space<vmem>>
      %dma_start3A_211 = arith.constant 0 : i32
      %dma_start3A_212 = arith.constant 0 : i32
      %dma_start3A_213 = tpu.memref_slice %arg6[%dma_start3A_211, %dma_start3A_212] : memref<10240x128xf32, #tpu.memory_space<vmem_shared>> -> memref<10240x128xf32, #tpu.memory_space<vmem_shared>>
      tpu.enqueue_indirect_dma source(%dma_start3A_207 : memref<80x128xf32, #tpu.memory_space<vmem>>) target(%dma_start3A_213 : memref<10240x128xf32, #tpu.memory_space<vmem_shared>>) offsets(%dma_start3A_210 : memref<80xi32, #tpu.memory_space<vmem>>) semaphore(%arg15 : memref<!tpu.dma_semaphore, #tpu.memory_space<semaphore_mem>>) {add = true}
      %ge3A_214 = arith.constant 1 : i32
      %ge3A_215 = arith.cmpi sge, %while3A_144, %ge3A_214 : i32
      %convert_element_type3A_216 = arith.extui %ge3A_215 : i1 to i32
      %cond3A_217 = arith.constant 0 : i32
      %cond3A_218 = arith.cmpi ne, %convert_element_type3A_216, %cond3A_217 : i32
      scf.if %cond3A_218 {
        %dma_wait3A_531 = arith.constant 3 : i32
        %dma_wait3A_532 = arith.constant 0 : i32
        %dma_wait3A_533 = arith.constant 0 : i32
        %dma_wait3A_534 = tpu.memref_slice %arg7[%dma_wait3A_531, %dma_wait3A_532, %dma_wait3A_533] : memref<4x80x128xf32, #tpu.memory_space<vmem>> -> memref<1x80x128xf32, #tpu.memory_space<vmem>>
        %dma_wait3A_535 = tpu.memref_squeeze %dma_wait3A_534 : memref<1x80x128xf32, #tpu.memory_space<vmem>> -> memref<80x128xf32, #tpu.memory_space<vmem>>
        %dma_wait3A_536 = arith.constant 0 : i32
        %dma_wait3A_537 = arith.constant 0 : i32
        %dma_wait3A_538 = tpu.memref_slice %arg6[%dma_wait3A_536, %dma_wait3A_537] : memref<10240x128xf32, #tpu.memory_space<vmem_shared>> -> memref<80x128xf32, #tpu.memory_space<vmem_shared>>
        %dma_wait3A_539 = arith.constant 0 : i32
        %dma_wait3A_540 = arith.constant 0 : i32
        %dma_wait3A_541 = tpu.memref_slice %arg6[%dma_wait3A_539, %dma_wait3A_540] : memref<10240x128xf32, #tpu.memory_space<vmem_shared>> -> memref<80x128xf32, #tpu.memory_space<vmem_shared>>
        %dma_wait3A_542 = arith.constant 0 : i32
        %dma_wait3A_543 = arith.constant 0 : i32
        %dma_wait3A_544 = tpu.memref_slice %arg7[%dma_wait3A_531, %dma_wait3A_542, %dma_wait3A_543] : memref<4x80x128xf32, #tpu.memory_space<vmem>> -> memref<1x80x128xf32, #tpu.memory_space<vmem>>
        %dma_wait3A_545 = tpu.memref_squeeze %dma_wait3A_544 : memref<1x80x128xf32, #tpu.memory_space<vmem>> -> memref<80x128xf32, #tpu.memory_space<vmem>>
        tpu.wait_dma2 semaphore(%arg17 : memref<!tpu.dma_semaphore, #tpu.memory_space<semaphore_mem>>) src(%dma_wait3A_545 : memref<80x128xf32, #tpu.memory_space<vmem>>) dst(%dma_wait3A_541 : memref<80x128xf32, #tpu.memory_space<vmem_shared>>)
      } else {
      }
      %add3A_219 = arith.constant 1 : i32
      %add3A_220 = arith.addi %while3A_144, %add3A_219 : i32
      %lt3A = arith.cmpi slt, %add3A_220, %select_n3A_19 : i32
      %convert_element_type3A_221 = arith.extui %lt3A : i1 to i32
      %cond3A_222 = arith.constant 0 : i32
      %cond3A_223 = arith.cmpi ne, %convert_element_type3A_221, %cond3A_222 : i32
      scf.if %cond3A_223 {
        %add3A_531 = arith.constant 1 : i32
        %add3A_532 = arith.addi %while3A_144, %add3A_531 : i32
        %mul3A_533 = arith.constant 8 : i32
        %mul3A_534 = arith.muli %add3A_532, %mul3A_533 : i32
        %add3A_535 = arith.addi %select_n3A_26, %mul3A_534 : i32
        "tpu.region"() ({
          %run_scoped3A_541 = tpu.sem_alloc : memref<!tpu.dma_semaphore, #tpu.memory_space<semaphore_mem>>
          %dma_start3A_542 = arith.constant 0 : i32
          %dma_start3A_543 = arith.constant 0 : i32
          %dma_start3A_544 = tpu.memref_slice %arg8[%rem3A_151, %dma_start3A_542, %dma_start3A_543] : memref<2x8x80xi32, #tpu.memory_space<vmem>> -> memref<1x8x80xi32, #tpu.memory_space<vmem>>
          %dma_start3A_545 = tpu.memref_squeeze %dma_start3A_544 : memref<1x8x80xi32, #tpu.memory_space<vmem>> -> memref<8x80xi32, #tpu.memory_space<vmem>>
          %dma_start3A_546 = arith.constant 0 : i32
          %dma_start3A_547 = tpu.memref_slice %arg3[%add3A_535, %dma_start3A_546] : memref<4096x80xi32, #tpu.memory_space<hbm>> -> memref<8x80xi32, #tpu.memory_space<hbm>>
          %dma_start3A_548 = arith.constant 0 : i32
          %dma_start3A_549 = arith.constant 0 : i32
          %dma_start3A_550 = tpu.memref_slice %arg8[%rem3A_151, %dma_start3A_548, %dma_start3A_549] : memref<2x8x80xi32, #tpu.memory_space<vmem>> -> memref<1x8x80xi32, #tpu.memory_space<vmem>>
          %dma_start3A_551 = tpu.memref_squeeze %dma_start3A_550 : memref<1x8x80xi32, #tpu.memory_space<vmem>> -> memref<8x80xi32, #tpu.memory_space<vmem>>
          %dma_start3A_552 = arith.constant 0 : i32
          %dma_start3A_553 = tpu.memref_slice %arg3[%add3A_535, %dma_start3A_552] : memref<4096x80xi32, #tpu.memory_space<hbm>> -> memref<8x80xi32, #tpu.memory_space<hbm>>
          tpu.enqueue_dma source(%dma_start3A_553 : memref<8x80xi32, #tpu.memory_space<hbm>>) target(%dma_start3A_551 : memref<8x80xi32, #tpu.memory_space<vmem>>) target_semaphore(%run_scoped3A_541 : memref<!tpu.dma_semaphore, #tpu.memory_space<semaphore_mem>>)
          %dma_wait3A_554 = arith.constant 0 : i32
          %dma_wait3A_555 = arith.constant 0 : i32
          %dma_wait3A_556 = tpu.memref_slice %arg8[%rem3A_151, %dma_wait3A_554, %dma_wait3A_555] : memref<2x8x80xi32, #tpu.memory_space<vmem>> -> memref<1x8x80xi32, #tpu.memory_space<vmem>>
          %dma_wait3A_557 = tpu.memref_squeeze %dma_wait3A_556 : memref<1x8x80xi32, #tpu.memory_space<vmem>> -> memref<8x80xi32, #tpu.memory_space<vmem>>
          %dma_wait3A_558 = arith.constant 0 : i32
          %dma_wait3A_559 = tpu.memref_slice %arg3[%add3A_535, %dma_wait3A_558] : memref<4096x80xi32, #tpu.memory_space<hbm>> -> memref<8x80xi32, #tpu.memory_space<hbm>>
          %dma_wait3A_560 = arith.constant 0 : i32
          %dma_wait3A_561 = arith.constant 0 : i32
          %dma_wait3A_562 = tpu.memref_slice %arg8[%rem3A_151, %dma_wait3A_560, %dma_wait3A_561] : memref<2x8x80xi32, #tpu.memory_space<vmem>> -> memref<1x8x80xi32, #tpu.memory_space<vmem>>
          %dma_wait3A_563 = tpu.memref_squeeze %dma_wait3A_562 : memref<1x8x80xi32, #tpu.memory_space<vmem>> -> memref<8x80xi32, #tpu.memory_space<vmem>>
          %dma_wait3A_564 = arith.constant 0 : i32
          %dma_wait3A_565 = tpu.memref_slice %arg3[%add3A_535, %dma_wait3A_564] : memref<4096x80xi32, #tpu.memory_space<hbm>> -> memref<8x80xi32, #tpu.memory_space<hbm>>
          tpu.wait_dma2 semaphore(%run_scoped3A_541 : memref<!tpu.dma_semaphore, #tpu.memory_space<semaphore_mem>>) src(%dma_wait3A_565 : memref<8x80xi32, #tpu.memory_space<hbm>>) dst(%dma_wait3A_563 : memref<8x80xi32, #tpu.memory_space<vmem>>)
          tpu.yield
        }) : () -> ()
        %add3A_536 = arith.constant 1 : i32
        %add3A_537 = arith.addi %while3A_144, %add3A_536 : i32
        %mul3A_538 = arith.constant 8 : i32
        %mul3A_539 = arith.muli %add3A_537, %mul3A_538 : i32
        %add3A_540 = arith.addi %select_n3A_26, %mul3A_539 : i32
        "tpu.region"() ({
          %run_scoped3A_541 = tpu.sem_alloc : memref<!tpu.dma_semaphore, #tpu.memory_space<semaphore_mem>>
          %dma_start3A_542 = arith.constant 0 : i32
          %dma_start3A_543 = arith.constant 0 : i32
          %dma_start3A_544 = tpu.memref_slice %arg9[%rem3A_151, %dma_start3A_542, %dma_start3A_543] : memref<2x8x80xi32, #tpu.memory_space<vmem>> -> memref<1x8x80xi32, #tpu.memory_space<vmem>>
          %dma_start3A_545 = tpu.memref_squeeze %dma_start3A_544 : memref<1x8x80xi32, #tpu.memory_space<vmem>> -> memref<8x80xi32, #tpu.memory_space<vmem>>
          %dma_start3A_546 = arith.constant 0 : i32
          %dma_start3A_547 = tpu.memref_slice %arg4[%add3A_540, %dma_start3A_546] : memref<4096x80xi32, #tpu.memory_space<hbm>> -> memref<8x80xi32, #tpu.memory_space<hbm>>
          %dma_start3A_548 = arith.constant 0 : i32
          %dma_start3A_549 = arith.constant 0 : i32
          %dma_start3A_550 = tpu.memref_slice %arg9[%rem3A_151, %dma_start3A_548, %dma_start3A_549] : memref<2x8x80xi32, #tpu.memory_space<vmem>> -> memref<1x8x80xi32, #tpu.memory_space<vmem>>
          %dma_start3A_551 = tpu.memref_squeeze %dma_start3A_550 : memref<1x8x80xi32, #tpu.memory_space<vmem>> -> memref<8x80xi32, #tpu.memory_space<vmem>>
          %dma_start3A_552 = arith.constant 0 : i32
          %dma_start3A_553 = tpu.memref_slice %arg4[%add3A_540, %dma_start3A_552] : memref<4096x80xi32, #tpu.memory_space<hbm>> -> memref<8x80xi32, #tpu.memory_space<hbm>>
          tpu.enqueue_dma source(%dma_start3A_553 : memref<8x80xi32, #tpu.memory_space<hbm>>) target(%dma_start3A_551 : memref<8x80xi32, #tpu.memory_space<vmem>>) target_semaphore(%run_scoped3A_541 : memref<!tpu.dma_semaphore, #tpu.memory_space<semaphore_mem>>)
          %dma_wait3A_554 = arith.constant 0 : i32
          %dma_wait3A_555 = arith.constant 0 : i32
          %dma_wait3A_556 = tpu.memref_slice %arg9[%rem3A_151, %dma_wait3A_554, %dma_wait3A_555] : memref<2x8x80xi32, #tpu.memory_space<vmem>> -> memref<1x8x80xi32, #tpu.memory_space<vmem>>
          %dma_wait3A_557 = tpu.memref_squeeze %dma_wait3A_556 : memref<1x8x80xi32, #tpu.memory_space<vmem>> -> memref<8x80xi32, #tpu.memory_space<vmem>>
          %dma_wait3A_558 = arith.constant 0 : i32
          %dma_wait3A_559 = tpu.memref_slice %arg4[%add3A_540, %dma_wait3A_558] : memref<4096x80xi32, #tpu.memory_space<hbm>> -> memref<8x80xi32, #tpu.memory_space<hbm>>
          %dma_wait3A_560 = arith.constant 0 : i32
          %dma_wait3A_561 = arith.constant 0 : i32
          %dma_wait3A_562 = tpu.memref_slice %arg9[%rem3A_151, %dma_wait3A_560, %dma_wait3A_561] : memref<2x8x80xi32, #tpu.memory_space<vmem>> -> memref<1x8x80xi32, #tpu.memory_space<vmem>>
          %dma_wait3A_563 = tpu.memref_squeeze %dma_wait3A_562 : memref<1x8x80xi32, #tpu.memory_space<vmem>> -> memref<8x80xi32, #tpu.memory_space<vmem>>
          %dma_wait3A_564 = arith.constant 0 : i32
          %dma_wait3A_565 = tpu.memref_slice %arg4[%add3A_540, %dma_wait3A_564] : memref<4096x80xi32, #tpu.memory_space<hbm>> -> memref<8x80xi32, #tpu.memory_space<hbm>>
          tpu.wait_dma2 semaphore(%run_scoped3A_541 : memref<!tpu.dma_semaphore, #tpu.memory_space<semaphore_mem>>) src(%dma_wait3A_565 : memref<8x80xi32, #tpu.memory_space<hbm>>) dst(%dma_wait3A_563 : memref<8x80xi32, #tpu.memory_space<vmem>>)
          tpu.yield
        }) : () -> ()
      } else {
      }
      %dma_start3A_224 = arith.constant 3 : i32
      %dma_start3A_225 = arith.constant 3 : i32
      %dma_start3A_226 = arith.constant 0 : i32
      %dma_start3A_227 = arith.constant 0 : i32
      %dma_start3A_228 = tpu.memref_slice %arg7[%dma_start3A_225, %dma_start3A_226, %dma_start3A_227] : memref<4x80x128xf32, #tpu.memory_space<vmem>> -> memref<1x80x128xf32, #tpu.memory_space<vmem>>
      %dma_start3A_229 = tpu.memref_squeeze %dma_start3A_228 : memref<1x80x128xf32, #tpu.memory_space<vmem>> -> memref<80x128xf32, #tpu.memory_space<vmem>>
      %dma_start3A_230 = arith.constant 0 : i32
      %dma_start3A_231 = tpu.memref_slice %arg8[%rem3A_147, %dma_start3A_224, %dma_start3A_230] : memref<2x8x80xi32, #tpu.memory_space<vmem>> -> memref<1x1x80xi32, #tpu.memory_space<vmem>>
      %dma_start3A_232 = tpu.memref_squeeze %dma_start3A_231 : memref<1x1x80xi32, #tpu.memory_space<vmem>> -> memref<80xi32, #tpu.memory_space<vmem>>
      %dma_start3A_233 = arith.constant 0 : i32
      %dma_start3A_234 = arith.constant 0 : i32
      %dma_start3A_235 = tpu.memref_slice %arg2[%dma_start3A_233, %dma_start3A_234] : memref<10000x128xf32, #tpu.memory_space<hbm>> -> memref<10000x128xf32, #tpu.memory_space<hbm>>
      tpu.enqueue_indirect_dma source(%dma_start3A_235 : memref<10000x128xf32, #tpu.memory_space<hbm>>) target(%dma_start3A_229 : memref<80x128xf32, #tpu.memory_space<vmem>>) offsets(%dma_start3A_232 : memref<80xi32, #tpu.memory_space<vmem>>) semaphore(%arg13 : memref<!tpu.dma_semaphore, #tpu.memory_space<semaphore_mem>>)
      %dma_wait3A_236 = arith.constant 2 : i32
      %dma_wait3A_237 = arith.constant 2 : i32
      %dma_wait3A_238 = arith.constant 0 : i32
      %dma_wait3A_239 = arith.constant 0 : i32
      %dma_wait3A_240 = tpu.memref_slice %arg7[%dma_wait3A_237, %dma_wait3A_238, %dma_wait3A_239] : memref<4x80x128xf32, #tpu.memory_space<vmem>> -> memref<1x80x128xf32, #tpu.memory_space<vmem>>
      %dma_wait3A_241 = tpu.memref_squeeze %dma_wait3A_240 : memref<1x80x128xf32, #tpu.memory_space<vmem>> -> memref<80x128xf32, #tpu.memory_space<vmem>>
      %dma_wait3A_242 = arith.constant 0 : i32
      %dma_wait3A_243 = tpu.memref_slice %arg8[%rem3A_147, %dma_wait3A_236, %dma_wait3A_242] : memref<2x8x80xi32, #tpu.memory_space<vmem>> -> memref<1x1x80xi32, #tpu.memory_space<vmem>>
      %dma_wait3A_244 = tpu.memref_squeeze %dma_wait3A_243 : memref<1x1x80xi32, #tpu.memory_space<vmem>> -> memref<80xi32, #tpu.memory_space<vmem>>
      %dma_wait3A_245 = arith.constant 0 : i32
      %dma_wait3A_246 = arith.constant 0 : i32
      %dma_wait3A_247 = tpu.memref_slice %arg2[%dma_wait3A_245, %dma_wait3A_246] : memref<10000x128xf32, #tpu.memory_space<hbm>> -> memref<10000x128xf32, #tpu.memory_space<hbm>>
      tpu.wait_indirect_dma semaphore(%arg12 : memref<!tpu.dma_semaphore, #tpu.memory_space<semaphore_mem>>) src(%dma_wait3A_247 : memref<10000x128xf32, #tpu.memory_space<hbm>>) dst(%dma_wait3A_241 : memref<80x128xf32, #tpu.memory_space<vmem>>)
      %dma_start3A_248 = arith.constant 2 : i32
      %dma_start3A_249 = arith.constant 2 : i32
      %dma_start3A_250 = arith.constant 0 : i32
      %dma_start3A_251 = arith.constant 0 : i32
      %dma_start3A_252 = tpu.memref_slice %arg7[%dma_start3A_248, %dma_start3A_250, %dma_start3A_251] : memref<4x80x128xf32, #tpu.memory_space<vmem>> -> memref<1x80x128xf32, #tpu.memory_space<vmem>>
      %dma_start3A_253 = tpu.memref_squeeze %dma_start3A_252 : memref<1x80x128xf32, #tpu.memory_space<vmem>> -> memref<80x128xf32, #tpu.memory_space<vmem>>
      %dma_start3A_254 = arith.constant 0 : i32
      %dma_start3A_255 = tpu.memref_slice %arg9[%rem3A_147, %dma_start3A_249, %dma_start3A_254] : memref<2x8x80xi32, #tpu.memory_space<vmem>> -> memref<1x1x80xi32, #tpu.memory_space<vmem>>
      %dma_start3A_256 = tpu.memref_squeeze %dma_start3A_255 : memref<1x1x80xi32, #tpu.memory_space<vmem>> -> memref<80xi32, #tpu.memory_space<vmem>>
      %dma_start3A_257 = arith.constant 0 : i32
      %dma_start3A_258 = arith.constant 0 : i32
      %dma_start3A_259 = tpu.memref_slice %arg6[%dma_start3A_257, %dma_start3A_258] : memref<10240x128xf32, #tpu.memory_space<vmem_shared>> -> memref<10240x128xf32, #tpu.memory_space<vmem_shared>>
      tpu.enqueue_indirect_dma source(%dma_start3A_253 : memref<80x128xf32, #tpu.memory_space<vmem>>) target(%dma_start3A_259 : memref<10240x128xf32, #tpu.memory_space<vmem_shared>>) offsets(%dma_start3A_256 : memref<80xi32, #tpu.memory_space<vmem>>) semaphore(%arg16 : memref<!tpu.dma_semaphore, #tpu.memory_space<semaphore_mem>>) {add = true}
      %dma_wait3A_260 = arith.constant 0 : i32
      %dma_wait3A_261 = arith.constant 0 : i32
      %dma_wait3A_262 = arith.constant 0 : i32
      %dma_wait3A_263 = tpu.memref_slice %arg7[%dma_wait3A_260, %dma_wait3A_261, %dma_wait3A_262] : memref<4x80x128xf32, #tpu.memory_space<vmem>> -> memref<1x80x128xf32, #tpu.memory_space<vmem>>
      %dma_wait3A_264 = tpu.memref_squeeze %dma_wait3A_263 : memref<1x80x128xf32, #tpu.memory_space<vmem>> -> memref<80x128xf32, #tpu.memory_space<vmem>>
      %dma_wait3A_265 = arith.constant 0 : i32
      %dma_wait3A_266 = arith.constant 0 : i32
      %dma_wait3A_267 = tpu.memref_slice %arg6[%dma_wait3A_265, %dma_wait3A_266] : memref<10240x128xf32, #tpu.memory_space<vmem_shared>> -> memref<80x128xf32, #tpu.memory_space<vmem_shared>>
      %dma_wait3A_268 = arith.constant 0 : i32
      %dma_wait3A_269 = arith.constant 0 : i32
      %dma_wait3A_270 = tpu.memref_slice %arg6[%dma_wait3A_268, %dma_wait3A_269] : memref<10240x128xf32, #tpu.memory_space<vmem_shared>> -> memref<80x128xf32, #tpu.memory_space<vmem_shared>>
      %dma_wait3A_271 = arith.constant 0 : i32
      %dma_wait3A_272 = arith.constant 0 : i32
      %dma_wait3A_273 = tpu.memref_slice %arg7[%dma_wait3A_260, %dma_wait3A_271, %dma_wait3A_272] : memref<4x80x128xf32, #tpu.memory_space<vmem>> -> memref<1x80x128xf32, #tpu.memory_space<vmem>>
      %dma_wait3A_274 = tpu.memref_squeeze %dma_wait3A_273 : memref<1x80x128xf32, #tpu.memory_space<vmem>> -> memref<80x128xf32, #tpu.memory_space<vmem>>
      tpu.wait_dma2 semaphore(%arg14 : memref<!tpu.dma_semaphore, #tpu.memory_space<semaphore_mem>>) src(%dma_wait3A_274 : memref<80x128xf32, #tpu.memory_space<vmem>>) dst(%dma_wait3A_270 : memref<80x128xf32, #tpu.memory_space<vmem_shared>>)
      %dma_start3A_275 = arith.constant 4 : i32
      %dma_start3A_276 = arith.constant 0 : i32
      %dma_start3A_277 = arith.constant 0 : i32
      %dma_start3A_278 = arith.constant 0 : i32
      %dma_start3A_279 = tpu.memref_slice %arg7[%dma_start3A_276, %dma_start3A_277, %dma_start3A_278] : memref<4x80x128xf32, #tpu.memory_space<vmem>> -> memref<1x80x128xf32, #tpu.memory_space<vmem>>
      %dma_start3A_280 = tpu.memref_squeeze %dma_start3A_279 : memref<1x80x128xf32, #tpu.memory_space<vmem>> -> memref<80x128xf32, #tpu.memory_space<vmem>>
      %dma_start3A_281 = arith.constant 0 : i32
      %dma_start3A_282 = tpu.memref_slice %arg8[%rem3A_147, %dma_start3A_275, %dma_start3A_281] : memref<2x8x80xi32, #tpu.memory_space<vmem>> -> memref<1x1x80xi32, #tpu.memory_space<vmem>>
      %dma_start3A_283 = tpu.memref_squeeze %dma_start3A_282 : memref<1x1x80xi32, #tpu.memory_space<vmem>> -> memref<80xi32, #tpu.memory_space<vmem>>
      %dma_start3A_284 = arith.constant 0 : i32
      %dma_start3A_285 = arith.constant 0 : i32
      %dma_start3A_286 = tpu.memref_slice %arg2[%dma_start3A_284, %dma_start3A_285] : memref<10000x128xf32, #tpu.memory_space<hbm>> -> memref<10000x128xf32, #tpu.memory_space<hbm>>
      tpu.enqueue_indirect_dma source(%dma_start3A_286 : memref<10000x128xf32, #tpu.memory_space<hbm>>) target(%dma_start3A_280 : memref<80x128xf32, #tpu.memory_space<vmem>>) offsets(%dma_start3A_283 : memref<80xi32, #tpu.memory_space<vmem>>) semaphore(%arg10 : memref<!tpu.dma_semaphore, #tpu.memory_space<semaphore_mem>>)
      %dma_wait3A_287 = arith.constant 3 : i32
      %dma_wait3A_288 = arith.constant 3 : i32
      %dma_wait3A_289 = arith.constant 0 : i32
      %dma_wait3A_290 = arith.constant 0 : i32
      %dma_wait3A_291 = tpu.memref_slice %arg7[%dma_wait3A_288, %dma_wait3A_289, %dma_wait3A_290] : memref<4x80x128xf32, #tpu.memory_space<vmem>> -> memref<1x80x128xf32, #tpu.memory_space<vmem>>
      %dma_wait3A_292 = tpu.memref_squeeze %dma_wait3A_291 : memref<1x80x128xf32, #tpu.memory_space<vmem>> -> memref<80x128xf32, #tpu.memory_space<vmem>>
      %dma_wait3A_293 = arith.constant 0 : i32
      %dma_wait3A_294 = tpu.memref_slice %arg8[%rem3A_147, %dma_wait3A_287, %dma_wait3A_293] : memref<2x8x80xi32, #tpu.memory_space<vmem>> -> memref<1x1x80xi32, #tpu.memory_space<vmem>>
      %dma_wait3A_295 = tpu.memref_squeeze %dma_wait3A_294 : memref<1x1x80xi32, #tpu.memory_space<vmem>> -> memref<80xi32, #tpu.memory_space<vmem>>
      %dma_wait3A_296 = arith.constant 0 : i32
      %dma_wait3A_297 = arith.constant 0 : i32
      %dma_wait3A_298 = tpu.memref_slice %arg2[%dma_wait3A_296, %dma_wait3A_297] : memref<10000x128xf32, #tpu.memory_space<hbm>> -> memref<10000x128xf32, #tpu.memory_space<hbm>>
      tpu.wait_indirect_dma semaphore(%arg13 : memref<!tpu.dma_semaphore, #tpu.memory_space<semaphore_mem>>) src(%dma_wait3A_298 : memref<10000x128xf32, #tpu.memory_space<hbm>>) dst(%dma_wait3A_292 : memref<80x128xf32, #tpu.memory_space<vmem>>)
      %dma_start3A_299 = arith.constant 3 : i32
      %dma_start3A_300 = arith.constant 3 : i32
      %dma_start3A_301 = arith.constant 0 : i32
      %dma_start3A_302 = arith.constant 0 : i32
      %dma_start3A_303 = tpu.memref_slice %arg7[%dma_start3A_299, %dma_start3A_301, %dma_start3A_302] : memref<4x80x128xf32, #tpu.memory_space<vmem>> -> memref<1x80x128xf32, #tpu.memory_space<vmem>>
      %dma_start3A_304 = tpu.memref_squeeze %dma_start3A_303 : memref<1x80x128xf32, #tpu.memory_space<vmem>> -> memref<80x128xf32, #tpu.memory_space<vmem>>
      %dma_start3A_305 = arith.constant 0 : i32
      %dma_start3A_306 = tpu.memref_slice %arg9[%rem3A_147, %dma_start3A_300, %dma_start3A_305] : memref<2x8x80xi32, #tpu.memory_space<vmem>> -> memref<1x1x80xi32, #tpu.memory_space<vmem>>
      %dma_start3A_307 = tpu.memref_squeeze %dma_start3A_306 : memref<1x1x80xi32, #tpu.memory_space<vmem>> -> memref<80xi32, #tpu.memory_space<vmem>>
      %dma_start3A_308 = arith.constant 0 : i32
      %dma_start3A_309 = arith.constant 0 : i32
      %dma_start3A_310 = tpu.memref_slice %arg6[%dma_start3A_308, %dma_start3A_309] : memref<10240x128xf32, #tpu.memory_space<vmem_shared>> -> memref<10240x128xf32, #tpu.memory_space<vmem_shared>>
      tpu.enqueue_indirect_dma source(%dma_start3A_304 : memref<80x128xf32, #tpu.memory_space<vmem>>) target(%dma_start3A_310 : memref<10240x128xf32, #tpu.memory_space<vmem_shared>>) offsets(%dma_start3A_307 : memref<80xi32, #tpu.memory_space<vmem>>) semaphore(%arg17 : memref<!tpu.dma_semaphore, #tpu.memory_space<semaphore_mem>>) {add = true}
      %dma_wait3A_311 = arith.constant 1 : i32
      %dma_wait3A_312 = arith.constant 0 : i32
      %dma_wait3A_313 = arith.constant 0 : i32
      %dma_wait3A_314 = tpu.memref_slice %arg7[%dma_wait3A_311, %dma_wait3A_312, %dma_wait3A_313] : memref<4x80x128xf32, #tpu.memory_space<vmem>> -> memref<1x80x128xf32, #tpu.memory_space<vmem>>
      %dma_wait3A_315 = tpu.memref_squeeze %dma_wait3A_314 : memref<1x80x128xf32, #tpu.memory_space<vmem>> -> memref<80x128xf32, #tpu.memory_space<vmem>>
      %dma_wait3A_316 = arith.constant 0 : i32
      %dma_wait3A_317 = arith.constant 0 : i32
      %dma_wait3A_318 = tpu.memref_slice %arg6[%dma_wait3A_316, %dma_wait3A_317] : memref<10240x128xf32, #tpu.memory_space<vmem_shared>> -> memref<80x128xf32, #tpu.memory_space<vmem_shared>>
      %dma_wait3A_319 = arith.constant 0 : i32
      %dma_wait3A_320 = arith.constant 0 : i32
      %dma_wait3A_321 = tpu.memref_slice %arg6[%dma_wait3A_319, %dma_wait3A_320] : memref<10240x128xf32, #tpu.memory_space<vmem_shared>> -> memref<80x128xf32, #tpu.memory_space<vmem_shared>>
      %dma_wait3A_322 = arith.constant 0 : i32
      %dma_wait3A_323 = arith.constant 0 : i32
      %dma_wait3A_324 = tpu.memref_slice %arg7[%dma_wait3A_311, %dma_wait3A_322, %dma_wait3A_323] : memref<4x80x128xf32, #tpu.memory_space<vmem>> -> memref<1x80x128xf32, #tpu.memory_space<vmem>>
      %dma_wait3A_325 = tpu.memref_squeeze %dma_wait3A_324 : memref<1x80x128xf32, #tpu.memory_space<vmem>> -> memref<80x128xf32, #tpu.memory_space<vmem>>
      tpu.wait_dma2 semaphore(%arg15 : memref<!tpu.dma_semaphore, #tpu.memory_space<semaphore_mem>>) src(%dma_wait3A_325 : memref<80x128xf32, #tpu.memory_space<vmem>>) dst(%dma_wait3A_321 : memref<80x128xf32, #tpu.memory_space<vmem_shared>>)
      %dma_start3A_326 = arith.constant 5 : i32
      %dma_start3A_327 = arith.constant 1 : i32
      %dma_start3A_328 = arith.constant 0 : i32
      %dma_start3A_329 = arith.constant 0 : i32
      %dma_start3A_330 = tpu.memref_slice %arg7[%dma_start3A_327, %dma_start3A_328, %dma_start3A_329] : memref<4x80x128xf32, #tpu.memory_space<vmem>> -> memref<1x80x128xf32, #tpu.memory_space<vmem>>
      %dma_start3A_331 = tpu.memref_squeeze %dma_start3A_330 : memref<1x80x128xf32, #tpu.memory_space<vmem>> -> memref<80x128xf32, #tpu.memory_space<vmem>>
      %dma_start3A_332 = arith.constant 0 : i32
      %dma_start3A_333 = tpu.memref_slice %arg8[%rem3A_147, %dma_start3A_326, %dma_start3A_332] : memref<2x8x80xi32, #tpu.memory_space<vmem>> -> memref<1x1x80xi32, #tpu.memory_space<vmem>>
      %dma_start3A_334 = tpu.memref_squeeze %dma_start3A_333 : memref<1x1x80xi32, #tpu.memory_space<vmem>> -> memref<80xi32, #tpu.memory_space<vmem>>
      %dma_start3A_335 = arith.constant 0 : i32
      %dma_start3A_336 = arith.constant 0 : i32
      %dma_start3A_337 = tpu.memref_slice %arg2[%dma_start3A_335, %dma_start3A_336] : memref<10000x128xf32, #tpu.memory_space<hbm>> -> memref<10000x128xf32, #tpu.memory_space<hbm>>
      tpu.enqueue_indirect_dma source(%dma_start3A_337 : memref<10000x128xf32, #tpu.memory_space<hbm>>) target(%dma_start3A_331 : memref<80x128xf32, #tpu.memory_space<vmem>>) offsets(%dma_start3A_334 : memref<80xi32, #tpu.memory_space<vmem>>) semaphore(%arg11 : memref<!tpu.dma_semaphore, #tpu.memory_space<semaphore_mem>>)
      %dma_wait3A_338 = arith.constant 4 : i32
      %dma_wait3A_339 = arith.constant 0 : i32
      %dma_wait3A_340 = arith.constant 0 : i32
      %dma_wait3A_341 = arith.constant 0 : i32
      %dma_wait3A_342 = tpu.memref_slice %arg7[%dma_wait3A_339, %dma_wait3A_340, %dma_wait3A_341] : memref<4x80x128xf32, #tpu.memory_space<vmem>> -> memref<1x80x128xf32, #tpu.memory_space<vmem>>
      %dma_wait3A_343 = tpu.memref_squeeze %dma_wait3A_342 : memref<1x80x128xf32, #tpu.memory_space<vmem>> -> memref<80x128xf32, #tpu.memory_space<vmem>>
      %dma_wait3A_344 = arith.constant 0 : i32
      %dma_wait3A_345 = tpu.memref_slice %arg8[%rem3A_147, %dma_wait3A_338, %dma_wait3A_344] : memref<2x8x80xi32, #tpu.memory_space<vmem>> -> memref<1x1x80xi32, #tpu.memory_space<vmem>>
      %dma_wait3A_346 = tpu.memref_squeeze %dma_wait3A_345 : memref<1x1x80xi32, #tpu.memory_space<vmem>> -> memref<80xi32, #tpu.memory_space<vmem>>
      %dma_wait3A_347 = arith.constant 0 : i32
      %dma_wait3A_348 = arith.constant 0 : i32
      %dma_wait3A_349 = tpu.memref_slice %arg2[%dma_wait3A_347, %dma_wait3A_348] : memref<10000x128xf32, #tpu.memory_space<hbm>> -> memref<10000x128xf32, #tpu.memory_space<hbm>>
      tpu.wait_indirect_dma semaphore(%arg10 : memref<!tpu.dma_semaphore, #tpu.memory_space<semaphore_mem>>) src(%dma_wait3A_349 : memref<10000x128xf32, #tpu.memory_space<hbm>>) dst(%dma_wait3A_343 : memref<80x128xf32, #tpu.memory_space<vmem>>)
      %dma_start3A_350 = arith.constant 0 : i32
      %dma_start3A_351 = arith.constant 4 : i32
      %dma_start3A_352 = arith.constant 0 : i32
      %dma_start3A_353 = arith.constant 0 : i32
      %dma_start3A_354 = tpu.memref_slice %arg7[%dma_start3A_350, %dma_start3A_352, %dma_start3A_353] : memref<4x80x128xf32, #tpu.memory_space<vmem>> -> memref<1x80x128xf32, #tpu.memory_space<vmem>>
      %dma_start3A_355 = tpu.memref_squeeze %dma_start3A_354 : memref<1x80x128xf32, #tpu.memory_space<vmem>> -> memref<80x128xf32, #tpu.memory_space<vmem>>
      %dma_start3A_356 = arith.constant 0 : i32
      %dma_start3A_357 = tpu.memref_slice %arg9[%rem3A_147, %dma_start3A_351, %dma_start3A_356] : memref<2x8x80xi32, #tpu.memory_space<vmem>> -> memref<1x1x80xi32, #tpu.memory_space<vmem>>
      %dma_start3A_358 = tpu.memref_squeeze %dma_start3A_357 : memref<1x1x80xi32, #tpu.memory_space<vmem>> -> memref<80xi32, #tpu.memory_space<vmem>>
      %dma_start3A_359 = arith.constant 0 : i32
      %dma_start3A_360 = arith.constant 0 : i32
      %dma_start3A_361 = tpu.memref_slice %arg6[%dma_start3A_359, %dma_start3A_360] : memref<10240x128xf32, #tpu.memory_space<vmem_shared>> -> memref<10240x128xf32, #tpu.memory_space<vmem_shared>>
      tpu.enqueue_indirect_dma source(%dma_start3A_355 : memref<80x128xf32, #tpu.memory_space<vmem>>) target(%dma_start3A_361 : memref<10240x128xf32, #tpu.memory_space<vmem_shared>>) offsets(%dma_start3A_358 : memref<80xi32, #tpu.memory_space<vmem>>) semaphore(%arg14 : memref<!tpu.dma_semaphore, #tpu.memory_space<semaphore_mem>>) {add = true}
      %dma_wait3A_362 = arith.constant 2 : i32
      %dma_wait3A_363 = arith.constant 0 : i32
      %dma_wait3A_364 = arith.constant 0 : i32
      %dma_wait3A_365 = tpu.memref_slice %arg7[%dma_wait3A_362, %dma_wait3A_363, %dma_wait3A_364] : memref<4x80x128xf32, #tpu.memory_space<vmem>> -> memref<1x80x128xf32, #tpu.memory_space<vmem>>
      %dma_wait3A_366 = tpu.memref_squeeze %dma_wait3A_365 : memref<1x80x128xf32, #tpu.memory_space<vmem>> -> memref<80x128xf32, #tpu.memory_space<vmem>>
      %dma_wait3A_367 = arith.constant 0 : i32
      %dma_wait3A_368 = arith.constant 0 : i32
      %dma_wait3A_369 = tpu.memref_slice %arg6[%dma_wait3A_367, %dma_wait3A_368] : memref<10240x128xf32, #tpu.memory_space<vmem_shared>> -> memref<80x128xf32, #tpu.memory_space<vmem_shared>>
      %dma_wait3A_370 = arith.constant 0 : i32
      %dma_wait3A_371 = arith.constant 0 : i32
      %dma_wait3A_372 = tpu.memref_slice %arg6[%dma_wait3A_370, %dma_wait3A_371] : memref<10240x128xf32, #tpu.memory_space<vmem_shared>> -> memref<80x128xf32, #tpu.memory_space<vmem_shared>>
      %dma_wait3A_373 = arith.constant 0 : i32
      %dma_wait3A_374 = arith.constant 0 : i32
      %dma_wait3A_375 = tpu.memref_slice %arg7[%dma_wait3A_362, %dma_wait3A_373, %dma_wait3A_374] : memref<4x80x128xf32, #tpu.memory_space<vmem>> -> memref<1x80x128xf32, #tpu.memory_space<vmem>>
      %dma_wait3A_376 = tpu.memref_squeeze %dma_wait3A_375 : memref<1x80x128xf32, #tpu.memory_space<vmem>> -> memref<80x128xf32, #tpu.memory_space<vmem>>
      tpu.wait_dma2 semaphore(%arg16 : memref<!tpu.dma_semaphore, #tpu.memory_space<semaphore_mem>>) src(%dma_wait3A_376 : memref<80x128xf32, #tpu.memory_space<vmem>>) dst(%dma_wait3A_372 : memref<80x128xf32, #tpu.memory_space<vmem_shared>>)
      %dma_start3A_377 = arith.constant 6 : i32
      %dma_start3A_378 = arith.constant 2 : i32
      %dma_start3A_379 = arith.constant 0 : i32
      %dma_start3A_380 = arith.constant 0 : i32
      %dma_start3A_381 = tpu.memref_slice %arg7[%dma_start3A_378, %dma_start3A_379, %dma_start3A_380] : memref<4x80x128xf32, #tpu.memory_space<vmem>> -> memref<1x80x128xf32, #tpu.memory_space<vmem>>
      %dma_start3A_382 = tpu.memref_squeeze %dma_start3A_381 : memref<1x80x128xf32, #tpu.memory_space<vmem>> -> memref<80x128xf32, #tpu.memory_space<vmem>>
      %dma_start3A_383 = arith.constant 0 : i32
      %dma_start3A_384 = tpu.memref_slice %arg8[%rem3A_147, %dma_start3A_377, %dma_start3A_383] : memref<2x8x80xi32, #tpu.memory_space<vmem>> -> memref<1x1x80xi32, #tpu.memory_space<vmem>>
      %dma_start3A_385 = tpu.memref_squeeze %dma_start3A_384 : memref<1x1x80xi32, #tpu.memory_space<vmem>> -> memref<80xi32, #tpu.memory_space<vmem>>
      %dma_start3A_386 = arith.constant 0 : i32
      %dma_start3A_387 = arith.constant 0 : i32
      %dma_start3A_388 = tpu.memref_slice %arg2[%dma_start3A_386, %dma_start3A_387] : memref<10000x128xf32, #tpu.memory_space<hbm>> -> memref<10000x128xf32, #tpu.memory_space<hbm>>
      tpu.enqueue_indirect_dma source(%dma_start3A_388 : memref<10000x128xf32, #tpu.memory_space<hbm>>) target(%dma_start3A_382 : memref<80x128xf32, #tpu.memory_space<vmem>>) offsets(%dma_start3A_385 : memref<80xi32, #tpu.memory_space<vmem>>) semaphore(%arg12 : memref<!tpu.dma_semaphore, #tpu.memory_space<semaphore_mem>>)
      %dma_wait3A_389 = arith.constant 5 : i32
      %dma_wait3A_390 = arith.constant 1 : i32
      %dma_wait3A_391 = arith.constant 0 : i32
      %dma_wait3A_392 = arith.constant 0 : i32
      %dma_wait3A_393 = tpu.memref_slice %arg7[%dma_wait3A_390, %dma_wait3A_391, %dma_wait3A_392] : memref<4x80x128xf32, #tpu.memory_space<vmem>> -> memref<1x80x128xf32, #tpu.memory_space<vmem>>
      %dma_wait3A_394 = tpu.memref_squeeze %dma_wait3A_393 : memref<1x80x128xf32, #tpu.memory_space<vmem>> -> memref<80x128xf32, #tpu.memory_space<vmem>>
      %dma_wait3A_395 = arith.constant 0 : i32
      %dma_wait3A_396 = tpu.memref_slice %arg8[%rem3A_147, %dma_wait3A_389, %dma_wait3A_395] : memref<2x8x80xi32, #tpu.memory_space<vmem>> -> memref<1x1x80xi32, #tpu.memory_space<vmem>>
      %dma_wait3A_397 = tpu.memref_squeeze %dma_wait3A_396 : memref<1x1x80xi32, #tpu.memory_space<vmem>> -> memref<80xi32, #tpu.memory_space<vmem>>
      %dma_wait3A_398 = arith.constant 0 : i32
      %dma_wait3A_399 = arith.constant 0 : i32
      %dma_wait3A_400 = tpu.memref_slice %arg2[%dma_wait3A_398, %dma_wait3A_399] : memref<10000x128xf32, #tpu.memory_space<hbm>> -> memref<10000x128xf32, #tpu.memory_space<hbm>>
      tpu.wait_indirect_dma semaphore(%arg11 : memref<!tpu.dma_semaphore, #tpu.memory_space<semaphore_mem>>) src(%dma_wait3A_400 : memref<10000x128xf32, #tpu.memory_space<hbm>>) dst(%dma_wait3A_394 : memref<80x128xf32, #tpu.memory_space<vmem>>)
      %dma_start3A_401 = arith.constant 1 : i32
      %dma_start3A_402 = arith.constant 5 : i32
      %dma_start3A_403 = arith.constant 0 : i32
      %dma_start3A_404 = arith.constant 0 : i32
      %dma_start3A_405 = tpu.memref_slice %arg7[%dma_start3A_401, %dma_start3A_403, %dma_start3A_404] : memref<4x80x128xf32, #tpu.memory_space<vmem>> -> memref<1x80x128xf32, #tpu.memory_space<vmem>>
      %dma_start3A_406 = tpu.memref_squeeze %dma_start3A_405 : memref<1x80x128xf32, #tpu.memory_space<vmem>> -> memref<80x128xf32, #tpu.memory_space<vmem>>
      %dma_start3A_407 = arith.constant 0 : i32
      %dma_start3A_408 = tpu.memref_slice %arg9[%rem3A_147, %dma_start3A_402, %dma_start3A_407] : memref<2x8x80xi32, #tpu.memory_space<vmem>> -> memref<1x1x80xi32, #tpu.memory_space<vmem>>
      %dma_start3A_409 = tpu.memref_squeeze %dma_start3A_408 : memref<1x1x80xi32, #tpu.memory_space<vmem>> -> memref<80xi32, #tpu.memory_space<vmem>>
      %dma_start3A_410 = arith.constant 0 : i32
      %dma_start3A_411 = arith.constant 0 : i32
      %dma_start3A_412 = tpu.memref_slice %arg6[%dma_start3A_410, %dma_start3A_411] : memref<10240x128xf32, #tpu.memory_space<vmem_shared>> -> memref<10240x128xf32, #tpu.memory_space<vmem_shared>>
      tpu.enqueue_indirect_dma source(%dma_start3A_406 : memref<80x128xf32, #tpu.memory_space<vmem>>) target(%dma_start3A_412 : memref<10240x128xf32, #tpu.memory_space<vmem_shared>>) offsets(%dma_start3A_409 : memref<80xi32, #tpu.memory_space<vmem>>) semaphore(%arg15 : memref<!tpu.dma_semaphore, #tpu.memory_space<semaphore_mem>>) {add = true}
      %dma_wait3A_413 = arith.constant 3 : i32
      %dma_wait3A_414 = arith.constant 0 : i32
      %dma_wait3A_415 = arith.constant 0 : i32
      %dma_wait3A_416 = tpu.memref_slice %arg7[%dma_wait3A_413, %dma_wait3A_414, %dma_wait3A_415] : memref<4x80x128xf32, #tpu.memory_space<vmem>> -> memref<1x80x128xf32, #tpu.memory_space<vmem>>
      %dma_wait3A_417 = tpu.memref_squeeze %dma_wait3A_416 : memref<1x80x128xf32, #tpu.memory_space<vmem>> -> memref<80x128xf32, #tpu.memory_space<vmem>>
      %dma_wait3A_418 = arith.constant 0 : i32
      %dma_wait3A_419 = arith.constant 0 : i32
      %dma_wait3A_420 = tpu.memref_slice %arg6[%dma_wait3A_418, %dma_wait3A_419] : memref<10240x128xf32, #tpu.memory_space<vmem_shared>> -> memref<80x128xf32, #tpu.memory_space<vmem_shared>>
      %dma_wait3A_421 = arith.constant 0 : i32
      %dma_wait3A_422 = arith.constant 0 : i32
      %dma_wait3A_423 = tpu.memref_slice %arg6[%dma_wait3A_421, %dma_wait3A_422] : memref<10240x128xf32, #tpu.memory_space<vmem_shared>> -> memref<80x128xf32, #tpu.memory_space<vmem_shared>>
      %dma_wait3A_424 = arith.constant 0 : i32
      %dma_wait3A_425 = arith.constant 0 : i32
      %dma_wait3A_426 = tpu.memref_slice %arg7[%dma_wait3A_413, %dma_wait3A_424, %dma_wait3A_425] : memref<4x80x128xf32, #tpu.memory_space<vmem>> -> memref<1x80x128xf32, #tpu.memory_space<vmem>>
      %dma_wait3A_427 = tpu.memref_squeeze %dma_wait3A_426 : memref<1x80x128xf32, #tpu.memory_space<vmem>> -> memref<80x128xf32, #tpu.memory_space<vmem>>
      tpu.wait_dma2 semaphore(%arg17 : memref<!tpu.dma_semaphore, #tpu.memory_space<semaphore_mem>>) src(%dma_wait3A_427 : memref<80x128xf32, #tpu.memory_space<vmem>>) dst(%dma_wait3A_423 : memref<80x128xf32, #tpu.memory_space<vmem_shared>>)
      %dma_start3A_428 = arith.constant 7 : i32
      %dma_start3A_429 = arith.constant 3 : i32
      %dma_start3A_430 = arith.constant 0 : i32
      %dma_start3A_431 = arith.constant 0 : i32
      %dma_start3A_432 = tpu.memref_slice %arg7[%dma_start3A_429, %dma_start3A_430, %dma_start3A_431] : memref<4x80x128xf32, #tpu.memory_space<vmem>> -> memref<1x80x128xf32, #tpu.memory_space<vmem>>
      %dma_start3A_433 = tpu.memref_squeeze %dma_start3A_432 : memref<1x80x128xf32, #tpu.memory_space<vmem>> -> memref<80x128xf32, #tpu.memory_space<vmem>>
      %dma_start3A_434 = arith.constant 0 : i32
      %dma_start3A_435 = tpu.memref_slice %arg8[%rem3A_147, %dma_start3A_428, %dma_start3A_434] : memref<2x8x80xi32, #tpu.memory_space<vmem>> -> memref<1x1x80xi32, #tpu.memory_space<vmem>>
      %dma_start3A_436 = tpu.memref_squeeze %dma_start3A_435 : memref<1x1x80xi32, #tpu.memory_space<vmem>> -> memref<80xi32, #tpu.memory_space<vmem>>
      %dma_start3A_437 = arith.constant 0 : i32
      %dma_start3A_438 = arith.constant 0 : i32
      %dma_start3A_439 = tpu.memref_slice %arg2[%dma_start3A_437, %dma_start3A_438] : memref<10000x128xf32, #tpu.memory_space<hbm>> -> memref<10000x128xf32, #tpu.memory_space<hbm>>
      tpu.enqueue_indirect_dma source(%dma_start3A_439 : memref<10000x128xf32, #tpu.memory_space<hbm>>) target(%dma_start3A_433 : memref<80x128xf32, #tpu.memory_space<vmem>>) offsets(%dma_start3A_436 : memref<80xi32, #tpu.memory_space<vmem>>) semaphore(%arg13 : memref<!tpu.dma_semaphore, #tpu.memory_space<semaphore_mem>>)
      %dma_wait3A_440 = arith.constant 6 : i32
      %dma_wait3A_441 = arith.constant 2 : i32
      %dma_wait3A_442 = arith.constant 0 : i32
      %dma_wait3A_443 = arith.constant 0 : i32
      %dma_wait3A_444 = tpu.memref_slice %arg7[%dma_wait3A_441, %dma_wait3A_442, %dma_wait3A_443] : memref<4x80x128xf32, #tpu.memory_space<vmem>> -> memref<1x80x128xf32, #tpu.memory_space<vmem>>
      %dma_wait3A_445 = tpu.memref_squeeze %dma_wait3A_444 : memref<1x80x128xf32, #tpu.memory_space<vmem>> -> memref<80x128xf32, #tpu.memory_space<vmem>>
      %dma_wait3A_446 = arith.constant 0 : i32
      %dma_wait3A_447 = tpu.memref_slice %arg8[%rem3A_147, %dma_wait3A_440, %dma_wait3A_446] : memref<2x8x80xi32, #tpu.memory_space<vmem>> -> memref<1x1x80xi32, #tpu.memory_space<vmem>>
      %dma_wait3A_448 = tpu.memref_squeeze %dma_wait3A_447 : memref<1x1x80xi32, #tpu.memory_space<vmem>> -> memref<80xi32, #tpu.memory_space<vmem>>
      %dma_wait3A_449 = arith.constant 0 : i32
      %dma_wait3A_450 = arith.constant 0 : i32
      %dma_wait3A_451 = tpu.memref_slice %arg2[%dma_wait3A_449, %dma_wait3A_450] : memref<10000x128xf32, #tpu.memory_space<hbm>> -> memref<10000x128xf32, #tpu.memory_space<hbm>>
      tpu.wait_indirect_dma semaphore(%arg12 : memref<!tpu.dma_semaphore, #tpu.memory_space<semaphore_mem>>) src(%dma_wait3A_451 : memref<10000x128xf32, #tpu.memory_space<hbm>>) dst(%dma_wait3A_445 : memref<80x128xf32, #tpu.memory_space<vmem>>)
      %dma_start3A_452 = arith.constant 2 : i32
      %dma_start3A_453 = arith.constant 6 : i32
      %dma_start3A_454 = arith.constant 0 : i32
      %dma_start3A_455 = arith.constant 0 : i32
      %dma_start3A_456 = tpu.memref_slice %arg7[%dma_start3A_452, %dma_start3A_454, %dma_start3A_455] : memref<4x80x128xf32, #tpu.memory_space<vmem>> -> memref<1x80x128xf32, #tpu.memory_space<vmem>>
      %dma_start3A_457 = tpu.memref_squeeze %dma_start3A_456 : memref<1x80x128xf32, #tpu.memory_space<vmem>> -> memref<80x128xf32, #tpu.memory_space<vmem>>
      %dma_start3A_458 = arith.constant 0 : i32
      %dma_start3A_459 = tpu.memref_slice %arg9[%rem3A_147, %dma_start3A_453, %dma_start3A_458] : memref<2x8x80xi32, #tpu.memory_space<vmem>> -> memref<1x1x80xi32, #tpu.memory_space<vmem>>
      %dma_start3A_460 = tpu.memref_squeeze %dma_start3A_459 : memref<1x1x80xi32, #tpu.memory_space<vmem>> -> memref<80xi32, #tpu.memory_space<vmem>>
      %dma_start3A_461 = arith.constant 0 : i32
      %dma_start3A_462 = arith.constant 0 : i32
      %dma_start3A_463 = tpu.memref_slice %arg6[%dma_start3A_461, %dma_start3A_462] : memref<10240x128xf32, #tpu.memory_space<vmem_shared>> -> memref<10240x128xf32, #tpu.memory_space<vmem_shared>>
      tpu.enqueue_indirect_dma source(%dma_start3A_457 : memref<80x128xf32, #tpu.memory_space<vmem>>) target(%dma_start3A_463 : memref<10240x128xf32, #tpu.memory_space<vmem_shared>>) offsets(%dma_start3A_460 : memref<80xi32, #tpu.memory_space<vmem>>) semaphore(%arg16 : memref<!tpu.dma_semaphore, #tpu.memory_space<semaphore_mem>>) {add = true}
      %dma_wait3A_464 = arith.constant 0 : i32
      %dma_wait3A_465 = arith.constant 0 : i32
      %dma_wait3A_466 = arith.constant 0 : i32
      %dma_wait3A_467 = tpu.memref_slice %arg7[%dma_wait3A_464, %dma_wait3A_465, %dma_wait3A_466] : memref<4x80x128xf32, #tpu.memory_space<vmem>> -> memref<1x80x128xf32, #tpu.memory_space<vmem>>
      %dma_wait3A_468 = tpu.memref_squeeze %dma_wait3A_467 : memref<1x80x128xf32, #tpu.memory_space<vmem>> -> memref<80x128xf32, #tpu.memory_space<vmem>>
      %dma_wait3A_469 = arith.constant 0 : i32
      %dma_wait3A_470 = arith.constant 0 : i32
      %dma_wait3A_471 = tpu.memref_slice %arg6[%dma_wait3A_469, %dma_wait3A_470] : memref<10240x128xf32, #tpu.memory_space<vmem_shared>> -> memref<80x128xf32, #tpu.memory_space<vmem_shared>>
      %dma_wait3A_472 = arith.constant 0 : i32
      %dma_wait3A_473 = arith.constant 0 : i32
      %dma_wait3A_474 = tpu.memref_slice %arg6[%dma_wait3A_472, %dma_wait3A_473] : memref<10240x128xf32, #tpu.memory_space<vmem_shared>> -> memref<80x128xf32, #tpu.memory_space<vmem_shared>>
      %dma_wait3A_475 = arith.constant 0 : i32
      %dma_wait3A_476 = arith.constant 0 : i32
      %dma_wait3A_477 = tpu.memref_slice %arg7[%dma_wait3A_464, %dma_wait3A_475, %dma_wait3A_476] : memref<4x80x128xf32, #tpu.memory_space<vmem>> -> memref<1x80x128xf32, #tpu.memory_space<vmem>>
      %dma_wait3A_478 = tpu.memref_squeeze %dma_wait3A_477 : memref<1x80x128xf32, #tpu.memory_space<vmem>> -> memref<80x128xf32, #tpu.memory_space<vmem>>
      tpu.wait_dma2 semaphore(%arg14 : memref<!tpu.dma_semaphore, #tpu.memory_space<semaphore_mem>>) src(%dma_wait3A_478 : memref<80x128xf32, #tpu.memory_space<vmem>>) dst(%dma_wait3A_474 : memref<80x128xf32, #tpu.memory_space<vmem_shared>>)
      %add3A_479 = arith.constant 1 : i32
      %add3A_480 = arith.addi %while3A_144, %add3A_479 : i32
      %lt3A_481 = arith.cmpi slt, %add3A_480, %select_n3A_19 : i32
      %convert_element_type3A_482 = arith.extui %lt3A_481 : i1 to i32
      %cond3A_483 = arith.constant 0 : i32
      %cond3A_484 = arith.cmpi ne, %convert_element_type3A_482, %cond3A_483 : i32
      scf.if %cond3A_484 {
        %dma_start3A_531 = arith.constant 0 : i32
        %dma_start3A_532 = arith.constant 0 : i32
        %dma_start3A_533 = arith.constant 0 : i32
        %dma_start3A_534 = arith.constant 0 : i32
        %dma_start3A_535 = tpu.memref_slice %arg7[%dma_start3A_532, %dma_start3A_533, %dma_start3A_534] : memref<4x80x128xf32, #tpu.memory_space<vmem>> -> memref<1x80x128xf32, #tpu.memory_space<vmem>>
        %dma_start3A_536 = tpu.memref_squeeze %dma_start3A_535 : memref<1x80x128xf32, #tpu.memory_space<vmem>> -> memref<80x128xf32, #tpu.memory_space<vmem>>
        %dma_start3A_537 = arith.constant 0 : i32
        %dma_start3A_538 = tpu.memref_slice %arg8[%rem3A_151, %dma_start3A_531, %dma_start3A_537] : memref<2x8x80xi32, #tpu.memory_space<vmem>> -> memref<1x1x80xi32, #tpu.memory_space<vmem>>
        %dma_start3A_539 = tpu.memref_squeeze %dma_start3A_538 : memref<1x1x80xi32, #tpu.memory_space<vmem>> -> memref<80xi32, #tpu.memory_space<vmem>>
        %dma_start3A_540 = arith.constant 0 : i32
        %dma_start3A_541 = arith.constant 0 : i32
        %dma_start3A_542 = tpu.memref_slice %arg2[%dma_start3A_540, %dma_start3A_541] : memref<10000x128xf32, #tpu.memory_space<hbm>> -> memref<10000x128xf32, #tpu.memory_space<hbm>>
        tpu.enqueue_indirect_dma source(%dma_start3A_542 : memref<10000x128xf32, #tpu.memory_space<hbm>>) target(%dma_start3A_536 : memref<80x128xf32, #tpu.memory_space<vmem>>) offsets(%dma_start3A_539 : memref<80xi32, #tpu.memory_space<vmem>>) semaphore(%arg10 : memref<!tpu.dma_semaphore, #tpu.memory_space<semaphore_mem>>)
      } else {
      }
      %dma_wait3A_485 = arith.constant 7 : i32
      %dma_wait3A_486 = arith.constant 3 : i32
      %dma_wait3A_487 = arith.constant 0 : i32
      %dma_wait3A_488 = arith.constant 0 : i32
      %dma_wait3A_489 = tpu.memref_slice %arg7[%dma_wait3A_486, %dma_wait3A_487, %dma_wait3A_488] : memref<4x80x128xf32, #tpu.memory_space<vmem>> -> memref<1x80x128xf32, #tpu.memory_space<vmem>>
      %dma_wait3A_490 = tpu.memref_squeeze %dma_wait3A_489 : memref<1x80x128xf32, #tpu.memory_space<vmem>> -> memref<80x128xf32, #tpu.memory_space<vmem>>
      %dma_wait3A_491 = arith.constant 0 : i32
      %dma_wait3A_492 = tpu.memref_slice %arg8[%rem3A_147, %dma_wait3A_485, %dma_wait3A_491] : memref<2x8x80xi32, #tpu.memory_space<vmem>> -> memref<1x1x80xi32, #tpu.memory_space<vmem>>
      %dma_wait3A_493 = tpu.memref_squeeze %dma_wait3A_492 : memref<1x1x80xi32, #tpu.memory_space<vmem>> -> memref<80xi32, #tpu.memory_space<vmem>>
      %dma_wait3A_494 = arith.constant 0 : i32
      %dma_wait3A_495 = arith.constant 0 : i32
      %dma_wait3A_496 = tpu.memref_slice %arg2[%dma_wait3A_494, %dma_wait3A_495] : memref<10000x128xf32, #tpu.memory_space<hbm>> -> memref<10000x128xf32, #tpu.memory_space<hbm>>
      tpu.wait_indirect_dma semaphore(%arg13 : memref<!tpu.dma_semaphore, #tpu.memory_space<semaphore_mem>>) src(%dma_wait3A_496 : memref<10000x128xf32, #tpu.memory_space<hbm>>) dst(%dma_wait3A_490 : memref<80x128xf32, #tpu.memory_space<vmem>>)
      %dma_start3A_497 = arith.constant 3 : i32
      %dma_start3A_498 = arith.constant 7 : i32
      %dma_start3A_499 = arith.constant 0 : i32
      %dma_start3A_500 = arith.constant 0 : i32
      %dma_start3A_501 = tpu.memref_slice %arg7[%dma_start3A_497, %dma_start3A_499, %dma_start3A_500] : memref<4x80x128xf32, #tpu.memory_space<vmem>> -> memref<1x80x128xf32, #tpu.memory_space<vmem>>
      %dma_start3A_502 = tpu.memref_squeeze %dma_start3A_501 : memref<1x80x128xf32, #tpu.memory_space<vmem>> -> memref<80x128xf32, #tpu.memory_space<vmem>>
      %dma_start3A_503 = arith.constant 0 : i32
      %dma_start3A_504 = tpu.memref_slice %arg9[%rem3A_147, %dma_start3A_498, %dma_start3A_503] : memref<2x8x80xi32, #tpu.memory_space<vmem>> -> memref<1x1x80xi32, #tpu.memory_space<vmem>>
      %dma_start3A_505 = tpu.memref_squeeze %dma_start3A_504 : memref<1x1x80xi32, #tpu.memory_space<vmem>> -> memref<80xi32, #tpu.memory_space<vmem>>
      %dma_start3A_506 = arith.constant 0 : i32
      %dma_start3A_507 = arith.constant 0 : i32
      %dma_start3A_508 = tpu.memref_slice %arg6[%dma_start3A_506, %dma_start3A_507] : memref<10240x128xf32, #tpu.memory_space<vmem_shared>> -> memref<10240x128xf32, #tpu.memory_space<vmem_shared>>
      tpu.enqueue_indirect_dma source(%dma_start3A_502 : memref<80x128xf32, #tpu.memory_space<vmem>>) target(%dma_start3A_508 : memref<10240x128xf32, #tpu.memory_space<vmem_shared>>) offsets(%dma_start3A_505 : memref<80xi32, #tpu.memory_space<vmem>>) semaphore(%arg17 : memref<!tpu.dma_semaphore, #tpu.memory_space<semaphore_mem>>) {add = true}
      %dma_wait3A_509 = arith.constant 1 : i32
      %dma_wait3A_510 = arith.constant 0 : i32
      %dma_wait3A_511 = arith.constant 0 : i32
      %dma_wait3A_512 = tpu.memref_slice %arg7[%dma_wait3A_509, %dma_wait3A_510, %dma_wait3A_511] : memref<4x80x128xf32, #tpu.memory_space<vmem>> -> memref<1x80x128xf32, #tpu.memory_space<vmem>>
      %dma_wait3A_513 = tpu.memref_squeeze %dma_wait3A_512 : memref<1x80x128xf32, #tpu.memory_space<vmem>> -> memref<80x128xf32, #tpu.memory_space<vmem>>
      %dma_wait3A_514 = arith.constant 0 : i32
      %dma_wait3A_515 = arith.constant 0 : i32
      %dma_wait3A_516 = tpu.memref_slice %arg6[%dma_wait3A_514, %dma_wait3A_515] : memref<10240x128xf32, #tpu.memory_space<vmem_shared>> -> memref<80x128xf32, #tpu.memory_space<vmem_shared>>
      %dma_wait3A_517 = arith.constant 0 : i32
      %dma_wait3A_518 = arith.constant 0 : i32
      %dma_wait3A_519 = tpu.memref_slice %arg6[%dma_wait3A_517, %dma_wait3A_518] : memref<10240x128xf32, #tpu.memory_space<vmem_shared>> -> memref<80x128xf32, #tpu.memory_space<vmem_shared>>
      %dma_wait3A_520 = arith.constant 0 : i32
      %dma_wait3A_521 = arith.constant 0 : i32
      %dma_wait3A_522 = tpu.memref_slice %arg7[%dma_wait3A_509, %dma_wait3A_520, %dma_wait3A_521] : memref<4x80x128xf32, #tpu.memory_space<vmem>> -> memref<1x80x128xf32, #tpu.memory_space<vmem>>
      %dma_wait3A_523 = tpu.memref_squeeze %dma_wait3A_522 : memref<1x80x128xf32, #tpu.memory_space<vmem>> -> memref<80x128xf32, #tpu.memory_space<vmem>>
      tpu.wait_dma2 semaphore(%arg15 : memref<!tpu.dma_semaphore, #tpu.memory_space<semaphore_mem>>) src(%dma_wait3A_523 : memref<80x128xf32, #tpu.memory_space<vmem>>) dst(%dma_wait3A_519 : memref<80x128xf32, #tpu.memory_space<vmem_shared>>)
      %add3A_524 = arith.constant 1 : i32
      %add3A_525 = arith.addi %while3A_144, %add3A_524 : i32
      %lt3A_526 = arith.cmpi slt, %add3A_525, %select_n3A_19 : i32
      %convert_element_type3A_527 = arith.extui %lt3A_526 : i1 to i32
      %cond3A_528 = arith.constant 0 : i32
      %cond3A_529 = arith.cmpi ne, %convert_element_type3A_527, %cond3A_528 : i32
      scf.if %cond3A_529 {
        %dma_start3A_531 = arith.constant 1 : i32
        %dma_start3A_532 = arith.constant 1 : i32
        %dma_start3A_533 = arith.constant 0 : i32
        %dma_start3A_534 = arith.constant 0 : i32
        %dma_start3A_535 = tpu.memref_slice %arg7[%dma_start3A_532, %dma_start3A_533, %dma_start3A_534] : memref<4x80x128xf32, #tpu.memory_space<vmem>> -> memref<1x80x128xf32, #tpu.memory_space<vmem>>
        %dma_start3A_536 = tpu.memref_squeeze %dma_start3A_535 : memref<1x80x128xf32, #tpu.memory_space<vmem>> -> memref<80x128xf32, #tpu.memory_space<vmem>>
        %dma_start3A_537 = arith.constant 0 : i32
        %dma_start3A_538 = tpu.memref_slice %arg8[%rem3A_151, %dma_start3A_531, %dma_start3A_537] : memref<2x8x80xi32, #tpu.memory_space<vmem>> -> memref<1x1x80xi32, #tpu.memory_space<vmem>>
        %dma_start3A_539 = tpu.memref_squeeze %dma_start3A_538 : memref<1x1x80xi32, #tpu.memory_space<vmem>> -> memref<80xi32, #tpu.memory_space<vmem>>
        %dma_start3A_540 = arith.constant 0 : i32
        %dma_start3A_541 = arith.constant 0 : i32
        %dma_start3A_542 = tpu.memref_slice %arg2[%dma_start3A_540, %dma_start3A_541] : memref<10000x128xf32, #tpu.memory_space<hbm>> -> memref<10000x128xf32, #tpu.memory_space<hbm>>
        tpu.enqueue_indirect_dma source(%dma_start3A_542 : memref<10000x128xf32, #tpu.memory_space<hbm>>) target(%dma_start3A_536 : memref<80x128xf32, #tpu.memory_space<vmem>>) offsets(%dma_start3A_539 : memref<80xi32, #tpu.memory_space<vmem>>) semaphore(%arg11 : memref<!tpu.dma_semaphore, #tpu.memory_space<semaphore_mem>>)
      } else {
      }
      %while3A_530 = arith.constant 0 : i32
      scf.yield %while3A_530 : i32
    }
    %while3A_108 = arith.constant 1 : i32
    %while3A_109 = scf.for %while3A_144 = %while3A_105 to %while3A_101 step %while3A_108 iter_args(%while3A_145 = %while3A_107) -> (i32)  : i32 {
      %rem3A_146 = arith.constant 2 : i32
      %rem3A_147 = arith.remsi %while3A_144, %rem3A_146 : i32
      %add3A_148 = arith.constant 1 : i32
      %add3A_149 = arith.addi %while3A_144, %add3A_148 : i32
      %rem3A_150 = arith.constant 2 : i32
      %rem3A_151 = arith.remsi %add3A_149, %rem3A_150 : i32
      %dma_wait3A_152 = arith.constant 0 : i32
      %dma_wait3A_153 = arith.constant 0 : i32
      %dma_wait3A_154 = arith.constant 0 : i32
      %dma_wait3A_155 = arith.constant 0 : i32
      %dma_wait3A_156 = tpu.memref_slice %arg7[%dma_wait3A_153, %dma_wait3A_154, %dma_wait3A_155] : memref<4x80x128xf32, #tpu.memory_space<vmem>> -> memref<1x80x128xf32, #tpu.memory_space<vmem>>
      %dma_wait3A_157 = tpu.memref_squeeze %dma_wait3A_156 : memref<1x80x128xf32, #tpu.memory_space<vmem>> -> memref<80x128xf32, #tpu.memory_space<vmem>>
      %dma_wait3A_158 = arith.constant 0 : i32
      %dma_wait3A_159 = tpu.memref_slice %arg8[%rem3A_147, %dma_wait3A_152, %dma_wait3A_158] : memref<2x8x80xi32, #tpu.memory_space<vmem>> -> memref<1x1x80xi32, #tpu.memory_space<vmem>>
      %dma_wait3A_160 = tpu.memref_squeeze %dma_wait3A_159 : memref<1x1x80xi32, #tpu.memory_space<vmem>> -> memref<80xi32, #tpu.memory_space<vmem>>
      %dma_wait3A_161 = arith.constant 0 : i32
      %dma_wait3A_162 = arith.constant 0 : i32
      %dma_wait3A_163 = tpu.memref_slice %arg2[%dma_wait3A_161, %dma_wait3A_162] : memref<10000x128xf32, #tpu.memory_space<hbm>> -> memref<10000x128xf32, #tpu.memory_space<hbm>>
      tpu.wait_indirect_dma semaphore(%arg10 : memref<!tpu.dma_semaphore, #tpu.memory_space<semaphore_mem>>) src(%dma_wait3A_163 : memref<10000x128xf32, #tpu.memory_space<hbm>>) dst(%dma_wait3A_157 : memref<80x128xf32, #tpu.memory_space<vmem>>)
      %dma_start3A_164 = arith.constant 0 : i32
      %dma_start3A_165 = arith.constant 0 : i32
      %dma_start3A_166 = arith.constant 0 : i32
      %dma_start3A_167 = arith.constant 0 : i32
      %dma_start3A_168 = tpu.memref_slice %arg7[%dma_start3A_164, %dma_start3A_166, %dma_start3A_167] : memref<4x80x128xf32, #tpu.memory_space<vmem>> -> memref<1x80x128xf32, #tpu.memory_space<vmem>>
      %dma_start3A_169 = tpu.memref_squeeze %dma_start3A_168 : memref<1x80x128xf32, #tpu.memory_space<vmem>> -> memref<80x128xf32, #tpu.memory_space<vmem>>
      %dma_start3A_170 = arith.constant 0 : i32
      %dma_start3A_171 = tpu.memref_slice %arg9[%rem3A_147, %dma_start3A_165, %dma_start3A_170] : memref<2x8x80xi32, #tpu.memory_space<vmem>> -> memref<1x1x80xi32, #tpu.memory_space<vmem>>
      %dma_start3A_172 = tpu.memref_squeeze %dma_start3A_171 : memref<1x1x80xi32, #tpu.memory_space<vmem>> -> memref<80xi32, #tpu.memory_space<vmem>>
      %dma_start3A_173 = arith.constant 0 : i32
      %dma_start3A_174 = arith.constant 0 : i32
      %dma_start3A_175 = tpu.memref_slice %arg6[%dma_start3A_173, %dma_start3A_174] : memref<10240x128xf32, #tpu.memory_space<vmem_shared>> -> memref<10240x128xf32, #tpu.memory_space<vmem_shared>>
      tpu.enqueue_indirect_dma source(%dma_start3A_169 : memref<80x128xf32, #tpu.memory_space<vmem>>) target(%dma_start3A_175 : memref<10240x128xf32, #tpu.memory_space<vmem_shared>>) offsets(%dma_start3A_172 : memref<80xi32, #tpu.memory_space<vmem>>) semaphore(%arg14 : memref<!tpu.dma_semaphore, #tpu.memory_space<semaphore_mem>>) {add = true}
      %ge3A = arith.constant 1 : i32
      %ge3A_176 = arith.cmpi sge, %while3A_144, %ge3A : i32
      %convert_element_type3A = arith.extui %ge3A_176 : i1 to i32
      %cond3A = arith.constant 0 : i32
      %cond3A_177 = arith.cmpi ne, %convert_element_type3A, %cond3A : i32
      scf.if %cond3A_177 {
        %dma_wait3A_531 = arith.constant 2 : i32
        %dma_wait3A_532 = arith.constant 0 : i32
        %dma_wait3A_533 = arith.constant 0 : i32
        %dma_wait3A_534 = tpu.memref_slice %arg7[%dma_wait3A_531, %dma_wait3A_532, %dma_wait3A_533] : memref<4x80x128xf32, #tpu.memory_space<vmem>> -> memref<1x80x128xf32, #tpu.memory_space<vmem>>
        %dma_wait3A_535 = tpu.memref_squeeze %dma_wait3A_534 : memref<1x80x128xf32, #tpu.memory_space<vmem>> -> memref<80x128xf32, #tpu.memory_space<vmem>>
        %dma_wait3A_536 = arith.constant 0 : i32
        %dma_wait3A_537 = arith.constant 0 : i32
        %dma_wait3A_538 = tpu.memref_slice %arg6[%dma_wait3A_536, %dma_wait3A_537] : memref<10240x128xf32, #tpu.memory_space<vmem_shared>> -> memref<80x128xf32, #tpu.memory_space<vmem_shared>>
        %dma_wait3A_539 = arith.constant 0 : i32
        %dma_wait3A_540 = arith.constant 0 : i32
        %dma_wait3A_541 = tpu.memref_slice %arg6[%dma_wait3A_539, %dma_wait3A_540] : memref<10240x128xf32, #tpu.memory_space<vmem_shared>> -> memref<80x128xf32, #tpu.memory_space<vmem_shared>>
        %dma_wait3A_542 = arith.constant 0 : i32
        %dma_wait3A_543 = arith.constant 0 : i32
        %dma_wait3A_544 = tpu.memref_slice %arg7[%dma_wait3A_531, %dma_wait3A_542, %dma_wait3A_543] : memref<4x80x128xf32, #tpu.memory_space<vmem>> -> memref<1x80x128xf32, #tpu.memory_space<vmem>>
        %dma_wait3A_545 = tpu.memref_squeeze %dma_wait3A_544 : memref<1x80x128xf32, #tpu.memory_space<vmem>> -> memref<80x128xf32, #tpu.memory_space<vmem>>
        tpu.wait_dma2 semaphore(%arg16 : memref<!tpu.dma_semaphore, #tpu.memory_space<semaphore_mem>>) src(%dma_wait3A_545 : memref<80x128xf32, #tpu.memory_space<vmem>>) dst(%dma_wait3A_541 : memref<80x128xf32, #tpu.memory_space<vmem_shared>>)
      } else {
      }
      %dma_start3A_178 = arith.constant 2 : i32
      %dma_start3A_179 = arith.constant 2 : i32
      %dma_start3A_180 = arith.constant 0 : i32
      %dma_start3A_181 = arith.constant 0 : i32
      %dma_start3A_182 = tpu.memref_slice %arg7[%dma_start3A_179, %dma_start3A_180, %dma_start3A_181] : memref<4x80x128xf32, #tpu.memory_space<vmem>> -> memref<1x80x128xf32, #tpu.memory_space<vmem>>
      %dma_start3A_183 = tpu.memref_squeeze %dma_start3A_182 : memref<1x80x128xf32, #tpu.memory_space<vmem>> -> memref<80x128xf32, #tpu.memory_space<vmem>>
      %dma_start3A_184 = arith.constant 0 : i32
      %dma_start3A_185 = tpu.memref_slice %arg8[%rem3A_147, %dma_start3A_178, %dma_start3A_184] : memref<2x8x80xi32, #tpu.memory_space<vmem>> -> memref<1x1x80xi32, #tpu.memory_space<vmem>>
      %dma_start3A_186 = tpu.memref_squeeze %dma_start3A_185 : memref<1x1x80xi32, #tpu.memory_space<vmem>> -> memref<80xi32, #tpu.memory_space<vmem>>
      %dma_start3A_187 = arith.constant 0 : i32
      %dma_start3A_188 = arith.constant 0 : i32
      %dma_start3A_189 = tpu.memref_slice %arg2[%dma_start3A_187, %dma_start3A_188] : memref<10000x128xf32, #tpu.memory_space<hbm>> -> memref<10000x128xf32, #tpu.memory_space<hbm>>
      tpu.enqueue_indirect_dma source(%dma_start3A_189 : memref<10000x128xf32, #tpu.memory_space<hbm>>) target(%dma_start3A_183 : memref<80x128xf32, #tpu.memory_space<vmem>>) offsets(%dma_start3A_186 : memref<80xi32, #tpu.memory_space<vmem>>) semaphore(%arg12 : memref<!tpu.dma_semaphore, #tpu.memory_space<semaphore_mem>>)
      %dma_wait3A_190 = arith.constant 1 : i32
      %dma_wait3A_191 = arith.constant 1 : i32
      %dma_wait3A_192 = arith.constant 0 : i32
      %dma_wait3A_193 = arith.constant 0 : i32
      %dma_wait3A_194 = tpu.memref_slice %arg7[%dma_wait3A_191, %dma_wait3A_192, %dma_wait3A_193] : memref<4x80x128xf32, #tpu.memory_space<vmem>> -> memref<1x80x128xf32, #tpu.memory_space<vmem>>
      %dma_wait3A_195 = tpu.memref_squeeze %dma_wait3A_194 : memref<1x80x128xf32, #tpu.memory_space<vmem>> -> memref<80x128xf32, #tpu.memory_space<vmem>>
      %dma_wait3A_196 = arith.constant 0 : i32
      %dma_wait3A_197 = tpu.memref_slice %arg8[%rem3A_147, %dma_wait3A_190, %dma_wait3A_196] : memref<2x8x80xi32, #tpu.memory_space<vmem>> -> memref<1x1x80xi32, #tpu.memory_space<vmem>>
      %dma_wait3A_198 = tpu.memref_squeeze %dma_wait3A_197 : memref<1x1x80xi32, #tpu.memory_space<vmem>> -> memref<80xi32, #tpu.memory_space<vmem>>
      %dma_wait3A_199 = arith.constant 0 : i32
      %dma_wait3A_200 = arith.constant 0 : i32
      %dma_wait3A_201 = tpu.memref_slice %arg2[%dma_wait3A_199, %dma_wait3A_200] : memref<10000x128xf32, #tpu.memory_space<hbm>> -> memref<10000x128xf32, #tpu.memory_space<hbm>>
      tpu.wait_indirect_dma semaphore(%arg11 : memref<!tpu.dma_semaphore, #tpu.memory_space<semaphore_mem>>) src(%dma_wait3A_201 : memref<10000x128xf32, #tpu.memory_space<hbm>>) dst(%dma_wait3A_195 : memref<80x128xf32, #tpu.memory_space<vmem>>)
      %dma_start3A_202 = arith.constant 1 : i32
      %dma_start3A_203 = arith.constant 1 : i32
      %dma_start3A_204 = arith.constant 0 : i32
      %dma_start3A_205 = arith.constant 0 : i32
      %dma_start3A_206 = tpu.memref_slice %arg7[%dma_start3A_202, %dma_start3A_204, %dma_start3A_205] : memref<4x80x128xf32, #tpu.memory_space<vmem>> -> memref<1x80x128xf32, #tpu.memory_space<vmem>>
      %dma_start3A_207 = tpu.memref_squeeze %dma_start3A_206 : memref<1x80x128xf32, #tpu.memory_space<vmem>> -> memref<80x128xf32, #tpu.memory_space<vmem>>
      %dma_start3A_208 = arith.constant 0 : i32
      %dma_start3A_209 = tpu.memref_slice %arg9[%rem3A_147, %dma_start3A_203, %dma_start3A_208] : memref<2x8x80xi32, #tpu.memory_space<vmem>> -> memref<1x1x80xi32, #tpu.memory_space<vmem>>
      %dma_start3A_210 = tpu.memref_squeeze %dma_start3A_209 : memref<1x1x80xi32, #tpu.memory_space<vmem>> -> memref<80xi32, #tpu.memory_space<vmem>>
      %dma_start3A_211 = arith.constant 0 : i32
      %dma_start3A_212 = arith.constant 0 : i32
      %dma_start3A_213 = tpu.memref_slice %arg6[%dma_start3A_211, %dma_start3A_212] : memref<10240x128xf32, #tpu.memory_space<vmem_shared>> -> memref<10240x128xf32, #tpu.memory_space<vmem_shared>>
      tpu.enqueue_indirect_dma source(%dma_start3A_207 : memref<80x128xf32, #tpu.memory_space<vmem>>) target(%dma_start3A_213 : memref<10240x128xf32, #tpu.memory_space<vmem_shared>>) offsets(%dma_start3A_210 : memref<80xi32, #tpu.memory_space<vmem>>) semaphore(%arg15 : memref<!tpu.dma_semaphore, #tpu.memory_space<semaphore_mem>>) {add = true}
      %ge3A_214 = arith.constant 1 : i32
      %ge3A_215 = arith.cmpi sge, %while3A_144, %ge3A_214 : i32
      %convert_element_type3A_216 = arith.extui %ge3A_215 : i1 to i32
      %cond3A_217 = arith.constant 0 : i32
      %cond3A_218 = arith.cmpi ne, %convert_element_type3A_216, %cond3A_217 : i32
      scf.if %cond3A_218 {
        %dma_wait3A_531 = arith.constant 3 : i32
        %dma_wait3A_532 = arith.constant 0 : i32
        %dma_wait3A_533 = arith.constant 0 : i32
        %dma_wait3A_534 = tpu.memref_slice %arg7[%dma_wait3A_531, %dma_wait3A_532, %dma_wait3A_533] : memref<4x80x128xf32, #tpu.memory_space<vmem>> -> memref<1x80x128xf32, #tpu.memory_space<vmem>>
        %dma_wait3A_535 = tpu.memref_squeeze %dma_wait3A_534 : memref<1x80x128xf32, #tpu.memory_space<vmem>> -> memref<80x128xf32, #tpu.memory_space<vmem>>
        %dma_wait3A_536 = arith.constant 0 : i32
        %dma_wait3A_537 = arith.constant 0 : i32
        %dma_wait3A_538 = tpu.memref_slice %arg6[%dma_wait3A_536, %dma_wait3A_537] : memref<10240x128xf32, #tpu.memory_space<vmem_shared>> -> memref<80x128xf32, #tpu.memory_space<vmem_shared>>
        %dma_wait3A_539 = arith.constant 0 : i32
        %dma_wait3A_540 = arith.constant 0 : i32
        %dma_wait3A_541 = tpu.memref_slice %arg6[%dma_wait3A_539, %dma_wait3A_540] : memref<10240x128xf32, #tpu.memory_space<vmem_shared>> -> memref<80x128xf32, #tpu.memory_space<vmem_shared>>
        %dma_wait3A_542 = arith.constant 0 : i32
        %dma_wait3A_543 = arith.constant 0 : i32
        %dma_wait3A_544 = tpu.memref_slice %arg7[%dma_wait3A_531, %dma_wait3A_542, %dma_wait3A_543] : memref<4x80x128xf32, #tpu.memory_space<vmem>> -> memref<1x80x128xf32, #tpu.memory_space<vmem>>
        %dma_wait3A_545 = tpu.memref_squeeze %dma_wait3A_544 : memref<1x80x128xf32, #tpu.memory_space<vmem>> -> memref<80x128xf32, #tpu.memory_space<vmem>>
        tpu.wait_dma2 semaphore(%arg17 : memref<!tpu.dma_semaphore, #tpu.memory_space<semaphore_mem>>) src(%dma_wait3A_545 : memref<80x128xf32, #tpu.memory_space<vmem>>) dst(%dma_wait3A_541 : memref<80x128xf32, #tpu.memory_space<vmem_shared>>)
      } else {
      }
      %add3A_219 = arith.constant 1 : i32
      %add3A_220 = arith.addi %while3A_144, %add3A_219 : i32
      %lt3A = arith.cmpi slt, %add3A_220, %select_n3A_19 : i32
      %convert_element_type3A_221 = arith.extui %lt3A : i1 to i32
      %cond3A_222 = arith.constant 0 : i32
      %cond3A_223 = arith.cmpi ne, %convert_element_type3A_221, %cond3A_222 : i32
      scf.if %cond3A_223 {
        %add3A_531 = arith.constant 1 : i32
        %add3A_532 = arith.addi %while3A_144, %add3A_531 : i32
        %mul3A_533 = arith.constant 8 : i32
        %mul3A_534 = arith.muli %add3A_532, %mul3A_533 : i32
        %add3A_535 = arith.addi %select_n3A_26, %mul3A_534 : i32
        "tpu.region"() ({
          %run_scoped3A_541 = tpu.sem_alloc : memref<!tpu.dma_semaphore, #tpu.memory_space<semaphore_mem>>
          %dma_start3A_542 = arith.constant 0 : i32
          %dma_start3A_543 = arith.constant 0 : i32
          %dma_start3A_544 = tpu.memref_slice %arg8[%rem3A_151, %dma_start3A_542, %dma_start3A_543] : memref<2x8x80xi32, #tpu.memory_space<vmem>> -> memref<1x8x80xi32, #tpu.memory_space<vmem>>
          %dma_start3A_545 = tpu.memref_squeeze %dma_start3A_544 : memref<1x8x80xi32, #tpu.memory_space<vmem>> -> memref<8x80xi32, #tpu.memory_space<vmem>>
          %dma_start3A_546 = arith.constant 0 : i32
          %dma_start3A_547 = tpu.memref_slice %arg3[%add3A_535, %dma_start3A_546] : memref<4096x80xi32, #tpu.memory_space<hbm>> -> memref<8x80xi32, #tpu.memory_space<hbm>>
          %dma_start3A_548 = arith.constant 0 : i32
          %dma_start3A_549 = arith.constant 0 : i32
          %dma_start3A_550 = tpu.memref_slice %arg8[%rem3A_151, %dma_start3A_548, %dma_start3A_549] : memref<2x8x80xi32, #tpu.memory_space<vmem>> -> memref<1x8x80xi32, #tpu.memory_space<vmem>>
          %dma_start3A_551 = tpu.memref_squeeze %dma_start3A_550 : memref<1x8x80xi32, #tpu.memory_space<vmem>> -> memref<8x80xi32, #tpu.memory_space<vmem>>
          %dma_start3A_552 = arith.constant 0 : i32
          %dma_start3A_553 = tpu.memref_slice %arg3[%add3A_535, %dma_start3A_552] : memref<4096x80xi32, #tpu.memory_space<hbm>> -> memref<8x80xi32, #tpu.memory_space<hbm>>
          tpu.enqueue_dma source(%dma_start3A_553 : memref<8x80xi32, #tpu.memory_space<hbm>>) target(%dma_start3A_551 : memref<8x80xi32, #tpu.memory_space<vmem>>) target_semaphore(%run_scoped3A_541 : memref<!tpu.dma_semaphore, #tpu.memory_space<semaphore_mem>>)
          %dma_wait3A_554 = arith.constant 0 : i32
          %dma_wait3A_555 = arith.constant 0 : i32
          %dma_wait3A_556 = tpu.memref_slice %arg8[%rem3A_151, %dma_wait3A_554, %dma_wait3A_555] : memref<2x8x80xi32, #tpu.memory_space<vmem>> -> memref<1x8x80xi32, #tpu.memory_space<vmem>>
          %dma_wait3A_557 = tpu.memref_squeeze %dma_wait3A_556 : memref<1x8x80xi32, #tpu.memory_space<vmem>> -> memref<8x80xi32, #tpu.memory_space<vmem>>
          %dma_wait3A_558 = arith.constant 0 : i32
          %dma_wait3A_559 = tpu.memref_slice %arg3[%add3A_535, %dma_wait3A_558] : memref<4096x80xi32, #tpu.memory_space<hbm>> -> memref<8x80xi32, #tpu.memory_space<hbm>>
          %dma_wait3A_560 = arith.constant 0 : i32
          %dma_wait3A_561 = arith.constant 0 : i32
          %dma_wait3A_562 = tpu.memref_slice %arg8[%rem3A_151, %dma_wait3A_560, %dma_wait3A_561] : memref<2x8x80xi32, #tpu.memory_space<vmem>> -> memref<1x8x80xi32, #tpu.memory_space<vmem>>
          %dma_wait3A_563 = tpu.memref_squeeze %dma_wait3A_562 : memref<1x8x80xi32, #tpu.memory_space<vmem>> -> memref<8x80xi32, #tpu.memory_space<vmem>>
          %dma_wait3A_564 = arith.constant 0 : i32
          %dma_wait3A_565 = tpu.memref_slice %arg3[%add3A_535, %dma_wait3A_564] : memref<4096x80xi32, #tpu.memory_space<hbm>> -> memref<8x80xi32, #tpu.memory_space<hbm>>
          tpu.wait_dma2 semaphore(%run_scoped3A_541 : memref<!tpu.dma_semaphore, #tpu.memory_space<semaphore_mem>>) src(%dma_wait3A_565 : memref<8x80xi32, #tpu.memory_space<hbm>>) dst(%dma_wait3A_563 : memref<8x80xi32, #tpu.memory_space<vmem>>)
          tpu.yield
        }) : () -> ()
        %add3A_536 = arith.constant 1 : i32
        %add3A_537 = arith.addi %while3A_144, %add3A_536 : i32
        %mul3A_538 = arith.constant 8 : i32
        %mul3A_539 = arith.muli %add3A_537, %mul3A_538 : i32
        %add3A_540 = arith.addi %select_n3A_26, %mul3A_539 : i32
        "tpu.region"() ({
          %run_scoped3A_541 = tpu.sem_alloc : memref<!tpu.dma_semaphore, #tpu.memory_space<semaphore_mem>>
          %dma_start3A_542 = arith.constant 0 : i32
          %dma_start3A_543 = arith.constant 0 : i32
          %dma_start3A_544 = tpu.memref_slice %arg9[%rem3A_151, %dma_start3A_542, %dma_start3A_543] : memref<2x8x80xi32, #tpu.memory_space<vmem>> -> memref<1x8x80xi32, #tpu.memory_space<vmem>>
          %dma_start3A_545 = tpu.memref_squeeze %dma_start3A_544 : memref<1x8x80xi32, #tpu.memory_space<vmem>> -> memref<8x80xi32, #tpu.memory_space<vmem>>
          %dma_start3A_546 = arith.constant 0 : i32
          %dma_start3A_547 = tpu.memref_slice %arg4[%add3A_540, %dma_start3A_546] : memref<4096x80xi32, #tpu.memory_space<hbm>> -> memref<8x80xi32, #tpu.memory_space<hbm>>
          %dma_start3A_548 = arith.constant 0 : i32
          %dma_start3A_549 = arith.constant 0 : i32
          %dma_start3A_550 = tpu.memref_slice %arg9[%rem3A_151, %dma_start3A_548, %dma_start3A_549] : memref<2x8x80xi32, #tpu.memory_space<vmem>> -> memref<1x8x80xi32, #tpu.memory_space<vmem>>
          %dma_start3A_551 = tpu.memref_squeeze %dma_start3A_550 : memref<1x8x80xi32, #tpu.memory_space<vmem>> -> memref<8x80xi32, #tpu.memory_space<vmem>>
          %dma_start3A_552 = arith.constant 0 : i32
          %dma_start3A_553 = tpu.memref_slice %arg4[%add3A_540, %dma_start3A_552] : memref<4096x80xi32, #tpu.memory_space<hbm>> -> memref<8x80xi32, #tpu.memory_space<hbm>>
          tpu.enqueue_dma source(%dma_start3A_553 : memref<8x80xi32, #tpu.memory_space<hbm>>) target(%dma_start3A_551 : memref<8x80xi32, #tpu.memory_space<vmem>>) target_semaphore(%run_scoped3A_541 : memref<!tpu.dma_semaphore, #tpu.memory_space<semaphore_mem>>)
          %dma_wait3A_554 = arith.constant 0 : i32
          %dma_wait3A_555 = arith.constant 0 : i32
          %dma_wait3A_556 = tpu.memref_slice %arg9[%rem3A_151, %dma_wait3A_554, %dma_wait3A_555] : memref<2x8x80xi32, #tpu.memory_space<vmem>> -> memref<1x8x80xi32, #tpu.memory_space<vmem>>
          %dma_wait3A_557 = tpu.memref_squeeze %dma_wait3A_556 : memref<1x8x80xi32, #tpu.memory_space<vmem>> -> memref<8x80xi32, #tpu.memory_space<vmem>>
          %dma_wait3A_558 = arith.constant 0 : i32
          %dma_wait3A_559 = tpu.memref_slice %arg4[%add3A_540, %dma_wait3A_558] : memref<4096x80xi32, #tpu.memory_space<hbm>> -> memref<8x80xi32, #tpu.memory_space<hbm>>
          %dma_wait3A_560 = arith.constant 0 : i32
          %dma_wait3A_561 = arith.constant 0 : i32
          %dma_wait3A_562 = tpu.memref_slice %arg9[%rem3A_151, %dma_wait3A_560, %dma_wait3A_561] : memref<2x8x80xi32, #tpu.memory_space<vmem>> -> memref<1x8x80xi32, #tpu.memory_space<vmem>>
          %dma_wait3A_563 = tpu.memref_squeeze %dma_wait3A_562 : memref<1x8x80xi32, #tpu.memory_space<vmem>> -> memref<8x80xi32, #tpu.memory_space<vmem>>
          %dma_wait3A_564 = arith.constant 0 : i32
          %dma_wait3A_565 = tpu.memref_slice %arg4[%add3A_540, %dma_wait3A_564] : memref<4096x80xi32, #tpu.memory_space<hbm>> -> memref<8x80xi32, #tpu.memory_space<hbm>>
          tpu.wait_dma2 semaphore(%run_scoped3A_541 : memref<!tpu.dma_semaphore, #tpu.memory_space<semaphore_mem>>) src(%dma_wait3A_565 : memref<8x80xi32, #tpu.memory_space<hbm>>) dst(%dma_wait3A_563 : memref<8x80xi32, #tpu.memory_space<vmem>>)
          tpu.yield
        }) : () -> ()
      } else {
      }
      %dma_start3A_224 = arith.constant 3 : i32
      %dma_start3A_225 = arith.constant 3 : i32
      %dma_start3A_226 = arith.constant 0 : i32
      %dma_start3A_227 = arith.constant 0 : i32
      %dma_start3A_228 = tpu.memref_slice %arg7[%dma_start3A_225, %dma_start3A_226, %dma_start3A_227] : memref<4x80x128xf32, #tpu.memory_space<vmem>> -> memref<1x80x128xf32, #tpu.memory_space<vmem>>
      %dma_start3A_229 = tpu.memref_squeeze %dma_start3A_228 : memref<1x80x128xf32, #tpu.memory_space<vmem>> -> memref<80x128xf32, #tpu.memory_space<vmem>>
      %dma_start3A_230 = arith.constant 0 : i32
      %dma_start3A_231 = tpu.memref_slice %arg8[%rem3A_147, %dma_start3A_224, %dma_start3A_230] : memref<2x8x80xi32, #tpu.memory_space<vmem>> -> memref<1x1x80xi32, #tpu.memory_space<vmem>>
      %dma_start3A_232 = tpu.memref_squeeze %dma_start3A_231 : memref<1x1x80xi32, #tpu.memory_space<vmem>> -> memref<80xi32, #tpu.memory_space<vmem>>
      %dma_start3A_233 = arith.constant 0 : i32
      %dma_start3A_234 = arith.constant 0 : i32
      %dma_start3A_235 = tpu.memref_slice %arg2[%dma_start3A_233, %dma_start3A_234] : memref<10000x128xf32, #tpu.memory_space<hbm>> -> memref<10000x128xf32, #tpu.memory_space<hbm>>
      tpu.enqueue_indirect_dma source(%dma_start3A_235 : memref<10000x128xf32, #tpu.memory_space<hbm>>) target(%dma_start3A_229 : memref<80x128xf32, #tpu.memory_space<vmem>>) offsets(%dma_start3A_232 : memref<80xi32, #tpu.memory_space<vmem>>) semaphore(%arg13 : memref<!tpu.dma_semaphore, #tpu.memory_space<semaphore_mem>>)
      %dma_wait3A_236 = arith.constant 2 : i32
      %dma_wait3A_237 = arith.constant 2 : i32
      %dma_wait3A_238 = arith.constant 0 : i32
      %dma_wait3A_239 = arith.constant 0 : i32
      %dma_wait3A_240 = tpu.memref_slice %arg7[%dma_wait3A_237, %dma_wait3A_238, %dma_wait3A_239] : memref<4x80x128xf32, #tpu.memory_space<vmem>> -> memref<1x80x128xf32, #tpu.memory_space<vmem>>
      %dma_wait3A_241 = tpu.memref_squeeze %dma_wait3A_240 : memref<1x80x128xf32, #tpu.memory_space<vmem>> -> memref<80x128xf32, #tpu.memory_space<vmem>>
      %dma_wait3A_242 = arith.constant 0 : i32
      %dma_wait3A_243 = tpu.memref_slice %arg8[%rem3A_147, %dma_wait3A_236, %dma_wait3A_242] : memref<2x8x80xi32, #tpu.memory_space<vmem>> -> memref<1x1x80xi32, #tpu.memory_space<vmem>>
      %dma_wait3A_244 = tpu.memref_squeeze %dma_wait3A_243 : memref<1x1x80xi32, #tpu.memory_space<vmem>> -> memref<80xi32, #tpu.memory_space<vmem>>
      %dma_wait3A_245 = arith.constant 0 : i32
      %dma_wait3A_246 = arith.constant 0 : i32
      %dma_wait3A_247 = tpu.memref_slice %arg2[%dma_wait3A_245, %dma_wait3A_246] : memref<10000x128xf32, #tpu.memory_space<hbm>> -> memref<10000x128xf32, #tpu.memory_space<hbm>>
      tpu.wait_indirect_dma semaphore(%arg12 : memref<!tpu.dma_semaphore, #tpu.memory_space<semaphore_mem>>) src(%dma_wait3A_247 : memref<10000x128xf32, #tpu.memory_space<hbm>>) dst(%dma_wait3A_241 : memref<80x128xf32, #tpu.memory_space<vmem>>)
      %dma_start3A_248 = arith.constant 2 : i32
      %dma_start3A_249 = arith.constant 2 : i32
      %dma_start3A_250 = arith.constant 0 : i32
      %dma_start3A_251 = arith.constant 0 : i32
      %dma_start3A_252 = tpu.memref_slice %arg7[%dma_start3A_248, %dma_start3A_250, %dma_start3A_251] : memref<4x80x128xf32, #tpu.memory_space<vmem>> -> memref<1x80x128xf32, #tpu.memory_space<vmem>>
      %dma_start3A_253 = tpu.memref_squeeze %dma_start3A_252 : memref<1x80x128xf32, #tpu.memory_space<vmem>> -> memref<80x128xf32, #tpu.memory_space<vmem>>
      %dma_start3A_254 = arith.constant 0 : i32
      %dma_start3A_255 = tpu.memref_slice %arg9[%rem3A_147, %dma_start3A_249, %dma_start3A_254] : memref<2x8x80xi32, #tpu.memory_space<vmem>> -> memref<1x1x80xi32, #tpu.memory_space<vmem>>
      %dma_start3A_256 = tpu.memref_squeeze %dma_start3A_255 : memref<1x1x80xi32, #tpu.memory_space<vmem>> -> memref<80xi32, #tpu.memory_space<vmem>>
      %dma_start3A_257 = arith.constant 0 : i32
      %dma_start3A_258 = arith.constant 0 : i32
      %dma_start3A_259 = tpu.memref_slice %arg6[%dma_start3A_257, %dma_start3A_258] : memref<10240x128xf32, #tpu.memory_space<vmem_shared>> -> memref<10240x128xf32, #tpu.memory_space<vmem_shared>>
      tpu.enqueue_indirect_dma source(%dma_start3A_253 : memref<80x128xf32, #tpu.memory_space<vmem>>) target(%dma_start3A_259 : memref<10240x128xf32, #tpu.memory_space<vmem_shared>>) offsets(%dma_start3A_256 : memref<80xi32, #tpu.memory_space<vmem>>) semaphore(%arg16 : memref<!tpu.dma_semaphore, #tpu.memory_space<semaphore_mem>>) {add = true}
      %dma_wait3A_260 = arith.constant 0 : i32
      %dma_wait3A_261 = arith.constant 0 : i32
      %dma_wait3A_262 = arith.constant 0 : i32
      %dma_wait3A_263 = tpu.memref_slice %arg7[%dma_wait3A_260, %dma_wait3A_261, %dma_wait3A_262] : memref<4x80x128xf32, #tpu.memory_space<vmem>> -> memref<1x80x128xf32, #tpu.memory_space<vmem>>
      %dma_wait3A_264 = tpu.memref_squeeze %dma_wait3A_263 : memref<1x80x128xf32, #tpu.memory_space<vmem>> -> memref<80x128xf32, #tpu.memory_space<vmem>>
      %dma_wait3A_265 = arith.constant 0 : i32
      %dma_wait3A_266 = arith.constant 0 : i32
      %dma_wait3A_267 = tpu.memref_slice %arg6[%dma_wait3A_265, %dma_wait3A_266] : memref<10240x128xf32, #tpu.memory_space<vmem_shared>> -> memref<80x128xf32, #tpu.memory_space<vmem_shared>>
      %dma_wait3A_268 = arith.constant 0 : i32
      %dma_wait3A_269 = arith.constant 0 : i32
      %dma_wait3A_270 = tpu.memref_slice %arg6[%dma_wait3A_268, %dma_wait3A_269] : memref<10240x128xf32, #tpu.memory_space<vmem_shared>> -> memref<80x128xf32, #tpu.memory_space<vmem_shared>>
      %dma_wait3A_271 = arith.constant 0 : i32
      %dma_wait3A_272 = arith.constant 0 : i32
      %dma_wait3A_273 = tpu.memref_slice %arg7[%dma_wait3A_260, %dma_wait3A_271, %dma_wait3A_272] : memref<4x80x128xf32, #tpu.memory_space<vmem>> -> memref<1x80x128xf32, #tpu.memory_space<vmem>>
      %dma_wait3A_274 = tpu.memref_squeeze %dma_wait3A_273 : memref<1x80x128xf32, #tpu.memory_space<vmem>> -> memref<80x128xf32, #tpu.memory_space<vmem>>
      tpu.wait_dma2 semaphore(%arg14 : memref<!tpu.dma_semaphore, #tpu.memory_space<semaphore_mem>>) src(%dma_wait3A_274 : memref<80x128xf32, #tpu.memory_space<vmem>>) dst(%dma_wait3A_270 : memref<80x128xf32, #tpu.memory_space<vmem_shared>>)
      %dma_start3A_275 = arith.constant 4 : i32
      %dma_start3A_276 = arith.constant 0 : i32
      %dma_start3A_277 = arith.constant 0 : i32
      %dma_start3A_278 = arith.constant 0 : i32
      %dma_start3A_279 = tpu.memref_slice %arg7[%dma_start3A_276, %dma_start3A_277, %dma_start3A_278] : memref<4x80x128xf32, #tpu.memory_space<vmem>> -> memref<1x80x128xf32, #tpu.memory_space<vmem>>
      %dma_start3A_280 = tpu.memref_squeeze %dma_start3A_279 : memref<1x80x128xf32, #tpu.memory_space<vmem>> -> memref<80x128xf32, #tpu.memory_space<vmem>>
      %dma_start3A_281 = arith.constant 0 : i32
      %dma_start3A_282 = tpu.memref_slice %arg8[%rem3A_147, %dma_start3A_275, %dma_start3A_281] : memref<2x8x80xi32, #tpu.memory_space<vmem>> -> memref<1x1x80xi32, #tpu.memory_space<vmem>>
      %dma_start3A_283 = tpu.memref_squeeze %dma_start3A_282 : memref<1x1x80xi32, #tpu.memory_space<vmem>> -> memref<80xi32, #tpu.memory_space<vmem>>
      %dma_start3A_284 = arith.constant 0 : i32
      %dma_start3A_285 = arith.constant 0 : i32
      %dma_start3A_286 = tpu.memref_slice %arg2[%dma_start3A_284, %dma_start3A_285] : memref<10000x128xf32, #tpu.memory_space<hbm>> -> memref<10000x128xf32, #tpu.memory_space<hbm>>
      tpu.enqueue_indirect_dma source(%dma_start3A_286 : memref<10000x128xf32, #tpu.memory_space<hbm>>) target(%dma_start3A_280 : memref<80x128xf32, #tpu.memory_space<vmem>>) offsets(%dma_start3A_283 : memref<80xi32, #tpu.memory_space<vmem>>) semaphore(%arg10 : memref<!tpu.dma_semaphore, #tpu.memory_space<semaphore_mem>>)
      %dma_wait3A_287 = arith.constant 3 : i32
      %dma_wait3A_288 = arith.constant 3 : i32
      %dma_wait3A_289 = arith.constant 0 : i32
      %dma_wait3A_290 = arith.constant 0 : i32
      %dma_wait3A_291 = tpu.memref_slice %arg7[%dma_wait3A_288, %dma_wait3A_289, %dma_wait3A_290] : memref<4x80x128xf32, #tpu.memory_space<vmem>> -> memref<1x80x128xf32, #tpu.memory_space<vmem>>
      %dma_wait3A_292 = tpu.memref_squeeze %dma_wait3A_291 : memref<1x80x128xf32, #tpu.memory_space<vmem>> -> memref<80x128xf32, #tpu.memory_space<vmem>>
      %dma_wait3A_293 = arith.constant 0 : i32
      %dma_wait3A_294 = tpu.memref_slice %arg8[%rem3A_147, %dma_wait3A_287, %dma_wait3A_293] : memref<2x8x80xi32, #tpu.memory_space<vmem>> -> memref<1x1x80xi32, #tpu.memory_space<vmem>>
      %dma_wait3A_295 = tpu.memref_squeeze %dma_wait3A_294 : memref<1x1x80xi32, #tpu.memory_space<vmem>> -> memref<80xi32, #tpu.memory_space<vmem>>
      %dma_wait3A_296 = arith.constant 0 : i32
      %dma_wait3A_297 = arith.constant 0 : i32
      %dma_wait3A_298 = tpu.memref_slice %arg2[%dma_wait3A_296, %dma_wait3A_297] : memref<10000x128xf32, #tpu.memory_space<hbm>> -> memref<10000x128xf32, #tpu.memory_space<hbm>>
      tpu.wait_indirect_dma semaphore(%arg13 : memref<!tpu.dma_semaphore, #tpu.memory_space<semaphore_mem>>) src(%dma_wait3A_298 : memref<10000x128xf32, #tpu.memory_space<hbm>>) dst(%dma_wait3A_292 : memref<80x128xf32, #tpu.memory_space<vmem>>)
      %dma_start3A_299 = arith.constant 3 : i32
      %dma_start3A_300 = arith.constant 3 : i32
      %dma_start3A_301 = arith.constant 0 : i32
      %dma_start3A_302 = arith.constant 0 : i32
      %dma_start3A_303 = tpu.memref_slice %arg7[%dma_start3A_299, %dma_start3A_301, %dma_start3A_302] : memref<4x80x128xf32, #tpu.memory_space<vmem>> -> memref<1x80x128xf32, #tpu.memory_space<vmem>>
      %dma_start3A_304 = tpu.memref_squeeze %dma_start3A_303 : memref<1x80x128xf32, #tpu.memory_space<vmem>> -> memref<80x128xf32, #tpu.memory_space<vmem>>
      %dma_start3A_305 = arith.constant 0 : i32
      %dma_start3A_306 = tpu.memref_slice %arg9[%rem3A_147, %dma_start3A_300, %dma_start3A_305] : memref<2x8x80xi32, #tpu.memory_space<vmem>> -> memref<1x1x80xi32, #tpu.memory_space<vmem>>
      %dma_start3A_307 = tpu.memref_squeeze %dma_start3A_306 : memref<1x1x80xi32, #tpu.memory_space<vmem>> -> memref<80xi32, #tpu.memory_space<vmem>>
      %dma_start3A_308 = arith.constant 0 : i32
      %dma_start3A_309 = arith.constant 0 : i32
      %dma_start3A_310 = tpu.memref_slice %arg6[%dma_start3A_308, %dma_start3A_309] : memref<10240x128xf32, #tpu.memory_space<vmem_shared>> -> memref<10240x128xf32, #tpu.memory_space<vmem_shared>>
      tpu.enqueue_indirect_dma source(%dma_start3A_304 : memref<80x128xf32, #tpu.memory_space<vmem>>) target(%dma_start3A_310 : memref<10240x128xf32, #tpu.memory_space<vmem_shared>>) offsets(%dma_start3A_307 : memref<80xi32, #tpu.memory_space<vmem>>) semaphore(%arg17 : memref<!tpu.dma_semaphore, #tpu.memory_space<semaphore_mem>>) {add = true}
      %dma_wait3A_311 = arith.constant 1 : i32
      %dma_wait3A_312 = arith.constant 0 : i32
      %dma_wait3A_313 = arith.constant 0 : i32
      %dma_wait3A_314 = tpu.memref_slice %arg7[%dma_wait3A_311, %dma_wait3A_312, %dma_wait3A_313] : memref<4x80x128xf32, #tpu.memory_space<vmem>> -> memref<1x80x128xf32, #tpu.memory_space<vmem>>
      %dma_wait3A_315 = tpu.memref_squeeze %dma_wait3A_314 : memref<1x80x128xf32, #tpu.memory_space<vmem>> -> memref<80x128xf32, #tpu.memory_space<vmem>>
      %dma_wait3A_316 = arith.constant 0 : i32
      %dma_wait3A_317 = arith.constant 0 : i32
      %dma_wait3A_318 = tpu.memref_slice %arg6[%dma_wait3A_316, %dma_wait3A_317] : memref<10240x128xf32, #tpu.memory_space<vmem_shared>> -> memref<80x128xf32, #tpu.memory_space<vmem_shared>>
      %dma_wait3A_319 = arith.constant 0 : i32
      %dma_wait3A_320 = arith.constant 0 : i32
      %dma_wait3A_321 = tpu.memref_slice %arg6[%dma_wait3A_319, %dma_wait3A_320] : memref<10240x128xf32, #tpu.memory_space<vmem_shared>> -> memref<80x128xf32, #tpu.memory_space<vmem_shared>>
      %dma_wait3A_322 = arith.constant 0 : i32
      %dma_wait3A_323 = arith.constant 0 : i32
      %dma_wait3A_324 = tpu.memref_slice %arg7[%dma_wait3A_311, %dma_wait3A_322, %dma_wait3A_323] : memref<4x80x128xf32, #tpu.memory_space<vmem>> -> memref<1x80x128xf32, #tpu.memory_space<vmem>>
      %dma_wait3A_325 = tpu.memref_squeeze %dma_wait3A_324 : memref<1x80x128xf32, #tpu.memory_space<vmem>> -> memref<80x128xf32, #tpu.memory_space<vmem>>
      tpu.wait_dma2 semaphore(%arg15 : memref<!tpu.dma_semaphore, #tpu.memory_space<semaphore_mem>>) src(%dma_wait3A_325 : memref<80x128xf32, #tpu.memory_space<vmem>>) dst(%dma_wait3A_321 : memref<80x128xf32, #tpu.memory_space<vmem_shared>>)
      %dma_start3A_326 = arith.constant 5 : i32
      %dma_start3A_327 = arith.constant 1 : i32
      %dma_start3A_328 = arith.constant 0 : i32
      %dma_start3A_329 = arith.constant 0 : i32
      %dma_start3A_330 = tpu.memref_slice %arg7[%dma_start3A_327, %dma_start3A_328, %dma_start3A_329] : memref<4x80x128xf32, #tpu.memory_space<vmem>> -> memref<1x80x128xf32, #tpu.memory_space<vmem>>
      %dma_start3A_331 = tpu.memref_squeeze %dma_start3A_330 : memref<1x80x128xf32, #tpu.memory_space<vmem>> -> memref<80x128xf32, #tpu.memory_space<vmem>>
      %dma_start3A_332 = arith.constant 0 : i32
      %dma_start3A_333 = tpu.memref_slice %arg8[%rem3A_147, %dma_start3A_326, %dma_start3A_332] : memref<2x8x80xi32, #tpu.memory_space<vmem>> -> memref<1x1x80xi32, #tpu.memory_space<vmem>>
      %dma_start3A_334 = tpu.memref_squeeze %dma_start3A_333 : memref<1x1x80xi32, #tpu.memory_space<vmem>> -> memref<80xi32, #tpu.memory_space<vmem>>
      %dma_start3A_335 = arith.constant 0 : i32
      %dma_start3A_336 = arith.constant 0 : i32
      %dma_start3A_337 = tpu.memref_slice %arg2[%dma_start3A_335, %dma_start3A_336] : memref<10000x128xf32, #tpu.memory_space<hbm>> -> memref<10000x128xf32, #tpu.memory_space<hbm>>
      tpu.enqueue_indirect_dma source(%dma_start3A_337 : memref<10000x128xf32, #tpu.memory_space<hbm>>) target(%dma_start3A_331 : memref<80x128xf32, #tpu.memory_space<vmem>>) offsets(%dma_start3A_334 : memref<80xi32, #tpu.memory_space<vmem>>) semaphore(%arg11 : memref<!tpu.dma_semaphore, #tpu.memory_space<semaphore_mem>>)
      %dma_wait3A_338 = arith.constant 4 : i32
      %dma_wait3A_339 = arith.constant 0 : i32
      %dma_wait3A_340 = arith.constant 0 : i32
      %dma_wait3A_341 = arith.constant 0 : i32
      %dma_wait3A_342 = tpu.memref_slice %arg7[%dma_wait3A_339, %dma_wait3A_340, %dma_wait3A_341] : memref<4x80x128xf32, #tpu.memory_space<vmem>> -> memref<1x80x128xf32, #tpu.memory_space<vmem>>
      %dma_wait3A_343 = tpu.memref_squeeze %dma_wait3A_342 : memref<1x80x128xf32, #tpu.memory_space<vmem>> -> memref<80x128xf32, #tpu.memory_space<vmem>>
      %dma_wait3A_344 = arith.constant 0 : i32
      %dma_wait3A_345 = tpu.memref_slice %arg8[%rem3A_147, %dma_wait3A_338, %dma_wait3A_344] : memref<2x8x80xi32, #tpu.memory_space<vmem>> -> memref<1x1x80xi32, #tpu.memory_space<vmem>>
      %dma_wait3A_346 = tpu.memref_squeeze %dma_wait3A_345 : memref<1x1x80xi32, #tpu.memory_space<vmem>> -> memref<80xi32, #tpu.memory_space<vmem>>
      %dma_wait3A_347 = arith.constant 0 : i32
      %dma_wait3A_348 = arith.constant 0 : i32
      %dma_wait3A_349 = tpu.memref_slice %arg2[%dma_wait3A_347, %dma_wait3A_348] : memref<10000x128xf32, #tpu.memory_space<hbm>> -> memref<10000x128xf32, #tpu.memory_space<hbm>>
      tpu.wait_indirect_dma semaphore(%arg10 : memref<!tpu.dma_semaphore, #tpu.memory_space<semaphore_mem>>) src(%dma_wait3A_349 : memref<10000x128xf32, #tpu.memory_space<hbm>>) dst(%dma_wait3A_343 : memref<80x128xf32, #tpu.memory_space<vmem>>)
      %dma_start3A_350 = arith.constant 0 : i32
      %dma_start3A_351 = arith.constant 4 : i32
      %dma_start3A_352 = arith.constant 0 : i32
      %dma_start3A_353 = arith.constant 0 : i32
      %dma_start3A_354 = tpu.memref_slice %arg7[%dma_start3A_350, %dma_start3A_352, %dma_start3A_353] : memref<4x80x128xf32, #tpu.memory_space<vmem>> -> memref<1x80x128xf32, #tpu.memory_space<vmem>>
      %dma_start3A_355 = tpu.memref_squeeze %dma_start3A_354 : memref<1x80x128xf32, #tpu.memory_space<vmem>> -> memref<80x128xf32, #tpu.memory_space<vmem>>
      %dma_start3A_356 = arith.constant 0 : i32
      %dma_start3A_357 = tpu.memref_slice %arg9[%rem3A_147, %dma_start3A_351, %dma_start3A_356] : memref<2x8x80xi32, #tpu.memory_space<vmem>> -> memref<1x1x80xi32, #tpu.memory_space<vmem>>
      %dma_start3A_358 = tpu.memref_squeeze %dma_start3A_357 : memref<1x1x80xi32, #tpu.memory_space<vmem>> -> memref<80xi32, #tpu.memory_space<vmem>>
      %dma_start3A_359 = arith.constant 0 : i32
      %dma_start3A_360 = arith.constant 0 : i32
      %dma_start3A_361 = tpu.memref_slice %arg6[%dma_start3A_359, %dma_start3A_360] : memref<10240x128xf32, #tpu.memory_space<vmem_shared>> -> memref<10240x128xf32, #tpu.memory_space<vmem_shared>>
      tpu.enqueue_indirect_dma source(%dma_start3A_355 : memref<80x128xf32, #tpu.memory_space<vmem>>) target(%dma_start3A_361 : memref<10240x128xf32, #tpu.memory_space<vmem_shared>>) offsets(%dma_start3A_358 : memref<80xi32, #tpu.memory_space<vmem>>) semaphore(%arg14 : memref<!tpu.dma_semaphore, #tpu.memory_space<semaphore_mem>>) {add = true}
      %dma_wait3A_362 = arith.constant 2 : i32
      %dma_wait3A_363 = arith.constant 0 : i32
      %dma_wait3A_364 = arith.constant 0 : i32
      %dma_wait3A_365 = tpu.memref_slice %arg7[%dma_wait3A_362, %dma_wait3A_363, %dma_wait3A_364] : memref<4x80x128xf32, #tpu.memory_space<vmem>> -> memref<1x80x128xf32, #tpu.memory_space<vmem>>
      %dma_wait3A_366 = tpu.memref_squeeze %dma_wait3A_365 : memref<1x80x128xf32, #tpu.memory_space<vmem>> -> memref<80x128xf32, #tpu.memory_space<vmem>>
      %dma_wait3A_367 = arith.constant 0 : i32
      %dma_wait3A_368 = arith.constant 0 : i32
      %dma_wait3A_369 = tpu.memref_slice %arg6[%dma_wait3A_367, %dma_wait3A_368] : memref<10240x128xf32, #tpu.memory_space<vmem_shared>> -> memref<80x128xf32, #tpu.memory_space<vmem_shared>>
      %dma_wait3A_370 = arith.constant 0 : i32
      %dma_wait3A_371 = arith.constant 0 : i32
      %dma_wait3A_372 = tpu.memref_slice %arg6[%dma_wait3A_370, %dma_wait3A_371] : memref<10240x128xf32, #tpu.memory_space<vmem_shared>> -> memref<80x128xf32, #tpu.memory_space<vmem_shared>>
      %dma_wait3A_373 = arith.constant 0 : i32
      %dma_wait3A_374 = arith.constant 0 : i32
      %dma_wait3A_375 = tpu.memref_slice %arg7[%dma_wait3A_362, %dma_wait3A_373, %dma_wait3A_374] : memref<4x80x128xf32, #tpu.memory_space<vmem>> -> memref<1x80x128xf32, #tpu.memory_space<vmem>>
      %dma_wait3A_376 = tpu.memref_squeeze %dma_wait3A_375 : memref<1x80x128xf32, #tpu.memory_space<vmem>> -> memref<80x128xf32, #tpu.memory_space<vmem>>
      tpu.wait_dma2 semaphore(%arg16 : memref<!tpu.dma_semaphore, #tpu.memory_space<semaphore_mem>>) src(%dma_wait3A_376 : memref<80x128xf32, #tpu.memory_space<vmem>>) dst(%dma_wait3A_372 : memref<80x128xf32, #tpu.memory_space<vmem_shared>>)
      %dma_start3A_377 = arith.constant 6 : i32
      %dma_start3A_378 = arith.constant 2 : i32
      %dma_start3A_379 = arith.constant 0 : i32
      %dma_start3A_380 = arith.constant 0 : i32
      %dma_start3A_381 = tpu.memref_slice %arg7[%dma_start3A_378, %dma_start3A_379, %dma_start3A_380] : memref<4x80x128xf32, #tpu.memory_space<vmem>> -> memref<1x80x128xf32, #tpu.memory_space<vmem>>
      %dma_start3A_382 = tpu.memref_squeeze %dma_start3A_381 : memref<1x80x128xf32, #tpu.memory_space<vmem>> -> memref<80x128xf32, #tpu.memory_space<vmem>>
      %dma_start3A_383 = arith.constant 0 : i32
      %dma_start3A_384 = tpu.memref_slice %arg8[%rem3A_147, %dma_start3A_377, %dma_start3A_383] : memref<2x8x80xi32, #tpu.memory_space<vmem>> -> memref<1x1x80xi32, #tpu.memory_space<vmem>>
      %dma_start3A_385 = tpu.memref_squeeze %dma_start3A_384 : memref<1x1x80xi32, #tpu.memory_space<vmem>> -> memref<80xi32, #tpu.memory_space<vmem>>
      %dma_start3A_386 = arith.constant 0 : i32
      %dma_start3A_387 = arith.constant 0 : i32
      %dma_start3A_388 = tpu.memref_slice %arg2[%dma_start3A_386, %dma_start3A_387] : memref<10000x128xf32, #tpu.memory_space<hbm>> -> memref<10000x128xf32, #tpu.memory_space<hbm>>
      tpu.enqueue_indirect_dma source(%dma_start3A_388 : memref<10000x128xf32, #tpu.memory_space<hbm>>) target(%dma_start3A_382 : memref<80x128xf32, #tpu.memory_space<vmem>>) offsets(%dma_start3A_385 : memref<80xi32, #tpu.memory_space<vmem>>) semaphore(%arg12 : memref<!tpu.dma_semaphore, #tpu.memory_space<semaphore_mem>>)
      %dma_wait3A_389 = arith.constant 5 : i32
      %dma_wait3A_390 = arith.constant 1 : i32
      %dma_wait3A_391 = arith.constant 0 : i32
      %dma_wait3A_392 = arith.constant 0 : i32
      %dma_wait3A_393 = tpu.memref_slice %arg7[%dma_wait3A_390, %dma_wait3A_391, %dma_wait3A_392] : memref<4x80x128xf32, #tpu.memory_space<vmem>> -> memref<1x80x128xf32, #tpu.memory_space<vmem>>
      %dma_wait3A_394 = tpu.memref_squeeze %dma_wait3A_393 : memref<1x80x128xf32, #tpu.memory_space<vmem>> -> memref<80x128xf32, #tpu.memory_space<vmem>>
      %dma_wait3A_395 = arith.constant 0 : i32
      %dma_wait3A_396 = tpu.memref_slice %arg8[%rem3A_147, %dma_wait3A_389, %dma_wait3A_395] : memref<2x8x80xi32, #tpu.memory_space<vmem>> -> memref<1x1x80xi32, #tpu.memory_space<vmem>>
      %dma_wait3A_397 = tpu.memref_squeeze %dma_wait3A_396 : memref<1x1x80xi32, #tpu.memory_space<vmem>> -> memref<80xi32, #tpu.memory_space<vmem>>
      %dma_wait3A_398 = arith.constant 0 : i32
      %dma_wait3A_399 = arith.constant 0 : i32
      %dma_wait3A_400 = tpu.memref_slice %arg2[%dma_wait3A_398, %dma_wait3A_399] : memref<10000x128xf32, #tpu.memory_space<hbm>> -> memref<10000x128xf32, #tpu.memory_space<hbm>>
      tpu.wait_indirect_dma semaphore(%arg11 : memref<!tpu.dma_semaphore, #tpu.memory_space<semaphore_mem>>) src(%dma_wait3A_400 : memref<10000x128xf32, #tpu.memory_space<hbm>>) dst(%dma_wait3A_394 : memref<80x128xf32, #tpu.memory_space<vmem>>)
      %dma_start3A_401 = arith.constant 1 : i32
      %dma_start3A_402 = arith.constant 5 : i32
      %dma_start3A_403 = arith.constant 0 : i32
      %dma_start3A_404 = arith.constant 0 : i32
      %dma_start3A_405 = tpu.memref_slice %arg7[%dma_start3A_401, %dma_start3A_403, %dma_start3A_404] : memref<4x80x128xf32, #tpu.memory_space<vmem>> -> memref<1x80x128xf32, #tpu.memory_space<vmem>>
      %dma_start3A_406 = tpu.memref_squeeze %dma_start3A_405 : memref<1x80x128xf32, #tpu.memory_space<vmem>> -> memref<80x128xf32, #tpu.memory_space<vmem>>
      %dma_start3A_407 = arith.constant 0 : i32
      %dma_start3A_408 = tpu.memref_slice %arg9[%rem3A_147, %dma_start3A_402, %dma_start3A_407] : memref<2x8x80xi32, #tpu.memory_space<vmem>> -> memref<1x1x80xi32, #tpu.memory_space<vmem>>
      %dma_start3A_409 = tpu.memref_squeeze %dma_start3A_408 : memref<1x1x80xi32, #tpu.memory_space<vmem>> -> memref<80xi32, #tpu.memory_space<vmem>>
      %dma_start3A_410 = arith.constant 0 : i32
      %dma_start3A_411 = arith.constant 0 : i32
      %dma_start3A_412 = tpu.memref_slice %arg6[%dma_start3A_410, %dma_start3A_411] : memref<10240x128xf32, #tpu.memory_space<vmem_shared>> -> memref<10240x128xf32, #tpu.memory_space<vmem_shared>>
      tpu.enqueue_indirect_dma source(%dma_start3A_406 : memref<80x128xf32, #tpu.memory_space<vmem>>) target(%dma_start3A_412 : memref<10240x128xf32, #tpu.memory_space<vmem_shared>>) offsets(%dma_start3A_409 : memref<80xi32, #tpu.memory_space<vmem>>) semaphore(%arg15 : memref<!tpu.dma_semaphore, #tpu.memory_space<semaphore_mem>>) {add = true}
      %dma_wait3A_413 = arith.constant 3 : i32
      %dma_wait3A_414 = arith.constant 0 : i32
      %dma_wait3A_415 = arith.constant 0 : i32
      %dma_wait3A_416 = tpu.memref_slice %arg7[%dma_wait3A_413, %dma_wait3A_414, %dma_wait3A_415] : memref<4x80x128xf32, #tpu.memory_space<vmem>> -> memref<1x80x128xf32, #tpu.memory_space<vmem>>
      %dma_wait3A_417 = tpu.memref_squeeze %dma_wait3A_416 : memref<1x80x128xf32, #tpu.memory_space<vmem>> -> memref<80x128xf32, #tpu.memory_space<vmem>>
      %dma_wait3A_418 = arith.constant 0 : i32
      %dma_wait3A_419 = arith.constant 0 : i32
      %dma_wait3A_420 = tpu.memref_slice %arg6[%dma_wait3A_418, %dma_wait3A_419] : memref<10240x128xf32, #tpu.memory_space<vmem_shared>> -> memref<80x128xf32, #tpu.memory_space<vmem_shared>>
      %dma_wait3A_421 = arith.constant 0 : i32
      %dma_wait3A_422 = arith.constant 0 : i32
      %dma_wait3A_423 = tpu.memref_slice %arg6[%dma_wait3A_421, %dma_wait3A_422] : memref<10240x128xf32, #tpu.memory_space<vmem_shared>> -> memref<80x128xf32, #tpu.memory_space<vmem_shared>>
      %dma_wait3A_424 = arith.constant 0 : i32
      %dma_wait3A_425 = arith.constant 0 : i32
      %dma_wait3A_426 = tpu.memref_slice %arg7[%dma_wait3A_413, %dma_wait3A_424, %dma_wait3A_425] : memref<4x80x128xf32, #tpu.memory_space<vmem>> -> memref<1x80x128xf32, #tpu.memory_space<vmem>>
      %dma_wait3A_427 = tpu.memref_squeeze %dma_wait3A_426 : memref<1x80x128xf32, #tpu.memory_space<vmem>> -> memref<80x128xf32, #tpu.memory_space<vmem>>
      tpu.wait_dma2 semaphore(%arg17 : memref<!tpu.dma_semaphore, #tpu.memory_space<semaphore_mem>>) src(%dma_wait3A_427 : memref<80x128xf32, #tpu.memory_space<vmem>>) dst(%dma_wait3A_423 : memref<80x128xf32, #tpu.memory_space<vmem_shared>>)
      %dma_start3A_428 = arith.constant 7 : i32
      %dma_start3A_429 = arith.constant 3 : i32
      %dma_start3A_430 = arith.constant 0 : i32
      %dma_start3A_431 = arith.constant 0 : i32
      %dma_start3A_432 = tpu.memref_slice %arg7[%dma_start3A_429, %dma_start3A_430, %dma_start3A_431] : memref<4x80x128xf32, #tpu.memory_space<vmem>> -> memref<1x80x128xf32, #tpu.memory_space<vmem>>
      %dma_start3A_433 = tpu.memref_squeeze %dma_start3A_432 : memref<1x80x128xf32, #tpu.memory_space<vmem>> -> memref<80x128xf32, #tpu.memory_space<vmem>>
      %dma_start3A_434 = arith.constant 0 : i32
      %dma_start3A_435 = tpu.memref_slice %arg8[%rem3A_147, %dma_start3A_428, %dma_start3A_434] : memref<2x8x80xi32, #tpu.memory_space<vmem>> -> memref<1x1x80xi32, #tpu.memory_space<vmem>>
      %dma_start3A_436 = tpu.memref_squeeze %dma_start3A_435 : memref<1x1x80xi32, #tpu.memory_space<vmem>> -> memref<80xi32, #tpu.memory_space<vmem>>
      %dma_start3A_437 = arith.constant 0 : i32
      %dma_start3A_438 = arith.constant 0 : i32
      %dma_start3A_439 = tpu.memref_slice %arg2[%dma_start3A_437, %dma_start3A_438] : memref<10000x128xf32, #tpu.memory_space<hbm>> -> memref<10000x128xf32, #tpu.memory_space<hbm>>
      tpu.enqueue_indirect_dma source(%dma_start3A_439 : memref<10000x128xf32, #tpu.memory_space<hbm>>) target(%dma_start3A_433 : memref<80x128xf32, #tpu.memory_space<vmem>>) offsets(%dma_start3A_436 : memref<80xi32, #tpu.memory_space<vmem>>) semaphore(%arg13 : memref<!tpu.dma_semaphore, #tpu.memory_space<semaphore_mem>>)
      %dma_wait3A_440 = arith.constant 6 : i32
      %dma_wait3A_441 = arith.constant 2 : i32
      %dma_wait3A_442 = arith.constant 0 : i32
      %dma_wait3A_443 = arith.constant 0 : i32
      %dma_wait3A_444 = tpu.memref_slice %arg7[%dma_wait3A_441, %dma_wait3A_442, %dma_wait3A_443] : memref<4x80x128xf32, #tpu.memory_space<vmem>> -> memref<1x80x128xf32, #tpu.memory_space<vmem>>
      %dma_wait3A_445 = tpu.memref_squeeze %dma_wait3A_444 : memref<1x80x128xf32, #tpu.memory_space<vmem>> -> memref<80x128xf32, #tpu.memory_space<vmem>>
      %dma_wait3A_446 = arith.constant 0 : i32
      %dma_wait3A_447 = tpu.memref_slice %arg8[%rem3A_147, %dma_wait3A_440, %dma_wait3A_446] : memref<2x8x80xi32, #tpu.memory_space<vmem>> -> memref<1x1x80xi32, #tpu.memory_space<vmem>>
      %dma_wait3A_448 = tpu.memref_squeeze %dma_wait3A_447 : memref<1x1x80xi32, #tpu.memory_space<vmem>> -> memref<80xi32, #tpu.memory_space<vmem>>
      %dma_wait3A_449 = arith.constant 0 : i32
      %dma_wait3A_450 = arith.constant 0 : i32
      %dma_wait3A_451 = tpu.memref_slice %arg2[%dma_wait3A_449, %dma_wait3A_450] : memref<10000x128xf32, #tpu.memory_space<hbm>> -> memref<10000x128xf32, #tpu.memory_space<hbm>>
      tpu.wait_indirect_dma semaphore(%arg12 : memref<!tpu.dma_semaphore, #tpu.memory_space<semaphore_mem>>) src(%dma_wait3A_451 : memref<10000x128xf32, #tpu.memory_space<hbm>>) dst(%dma_wait3A_445 : memref<80x128xf32, #tpu.memory_space<vmem>>)
      %dma_start3A_452 = arith.constant 2 : i32
      %dma_start3A_453 = arith.constant 6 : i32
      %dma_start3A_454 = arith.constant 0 : i32
      %dma_start3A_455 = arith.constant 0 : i32
      %dma_start3A_456 = tpu.memref_slice %arg7[%dma_start3A_452, %dma_start3A_454, %dma_start3A_455] : memref<4x80x128xf32, #tpu.memory_space<vmem>> -> memref<1x80x128xf32, #tpu.memory_space<vmem>>
      %dma_start3A_457 = tpu.memref_squeeze %dma_start3A_456 : memref<1x80x128xf32, #tpu.memory_space<vmem>> -> memref<80x128xf32, #tpu.memory_space<vmem>>
      %dma_start3A_458 = arith.constant 0 : i32
      %dma_start3A_459 = tpu.memref_slice %arg9[%rem3A_147, %dma_start3A_453, %dma_start3A_458] : memref<2x8x80xi32, #tpu.memory_space<vmem>> -> memref<1x1x80xi32, #tpu.memory_space<vmem>>
      %dma_start3A_460 = tpu.memref_squeeze %dma_start3A_459 : memref<1x1x80xi32, #tpu.memory_space<vmem>> -> memref<80xi32, #tpu.memory_space<vmem>>
      %dma_start3A_461 = arith.constant 0 : i32
      %dma_start3A_462 = arith.constant 0 : i32
      %dma_start3A_463 = tpu.memref_slice %arg6[%dma_start3A_461, %dma_start3A_462] : memref<10240x128xf32, #tpu.memory_space<vmem_shared>> -> memref<10240x128xf32, #tpu.memory_space<vmem_shared>>
      tpu.enqueue_indirect_dma source(%dma_start3A_457 : memref<80x128xf32, #tpu.memory_space<vmem>>) target(%dma_start3A_463 : memref<10240x128xf32, #tpu.memory_space<vmem_shared>>) offsets(%dma_start3A_460 : memref<80xi32, #tpu.memory_space<vmem>>) semaphore(%arg16 : memref<!tpu.dma_semaphore, #tpu.memory_space<semaphore_mem>>) {add = true}
      %dma_wait3A_464 = arith.constant 0 : i32
      %dma_wait3A_465 = arith.constant 0 : i32
      %dma_wait3A_466 = arith.constant 0 : i32
      %dma_wait3A_467 = tpu.memref_slice %arg7[%dma_wait3A_464, %dma_wait3A_465, %dma_wait3A_466] : memref<4x80x128xf32, #tpu.memory_space<vmem>> -> memref<1x80x128xf32, #tpu.memory_space<vmem>>
      %dma_wait3A_468 = tpu.memref_squeeze %dma_wait3A_467 : memref<1x80x128xf32, #tpu.memory_space<vmem>> -> memref<80x128xf32, #tpu.memory_space<vmem>>
      %dma_wait3A_469 = arith.constant 0 : i32
      %dma_wait3A_470 = arith.constant 0 : i32
      %dma_wait3A_471 = tpu.memref_slice %arg6[%dma_wait3A_469, %dma_wait3A_470] : memref<10240x128xf32, #tpu.memory_space<vmem_shared>> -> memref<80x128xf32, #tpu.memory_space<vmem_shared>>
      %dma_wait3A_472 = arith.constant 0 : i32
      %dma_wait3A_473 = arith.constant 0 : i32
      %dma_wait3A_474 = tpu.memref_slice %arg6[%dma_wait3A_472, %dma_wait3A_473] : memref<10240x128xf32, #tpu.memory_space<vmem_shared>> -> memref<80x128xf32, #tpu.memory_space<vmem_shared>>
      %dma_wait3A_475 = arith.constant 0 : i32
      %dma_wait3A_476 = arith.constant 0 : i32
      %dma_wait3A_477 = tpu.memref_slice %arg7[%dma_wait3A_464, %dma_wait3A_475, %dma_wait3A_476] : memref<4x80x128xf32, #tpu.memory_space<vmem>> -> memref<1x80x128xf32, #tpu.memory_space<vmem>>
      %dma_wait3A_478 = tpu.memref_squeeze %dma_wait3A_477 : memref<1x80x128xf32, #tpu.memory_space<vmem>> -> memref<80x128xf32, #tpu.memory_space<vmem>>
      tpu.wait_dma2 semaphore(%arg14 : memref<!tpu.dma_semaphore, #tpu.memory_space<semaphore_mem>>) src(%dma_wait3A_478 : memref<80x128xf32, #tpu.memory_space<vmem>>) dst(%dma_wait3A_474 : memref<80x128xf32, #tpu.memory_space<vmem_shared>>)
      %add3A_479 = arith.constant 1 : i32
      %add3A_480 = arith.addi %while3A_144, %add3A_479 : i32
      %lt3A_481 = arith.cmpi slt, %add3A_480, %select_n3A_19 : i32
      %convert_element_type3A_482 = arith.extui %lt3A_481 : i1 to i32
      %cond3A_483 = arith.constant 0 : i32
      %cond3A_484 = arith.cmpi ne, %convert_element_type3A_482, %cond3A_483 : i32
      scf.if %cond3A_484 {
        %dma_start3A_531 = arith.constant 0 : i32
        %dma_start3A_532 = arith.constant 0 : i32
        %dma_start3A_533 = arith.constant 0 : i32
        %dma_start3A_534 = arith.constant 0 : i32
        %dma_start3A_535 = tpu.memref_slice %arg7[%dma_start3A_532, %dma_start3A_533, %dma_start3A_534] : memref<4x80x128xf32, #tpu.memory_space<vmem>> -> memref<1x80x128xf32, #tpu.memory_space<vmem>>
        %dma_start3A_536 = tpu.memref_squeeze %dma_start3A_535 : memref<1x80x128xf32, #tpu.memory_space<vmem>> -> memref<80x128xf32, #tpu.memory_space<vmem>>
        %dma_start3A_537 = arith.constant 0 : i32
        %dma_start3A_538 = tpu.memref_slice %arg8[%rem3A_151, %dma_start3A_531, %dma_start3A_537] : memref<2x8x80xi32, #tpu.memory_space<vmem>> -> memref<1x1x80xi32, #tpu.memory_space<vmem>>
        %dma_start3A_539 = tpu.memref_squeeze %dma_start3A_538 : memref<1x1x80xi32, #tpu.memory_space<vmem>> -> memref<80xi32, #tpu.memory_space<vmem>>
        %dma_start3A_540 = arith.constant 0 : i32
        %dma_start3A_541 = arith.constant 0 : i32
        %dma_start3A_542 = tpu.memref_slice %arg2[%dma_start3A_540, %dma_start3A_541] : memref<10000x128xf32, #tpu.memory_space<hbm>> -> memref<10000x128xf32, #tpu.memory_space<hbm>>
        tpu.enqueue_indirect_dma source(%dma_start3A_542 : memref<10000x128xf32, #tpu.memory_space<hbm>>) target(%dma_start3A_536 : memref<80x128xf32, #tpu.memory_space<vmem>>) offsets(%dma_start3A_539 : memref<80xi32, #tpu.memory_space<vmem>>) semaphore(%arg10 : memref<!tpu.dma_semaphore, #tpu.memory_space<semaphore_mem>>)
      } else {
      }
      %dma_wait3A_485 = arith.constant 7 : i32
      %dma_wait3A_486 = arith.constant 3 : i32
      %dma_wait3A_487 = arith.constant 0 : i32
      %dma_wait3A_488 = arith.constant 0 : i32
      %dma_wait3A_489 = tpu.memref_slice %arg7[%dma_wait3A_486, %dma_wait3A_487, %dma_wait3A_488] : memref<4x80x128xf32, #tpu.memory_space<vmem>> -> memref<1x80x128xf32, #tpu.memory_space<vmem>>
      %dma_wait3A_490 = tpu.memref_squeeze %dma_wait3A_489 : memref<1x80x128xf32, #tpu.memory_space<vmem>> -> memref<80x128xf32, #tpu.memory_space<vmem>>
      %dma_wait3A_491 = arith.constant 0 : i32
      %dma_wait3A_492 = tpu.memref_slice %arg8[%rem3A_147, %dma_wait3A_485, %dma_wait3A_491] : memref<2x8x80xi32, #tpu.memory_space<vmem>> -> memref<1x1x80xi32, #tpu.memory_space<vmem>>
      %dma_wait3A_493 = tpu.memref_squeeze %dma_wait3A_492 : memref<1x1x80xi32, #tpu.memory_space<vmem>> -> memref<80xi32, #tpu.memory_space<vmem>>
      %dma_wait3A_494 = arith.constant 0 : i32
      %dma_wait3A_495 = arith.constant 0 : i32
      %dma_wait3A_496 = tpu.memref_slice %arg2[%dma_wait3A_494, %dma_wait3A_495] : memref<10000x128xf32, #tpu.memory_space<hbm>> -> memref<10000x128xf32, #tpu.memory_space<hbm>>
      tpu.wait_indirect_dma semaphore(%arg13 : memref<!tpu.dma_semaphore, #tpu.memory_space<semaphore_mem>>) src(%dma_wait3A_496 : memref<10000x128xf32, #tpu.memory_space<hbm>>) dst(%dma_wait3A_490 : memref<80x128xf32, #tpu.memory_space<vmem>>)
      %dma_start3A_497 = arith.constant 3 : i32
      %dma_start3A_498 = arith.constant 7 : i32
      %dma_start3A_499 = arith.constant 0 : i32
      %dma_start3A_500 = arith.constant 0 : i32
      %dma_start3A_501 = tpu.memref_slice %arg7[%dma_start3A_497, %dma_start3A_499, %dma_start3A_500] : memref<4x80x128xf32, #tpu.memory_space<vmem>> -> memref<1x80x128xf32, #tpu.memory_space<vmem>>
      %dma_start3A_502 = tpu.memref_squeeze %dma_start3A_501 : memref<1x80x128xf32, #tpu.memory_space<vmem>> -> memref<80x128xf32, #tpu.memory_space<vmem>>
      %dma_start3A_503 = arith.constant 0 : i32
      %dma_start3A_504 = tpu.memref_slice %arg9[%rem3A_147, %dma_start3A_498, %dma_start3A_503] : memref<2x8x80xi32, #tpu.memory_space<vmem>> -> memref<1x1x80xi32, #tpu.memory_space<vmem>>
      %dma_start3A_505 = tpu.memref_squeeze %dma_start3A_504 : memref<1x1x80xi32, #tpu.memory_space<vmem>> -> memref<80xi32, #tpu.memory_space<vmem>>
      %dma_start3A_506 = arith.constant 0 : i32
      %dma_start3A_507 = arith.constant 0 : i32
      %dma_start3A_508 = tpu.memref_slice %arg6[%dma_start3A_506, %dma_start3A_507] : memref<10240x128xf32, #tpu.memory_space<vmem_shared>> -> memref<10240x128xf32, #tpu.memory_space<vmem_shared>>
      tpu.enqueue_indirect_dma source(%dma_start3A_502 : memref<80x128xf32, #tpu.memory_space<vmem>>) target(%dma_start3A_508 : memref<10240x128xf32, #tpu.memory_space<vmem_shared>>) offsets(%dma_start3A_505 : memref<80xi32, #tpu.memory_space<vmem>>) semaphore(%arg17 : memref<!tpu.dma_semaphore, #tpu.memory_space<semaphore_mem>>) {add = true}
      %dma_wait3A_509 = arith.constant 1 : i32
      %dma_wait3A_510 = arith.constant 0 : i32
      %dma_wait3A_511 = arith.constant 0 : i32
      %dma_wait3A_512 = tpu.memref_slice %arg7[%dma_wait3A_509, %dma_wait3A_510, %dma_wait3A_511] : memref<4x80x128xf32, #tpu.memory_space<vmem>> -> memref<1x80x128xf32, #tpu.memory_space<vmem>>
      %dma_wait3A_513 = tpu.memref_squeeze %dma_wait3A_512 : memref<1x80x128xf32, #tpu.memory_space<vmem>> -> memref<80x128xf32, #tpu.memory_space<vmem>>
      %dma_wait3A_514 = arith.constant 0 : i32
      %dma_wait3A_515 = arith.constant 0 : i32
      %dma_wait3A_516 = tpu.memref_slice %arg6[%dma_wait3A_514, %dma_wait3A_515] : memref<10240x128xf32, #tpu.memory_space<vmem_shared>> -> memref<80x128xf32, #tpu.memory_space<vmem_shared>>
      %dma_wait3A_517 = arith.constant 0 : i32
      %dma_wait3A_518 = arith.constant 0 : i32
      %dma_wait3A_519 = tpu.memref_slice %arg6[%dma_wait3A_517, %dma_wait3A_518] : memref<10240x128xf32, #tpu.memory_space<vmem_shared>> -> memref<80x128xf32, #tpu.memory_space<vmem_shared>>
      %dma_wait3A_520 = arith.constant 0 : i32
      %dma_wait3A_521 = arith.constant 0 : i32
      %dma_wait3A_522 = tpu.memref_slice %arg7[%dma_wait3A_509, %dma_wait3A_520, %dma_wait3A_521] : memref<4x80x128xf32, #tpu.memory_space<vmem>> -> memref<1x80x128xf32, #tpu.memory_space<vmem>>
      %dma_wait3A_523 = tpu.memref_squeeze %dma_wait3A_522 : memref<1x80x128xf32, #tpu.memory_space<vmem>> -> memref<80x128xf32, #tpu.memory_space<vmem>>
      tpu.wait_dma2 semaphore(%arg15 : memref<!tpu.dma_semaphore, #tpu.memory_space<semaphore_mem>>) src(%dma_wait3A_523 : memref<80x128xf32, #tpu.memory_space<vmem>>) dst(%dma_wait3A_519 : memref<80x128xf32, #tpu.memory_space<vmem_shared>>)
      %add3A_524 = arith.constant 1 : i32
      %add3A_525 = arith.addi %while3A_144, %add3A_524 : i32
      %lt3A_526 = arith.cmpi slt, %add3A_525, %select_n3A_19 : i32
      %convert_element_type3A_527 = arith.extui %lt3A_526 : i1 to i32
      %cond3A_528 = arith.constant 0 : i32
      %cond3A_529 = arith.cmpi ne, %convert_element_type3A_527, %cond3A_528 : i32
      scf.if %cond3A_529 {
        %dma_start3A_531 = arith.constant 1 : i32
        %dma_start3A_532 = arith.constant 1 : i32
        %dma_start3A_533 = arith.constant 0 : i32
        %dma_start3A_534 = arith.constant 0 : i32
        %dma_start3A_535 = tpu.memref_slice %arg7[%dma_start3A_532, %dma_start3A_533, %dma_start3A_534] : memref<4x80x128xf32, #tpu.memory_space<vmem>> -> memref<1x80x128xf32, #tpu.memory_space<vmem>>
        %dma_start3A_536 = tpu.memref_squeeze %dma_start3A_535 : memref<1x80x128xf32, #tpu.memory_space<vmem>> -> memref<80x128xf32, #tpu.memory_space<vmem>>
        %dma_start3A_537 = arith.constant 0 : i32
        %dma_start3A_538 = tpu.memref_slice %arg8[%rem3A_151, %dma_start3A_531, %dma_start3A_537] : memref<2x8x80xi32, #tpu.memory_space<vmem>> -> memref<1x1x80xi32, #tpu.memory_space<vmem>>
        %dma_start3A_539 = tpu.memref_squeeze %dma_start3A_538 : memref<1x1x80xi32, #tpu.memory_space<vmem>> -> memref<80xi32, #tpu.memory_space<vmem>>
        %dma_start3A_540 = arith.constant 0 : i32
        %dma_start3A_541 = arith.constant 0 : i32
        %dma_start3A_542 = tpu.memref_slice %arg2[%dma_start3A_540, %dma_start3A_541] : memref<10000x128xf32, #tpu.memory_space<hbm>> -> memref<10000x128xf32, #tpu.memory_space<hbm>>
        tpu.enqueue_indirect_dma source(%dma_start3A_542 : memref<10000x128xf32, #tpu.memory_space<hbm>>) target(%dma_start3A_536 : memref<80x128xf32, #tpu.memory_space<vmem>>) offsets(%dma_start3A_539 : memref<80xi32, #tpu.memory_space<vmem>>) semaphore(%arg11 : memref<!tpu.dma_semaphore, #tpu.memory_space<semaphore_mem>>)
      } else {
      }
      %while3A_530 = arith.constant 0 : i32
      scf.yield %while3A_530 : i32
    }
    %dma_wait3A = arith.constant 2 : i32
    %dma_wait3A_110 = arith.constant 0 : i32
    %dma_wait3A_111 = arith.constant 0 : i32
    %dma_wait3A_112 = tpu.memref_slice %arg7[%dma_wait3A, %dma_wait3A_110, %dma_wait3A_111] : memref<4x80x128xf32, #tpu.memory_space<vmem>> -> memref<1x80x128xf32, #tpu.memory_space<vmem>>
    %dma_wait3A_113 = tpu.memref_squeeze %dma_wait3A_112 : memref<1x80x128xf32, #tpu.memory_space<vmem>> -> memref<80x128xf32, #tpu.memory_space<vmem>>
    %dma_wait3A_114 = arith.constant 0 : i32
    %dma_wait3A_115 = arith.constant 0 : i32
    %dma_wait3A_116 = tpu.memref_slice %arg6[%dma_wait3A_114, %dma_wait3A_115] : memref<10240x128xf32, #tpu.memory_space<vmem_shared>> -> memref<80x128xf32, #tpu.memory_space<vmem_shared>>
    %dma_wait3A_117 = arith.constant 0 : i32
    %dma_wait3A_118 = arith.constant 0 : i32
    %dma_wait3A_119 = tpu.memref_slice %arg6[%dma_wait3A_117, %dma_wait3A_118] : memref<10240x128xf32, #tpu.memory_space<vmem_shared>> -> memref<80x128xf32, #tpu.memory_space<vmem_shared>>
    %dma_wait3A_120 = arith.constant 0 : i32
    %dma_wait3A_121 = arith.constant 0 : i32
    %dma_wait3A_122 = tpu.memref_slice %arg7[%dma_wait3A, %dma_wait3A_120, %dma_wait3A_121] : memref<4x80x128xf32, #tpu.memory_space<vmem>> -> memref<1x80x128xf32, #tpu.memory_space<vmem>>
    %dma_wait3A_123 = tpu.memref_squeeze %dma_wait3A_122 : memref<1x80x128xf32, #tpu.memory_space<vmem>> -> memref<80x128xf32, #tpu.memory_space<vmem>>
    tpu.wait_dma2 semaphore(%arg16 : memref<!tpu.dma_semaphore, #tpu.memory_space<semaphore_mem>>) src(%dma_wait3A_123 : memref<80x128xf32, #tpu.memory_space<vmem>>) dst(%dma_wait3A_119 : memref<80x128xf32, #tpu.memory_space<vmem_shared>>)
    %dma_wait3A_124 = arith.constant 3 : i32
    %dma_wait3A_125 = arith.constant 0 : i32
    %dma_wait3A_126 = arith.constant 0 : i32
    %dma_wait3A_127 = tpu.memref_slice %arg7[%dma_wait3A_124, %dma_wait3A_125, %dma_wait3A_126] : memref<4x80x128xf32, #tpu.memory_space<vmem>> -> memref<1x80x128xf32, #tpu.memory_space<vmem>>
    %dma_wait3A_128 = tpu.memref_squeeze %dma_wait3A_127 : memref<1x80x128xf32, #tpu.memory_space<vmem>> -> memref<80x128xf32, #tpu.memory_space<vmem>>
    %dma_wait3A_129 = arith.constant 0 : i32
    %dma_wait3A_130 = arith.constant 0 : i32
    %dma_wait3A_131 = tpu.memref_slice %arg6[%dma_wait3A_129, %dma_wait3A_130] : memref<10240x128xf32, #tpu.memory_space<vmem_shared>> -> memref<80x128xf32, #tpu.memory_space<vmem_shared>>
    %dma_wait3A_132 = arith.constant 0 : i32
    %dma_wait3A_133 = arith.constant 0 : i32
    %dma_wait3A_134 = tpu.memref_slice %arg6[%dma_wait3A_132, %dma_wait3A_133] : memref<10240x128xf32, #tpu.memory_space<vmem_shared>> -> memref<80x128xf32, #tpu.memory_space<vmem_shared>>
    %dma_wait3A_135 = arith.constant 0 : i32
    %dma_wait3A_136 = arith.constant 0 : i32
    %dma_wait3A_137 = tpu.memref_slice %arg7[%dma_wait3A_124, %dma_wait3A_135, %dma_wait3A_136] : memref<4x80x128xf32, #tpu.memory_space<vmem>> -> memref<1x80x128xf32, #tpu.memory_space<vmem>>
    %dma_wait3A_138 = tpu.memref_squeeze %dma_wait3A_137 : memref<1x80x128xf32, #tpu.memory_space<vmem>> -> memref<80x128xf32, #tpu.memory_space<vmem>>
    tpu.wait_dma2 semaphore(%arg17 : memref<!tpu.dma_semaphore, #tpu.memory_space<semaphore_mem>>) src(%dma_wait3A_138 : memref<80x128xf32, #tpu.memory_space<vmem>>) dst(%dma_wait3A_134 : memref<80x128xf32, #tpu.memory_space<vmem_shared>>)
    %barrier3A_139 = arith.constant 0 : index
    tpu.barrier barrier_id(%barrier3A_139)
    %mul3A_140 = arith.constant 640 : i32
    %mul3A_141 = arith.muli %arg1, %mul3A_140 : i32
    %mul3A_142 = arith.constant 640 : i32
    %mul3A_143 = arith.muli %arg1, %mul3A_142 : i32
    "tpu.region"() ({
      %run_scoped3A_144 = tpu.sem_alloc : memref<!tpu.dma_semaphore, #tpu.memory_space<semaphore_mem>>
      %dma_start3A_145 = arith.constant 0 : i32
      %dma_start3A_146 = tpu.memref_slice %arg5[%arg0, %mul3A_143, %dma_start3A_145] : memref<2x10240x128xf32, #tpu.memory_space<hbm>> -> memref<1x640x128xf32, #tpu.memory_space<hbm>>
      %dma_start3A_147 = tpu.memref_squeeze %dma_start3A_146 : memref<1x640x128xf32, #tpu.memory_space<hbm>> -> memref<640x128xf32, #tpu.memory_space<hbm>>
      %dma_start3A_148 = arith.constant 0 : i32
      %dma_start3A_149 = tpu.memref_slice %arg6[%mul3A_141, %dma_start3A_148] : memref<10240x128xf32, #tpu.memory_space<vmem_shared>> -> memref<640x128xf32, #tpu.memory_space<vmem_shared>>
      tpu.enqueue_dma source(%dma_start3A_149 : memref<640x128xf32, #tpu.memory_space<vmem_shared>>) target(%dma_start3A_147 : memref<640x128xf32, #tpu.memory_space<hbm>>) target_semaphore(%run_scoped3A_144 : memref<!tpu.dma_semaphore, #tpu.memory_space<semaphore_mem>>)
      %dma_wait3A_150 = arith.constant 0 : i32
      %dma_wait3A_151 = tpu.memref_slice %arg5[%arg0, %mul3A_143, %dma_wait3A_150] : memref<2x10240x128xf32, #tpu.memory_space<hbm>> -> memref<1x640x128xf32, #tpu.memory_space<hbm>>
      %dma_wait3A_152 = tpu.memref_squeeze %dma_wait3A_151 : memref<1x640x128xf32, #tpu.memory_space<hbm>> -> memref<640x128xf32, #tpu.memory_space<hbm>>
      %dma_wait3A_153 = arith.constant 0 : i32
      %dma_wait3A_154 = tpu.memref_slice %arg6[%mul3A_141, %dma_wait3A_153] : memref<10240x128xf32, #tpu.memory_space<vmem_shared>> -> memref<640x128xf32, #tpu.memory_space<vmem_shared>>
      tpu.wait_dma2 semaphore(%run_scoped3A_144 : memref<!tpu.dma_semaphore, #tpu.memory_space<semaphore_mem>>) src(%dma_wait3A_154 : memref<640x128xf32, #tpu.memory_space<vmem_shared>>) dst(%dma_wait3A_152 : memref<640x128xf32, #tpu.memory_space<hbm>>)
      tpu.yield
    }) : () -> ()
    return
  }
}

#map = affine_map<(d0, d1) -> (0, 0)>
#map1 = affine_map<(d0, d1) -> (0, 0, 0)>
module attributes {stable_mosaic.version = 14 : i64} {
  func.func @_agg_body(%arg0: i32, %arg1: i32, %arg2: memref<10000x128xf32, #tpu.memory_space<hbm>>, %arg3: memref<4096x80xi32, #tpu.memory_space<hbm>>, %arg4: memref<4096x80xi32, #tpu.memory_space<hbm>>, %arg5: memref<2x10240x128xf32, #tpu.memory_space<hbm>>, %arg6: memref<10240x128xf32, #tpu.memory_space<vmem_shared>>, %arg7: memref<4x80x128xf32, #tpu.memory_space<vmem>>, %arg8: memref<2x8x80xi32, #tpu.memory_space<vmem>>, %arg9: memref<2x8x80xi32, #tpu.memory_space<vmem>>, %arg10: memref<!tpu.dma_semaphore, #tpu.memory_space<semaphore_mem>>, %arg11: memref<!tpu.dma_semaphore, #tpu.memory_space<semaphore_mem>>, %arg12: memref<!tpu.dma_semaphore, #tpu.memory_space<semaphore_mem>>, %arg13: memref<!tpu.dma_semaphore, #tpu.memory_space<semaphore_mem>>, %arg14: memref<!tpu.dma_semaphore, #tpu.memory_space<semaphore_mem>>, %arg15: memref<!tpu.dma_semaphore, #tpu.memory_space<semaphore_mem>>, %arg16: memref<!tpu.dma_semaphore, #tpu.memory_space<semaphore_mem>>, %arg17: memref<!tpu.dma_semaphore, #tpu.memory_space<semaphore_mem>>) attributes {dimension_semantics = [#tpu.dimension_semantics<core_parallel>, #tpu.dimension_semantics<subcore_parallel>], iteration_bounds = array<i64: 2, 16>, scalar_prefetch = 0 : i64, scratch_operands = 12 : i64, tpu.core_type = #tpu.core_type<sc_vector_subcore>, window_params = [{transform_indices = #map}, {transform_indices = #map}, {transform_indices = #map}, {transform_indices = #map1}]} {
    %eq3A = arith.constant 0 : i32
    %eq3A_0 = arith.cmpi eq, %arg0, %eq3A : i32
    %jit3A = arith.constant 240 : i32
    %jit3A_1 = arith.constant 16 : i32
    %select_n3A = arith.select %eq3A_0, %jit3A, %jit3A_1 : i32
    %jit3A_2 = arith.constant 8 : i32
    %div3A = arith.divsi %select_n3A, %jit3A_2 : i32
    %sign3A = arith.constant 0 : i32
    %sign3A_3 = arith.cmpi sgt, %select_n3A, %sign3A : i32
    %sign3A_4 = arith.extui %sign3A_3 : i1 to i32
    %sign3A_5 = arith.constant 0 : i32
    %sign3A_6 = arith.cmpi slt, %select_n3A, %sign3A_5 : i32
    %sign3A_7 = arith.extui %sign3A_6 : i1 to i32
    %sign3A_8 = arith.subi %sign3A_4, %sign3A_7 : i32
    %sign3A_9 = arith.constant 0 : i32
    %sign3A_10 = arith.cmpi sgt, %jit3A_2, %sign3A_9 : i32
    %sign3A_11 = arith.extui %sign3A_10 : i1 to i32
    %sign3A_12 = arith.constant 0 : i32
    %sign3A_13 = arith.cmpi slt, %jit3A_2, %sign3A_12 : i32
    %sign3A_14 = arith.extui %sign3A_13 : i1 to i32
    %sign3A_15 = arith.subi %sign3A_11, %sign3A_14 : i32
    %ne3A = arith.cmpi ne, %sign3A_8, %sign3A_15 : i32
    %rem3A = arith.remsi %select_n3A, %jit3A_2 : i32
    %ne3A_16 = arith.constant 0 : i32
    %ne3A_17 = arith.cmpi ne, %rem3A, %ne3A_16 : i32
    %and3A = arith.andi %ne3A, %ne3A_17 : i1
    %sub3A = arith.constant 1 : i32
    %sub3A_18 = arith.subi %div3A, %sub3A : i32
    %select_n3A_19 = arith.select %and3A, %sub3A_18, %div3A : i32
    %eq3A_20 = arith.constant 0 : i32
    %eq3A_21 = arith.cmpi eq, %arg0, %eq3A_20 : i32
    %mul3A = arith.constant 240 : i32
    %mul3A_22 = arith.muli %arg1, %mul3A : i32
    %mul3A_23 = arith.constant 16 : i32
    %mul3A_24 = arith.muli %arg1, %mul3A_23 : i32
    %add3A = arith.constant 3840 : i32
    %add3A_25 = arith.addi %add3A, %mul3A_24 : i32
    %select_n3A_26 = arith.select %eq3A_21, %mul3A_22, %add3A_25 : i32
    %scan3A = arith.constant 0 : i32
    %scan3A_27 = arith.constant 0 : i32
    %scan3A_28 = arith.constant 80 : i32
    %scan3A_29 = arith.addi %scan3A_27, %scan3A_28 : i32
    %scan3A_30 = arith.constant 1 : i32
    %scan3A_31 = scf.for %scan3A_144 = %scan3A_27 to %scan3A_29 step %scan3A_30 iter_args(%scan3A_145 = %scan3A) -> (i32)  : i32 {
      %broadcast_in_dim3A = arith.constant 0.000000e+00 : f32
      %broadcast_in_dim3A_146 = vector.broadcast %broadcast_in_dim3A : f32 to vector<16xf32>
      %swap3A = arith.constant 0 : i32
      %swap3A_147 = arith.index_cast %swap3A : i32 to index
      %swap3A_148 = arith.index_cast %scan3A_144 : i32 to index
      %swap3A_149 = arith.constant 0 : index
      %swap3A_150 = tpu.vector_load %arg7[%swap3A_147, %swap3A_148, %swap3A_149] {strides = array<i32>} : memref<4x80x128xf32, #tpu.memory_space<vmem>>, vector<1x1x16xf32>,
      %swap3A_151 = vector.shape_cast %swap3A_150 : vector<1x1x16xf32> to vector<16xf32>
      %swap3A_152 = vector.shape_cast %broadcast_in_dim3A_146 : vector<16xf32> to vector<1x1x16xf32>
      tpu.vector_store %arg7[%swap3A_147, %swap3A_148, %swap3A_149], %swap3A_152 {strides = array<i32>} : memref<4x80x128xf32, #tpu.memory_space<vmem>>, vector<1x1x16xf32>,
      %broadcast_in_dim3A_153 = arith.constant 0.000000e+00 : f32
      %broadcast_in_dim3A_154 = vector.broadcast %broadcast_in_dim3A_153 : f32 to vector<16xf32>
      %swap3A_155 = arith.constant 0 : i32
      %swap3A_156 = arith.index_cast %swap3A_155 : i32 to index
      %swap3A_157 = arith.index_cast %scan3A_144 : i32 to index
      %swap3A_158 = arith.constant 16 : index
      %swap3A_159 = tpu.vector_load %arg7[%swap3A_156, %swap3A_157, %swap3A_158] {strides = array<i32>} : memref<4x80x128xf32, #tpu.memory_space<vmem>>, vector<1x1x16xf32>,
      %swap3A_160 = vector.shape_cast %swap3A_159 : vector<1x1x16xf32> to vector<16xf32>
      %swap3A_161 = vector.shape_cast %broadcast_in_dim3A_154 : vector<16xf32> to vector<1x1x16xf32>
      tpu.vector_store %arg7[%swap3A_156, %swap3A_157, %swap3A_158], %swap3A_161 {strides = array<i32>} : memref<4x80x128xf32, #tpu.memory_space<vmem>>, vector<1x1x16xf32>,
      %broadcast_in_dim3A_162 = arith.constant 0.000000e+00 : f32
      %broadcast_in_dim3A_163 = vector.broadcast %broadcast_in_dim3A_162 : f32 to vector<16xf32>
      %swap3A_164 = arith.constant 0 : i32
      %swap3A_165 = arith.index_cast %swap3A_164 : i32 to index
      %swap3A_166 = arith.index_cast %scan3A_144 : i32 to index
      %swap3A_167 = arith.constant 32 : index
      %swap3A_168 = tpu.vector_load %arg7[%swap3A_165, %swap3A_166, %swap3A_167] {strides = array<i32>} : memref<4x80x128xf32, #tpu.memory_space<vmem>>, vector<1x1x16xf32>,
      %swap3A_169 = vector.shape_cast %swap3A_168 : vector<1x1x16xf32> to vector<16xf32>
      %swap3A_170 = vector.shape_cast %broadcast_in_dim3A_163 : vector<16xf32> to vector<1x1x16xf32>
      tpu.vector_store %arg7[%swap3A_165, %swap3A_166, %swap3A_167], %swap3A_170 {strides = array<i32>} : memref<4x80x128xf32, #tpu.memory_space<vmem>>, vector<1x1x16xf32>,
      %broadcast_in_dim3A_171 = arith.constant 0.000000e+00 : f32
      %broadcast_in_dim3A_172 = vector.broadcast %broadcast_in_dim3A_171 : f32 to vector<16xf32>
      %swap3A_173 = arith.constant 0 : i32
      %swap3A_174 = arith.index_cast %swap3A_173 : i32 to index
      %swap3A_175 = arith.index_cast %scan3A_144 : i32 to index
      %swap3A_176 = arith.constant 48 : index
      %swap3A_177 = tpu.vector_load %arg7[%swap3A_174, %swap3A_175, %swap3A_176] {strides = array<i32>} : memref<4x80x128xf32, #tpu.memory_space<vmem>>, vector<1x1x16xf32>,
      %swap3A_178 = vector.shape_cast %swap3A_177 : vector<1x1x16xf32> to vector<16xf32>
      %swap3A_179 = vector.shape_cast %broadcast_in_dim3A_172 : vector<16xf32> to vector<1x1x16xf32>
      tpu.vector_store %arg7[%swap3A_174, %swap3A_175, %swap3A_176], %swap3A_179 {strides = array<i32>} : memref<4x80x128xf32, #tpu.memory_space<vmem>>, vector<1x1x16xf32>,
      %broadcast_in_dim3A_180 = arith.constant 0.000000e+00 : f32
      %broadcast_in_dim3A_181 = vector.broadcast %broadcast_in_dim3A_180 : f32 to vector<16xf32>
      %swap3A_182 = arith.constant 0 : i32
      %swap3A_183 = arith.index_cast %swap3A_182 : i32 to index
      %swap3A_184 = arith.index_cast %scan3A_144 : i32 to index
      %swap3A_185 = arith.constant 64 : index
      %swap3A_186 = tpu.vector_load %arg7[%swap3A_183, %swap3A_184, %swap3A_185] {strides = array<i32>} : memref<4x80x128xf32, #tpu.memory_space<vmem>>, vector<1x1x16xf32>,
      %swap3A_187 = vector.shape_cast %swap3A_186 : vector<1x1x16xf32> to vector<16xf32>
      %swap3A_188 = vector.shape_cast %broadcast_in_dim3A_181 : vector<16xf32> to vector<1x1x16xf32>
      tpu.vector_store %arg7[%swap3A_183, %swap3A_184, %swap3A_185], %swap3A_188 {strides = array<i32>} : memref<4x80x128xf32, #tpu.memory_space<vmem>>, vector<1x1x16xf32>,
      %broadcast_in_dim3A_189 = arith.constant 0.000000e+00 : f32
      %broadcast_in_dim3A_190 = vector.broadcast %broadcast_in_dim3A_189 : f32 to vector<16xf32>
      %swap3A_191 = arith.constant 0 : i32
      %swap3A_192 = arith.index_cast %swap3A_191 : i32 to index
      %swap3A_193 = arith.index_cast %scan3A_144 : i32 to index
      %swap3A_194 = arith.constant 80 : index
      %swap3A_195 = tpu.vector_load %arg7[%swap3A_192, %swap3A_193, %swap3A_194] {strides = array<i32>} : memref<4x80x128xf32, #tpu.memory_space<vmem>>, vector<1x1x16xf32>,
      %swap3A_196 = vector.shape_cast %swap3A_195 : vector<1x1x16xf32> to vector<16xf32>
      %swap3A_197 = vector.shape_cast %broadcast_in_dim3A_190 : vector<16xf32> to vector<1x1x16xf32>
      tpu.vector_store %arg7[%swap3A_192, %swap3A_193, %swap3A_194], %swap3A_197 {strides = array<i32>} : memref<4x80x128xf32, #tpu.memory_space<vmem>>, vector<1x1x16xf32>,
      %broadcast_in_dim3A_198 = arith.constant 0.000000e+00 : f32
      %broadcast_in_dim3A_199 = vector.broadcast %broadcast_in_dim3A_198 : f32 to vector<16xf32>
      %swap3A_200 = arith.constant 0 : i32
      %swap3A_201 = arith.index_cast %swap3A_200 : i32 to index
      %swap3A_202 = arith.index_cast %scan3A_144 : i32 to index
      %swap3A_203 = arith.constant 96 : index
      %swap3A_204 = tpu.vector_load %arg7[%swap3A_201, %swap3A_202, %swap3A_203] {strides = array<i32>} : memref<4x80x128xf32, #tpu.memory_space<vmem>>, vector<1x1x16xf32>,
      %swap3A_205 = vector.shape_cast %swap3A_204 : vector<1x1x16xf32> to vector<16xf32>
      %swap3A_206 = vector.shape_cast %broadcast_in_dim3A_199 : vector<16xf32> to vector<1x1x16xf32>
      tpu.vector_store %arg7[%swap3A_201, %swap3A_202, %swap3A_203], %swap3A_206 {strides = array<i32>} : memref<4x80x128xf32, #tpu.memory_space<vmem>>, vector<1x1x16xf32>,
      %broadcast_in_dim3A_207 = arith.constant 0.000000e+00 : f32
      %broadcast_in_dim3A_208 = vector.broadcast %broadcast_in_dim3A_207 : f32 to vector<16xf32>
      %swap3A_209 = arith.constant 0 : i32
      %swap3A_210 = arith.index_cast %swap3A_209 : i32 to index
      %swap3A_211 = arith.index_cast %scan3A_144 : i32 to index
      %swap3A_212 = arith.constant 112 : index
      %swap3A_213 = tpu.vector_load %arg7[%swap3A_210, %swap3A_211, %swap3A_212] {strides = array<i32>} : memref<4x80x128xf32, #tpu.memory_space<vmem>>, vector<1x1x16xf32>,
      %swap3A_214 = vector.shape_cast %swap3A_213 : vector<1x1x16xf32> to vector<16xf32>
      %swap3A_215 = vector.shape_cast %broadcast_in_dim3A_208 : vector<16xf32> to vector<1x1x16xf32>
      tpu.vector_store %arg7[%swap3A_210, %swap3A_211, %swap3A_212], %swap3A_215 {strides = array<i32>} : memref<4x80x128xf32, #tpu.memory_space<vmem>>, vector<1x1x16xf32>,
      %scan3A_216 = arith.constant 0 : i32
      scf.yield %scan3A_216 : i32
    }
    %scan3A_32 = arith.constant 80 : i32
    %mul3A_33 = arith.constant 640 : i32
    %mul3A_34 = arith.muli %arg1, %mul3A_33 : i32
    %add3A_35 = arith.constant 0 : i32
    %add3A_36 = arith.addi %mul3A_34, %add3A_35 : i32
    %run_scoped3A = arith.constant 0 : i32
    "tpu.region"() ({
      %run_scoped3A_144 = tpu.sem_alloc : memref<!tpu.dma_semaphore, #tpu.memory_space<semaphore_mem>>
      %dma_start3A_145 = arith.constant 0 : i32
      %dma_start3A_146 = arith.constant 0 : i32
      %dma_start3A_147 = tpu.memref_slice %arg7[%run_scoped3A, %dma_start3A_145, %dma_start3A_146] : memref<4x80x128xf32, #tpu.memory_space<vmem>> -> memref<1x80x128xf32, #tpu.memory_space<vmem>>
      %dma_start3A_148 = tpu.memref_squeeze %dma_start3A_147 : memref<1x80x128xf32, #tpu.memory_space<vmem>> -> memref<80x128xf32, #tpu.memory_space<vmem>>
      %dma_start3A_149 = arith.constant 0 : i32
      %dma_start3A_150 = tpu.memref_slice %arg6[%add3A_36, %dma_start3A_149] : memref<10240x128xf32, #tpu.memory_space<vmem_shared>> -> memref<80x128xf32, #tpu.memory_space<vmem_shared>>
      %dma_start3A_151 = arith.constant 0 : i32
      %dma_start3A_152 = tpu.memref_slice %arg6[%add3A_36, %dma_start3A_151] : memref<10240x128xf32, #tpu.memory_space<vmem_shared>> -> memref<80x128xf32, #tpu.memory_space<vmem_shared>>
      %dma_start3A_153 = arith.constant 0 : i32
      %dma_start3A_154 = arith.constant 0 : i32
      %dma_start3A_155 = tpu.memref_slice %arg7[%run_scoped3A, %dma_start3A_153, %dma_start3A_154] : memref<4x80x128xf32, #tpu.memory_space<vmem>> -> memref<1x80x128xf32, #tpu.memory_space<vmem>>
      %dma_start3A_156 = tpu.memref_squeeze %dma_start3A_155 : memref<1x80x128xf32, #tpu.memory_space<vmem>> -> memref<80x128xf32, #tpu.memory_space<vmem>>
      tpu.enqueue_dma source(%dma_start3A_156 : memref<80x128xf32, #tpu.memory_space<vmem>>) target(%dma_start3A_152 : memref<80x128xf32, #tpu.memory_space<vmem_shared>>) target_semaphore(%run_scoped3A_144 : memref<!tpu.dma_semaphore, #tpu.memory_space<semaphore_mem>>)
      %dma_wait3A_157 = arith.constant 0 : i32
      %dma_wait3A_158 = arith.constant 0 : i32
      %dma_wait3A_159 = tpu.memref_slice %arg7[%run_scoped3A, %dma_wait3A_157, %dma_wait3A_158] : memref<4x80x128xf32, #tpu.memory_space<vmem>> -> memref<1x80x128xf32, #tpu.memory_space<vmem>>
      %dma_wait3A_160 = tpu.memref_squeeze %dma_wait3A_159 : memref<1x80x128xf32, #tpu.memory_space<vmem>> -> memref<80x128xf32, #tpu.memory_space<vmem>>
      %dma_wait3A_161 = arith.constant 0 : i32
      %dma_wait3A_162 = tpu.memref_slice %arg6[%add3A_36, %dma_wait3A_161] : memref<10240x128xf32, #tpu.memory_space<vmem_shared>> -> memref<80x128xf32, #tpu.memory_space<vmem_shared>>
      %dma_wait3A_163 = arith.constant 0 : i32
      %dma_wait3A_164 = tpu.memref_slice %arg6[%add3A_36, %dma_wait3A_163] : memref<10240x128xf32, #tpu.memory_space<vmem_shared>> -> memref<80x128xf32, #tpu.memory_space<vmem_shared>>
      %dma_wait3A_165 = arith.constant 0 : i32
      %dma_wait3A_166 = arith.constant 0 : i32
      %dma_wait3A_167 = tpu.memref_slice %arg7[%run_scoped3A, %dma_wait3A_165, %dma_wait3A_166] : memref<4x80x128xf32, #tpu.memory_space<vmem>> -> memref<1x80x128xf32, #tpu.memory_space<vmem>>
      %dma_wait3A_168 = tpu.memref_squeeze %dma_wait3A_167 : memref<1x80x128xf32, #tpu.memory_space<vmem>> -> memref<80x128xf32, #tpu.memory_space<vmem>>
      tpu.wait_dma2 semaphore(%run_scoped3A_144 : memref<!tpu.dma_semaphore, #tpu.memory_space<semaphore_mem>>) src(%dma_wait3A_168 : memref<80x128xf32, #tpu.memory_space<vmem>>) dst(%dma_wait3A_164 : memref<80x128xf32, #tpu.memory_space<vmem_shared>>)
      tpu.yield
    }) : () -> ()
    %mul3A_37 = arith.constant 640 : i32
    %mul3A_38 = arith.muli %arg1, %mul3A_37 : i32
    %add3A_39 = arith.constant 80 : i32
    %add3A_40 = arith.addi %mul3A_38, %add3A_39 : i32
    %run_scoped3A_41 = arith.constant 0 : i32
    "tpu.region"() ({
      %run_scoped3A_144 = tpu.sem_alloc : memref<!tpu.dma_semaphore, #tpu.memory_space<semaphore_mem>>
      %dma_start3A_145 = arith.constant 0 : i32
      %dma_start3A_146 = arith.constant 0 : i32
      %dma_start3A_147 = tpu.memref_slice %arg7[%run_scoped3A_41, %dma_start3A_145, %dma_start3A_146] : memref<4x80x128xf32, #tpu.memory_space<vmem>> -> memref<1x80x128xf32, #tpu.memory_space<vmem>>
      %dma_start3A_148 = tpu.memref_squeeze %dma_start3A_147 : memref<1x80x128xf32, #tpu.memory_space<vmem>> -> memref<80x128xf32, #tpu.memory_space<vmem>>
      %dma_start3A_149 = arith.constant 0 : i32
      %dma_start3A_150 = tpu.memref_slice %arg6[%add3A_40, %dma_start3A_149] : memref<10240x128xf32, #tpu.memory_space<vmem_shared>> -> memref<80x128xf32, #tpu.memory_space<vmem_shared>>
      %dma_start3A_151 = arith.constant 0 : i32
      %dma_start3A_152 = tpu.memref_slice %arg6[%add3A_40, %dma_start3A_151] : memref<10240x128xf32, #tpu.memory_space<vmem_shared>> -> memref<80x128xf32, #tpu.memory_space<vmem_shared>>
      %dma_start3A_153 = arith.constant 0 : i32
      %dma_start3A_154 = arith.constant 0 : i32
      %dma_start3A_155 = tpu.memref_slice %arg7[%run_scoped3A_41, %dma_start3A_153, %dma_start3A_154] : memref<4x80x128xf32, #tpu.memory_space<vmem>> -> memref<1x80x128xf32, #tpu.memory_space<vmem>>
      %dma_start3A_156 = tpu.memref_squeeze %dma_start3A_155 : memref<1x80x128xf32, #tpu.memory_space<vmem>> -> memref<80x128xf32, #tpu.memory_space<vmem>>
      tpu.enqueue_dma source(%dma_start3A_156 : memref<80x128xf32, #tpu.memory_space<vmem>>) target(%dma_start3A_152 : memref<80x128xf32, #tpu.memory_space<vmem_shared>>) target_semaphore(%run_scoped3A_144 : memref<!tpu.dma_semaphore, #tpu.memory_space<semaphore_mem>>)
      %dma_wait3A_157 = arith.constant 0 : i32
      %dma_wait3A_158 = arith.constant 0 : i32
      %dma_wait3A_159 = tpu.memref_slice %arg7[%run_scoped3A_41, %dma_wait3A_157, %dma_wait3A_158] : memref<4x80x128xf32, #tpu.memory_space<vmem>> -> memref<1x80x128xf32, #tpu.memory_space<vmem>>
      %dma_wait3A_160 = tpu.memref_squeeze %dma_wait3A_159 : memref<1x80x128xf32, #tpu.memory_space<vmem>> -> memref<80x128xf32, #tpu.memory_space<vmem>>
      %dma_wait3A_161 = arith.constant 0 : i32
      %dma_wait3A_162 = tpu.memref_slice %arg6[%add3A_40, %dma_wait3A_161] : memref<10240x128xf32, #tpu.memory_space<vmem_shared>> -> memref<80x128xf32, #tpu.memory_space<vmem_shared>>
      %dma_wait3A_163 = arith.constant 0 : i32
      %dma_wait3A_164 = tpu.memref_slice %arg6[%add3A_40, %dma_wait3A_163] : memref<10240x128xf32, #tpu.memory_space<vmem_shared>> -> memref<80x128xf32, #tpu.memory_space<vmem_shared>>
      %dma_wait3A_165 = arith.constant 0 : i32
      %dma_wait3A_166 = arith.constant 0 : i32
      %dma_wait3A_167 = tpu.memref_slice %arg7[%run_scoped3A_41, %dma_wait3A_165, %dma_wait3A_166] : memref<4x80x128xf32, #tpu.memory_space<vmem>> -> memref<1x80x128xf32, #tpu.memory_space<vmem>>
      %dma_wait3A_168 = tpu.memref_squeeze %dma_wait3A_167 : memref<1x80x128xf32, #tpu.memory_space<vmem>> -> memref<80x128xf32, #tpu.memory_space<vmem>>
      tpu.wait_dma2 semaphore(%run_scoped3A_144 : memref<!tpu.dma_semaphore, #tpu.memory_space<semaphore_mem>>) src(%dma_wait3A_168 : memref<80x128xf32, #tpu.memory_space<vmem>>) dst(%dma_wait3A_164 : memref<80x128xf32, #tpu.memory_space<vmem_shared>>)
      tpu.yield
    }) : () -> ()
    %mul3A_42 = arith.constant 640 : i32
    %mul3A_43 = arith.muli %arg1, %mul3A_42 : i32
    %add3A_44 = arith.constant 160 : i32
    %add3A_45 = arith.addi %mul3A_43, %add3A_44 : i32
    %run_scoped3A_46 = arith.constant 0 : i32
    "tpu.region"() ({
      %run_scoped3A_144 = tpu.sem_alloc : memref<!tpu.dma_semaphore, #tpu.memory_space<semaphore_mem>>
      %dma_start3A_145 = arith.constant 0 : i32
      %dma_start3A_146 = arith.constant 0 : i32
      %dma_start3A_147 = tpu.memref_slice %arg7[%run_scoped3A_46, %dma_start3A_145, %dma_start3A_146] : memref<4x80x128xf32, #tpu.memory_space<vmem>> -> memref<1x80x128xf32, #tpu.memory_space<vmem>>
      %dma_start3A_148 = tpu.memref_squeeze %dma_start3A_147 : memref<1x80x128xf32, #tpu.memory_space<vmem>> -> memref<80x128xf32, #tpu.memory_space<vmem>>
      %dma_start3A_149 = arith.constant 0 : i32
      %dma_start3A_150 = tpu.memref_slice %arg6[%add3A_45, %dma_start3A_149] : memref<10240x128xf32, #tpu.memory_space<vmem_shared>> -> memref<80x128xf32, #tpu.memory_space<vmem_shared>>
      %dma_start3A_151 = arith.constant 0 : i32
      %dma_start3A_152 = tpu.memref_slice %arg6[%add3A_45, %dma_start3A_151] : memref<10240x128xf32, #tpu.memory_space<vmem_shared>> -> memref<80x128xf32, #tpu.memory_space<vmem_shared>>
      %dma_start3A_153 = arith.constant 0 : i32
      %dma_start3A_154 = arith.constant 0 : i32
      %dma_start3A_155 = tpu.memref_slice %arg7[%run_scoped3A_46, %dma_start3A_153, %dma_start3A_154] : memref<4x80x128xf32, #tpu.memory_space<vmem>> -> memref<1x80x128xf32, #tpu.memory_space<vmem>>
      %dma_start3A_156 = tpu.memref_squeeze %dma_start3A_155 : memref<1x80x128xf32, #tpu.memory_space<vmem>> -> memref<80x128xf32, #tpu.memory_space<vmem>>
      tpu.enqueue_dma source(%dma_start3A_156 : memref<80x128xf32, #tpu.memory_space<vmem>>) target(%dma_start3A_152 : memref<80x128xf32, #tpu.memory_space<vmem_shared>>) target_semaphore(%run_scoped3A_144 : memref<!tpu.dma_semaphore, #tpu.memory_space<semaphore_mem>>)
      %dma_wait3A_157 = arith.constant 0 : i32
      %dma_wait3A_158 = arith.constant 0 : i32
      %dma_wait3A_159 = tpu.memref_slice %arg7[%run_scoped3A_46, %dma_wait3A_157, %dma_wait3A_158] : memref<4x80x128xf32, #tpu.memory_space<vmem>> -> memref<1x80x128xf32, #tpu.memory_space<vmem>>
      %dma_wait3A_160 = tpu.memref_squeeze %dma_wait3A_159 : memref<1x80x128xf32, #tpu.memory_space<vmem>> -> memref<80x128xf32, #tpu.memory_space<vmem>>
      %dma_wait3A_161 = arith.constant 0 : i32
      %dma_wait3A_162 = tpu.memref_slice %arg6[%add3A_45, %dma_wait3A_161] : memref<10240x128xf32, #tpu.memory_space<vmem_shared>> -> memref<80x128xf32, #tpu.memory_space<vmem_shared>>
      %dma_wait3A_163 = arith.constant 0 : i32
      %dma_wait3A_164 = tpu.memref_slice %arg6[%add3A_45, %dma_wait3A_163] : memref<10240x128xf32, #tpu.memory_space<vmem_shared>> -> memref<80x128xf32, #tpu.memory_space<vmem_shared>>
      %dma_wait3A_165 = arith.constant 0 : i32
      %dma_wait3A_166 = arith.constant 0 : i32
      %dma_wait3A_167 = tpu.memref_slice %arg7[%run_scoped3A_46, %dma_wait3A_165, %dma_wait3A_166] : memref<4x80x128xf32, #tpu.memory_space<vmem>> -> memref<1x80x128xf32, #tpu.memory_space<vmem>>
      %dma_wait3A_168 = tpu.memref_squeeze %dma_wait3A_167 : memref<1x80x128xf32, #tpu.memory_space<vmem>> -> memref<80x128xf32, #tpu.memory_space<vmem>>
      tpu.wait_dma2 semaphore(%run_scoped3A_144 : memref<!tpu.dma_semaphore, #tpu.memory_space<semaphore_mem>>) src(%dma_wait3A_168 : memref<80x128xf32, #tpu.memory_space<vmem>>) dst(%dma_wait3A_164 : memref<80x128xf32, #tpu.memory_space<vmem_shared>>)
      tpu.yield
    }) : () -> ()
    %mul3A_47 = arith.constant 640 : i32
    %mul3A_48 = arith.muli %arg1, %mul3A_47 : i32
    %add3A_49 = arith.constant 240 : i32
    %add3A_50 = arith.addi %mul3A_48, %add3A_49 : i32
    %run_scoped3A_51 = arith.constant 0 : i32
    "tpu.region"() ({
      %run_scoped3A_144 = tpu.sem_alloc : memref<!tpu.dma_semaphore, #tpu.memory_space<semaphore_mem>>
      %dma_start3A_145 = arith.constant 0 : i32
      %dma_start3A_146 = arith.constant 0 : i32
      %dma_start3A_147 = tpu.memref_slice %arg7[%run_scoped3A_51, %dma_start3A_145, %dma_start3A_146] : memref<4x80x128xf32, #tpu.memory_space<vmem>> -> memref<1x80x128xf32, #tpu.memory_space<vmem>>
      %dma_start3A_148 = tpu.memref_squeeze %dma_start3A_147 : memref<1x80x128xf32, #tpu.memory_space<vmem>> -> memref<80x128xf32, #tpu.memory_space<vmem>>
      %dma_start3A_149 = arith.constant 0 : i32
      %dma_start3A_150 = tpu.memref_slice %arg6[%add3A_50, %dma_start3A_149] : memref<10240x128xf32, #tpu.memory_space<vmem_shared>> -> memref<80x128xf32, #tpu.memory_space<vmem_shared>>
      %dma_start3A_151 = arith.constant 0 : i32
      %dma_start3A_152 = tpu.memref_slice %arg6[%add3A_50, %dma_start3A_151] : memref<10240x128xf32, #tpu.memory_space<vmem_shared>> -> memref<80x128xf32, #tpu.memory_space<vmem_shared>>
      %dma_start3A_153 = arith.constant 0 : i32
      %dma_start3A_154 = arith.constant 0 : i32
      %dma_start3A_155 = tpu.memref_slice %arg7[%run_scoped3A_51, %dma_start3A_153, %dma_start3A_154] : memref<4x80x128xf32, #tpu.memory_space<vmem>> -> memref<1x80x128xf32, #tpu.memory_space<vmem>>
      %dma_start3A_156 = tpu.memref_squeeze %dma_start3A_155 : memref<1x80x128xf32, #tpu.memory_space<vmem>> -> memref<80x128xf32, #tpu.memory_space<vmem>>
      tpu.enqueue_dma source(%dma_start3A_156 : memref<80x128xf32, #tpu.memory_space<vmem>>) target(%dma_start3A_152 : memref<80x128xf32, #tpu.memory_space<vmem_shared>>) target_semaphore(%run_scoped3A_144 : memref<!tpu.dma_semaphore, #tpu.memory_space<semaphore_mem>>)
      %dma_wait3A_157 = arith.constant 0 : i32
      %dma_wait3A_158 = arith.constant 0 : i32
      %dma_wait3A_159 = tpu.memref_slice %arg7[%run_scoped3A_51, %dma_wait3A_157, %dma_wait3A_158] : memref<4x80x128xf32, #tpu.memory_space<vmem>> -> memref<1x80x128xf32, #tpu.memory_space<vmem>>
      %dma_wait3A_160 = tpu.memref_squeeze %dma_wait3A_159 : memref<1x80x128xf32, #tpu.memory_space<vmem>> -> memref<80x128xf32, #tpu.memory_space<vmem>>
      %dma_wait3A_161 = arith.constant 0 : i32
      %dma_wait3A_162 = tpu.memref_slice %arg6[%add3A_50, %dma_wait3A_161] : memref<10240x128xf32, #tpu.memory_space<vmem_shared>> -> memref<80x128xf32, #tpu.memory_space<vmem_shared>>
      %dma_wait3A_163 = arith.constant 0 : i32
      %dma_wait3A_164 = tpu.memref_slice %arg6[%add3A_50, %dma_wait3A_163] : memref<10240x128xf32, #tpu.memory_space<vmem_shared>> -> memref<80x128xf32, #tpu.memory_space<vmem_shared>>
      %dma_wait3A_165 = arith.constant 0 : i32
      %dma_wait3A_166 = arith.constant 0 : i32
      %dma_wait3A_167 = tpu.memref_slice %arg7[%run_scoped3A_51, %dma_wait3A_165, %dma_wait3A_166] : memref<4x80x128xf32, #tpu.memory_space<vmem>> -> memref<1x80x128xf32, #tpu.memory_space<vmem>>
      %dma_wait3A_168 = tpu.memref_squeeze %dma_wait3A_167 : memref<1x80x128xf32, #tpu.memory_space<vmem>> -> memref<80x128xf32, #tpu.memory_space<vmem>>
      tpu.wait_dma2 semaphore(%run_scoped3A_144 : memref<!tpu.dma_semaphore, #tpu.memory_space<semaphore_mem>>) src(%dma_wait3A_168 : memref<80x128xf32, #tpu.memory_space<vmem>>) dst(%dma_wait3A_164 : memref<80x128xf32, #tpu.memory_space<vmem_shared>>)
      tpu.yield
    }) : () -> ()
    %mul3A_52 = arith.constant 640 : i32
    %mul3A_53 = arith.muli %arg1, %mul3A_52 : i32
    %add3A_54 = arith.constant 320 : i32
    %add3A_55 = arith.addi %mul3A_53, %add3A_54 : i32
    %run_scoped3A_56 = arith.constant 0 : i32
    "tpu.region"() ({
      %run_scoped3A_144 = tpu.sem_alloc : memref<!tpu.dma_semaphore, #tpu.memory_space<semaphore_mem>>
      %dma_start3A_145 = arith.constant 0 : i32
      %dma_start3A_146 = arith.constant 0 : i32
      %dma_start3A_147 = tpu.memref_slice %arg7[%run_scoped3A_56, %dma_start3A_145, %dma_start3A_146] : memref<4x80x128xf32, #tpu.memory_space<vmem>> -> memref<1x80x128xf32, #tpu.memory_space<vmem>>
      %dma_start3A_148 = tpu.memref_squeeze %dma_start3A_147 : memref<1x80x128xf32, #tpu.memory_space<vmem>> -> memref<80x128xf32, #tpu.memory_space<vmem>>
      %dma_start3A_149 = arith.constant 0 : i32
      %dma_start3A_150 = tpu.memref_slice %arg6[%add3A_55, %dma_start3A_149] : memref<10240x128xf32, #tpu.memory_space<vmem_shared>> -> memref<80x128xf32, #tpu.memory_space<vmem_shared>>
      %dma_start3A_151 = arith.constant 0 : i32
      %dma_start3A_152 = tpu.memref_slice %arg6[%add3A_55, %dma_start3A_151] : memref<10240x128xf32, #tpu.memory_space<vmem_shared>> -> memref<80x128xf32, #tpu.memory_space<vmem_shared>>
      %dma_start3A_153 = arith.constant 0 : i32
      %dma_start3A_154 = arith.constant 0 : i32
      %dma_start3A_155 = tpu.memref_slice %arg7[%run_scoped3A_56, %dma_start3A_153, %dma_start3A_154] : memref<4x80x128xf32, #tpu.memory_space<vmem>> -> memref<1x80x128xf32, #tpu.memory_space<vmem>>
      %dma_start3A_156 = tpu.memref_squeeze %dma_start3A_155 : memref<1x80x128xf32, #tpu.memory_space<vmem>> -> memref<80x128xf32, #tpu.memory_space<vmem>>
      tpu.enqueue_dma source(%dma_start3A_156 : memref<80x128xf32, #tpu.memory_space<vmem>>) target(%dma_start3A_152 : memref<80x128xf32, #tpu.memory_space<vmem_shared>>) target_semaphore(%run_scoped3A_144 : memref<!tpu.dma_semaphore, #tpu.memory_space<semaphore_mem>>)
      %dma_wait3A_157 = arith.constant 0 : i32
      %dma_wait3A_158 = arith.constant 0 : i32
      %dma_wait3A_159 = tpu.memref_slice %arg7[%run_scoped3A_56, %dma_wait3A_157, %dma_wait3A_158] : memref<4x80x128xf32, #tpu.memory_space<vmem>> -> memref<1x80x128xf32, #tpu.memory_space<vmem>>
      %dma_wait3A_160 = tpu.memref_squeeze %dma_wait3A_159 : memref<1x80x128xf32, #tpu.memory_space<vmem>> -> memref<80x128xf32, #tpu.memory_space<vmem>>
      %dma_wait3A_161 = arith.constant 0 : i32
      %dma_wait3A_162 = tpu.memref_slice %arg6[%add3A_55, %dma_wait3A_161] : memref<10240x128xf32, #tpu.memory_space<vmem_shared>> -> memref<80x128xf32, #tpu.memory_space<vmem_shared>>
      %dma_wait3A_163 = arith.constant 0 : i32
      %dma_wait3A_164 = tpu.memref_slice %arg6[%add3A_55, %dma_wait3A_163] : memref<10240x128xf32, #tpu.memory_space<vmem_shared>> -> memref<80x128xf32, #tpu.memory_space<vmem_shared>>
      %dma_wait3A_165 = arith.constant 0 : i32
      %dma_wait3A_166 = arith.constant 0 : i32
      %dma_wait3A_167 = tpu.memref_slice %arg7[%run_scoped3A_56, %dma_wait3A_165, %dma_wait3A_166] : memref<4x80x128xf32, #tpu.memory_space<vmem>> -> memref<1x80x128xf32, #tpu.memory_space<vmem>>
      %dma_wait3A_168 = tpu.memref_squeeze %dma_wait3A_167 : memref<1x80x128xf32, #tpu.memory_space<vmem>> -> memref<80x128xf32, #tpu.memory_space<vmem>>
      tpu.wait_dma2 semaphore(%run_scoped3A_144 : memref<!tpu.dma_semaphore, #tpu.memory_space<semaphore_mem>>) src(%dma_wait3A_168 : memref<80x128xf32, #tpu.memory_space<vmem>>) dst(%dma_wait3A_164 : memref<80x128xf32, #tpu.memory_space<vmem_shared>>)
      tpu.yield
    }) : () -> ()
    %mul3A_57 = arith.constant 640 : i32
    %mul3A_58 = arith.muli %arg1, %mul3A_57 : i32
    %add3A_59 = arith.constant 400 : i32
    %add3A_60 = arith.addi %mul3A_58, %add3A_59 : i32
    %run_scoped3A_61 = arith.constant 0 : i32
    "tpu.region"() ({
      %run_scoped3A_144 = tpu.sem_alloc : memref<!tpu.dma_semaphore, #tpu.memory_space<semaphore_mem>>
      %dma_start3A_145 = arith.constant 0 : i32
      %dma_start3A_146 = arith.constant 0 : i32
      %dma_start3A_147 = tpu.memref_slice %arg7[%run_scoped3A_61, %dma_start3A_145, %dma_start3A_146] : memref<4x80x128xf32, #tpu.memory_space<vmem>> -> memref<1x80x128xf32, #tpu.memory_space<vmem>>
      %dma_start3A_148 = tpu.memref_squeeze %dma_start3A_147 : memref<1x80x128xf32, #tpu.memory_space<vmem>> -> memref<80x128xf32, #tpu.memory_space<vmem>>
      %dma_start3A_149 = arith.constant 0 : i32
      %dma_start3A_150 = tpu.memref_slice %arg6[%add3A_60, %dma_start3A_149] : memref<10240x128xf32, #tpu.memory_space<vmem_shared>> -> memref<80x128xf32, #tpu.memory_space<vmem_shared>>
      %dma_start3A_151 = arith.constant 0 : i32
      %dma_start3A_152 = tpu.memref_slice %arg6[%add3A_60, %dma_start3A_151] : memref<10240x128xf32, #tpu.memory_space<vmem_shared>> -> memref<80x128xf32, #tpu.memory_space<vmem_shared>>
      %dma_start3A_153 = arith.constant 0 : i32
      %dma_start3A_154 = arith.constant 0 : i32
      %dma_start3A_155 = tpu.memref_slice %arg7[%run_scoped3A_61, %dma_start3A_153, %dma_start3A_154] : memref<4x80x128xf32, #tpu.memory_space<vmem>> -> memref<1x80x128xf32, #tpu.memory_space<vmem>>
      %dma_start3A_156 = tpu.memref_squeeze %dma_start3A_155 : memref<1x80x128xf32, #tpu.memory_space<vmem>> -> memref<80x128xf32, #tpu.memory_space<vmem>>
      tpu.enqueue_dma source(%dma_start3A_156 : memref<80x128xf32, #tpu.memory_space<vmem>>) target(%dma_start3A_152 : memref<80x128xf32, #tpu.memory_space<vmem_shared>>) target_semaphore(%run_scoped3A_144 : memref<!tpu.dma_semaphore, #tpu.memory_space<semaphore_mem>>)
      %dma_wait3A_157 = arith.constant 0 : i32
      %dma_wait3A_158 = arith.constant 0 : i32
      %dma_wait3A_159 = tpu.memref_slice %arg7[%run_scoped3A_61, %dma_wait3A_157, %dma_wait3A_158] : memref<4x80x128xf32, #tpu.memory_space<vmem>> -> memref<1x80x128xf32, #tpu.memory_space<vmem>>
      %dma_wait3A_160 = tpu.memref_squeeze %dma_wait3A_159 : memref<1x80x128xf32, #tpu.memory_space<vmem>> -> memref<80x128xf32, #tpu.memory_space<vmem>>
      %dma_wait3A_161 = arith.constant 0 : i32
      %dma_wait3A_162 = tpu.memref_slice %arg6[%add3A_60, %dma_wait3A_161] : memref<10240x128xf32, #tpu.memory_space<vmem_shared>> -> memref<80x128xf32, #tpu.memory_space<vmem_shared>>
      %dma_wait3A_163 = arith.constant 0 : i32
      %dma_wait3A_164 = tpu.memref_slice %arg6[%add3A_60, %dma_wait3A_163] : memref<10240x128xf32, #tpu.memory_space<vmem_shared>> -> memref<80x128xf32, #tpu.memory_space<vmem_shared>>
      %dma_wait3A_165 = arith.constant 0 : i32
      %dma_wait3A_166 = arith.constant 0 : i32
      %dma_wait3A_167 = tpu.memref_slice %arg7[%run_scoped3A_61, %dma_wait3A_165, %dma_wait3A_166] : memref<4x80x128xf32, #tpu.memory_space<vmem>> -> memref<1x80x128xf32, #tpu.memory_space<vmem>>
      %dma_wait3A_168 = tpu.memref_squeeze %dma_wait3A_167 : memref<1x80x128xf32, #tpu.memory_space<vmem>> -> memref<80x128xf32, #tpu.memory_space<vmem>>
      tpu.wait_dma2 semaphore(%run_scoped3A_144 : memref<!tpu.dma_semaphore, #tpu.memory_space<semaphore_mem>>) src(%dma_wait3A_168 : memref<80x128xf32, #tpu.memory_space<vmem>>) dst(%dma_wait3A_164 : memref<80x128xf32, #tpu.memory_space<vmem_shared>>)
      tpu.yield
    }) : () -> ()
    %mul3A_62 = arith.constant 640 : i32
    %mul3A_63 = arith.muli %arg1, %mul3A_62 : i32
    %add3A_64 = arith.constant 480 : i32
    %add3A_65 = arith.addi %mul3A_63, %add3A_64 : i32
    %run_scoped3A_66 = arith.constant 0 : i32
    "tpu.region"() ({
      %run_scoped3A_144 = tpu.sem_alloc : memref<!tpu.dma_semaphore, #tpu.memory_space<semaphore_mem>>
      %dma_start3A_145 = arith.constant 0 : i32
      %dma_start3A_146 = arith.constant 0 : i32
      %dma_start3A_147 = tpu.memref_slice %arg7[%run_scoped3A_66, %dma_start3A_145, %dma_start3A_146] : memref<4x80x128xf32, #tpu.memory_space<vmem>> -> memref<1x80x128xf32, #tpu.memory_space<vmem>>
      %dma_start3A_148 = tpu.memref_squeeze %dma_start3A_147 : memref<1x80x128xf32, #tpu.memory_space<vmem>> -> memref<80x128xf32, #tpu.memory_space<vmem>>
      %dma_start3A_149 = arith.constant 0 : i32
      %dma_start3A_150 = tpu.memref_slice %arg6[%add3A_65, %dma_start3A_149] : memref<10240x128xf32, #tpu.memory_space<vmem_shared>> -> memref<80x128xf32, #tpu.memory_space<vmem_shared>>
      %dma_start3A_151 = arith.constant 0 : i32
      %dma_start3A_152 = tpu.memref_slice %arg6[%add3A_65, %dma_start3A_151] : memref<10240x128xf32, #tpu.memory_space<vmem_shared>> -> memref<80x128xf32, #tpu.memory_space<vmem_shared>>
      %dma_start3A_153 = arith.constant 0 : i32
      %dma_start3A_154 = arith.constant 0 : i32
      %dma_start3A_155 = tpu.memref_slice %arg7[%run_scoped3A_66, %dma_start3A_153, %dma_start3A_154] : memref<4x80x128xf32, #tpu.memory_space<vmem>> -> memref<1x80x128xf32, #tpu.memory_space<vmem>>
      %dma_start3A_156 = tpu.memref_squeeze %dma_start3A_155 : memref<1x80x128xf32, #tpu.memory_space<vmem>> -> memref<80x128xf32, #tpu.memory_space<vmem>>
      tpu.enqueue_dma source(%dma_start3A_156 : memref<80x128xf32, #tpu.memory_space<vmem>>) target(%dma_start3A_152 : memref<80x128xf32, #tpu.memory_space<vmem_shared>>) target_semaphore(%run_scoped3A_144 : memref<!tpu.dma_semaphore, #tpu.memory_space<semaphore_mem>>)
      %dma_wait3A_157 = arith.constant 0 : i32
      %dma_wait3A_158 = arith.constant 0 : i32
      %dma_wait3A_159 = tpu.memref_slice %arg7[%run_scoped3A_66, %dma_wait3A_157, %dma_wait3A_158] : memref<4x80x128xf32, #tpu.memory_space<vmem>> -> memref<1x80x128xf32, #tpu.memory_space<vmem>>
      %dma_wait3A_160 = tpu.memref_squeeze %dma_wait3A_159 : memref<1x80x128xf32, #tpu.memory_space<vmem>> -> memref<80x128xf32, #tpu.memory_space<vmem>>
      %dma_wait3A_161 = arith.constant 0 : i32
      %dma_wait3A_162 = tpu.memref_slice %arg6[%add3A_65, %dma_wait3A_161] : memref<10240x128xf32, #tpu.memory_space<vmem_shared>> -> memref<80x128xf32, #tpu.memory_space<vmem_shared>>
      %dma_wait3A_163 = arith.constant 0 : i32
      %dma_wait3A_164 = tpu.memref_slice %arg6[%add3A_65, %dma_wait3A_163] : memref<10240x128xf32, #tpu.memory_space<vmem_shared>> -> memref<80x128xf32, #tpu.memory_space<vmem_shared>>
      %dma_wait3A_165 = arith.constant 0 : i32
      %dma_wait3A_166 = arith.constant 0 : i32
      %dma_wait3A_167 = tpu.memref_slice %arg7[%run_scoped3A_66, %dma_wait3A_165, %dma_wait3A_166] : memref<4x80x128xf32, #tpu.memory_space<vmem>> -> memref<1x80x128xf32, #tpu.memory_space<vmem>>
      %dma_wait3A_168 = tpu.memref_squeeze %dma_wait3A_167 : memref<1x80x128xf32, #tpu.memory_space<vmem>> -> memref<80x128xf32, #tpu.memory_space<vmem>>
      tpu.wait_dma2 semaphore(%run_scoped3A_144 : memref<!tpu.dma_semaphore, #tpu.memory_space<semaphore_mem>>) src(%dma_wait3A_168 : memref<80x128xf32, #tpu.memory_space<vmem>>) dst(%dma_wait3A_164 : memref<80x128xf32, #tpu.memory_space<vmem_shared>>)
      tpu.yield
    }) : () -> ()
    %mul3A_67 = arith.constant 640 : i32
    %mul3A_68 = arith.muli %arg1, %mul3A_67 : i32
    %add3A_69 = arith.constant 560 : i32
    %add3A_70 = arith.addi %mul3A_68, %add3A_69 : i32
    %run_scoped3A_71 = arith.constant 0 : i32
    "tpu.region"() ({
      %run_scoped3A_144 = tpu.sem_alloc : memref<!tpu.dma_semaphore, #tpu.memory_space<semaphore_mem>>
      %dma_start3A_145 = arith.constant 0 : i32
      %dma_start3A_146 = arith.constant 0 : i32
      %dma_start3A_147 = tpu.memref_slice %arg7[%run_scoped3A_71, %dma_start3A_145, %dma_start3A_146] : memref<4x80x128xf32, #tpu.memory_space<vmem>> -> memref<1x80x128xf32, #tpu.memory_space<vmem>>
      %dma_start3A_148 = tpu.memref_squeeze %dma_start3A_147 : memref<1x80x128xf32, #tpu.memory_space<vmem>> -> memref<80x128xf32, #tpu.memory_space<vmem>>
      %dma_start3A_149 = arith.constant 0 : i32
      %dma_start3A_150 = tpu.memref_slice %arg6[%add3A_70, %dma_start3A_149] : memref<10240x128xf32, #tpu.memory_space<vmem_shared>> -> memref<80x128xf32, #tpu.memory_space<vmem_shared>>
      %dma_start3A_151 = arith.constant 0 : i32
      %dma_start3A_152 = tpu.memref_slice %arg6[%add3A_70, %dma_start3A_151] : memref<10240x128xf32, #tpu.memory_space<vmem_shared>> -> memref<80x128xf32, #tpu.memory_space<vmem_shared>>
      %dma_start3A_153 = arith.constant 0 : i32
      %dma_start3A_154 = arith.constant 0 : i32
      %dma_start3A_155 = tpu.memref_slice %arg7[%run_scoped3A_71, %dma_start3A_153, %dma_start3A_154] : memref<4x80x128xf32, #tpu.memory_space<vmem>> -> memref<1x80x128xf32, #tpu.memory_space<vmem>>
      %dma_start3A_156 = tpu.memref_squeeze %dma_start3A_155 : memref<1x80x128xf32, #tpu.memory_space<vmem>> -> memref<80x128xf32, #tpu.memory_space<vmem>>
      tpu.enqueue_dma source(%dma_start3A_156 : memref<80x128xf32, #tpu.memory_space<vmem>>) target(%dma_start3A_152 : memref<80x128xf32, #tpu.memory_space<vmem_shared>>) target_semaphore(%run_scoped3A_144 : memref<!tpu.dma_semaphore, #tpu.memory_space<semaphore_mem>>)
      %dma_wait3A_157 = arith.constant 0 : i32
      %dma_wait3A_158 = arith.constant 0 : i32
      %dma_wait3A_159 = tpu.memref_slice %arg7[%run_scoped3A_71, %dma_wait3A_157, %dma_wait3A_158] : memref<4x80x128xf32, #tpu.memory_space<vmem>> -> memref<1x80x128xf32, #tpu.memory_space<vmem>>
      %dma_wait3A_160 = tpu.memref_squeeze %dma_wait3A_159 : memref<1x80x128xf32, #tpu.memory_space<vmem>> -> memref<80x128xf32, #tpu.memory_space<vmem>>
      %dma_wait3A_161 = arith.constant 0 : i32
      %dma_wait3A_162 = tpu.memref_slice %arg6[%add3A_70, %dma_wait3A_161] : memref<10240x128xf32, #tpu.memory_space<vmem_shared>> -> memref<80x128xf32, #tpu.memory_space<vmem_shared>>
      %dma_wait3A_163 = arith.constant 0 : i32
      %dma_wait3A_164 = tpu.memref_slice %arg6[%add3A_70, %dma_wait3A_163] : memref<10240x128xf32, #tpu.memory_space<vmem_shared>> -> memref<80x128xf32, #tpu.memory_space<vmem_shared>>
      %dma_wait3A_165 = arith.constant 0 : i32
      %dma_wait3A_166 = arith.constant 0 : i32
      %dma_wait3A_167 = tpu.memref_slice %arg7[%run_scoped3A_71, %dma_wait3A_165, %dma_wait3A_166] : memref<4x80x128xf32, #tpu.memory_space<vmem>> -> memref<1x80x128xf32, #tpu.memory_space<vmem>>
      %dma_wait3A_168 = tpu.memref_squeeze %dma_wait3A_167 : memref<1x80x128xf32, #tpu.memory_space<vmem>> -> memref<80x128xf32, #tpu.memory_space<vmem>>
      tpu.wait_dma2 semaphore(%run_scoped3A_144 : memref<!tpu.dma_semaphore, #tpu.memory_space<semaphore_mem>>) src(%dma_wait3A_168 : memref<80x128xf32, #tpu.memory_space<vmem>>) dst(%dma_wait3A_164 : memref<80x128xf32, #tpu.memory_space<vmem_shared>>)
      tpu.yield
    }) : () -> ()
    %barrier3A = arith.constant 0 : index
    tpu.barrier barrier_id(%barrier3A)
    %run_scoped3A_72 = arith.constant 0 : i32
    "tpu.region"() ({
      %run_scoped3A_144 = tpu.sem_alloc : memref<!tpu.dma_semaphore, #tpu.memory_space<semaphore_mem>>
      %dma_start3A_145 = arith.constant 0 : i32
      %dma_start3A_146 = arith.constant 0 : i32
      %dma_start3A_147 = tpu.memref_slice %arg8[%run_scoped3A_72, %dma_start3A_145, %dma_start3A_146] : memref<2x8x80xi32, #tpu.memory_space<vmem>> -> memref<1x8x80xi32, #tpu.memory_space<vmem>>
      %dma_start3A_148 = tpu.memref_squeeze %dma_start3A_147 : memref<1x8x80xi32, #tpu.memory_space<vmem>> -> memref<8x80xi32, #tpu.memory_space<vmem>>
      %dma_start3A_149 = arith.constant 0 : i32
      %dma_start3A_150 = tpu.memref_slice %arg3[%select_n3A_26, %dma_start3A_149] : memref<4096x80xi32, #tpu.memory_space<hbm>> -> memref<8x80xi32, #tpu.memory_space<hbm>>
      %dma_start3A_151 = arith.constant 0 : i32
      %dma_start3A_152 = arith.constant 0 : i32
      %dma_start3A_153 = tpu.memref_slice %arg8[%run_scoped3A_72, %dma_start3A_151, %dma_start3A_152] : memref<2x8x80xi32, #tpu.memory_space<vmem>> -> memref<1x8x80xi32, #tpu.memory_space<vmem>>
      %dma_start3A_154 = tpu.memref_squeeze %dma_start3A_153 : memref<1x8x80xi32, #tpu.memory_space<vmem>> -> memref<8x80xi32, #tpu.memory_space<vmem>>
      %dma_start3A_155 = arith.constant 0 : i32
      %dma_start3A_156 = tpu.memref_slice %arg3[%select_n3A_26, %dma_start3A_155] : memref<4096x80xi32, #tpu.memory_space<hbm>> -> memref<8x80xi32, #tpu.memory_space<hbm>>
      tpu.enqueue_dma source(%dma_start3A_156 : memref<8x80xi32, #tpu.memory_space<hbm>>) target(%dma_start3A_154 : memref<8x80xi32, #tpu.memory_space<vmem>>) target_semaphore(%run_scoped3A_144 : memref<!tpu.dma_semaphore, #tpu.memory_space<semaphore_mem>>)
      %dma_wait3A_157 = arith.constant 0 : i32
      %dma_wait3A_158 = arith.constant 0 : i32
      %dma_wait3A_159 = tpu.memref_slice %arg8[%run_scoped3A_72, %dma_wait3A_157, %dma_wait3A_158] : memref<2x8x80xi32, #tpu.memory_space<vmem>> -> memref<1x8x80xi32, #tpu.memory_space<vmem>>
      %dma_wait3A_160 = tpu.memref_squeeze %dma_wait3A_159 : memref<1x8x80xi32, #tpu.memory_space<vmem>> -> memref<8x80xi32, #tpu.memory_space<vmem>>
      %dma_wait3A_161 = arith.constant 0 : i32
      %dma_wait3A_162 = tpu.memref_slice %arg3[%select_n3A_26, %dma_wait3A_161] : memref<4096x80xi32, #tpu.memory_space<hbm>> -> memref<8x80xi32, #tpu.memory_space<hbm>>
      %dma_wait3A_163 = arith.constant 0 : i32
      %dma_wait3A_164 = arith.constant 0 : i32
      %dma_wait3A_165 = tpu.memref_slice %arg8[%run_scoped3A_72, %dma_wait3A_163, %dma_wait3A_164] : memref<2x8x80xi32, #tpu.memory_space<vmem>> -> memref<1x8x80xi32, #tpu.memory_space<vmem>>
      %dma_wait3A_166 = tpu.memref_squeeze %dma_wait3A_165 : memref<1x8x80xi32, #tpu.memory_space<vmem>> -> memref<8x80xi32, #tpu.memory_space<vmem>>
      %dma_wait3A_167 = arith.constant 0 : i32
      %dma_wait3A_168 = tpu.memref_slice %arg3[%select_n3A_26, %dma_wait3A_167] : memref<4096x80xi32, #tpu.memory_space<hbm>> -> memref<8x80xi32, #tpu.memory_space<hbm>>
      tpu.wait_dma2 semaphore(%run_scoped3A_144 : memref<!tpu.dma_semaphore, #tpu.memory_space<semaphore_mem>>) src(%dma_wait3A_168 : memref<8x80xi32, #tpu.memory_space<hbm>>) dst(%dma_wait3A_166 : memref<8x80xi32, #tpu.memory_space<vmem>>)
      tpu.yield
    }) : () -> ()
    %run_scoped3A_73 = arith.constant 0 : i32
    "tpu.region"() ({
      %run_scoped3A_144 = tpu.sem_alloc : memref<!tpu.dma_semaphore, #tpu.memory_space<semaphore_mem>>
      %dma_start3A_145 = arith.constant 0 : i32
      %dma_start3A_146 = arith.constant 0 : i32
      %dma_start3A_147 = tpu.memref_slice %arg9[%run_scoped3A_73, %dma_start3A_145, %dma_start3A_146] : memref<2x8x80xi32, #tpu.memory_space<vmem>> -> memref<1x8x80xi32, #tpu.memory_space<vmem>>
      %dma_start3A_148 = tpu.memref_squeeze %dma_start3A_147 : memref<1x8x80xi32, #tpu.memory_space<vmem>> -> memref<8x80xi32, #tpu.memory_space<vmem>>
      %dma_start3A_149 = arith.constant 0 : i32
      %dma_start3A_150 = tpu.memref_slice %arg4[%select_n3A_26, %dma_start3A_149] : memref<4096x80xi32, #tpu.memory_space<hbm>> -> memref<8x80xi32, #tpu.memory_space<hbm>>
      %dma_start3A_151 = arith.constant 0 : i32
      %dma_start3A_152 = arith.constant 0 : i32
      %dma_start3A_153 = tpu.memref_slice %arg9[%run_scoped3A_73, %dma_start3A_151, %dma_start3A_152] : memref<2x8x80xi32, #tpu.memory_space<vmem>> -> memref<1x8x80xi32, #tpu.memory_space<vmem>>
      %dma_start3A_154 = tpu.memref_squeeze %dma_start3A_153 : memref<1x8x80xi32, #tpu.memory_space<vmem>> -> memref<8x80xi32, #tpu.memory_space<vmem>>
      %dma_start3A_155 = arith.constant 0 : i32
      %dma_start3A_156 = tpu.memref_slice %arg4[%select_n3A_26, %dma_start3A_155] : memref<4096x80xi32, #tpu.memory_space<hbm>> -> memref<8x80xi32, #tpu.memory_space<hbm>>
      tpu.enqueue_dma source(%dma_start3A_156 : memref<8x80xi32, #tpu.memory_space<hbm>>) target(%dma_start3A_154 : memref<8x80xi32, #tpu.memory_space<vmem>>) target_semaphore(%run_scoped3A_144 : memref<!tpu.dma_semaphore, #tpu.memory_space<semaphore_mem>>)
      %dma_wait3A_157 = arith.constant 0 : i32
      %dma_wait3A_158 = arith.constant 0 : i32
      %dma_wait3A_159 = tpu.memref_slice %arg9[%run_scoped3A_73, %dma_wait3A_157, %dma_wait3A_158] : memref<2x8x80xi32, #tpu.memory_space<vmem>> -> memref<1x8x80xi32, #tpu.memory_space<vmem>>
      %dma_wait3A_160 = tpu.memref_squeeze %dma_wait3A_159 : memref<1x8x80xi32, #tpu.memory_space<vmem>> -> memref<8x80xi32, #tpu.memory_space<vmem>>
      %dma_wait3A_161 = arith.constant 0 : i32
      %dma_wait3A_162 = tpu.memref_slice %arg4[%select_n3A_26, %dma_wait3A_161] : memref<4096x80xi32, #tpu.memory_space<hbm>> -> memref<8x80xi32, #tpu.memory_space<hbm>>
      %dma_wait3A_163 = arith.constant 0 : i32
      %dma_wait3A_164 = arith.constant 0 : i32
      %dma_wait3A_165 = tpu.memref_slice %arg9[%run_scoped3A_73, %dma_wait3A_163, %dma_wait3A_164] : memref<2x8x80xi32, #tpu.memory_space<vmem>> -> memref<1x8x80xi32, #tpu.memory_space<vmem>>
      %dma_wait3A_166 = tpu.memref_squeeze %dma_wait3A_165 : memref<1x8x80xi32, #tpu.memory_space<vmem>> -> memref<8x80xi32, #tpu.memory_space<vmem>>
      %dma_wait3A_167 = arith.constant 0 : i32
      %dma_wait3A_168 = tpu.memref_slice %arg4[%select_n3A_26, %dma_wait3A_167] : memref<4096x80xi32, #tpu.memory_space<hbm>> -> memref<8x80xi32, #tpu.memory_space<hbm>>
      tpu.wait_dma2 semaphore(%run_scoped3A_144 : memref<!tpu.dma_semaphore, #tpu.memory_space<semaphore_mem>>) src(%dma_wait3A_168 : memref<8x80xi32, #tpu.memory_space<hbm>>) dst(%dma_wait3A_166 : memref<8x80xi32, #tpu.memory_space<vmem>>)
      tpu.yield
    }) : () -> ()
    %dma_start3A = arith.constant 0 : i32
    %dma_start3A_74 = arith.constant 0 : i32
    %dma_start3A_75 = arith.constant 0 : i32
    %dma_start3A_76 = arith.constant 0 : i32
    %dma_start3A_77 = arith.constant 0 : i32
    %dma_start3A_78 = tpu.memref_slice %arg7[%dma_start3A_75, %dma_start3A_76, %dma_start3A_77] : memref<4x80x128xf32, #tpu.memory_space<vmem>> -> memref<1x80x128xf32, #tpu.memory_space<vmem>>
    %dma_start3A_79 = tpu.memref_squeeze %dma_start3A_78 : memref<1x80x128xf32, #tpu.memory_space<vmem>> -> memref<80x128xf32, #tpu.memory_space<vmem>>
    %dma_start3A_80 = arith.constant 0 : i32
    %dma_start3A_81 = tpu.memref_slice %arg8[%dma_start3A, %dma_start3A_74, %dma_start3A_80] : memref<2x8x80xi32, #tpu.memory_space<vmem>> -> memref<1x1x80xi32, #tpu.memory_space<vmem>>
    %dma_start3A_82 = tpu.memref_squeeze %dma_start3A_81 : memref<1x1x80xi32, #tpu.memory_space<vmem>> -> memref<80xi32, #tpu.memory_space<vmem>>
    %dma_start3A_83 = arith.constant 0 : i32
    %dma_start3A_84 = arith.constant 0 : i32
    %dma_start3A_85 = tpu.memref_slice %arg2[%dma_start3A_83, %dma_start3A_84] : memref<10000x128xf32, #tpu.memory_space<hbm>> -> memref<10000x128xf32, #tpu.memory_space<hbm>>
    tpu.enqueue_indirect_dma source(%dma_start3A_85 : memref<10000x128xf32, #tpu.memory_space<hbm>>) target(%dma_start3A_79 : memref<80x128xf32, #tpu.memory_space<vmem>>) offsets(%dma_start3A_82 : memref<80xi32, #tpu.memory_space<vmem>>) semaphore(%arg10 : memref<!tpu.dma_semaphore, #tpu.memory_space<semaphore_mem>>)
    %dma_start3A_86 = arith.constant 0 : i32
    %dma_start3A_87 = arith.constant 1 : i32
    %dma_start3A_88 = arith.constant 1 : i32
    %dma_start3A_89 = arith.constant 0 : i32
    %dma_start3A_90 = arith.constant 0 : i32
    %dma_start3A_91 = tpu.memref_slice %arg7[%dma_start3A_88, %dma_start3A_89, %dma_start3A_90] : memref<4x80x128xf32, #tpu.memory_space<vmem>> -> memref<1x80x128xf32, #tpu.memory_space<vmem>>
    %dma_start3A_92 = tpu.memref_squeeze %dma_start3A_91 : memref<1x80x128xf32, #tpu.memory_space<vmem>> -> memref<80x128xf32, #tpu.memory_space<vmem>>
    %dma_start3A_93 = arith.constant 0 : i32
    %dma_start3A_94 = tpu.memref_slice %arg8[%dma_start3A_86, %dma_start3A_87, %dma_start3A_93] : memref<2x8x80xi32, #tpu.memory_space<vmem>> -> memref<1x1x80xi32, #tpu.memory_space<vmem>>
    %dma_start3A_95 = tpu.memref_squeeze %dma_start3A_94 : memref<1x1x80xi32, #tpu.memory_space<vmem>> -> memref<80xi32, #tpu.memory_space<vmem>>
    %dma_start3A_96 = arith.constant 0 : i32
    %dma_start3A_97 = arith.constant 0 : i32
    %dma_start3A_98 = tpu.memref_slice %arg2[%dma_start3A_96, %dma_start3A_97] : memref<10000x128xf32, #tpu.memory_space<hbm>> -> memref<10000x128xf32, #tpu.memory_space<hbm>>
    tpu.enqueue_indirect_dma source(%dma_start3A_98 : memref<10000x128xf32, #tpu.memory_space<hbm>>) target(%dma_start3A_92 : memref<80x128xf32, #tpu.memory_space<vmem>>) offsets(%dma_start3A_95 : memref<80xi32, #tpu.memory_space<vmem>>) semaphore(%arg11 : memref<!tpu.dma_semaphore, #tpu.memory_space<semaphore_mem>>)
    %while3A = arith.constant 0 : i32
    %while3A_99 = arith.constant 0 : i32
    %while3A_100 = arith.subi %select_n3A_19, %while3A : i32
    %while3A_101 = arith.addi %while3A, %while3A_100 : i32
    %while3A_102 = arith.constant 1 : i32
    %while3A_103 = arith.divsi %while3A_100, %while3A_102 : i32
    %while3A_104 = arith.muli %while3A_103, %while3A_102 : i32
    %while3A_105 = arith.addi %while3A, %while3A_104 : i32
    %while3A_106 = arith.constant 1 : i32
    %while3A_107 = scf.for %while3A_144 = %while3A to %while3A_105 step %while3A_106 iter_args(%while3A_145 = %while3A_99) -> (i32)  : i32 {
      %rem3A_146 = arith.constant 2 : i32
      %rem3A_147 = arith.remsi %while3A_144, %rem3A_146 : i32
      %add3A_148 = arith.constant 1 : i32
      %add3A_149 = arith.addi %while3A_144, %add3A_148 : i32
      %rem3A_150 = arith.constant 2 : i32
      %rem3A_151 = arith.remsi %add3A_149, %rem3A_150 : i32
      %dma_wait3A_152 = arith.constant 0 : i32
      %dma_wait3A_153 = arith.constant 0 : i32
      %dma_wait3A_154 = arith.constant 0 : i32
      %dma_wait3A_155 = arith.constant 0 : i32
      %dma_wait3A_156 = tpu.memref_slice %arg7[%dma_wait3A_153, %dma_wait3A_154, %dma_wait3A_155] : memref<4x80x128xf32, #tpu.memory_space<vmem>> -> memref<1x80x128xf32, #tpu.memory_space<vmem>>
      %dma_wait3A_157 = tpu.memref_squeeze %dma_wait3A_156 : memref<1x80x128xf32, #tpu.memory_space<vmem>> -> memref<80x128xf32, #tpu.memory_space<vmem>>
      %dma_wait3A_158 = arith.constant 0 : i32
      %dma_wait3A_159 = tpu.memref_slice %arg8[%rem3A_147, %dma_wait3A_152, %dma_wait3A_158] : memref<2x8x80xi32, #tpu.memory_space<vmem>> -> memref<1x1x80xi32, #tpu.memory_space<vmem>>
      %dma_wait3A_160 = tpu.memref_squeeze %dma_wait3A_159 : memref<1x1x80xi32, #tpu.memory_space<vmem>> -> memref<80xi32, #tpu.memory_space<vmem>>
      %dma_wait3A_161 = arith.constant 0 : i32
      %dma_wait3A_162 = arith.constant 0 : i32
      %dma_wait3A_163 = tpu.memref_slice %arg2[%dma_wait3A_161, %dma_wait3A_162] : memref<10000x128xf32, #tpu.memory_space<hbm>> -> memref<10000x128xf32, #tpu.memory_space<hbm>>
      tpu.wait_indirect_dma semaphore(%arg10 : memref<!tpu.dma_semaphore, #tpu.memory_space<semaphore_mem>>) src(%dma_wait3A_163 : memref<10000x128xf32, #tpu.memory_space<hbm>>) dst(%dma_wait3A_157 : memref<80x128xf32, #tpu.memory_space<vmem>>)
      %dma_start3A_164 = arith.constant 0 : i32
      %dma_start3A_165 = arith.constant 0 : i32
      %dma_start3A_166 = arith.constant 0 : i32
      %dma_start3A_167 = arith.constant 0 : i32
      %dma_start3A_168 = tpu.memref_slice %arg7[%dma_start3A_164, %dma_start3A_166, %dma_start3A_167] : memref<4x80x128xf32, #tpu.memory_space<vmem>> -> memref<1x80x128xf32, #tpu.memory_space<vmem>>
      %dma_start3A_169 = tpu.memref_squeeze %dma_start3A_168 : memref<1x80x128xf32, #tpu.memory_space<vmem>> -> memref<80x128xf32, #tpu.memory_space<vmem>>
      %dma_start3A_170 = arith.constant 0 : i32
      %dma_start3A_171 = tpu.memref_slice %arg9[%rem3A_147, %dma_start3A_165, %dma_start3A_170] : memref<2x8x80xi32, #tpu.memory_space<vmem>> -> memref<1x1x80xi32, #tpu.memory_space<vmem>>
      %dma_start3A_172 = tpu.memref_squeeze %dma_start3A_171 : memref<1x1x80xi32, #tpu.memory_space<vmem>> -> memref<80xi32, #tpu.memory_space<vmem>>
      %dma_start3A_173 = arith.constant 0 : i32
      %dma_start3A_174 = arith.constant 0 : i32
      %dma_start3A_175 = tpu.memref_slice %arg6[%dma_start3A_173, %dma_start3A_174] : memref<10240x128xf32, #tpu.memory_space<vmem_shared>> -> memref<10240x128xf32, #tpu.memory_space<vmem_shared>>
      tpu.enqueue_indirect_dma source(%dma_start3A_169 : memref<80x128xf32, #tpu.memory_space<vmem>>) target(%dma_start3A_175 : memref<10240x128xf32, #tpu.memory_space<vmem_shared>>) offsets(%dma_start3A_172 : memref<80xi32, #tpu.memory_space<vmem>>) semaphore(%arg14 : memref<!tpu.dma_semaphore, #tpu.memory_space<semaphore_mem>>) {add = true}
      %ge3A = arith.constant 1 : i32
      %ge3A_176 = arith.cmpi sge, %while3A_144, %ge3A : i32
      %convert_element_type3A = arith.extui %ge3A_176 : i1 to i32
      %cond3A = arith.constant 0 : i32
      %cond3A_177 = arith.cmpi ne, %convert_element_type3A, %cond3A : i32
      scf.if %cond3A_177 {
        %dma_wait3A_531 = arith.constant 2 : i32
        %dma_wait3A_532 = arith.constant 0 : i32
        %dma_wait3A_533 = arith.constant 0 : i32
        %dma_wait3A_534 = tpu.memref_slice %arg7[%dma_wait3A_531, %dma_wait3A_532, %dma_wait3A_533] : memref<4x80x128xf32, #tpu.memory_space<vmem>> -> memref<1x80x128xf32, #tpu.memory_space<vmem>>
        %dma_wait3A_535 = tpu.memref_squeeze %dma_wait3A_534 : memref<1x80x128xf32, #tpu.memory_space<vmem>> -> memref<80x128xf32, #tpu.memory_space<vmem>>
        %dma_wait3A_536 = arith.constant 0 : i32
        %dma_wait3A_537 = arith.constant 0 : i32
        %dma_wait3A_538 = tpu.memref_slice %arg6[%dma_wait3A_536, %dma_wait3A_537] : memref<10240x128xf32, #tpu.memory_space<vmem_shared>> -> memref<80x128xf32, #tpu.memory_space<vmem_shared>>
        %dma_wait3A_539 = arith.constant 0 : i32
        %dma_wait3A_540 = arith.constant 0 : i32
        %dma_wait3A_541 = tpu.memref_slice %arg6[%dma_wait3A_539, %dma_wait3A_540] : memref<10240x128xf32, #tpu.memory_space<vmem_shared>> -> memref<80x128xf32, #tpu.memory_space<vmem_shared>>
        %dma_wait3A_542 = arith.constant 0 : i32
        %dma_wait3A_543 = arith.constant 0 : i32
        %dma_wait3A_544 = tpu.memref_slice %arg7[%dma_wait3A_531, %dma_wait3A_542, %dma_wait3A_543] : memref<4x80x128xf32, #tpu.memory_space<vmem>> -> memref<1x80x128xf32, #tpu.memory_space<vmem>>
        %dma_wait3A_545 = tpu.memref_squeeze %dma_wait3A_544 : memref<1x80x128xf32, #tpu.memory_space<vmem>> -> memref<80x128xf32, #tpu.memory_space<vmem>>
        tpu.wait_dma2 semaphore(%arg16 : memref<!tpu.dma_semaphore, #tpu.memory_space<semaphore_mem>>) src(%dma_wait3A_545 : memref<80x128xf32, #tpu.memory_space<vmem>>) dst(%dma_wait3A_541 : memref<80x128xf32, #tpu.memory_space<vmem_shared>>)
      } else {
      }
      %dma_start3A_178 = arith.constant 2 : i32
      %dma_start3A_179 = arith.constant 2 : i32
      %dma_start3A_180 = arith.constant 0 : i32
      %dma_start3A_181 = arith.constant 0 : i32
      %dma_start3A_182 = tpu.memref_slice %arg7[%dma_start3A_179, %dma_start3A_180, %dma_start3A_181] : memref<4x80x128xf32, #tpu.memory_space<vmem>> -> memref<1x80x128xf32, #tpu.memory_space<vmem>>
      %dma_start3A_183 = tpu.memref_squeeze %dma_start3A_182 : memref<1x80x128xf32, #tpu.memory_space<vmem>> -> memref<80x128xf32, #tpu.memory_space<vmem>>
      %dma_start3A_184 = arith.constant 0 : i32
      %dma_start3A_185 = tpu.memref_slice %arg8[%rem3A_147, %dma_start3A_178, %dma_start3A_184] : memref<2x8x80xi32, #tpu.memory_space<vmem>> -> memref<1x1x80xi32, #tpu.memory_space<vmem>>
      %dma_start3A_186 = tpu.memref_squeeze %dma_start3A_185 : memref<1x1x80xi32, #tpu.memory_space<vmem>> -> memref<80xi32, #tpu.memory_space<vmem>>
      %dma_start3A_187 = arith.constant 0 : i32
      %dma_start3A_188 = arith.constant 0 : i32
      %dma_start3A_189 = tpu.memref_slice %arg2[%dma_start3A_187, %dma_start3A_188] : memref<10000x128xf32, #tpu.memory_space<hbm>> -> memref<10000x128xf32, #tpu.memory_space<hbm>>
      tpu.enqueue_indirect_dma source(%dma_start3A_189 : memref<10000x128xf32, #tpu.memory_space<hbm>>) target(%dma_start3A_183 : memref<80x128xf32, #tpu.memory_space<vmem>>) offsets(%dma_start3A_186 : memref<80xi32, #tpu.memory_space<vmem>>) semaphore(%arg12 : memref<!tpu.dma_semaphore, #tpu.memory_space<semaphore_mem>>)
      %dma_wait3A_190 = arith.constant 1 : i32
      %dma_wait3A_191 = arith.constant 1 : i32
      %dma_wait3A_192 = arith.constant 0 : i32
      %dma_wait3A_193 = arith.constant 0 : i32
      %dma_wait3A_194 = tpu.memref_slice %arg7[%dma_wait3A_191, %dma_wait3A_192, %dma_wait3A_193] : memref<4x80x128xf32, #tpu.memory_space<vmem>> -> memref<1x80x128xf32, #tpu.memory_space<vmem>>
      %dma_wait3A_195 = tpu.memref_squeeze %dma_wait3A_194 : memref<1x80x128xf32, #tpu.memory_space<vmem>> -> memref<80x128xf32, #tpu.memory_space<vmem>>
      %dma_wait3A_196 = arith.constant 0 : i32
      %dma_wait3A_197 = tpu.memref_slice %arg8[%rem3A_147, %dma_wait3A_190, %dma_wait3A_196] : memref<2x8x80xi32, #tpu.memory_space<vmem>> -> memref<1x1x80xi32, #tpu.memory_space<vmem>>
      %dma_wait3A_198 = tpu.memref_squeeze %dma_wait3A_197 : memref<1x1x80xi32, #tpu.memory_space<vmem>> -> memref<80xi32, #tpu.memory_space<vmem>>
      %dma_wait3A_199 = arith.constant 0 : i32
      %dma_wait3A_200 = arith.constant 0 : i32
      %dma_wait3A_201 = tpu.memref_slice %arg2[%dma_wait3A_199, %dma_wait3A_200] : memref<10000x128xf32, #tpu.memory_space<hbm>> -> memref<10000x128xf32, #tpu.memory_space<hbm>>
      tpu.wait_indirect_dma semaphore(%arg11 : memref<!tpu.dma_semaphore, #tpu.memory_space<semaphore_mem>>) src(%dma_wait3A_201 : memref<10000x128xf32, #tpu.memory_space<hbm>>) dst(%dma_wait3A_195 : memref<80x128xf32, #tpu.memory_space<vmem>>)
      %dma_start3A_202 = arith.constant 1 : i32
      %dma_start3A_203 = arith.constant 1 : i32
      %dma_start3A_204 = arith.constant 0 : i32
      %dma_start3A_205 = arith.constant 0 : i32
      %dma_start3A_206 = tpu.memref_slice %arg7[%dma_start3A_202, %dma_start3A_204, %dma_start3A_205] : memref<4x80x128xf32, #tpu.memory_space<vmem>> -> memref<1x80x128xf32, #tpu.memory_space<vmem>>
      %dma_start3A_207 = tpu.memref_squeeze %dma_start3A_206 : memref<1x80x128xf32, #tpu.memory_space<vmem>> -> memref<80x128xf32, #tpu.memory_space<vmem>>
      %dma_start3A_208 = arith.constant 0 : i32
      %dma_start3A_209 = tpu.memref_slice %arg9[%rem3A_147, %dma_start3A_203, %dma_start3A_208] : memref<2x8x80xi32, #tpu.memory_space<vmem>> -> memref<1x1x80xi32, #tpu.memory_space<vmem>>
      %dma_start3A_210 = tpu.memref_squeeze %dma_start3A_209 : memref<1x1x80xi32, #tpu.memory_space<vmem>> -> memref<80xi32, #tpu.memory_space<vmem>>
      %dma_start3A_211 = arith.constant 0 : i32
      %dma_start3A_212 = arith.constant 0 : i32
      %dma_start3A_213 = tpu.memref_slice %arg6[%dma_start3A_211, %dma_start3A_212] : memref<10240x128xf32, #tpu.memory_space<vmem_shared>> -> memref<10240x128xf32, #tpu.memory_space<vmem_shared>>
      tpu.enqueue_indirect_dma source(%dma_start3A_207 : memref<80x128xf32, #tpu.memory_space<vmem>>) target(%dma_start3A_213 : memref<10240x128xf32, #tpu.memory_space<vmem_shared>>) offsets(%dma_start3A_210 : memref<80xi32, #tpu.memory_space<vmem>>) semaphore(%arg15 : memref<!tpu.dma_semaphore, #tpu.memory_space<semaphore_mem>>) {add = true}
      %ge3A_214 = arith.constant 1 : i32
      %ge3A_215 = arith.cmpi sge, %while3A_144, %ge3A_214 : i32
      %convert_element_type3A_216 = arith.extui %ge3A_215 : i1 to i32
      %cond3A_217 = arith.constant 0 : i32
      %cond3A_218 = arith.cmpi ne, %convert_element_type3A_216, %cond3A_217 : i32
      scf.if %cond3A_218 {
        %dma_wait3A_531 = arith.constant 3 : i32
        %dma_wait3A_532 = arith.constant 0 : i32
        %dma_wait3A_533 = arith.constant 0 : i32
        %dma_wait3A_534 = tpu.memref_slice %arg7[%dma_wait3A_531, %dma_wait3A_532, %dma_wait3A_533] : memref<4x80x128xf32, #tpu.memory_space<vmem>> -> memref<1x80x128xf32, #tpu.memory_space<vmem>>
        %dma_wait3A_535 = tpu.memref_squeeze %dma_wait3A_534 : memref<1x80x128xf32, #tpu.memory_space<vmem>> -> memref<80x128xf32, #tpu.memory_space<vmem>>
        %dma_wait3A_536 = arith.constant 0 : i32
        %dma_wait3A_537 = arith.constant 0 : i32
        %dma_wait3A_538 = tpu.memref_slice %arg6[%dma_wait3A_536, %dma_wait3A_537] : memref<10240x128xf32, #tpu.memory_space<vmem_shared>> -> memref<80x128xf32, #tpu.memory_space<vmem_shared>>
        %dma_wait3A_539 = arith.constant 0 : i32
        %dma_wait3A_540 = arith.constant 0 : i32
        %dma_wait3A_541 = tpu.memref_slice %arg6[%dma_wait3A_539, %dma_wait3A_540] : memref<10240x128xf32, #tpu.memory_space<vmem_shared>> -> memref<80x128xf32, #tpu.memory_space<vmem_shared>>
        %dma_wait3A_542 = arith.constant 0 : i32
        %dma_wait3A_543 = arith.constant 0 : i32
        %dma_wait3A_544 = tpu.memref_slice %arg7[%dma_wait3A_531, %dma_wait3A_542, %dma_wait3A_543] : memref<4x80x128xf32, #tpu.memory_space<vmem>> -> memref<1x80x128xf32, #tpu.memory_space<vmem>>
        %dma_wait3A_545 = tpu.memref_squeeze %dma_wait3A_544 : memref<1x80x128xf32, #tpu.memory_space<vmem>> -> memref<80x128xf32, #tpu.memory_space<vmem>>
        tpu.wait_dma2 semaphore(%arg17 : memref<!tpu.dma_semaphore, #tpu.memory_space<semaphore_mem>>) src(%dma_wait3A_545 : memref<80x128xf32, #tpu.memory_space<vmem>>) dst(%dma_wait3A_541 : memref<80x128xf32, #tpu.memory_space<vmem_shared>>)
      } else {
      }
      %add3A_219 = arith.constant 1 : i32
      %add3A_220 = arith.addi %while3A_144, %add3A_219 : i32
      %lt3A = arith.cmpi slt, %add3A_220, %select_n3A_19 : i32
      %convert_element_type3A_221 = arith.extui %lt3A : i1 to i32
      %cond3A_222 = arith.constant 0 : i32
      %cond3A_223 = arith.cmpi ne, %convert_element_type3A_221, %cond3A_222 : i32
      scf.if %cond3A_223 {
        %add3A_531 = arith.constant 1 : i32
        %add3A_532 = arith.addi %while3A_144, %add3A_531 : i32
        %mul3A_533 = arith.constant 8 : i32
        %mul3A_534 = arith.muli %add3A_532, %mul3A_533 : i32
        %add3A_535 = arith.addi %select_n3A_26, %mul3A_534 : i32
        "tpu.region"() ({
          %run_scoped3A_541 = tpu.sem_alloc : memref<!tpu.dma_semaphore, #tpu.memory_space<semaphore_mem>>
          %dma_start3A_542 = arith.constant 0 : i32
          %dma_start3A_543 = arith.constant 0 : i32
          %dma_start3A_544 = tpu.memref_slice %arg8[%rem3A_151, %dma_start3A_542, %dma_start3A_543] : memref<2x8x80xi32, #tpu.memory_space<vmem>> -> memref<1x8x80xi32, #tpu.memory_space<vmem>>
          %dma_start3A_545 = tpu.memref_squeeze %dma_start3A_544 : memref<1x8x80xi32, #tpu.memory_space<vmem>> -> memref<8x80xi32, #tpu.memory_space<vmem>>
          %dma_start3A_546 = arith.constant 0 : i32
          %dma_start3A_547 = tpu.memref_slice %arg3[%add3A_535, %dma_start3A_546] : memref<4096x80xi32, #tpu.memory_space<hbm>> -> memref<8x80xi32, #tpu.memory_space<hbm>>
          %dma_start3A_548 = arith.constant 0 : i32
          %dma_start3A_549 = arith.constant 0 : i32
          %dma_start3A_550 = tpu.memref_slice %arg8[%rem3A_151, %dma_start3A_548, %dma_start3A_549] : memref<2x8x80xi32, #tpu.memory_space<vmem>> -> memref<1x8x80xi32, #tpu.memory_space<vmem>>
          %dma_start3A_551 = tpu.memref_squeeze %dma_start3A_550 : memref<1x8x80xi32, #tpu.memory_space<vmem>> -> memref<8x80xi32, #tpu.memory_space<vmem>>
          %dma_start3A_552 = arith.constant 0 : i32
          %dma_start3A_553 = tpu.memref_slice %arg3[%add3A_535, %dma_start3A_552] : memref<4096x80xi32, #tpu.memory_space<hbm>> -> memref<8x80xi32, #tpu.memory_space<hbm>>
          tpu.enqueue_dma source(%dma_start3A_553 : memref<8x80xi32, #tpu.memory_space<hbm>>) target(%dma_start3A_551 : memref<8x80xi32, #tpu.memory_space<vmem>>) target_semaphore(%run_scoped3A_541 : memref<!tpu.dma_semaphore, #tpu.memory_space<semaphore_mem>>)
          %dma_wait3A_554 = arith.constant 0 : i32
          %dma_wait3A_555 = arith.constant 0 : i32
          %dma_wait3A_556 = tpu.memref_slice %arg8[%rem3A_151, %dma_wait3A_554, %dma_wait3A_555] : memref<2x8x80xi32, #tpu.memory_space<vmem>> -> memref<1x8x80xi32, #tpu.memory_space<vmem>>
          %dma_wait3A_557 = tpu.memref_squeeze %dma_wait3A_556 : memref<1x8x80xi32, #tpu.memory_space<vmem>> -> memref<8x80xi32, #tpu.memory_space<vmem>>
          %dma_wait3A_558 = arith.constant 0 : i32
          %dma_wait3A_559 = tpu.memref_slice %arg3[%add3A_535, %dma_wait3A_558] : memref<4096x80xi32, #tpu.memory_space<hbm>> -> memref<8x80xi32, #tpu.memory_space<hbm>>
          %dma_wait3A_560 = arith.constant 0 : i32
          %dma_wait3A_561 = arith.constant 0 : i32
          %dma_wait3A_562 = tpu.memref_slice %arg8[%rem3A_151, %dma_wait3A_560, %dma_wait3A_561] : memref<2x8x80xi32, #tpu.memory_space<vmem>> -> memref<1x8x80xi32, #tpu.memory_space<vmem>>
          %dma_wait3A_563 = tpu.memref_squeeze %dma_wait3A_562 : memref<1x8x80xi32, #tpu.memory_space<vmem>> -> memref<8x80xi32, #tpu.memory_space<vmem>>
          %dma_wait3A_564 = arith.constant 0 : i32
          %dma_wait3A_565 = tpu.memref_slice %arg3[%add3A_535, %dma_wait3A_564] : memref<4096x80xi32, #tpu.memory_space<hbm>> -> memref<8x80xi32, #tpu.memory_space<hbm>>
          tpu.wait_dma2 semaphore(%run_scoped3A_541 : memref<!tpu.dma_semaphore, #tpu.memory_space<semaphore_mem>>) src(%dma_wait3A_565 : memref<8x80xi32, #tpu.memory_space<hbm>>) dst(%dma_wait3A_563 : memref<8x80xi32, #tpu.memory_space<vmem>>)
          tpu.yield
        }) : () -> ()
        %add3A_536 = arith.constant 1 : i32
        %add3A_537 = arith.addi %while3A_144, %add3A_536 : i32
        %mul3A_538 = arith.constant 8 : i32
        %mul3A_539 = arith.muli %add3A_537, %mul3A_538 : i32
        %add3A_540 = arith.addi %select_n3A_26, %mul3A_539 : i32
        "tpu.region"() ({
          %run_scoped3A_541 = tpu.sem_alloc : memref<!tpu.dma_semaphore, #tpu.memory_space<semaphore_mem>>
          %dma_start3A_542 = arith.constant 0 : i32
          %dma_start3A_543 = arith.constant 0 : i32
          %dma_start3A_544 = tpu.memref_slice %arg9[%rem3A_151, %dma_start3A_542, %dma_start3A_543] : memref<2x8x80xi32, #tpu.memory_space<vmem>> -> memref<1x8x80xi32, #tpu.memory_space<vmem>>
          %dma_start3A_545 = tpu.memref_squeeze %dma_start3A_544 : memref<1x8x80xi32, #tpu.memory_space<vmem>> -> memref<8x80xi32, #tpu.memory_space<vmem>>
          %dma_start3A_546 = arith.constant 0 : i32
          %dma_start3A_547 = tpu.memref_slice %arg4[%add3A_540, %dma_start3A_546] : memref<4096x80xi32, #tpu.memory_space<hbm>> -> memref<8x80xi32, #tpu.memory_space<hbm>>
          %dma_start3A_548 = arith.constant 0 : i32
          %dma_start3A_549 = arith.constant 0 : i32
          %dma_start3A_550 = tpu.memref_slice %arg9[%rem3A_151, %dma_start3A_548, %dma_start3A_549] : memref<2x8x80xi32, #tpu.memory_space<vmem>> -> memref<1x8x80xi32, #tpu.memory_space<vmem>>
          %dma_start3A_551 = tpu.memref_squeeze %dma_start3A_550 : memref<1x8x80xi32, #tpu.memory_space<vmem>> -> memref<8x80xi32, #tpu.memory_space<vmem>>
          %dma_start3A_552 = arith.constant 0 : i32
          %dma_start3A_553 = tpu.memref_slice %arg4[%add3A_540, %dma_start3A_552] : memref<4096x80xi32, #tpu.memory_space<hbm>> -> memref<8x80xi32, #tpu.memory_space<hbm>>
          tpu.enqueue_dma source(%dma_start3A_553 : memref<8x80xi32, #tpu.memory_space<hbm>>) target(%dma_start3A_551 : memref<8x80xi32, #tpu.memory_space<vmem>>) target_semaphore(%run_scoped3A_541 : memref<!tpu.dma_semaphore, #tpu.memory_space<semaphore_mem>>)
          %dma_wait3A_554 = arith.constant 0 : i32
          %dma_wait3A_555 = arith.constant 0 : i32
          %dma_wait3A_556 = tpu.memref_slice %arg9[%rem3A_151, %dma_wait3A_554, %dma_wait3A_555] : memref<2x8x80xi32, #tpu.memory_space<vmem>> -> memref<1x8x80xi32, #tpu.memory_space<vmem>>
          %dma_wait3A_557 = tpu.memref_squeeze %dma_wait3A_556 : memref<1x8x80xi32, #tpu.memory_space<vmem>> -> memref<8x80xi32, #tpu.memory_space<vmem>>
          %dma_wait3A_558 = arith.constant 0 : i32
          %dma_wait3A_559 = tpu.memref_slice %arg4[%add3A_540, %dma_wait3A_558] : memref<4096x80xi32, #tpu.memory_space<hbm>> -> memref<8x80xi32, #tpu.memory_space<hbm>>
          %dma_wait3A_560 = arith.constant 0 : i32
          %dma_wait3A_561 = arith.constant 0 : i32
          %dma_wait3A_562 = tpu.memref_slice %arg9[%rem3A_151, %dma_wait3A_560, %dma_wait3A_561] : memref<2x8x80xi32, #tpu.memory_space<vmem>> -> memref<1x8x80xi32, #tpu.memory_space<vmem>>
          %dma_wait3A_563 = tpu.memref_squeeze %dma_wait3A_562 : memref<1x8x80xi32, #tpu.memory_space<vmem>> -> memref<8x80xi32, #tpu.memory_space<vmem>>
          %dma_wait3A_564 = arith.constant 0 : i32
          %dma_wait3A_565 = tpu.memref_slice %arg4[%add3A_540, %dma_wait3A_564] : memref<4096x80xi32, #tpu.memory_space<hbm>> -> memref<8x80xi32, #tpu.memory_space<hbm>>
          tpu.wait_dma2 semaphore(%run_scoped3A_541 : memref<!tpu.dma_semaphore, #tpu.memory_space<semaphore_mem>>) src(%dma_wait3A_565 : memref<8x80xi32, #tpu.memory_space<hbm>>) dst(%dma_wait3A_563 : memref<8x80xi32, #tpu.memory_space<vmem>>)
          tpu.yield
        }) : () -> ()
      } else {
      }
      %dma_start3A_224 = arith.constant 3 : i32
      %dma_start3A_225 = arith.constant 3 : i32
      %dma_start3A_226 = arith.constant 0 : i32
      %dma_start3A_227 = arith.constant 0 : i32
      %dma_start3A_228 = tpu.memref_slice %arg7[%dma_start3A_225, %dma_start3A_226, %dma_start3A_227] : memref<4x80x128xf32, #tpu.memory_space<vmem>> -> memref<1x80x128xf32, #tpu.memory_space<vmem>>
      %dma_start3A_229 = tpu.memref_squeeze %dma_start3A_228 : memref<1x80x128xf32, #tpu.memory_space<vmem>> -> memref<80x128xf32, #tpu.memory_space<vmem>>
      %dma_start3A_230 = arith.constant 0 : i32
      %dma_start3A_231 = tpu.memref_slice %arg8[%rem3A_147, %dma_start3A_224, %dma_start3A_230] : memref<2x8x80xi32, #tpu.memory_space<vmem>> -> memref<1x1x80xi32, #tpu.memory_space<vmem>>
      %dma_start3A_232 = tpu.memref_squeeze %dma_start3A_231 : memref<1x1x80xi32, #tpu.memory_space<vmem>> -> memref<80xi32, #tpu.memory_space<vmem>>
      %dma_start3A_233 = arith.constant 0 : i32
      %dma_start3A_234 = arith.constant 0 : i32
      %dma_start3A_235 = tpu.memref_slice %arg2[%dma_start3A_233, %dma_start3A_234] : memref<10000x128xf32, #tpu.memory_space<hbm>> -> memref<10000x128xf32, #tpu.memory_space<hbm>>
      tpu.enqueue_indirect_dma source(%dma_start3A_235 : memref<10000x128xf32, #tpu.memory_space<hbm>>) target(%dma_start3A_229 : memref<80x128xf32, #tpu.memory_space<vmem>>) offsets(%dma_start3A_232 : memref<80xi32, #tpu.memory_space<vmem>>) semaphore(%arg13 : memref<!tpu.dma_semaphore, #tpu.memory_space<semaphore_mem>>)
      %dma_wait3A_236 = arith.constant 2 : i32
      %dma_wait3A_237 = arith.constant 2 : i32
      %dma_wait3A_238 = arith.constant 0 : i32
      %dma_wait3A_239 = arith.constant 0 : i32
      %dma_wait3A_240 = tpu.memref_slice %arg7[%dma_wait3A_237, %dma_wait3A_238, %dma_wait3A_239] : memref<4x80x128xf32, #tpu.memory_space<vmem>> -> memref<1x80x128xf32, #tpu.memory_space<vmem>>
      %dma_wait3A_241 = tpu.memref_squeeze %dma_wait3A_240 : memref<1x80x128xf32, #tpu.memory_space<vmem>> -> memref<80x128xf32, #tpu.memory_space<vmem>>
      %dma_wait3A_242 = arith.constant 0 : i32
      %dma_wait3A_243 = tpu.memref_slice %arg8[%rem3A_147, %dma_wait3A_236, %dma_wait3A_242] : memref<2x8x80xi32, #tpu.memory_space<vmem>> -> memref<1x1x80xi32, #tpu.memory_space<vmem>>
      %dma_wait3A_244 = tpu.memref_squeeze %dma_wait3A_243 : memref<1x1x80xi32, #tpu.memory_space<vmem>> -> memref<80xi32, #tpu.memory_space<vmem>>
      %dma_wait3A_245 = arith.constant 0 : i32
      %dma_wait3A_246 = arith.constant 0 : i32
      %dma_wait3A_247 = tpu.memref_slice %arg2[%dma_wait3A_245, %dma_wait3A_246] : memref<10000x128xf32, #tpu.memory_space<hbm>> -> memref<10000x128xf32, #tpu.memory_space<hbm>>
      tpu.wait_indirect_dma semaphore(%arg12 : memref<!tpu.dma_semaphore, #tpu.memory_space<semaphore_mem>>) src(%dma_wait3A_247 : memref<10000x128xf32, #tpu.memory_space<hbm>>) dst(%dma_wait3A_241 : memref<80x128xf32, #tpu.memory_space<vmem>>)
      %dma_start3A_248 = arith.constant 2 : i32
      %dma_start3A_249 = arith.constant 2 : i32
      %dma_start3A_250 = arith.constant 0 : i32
      %dma_start3A_251 = arith.constant 0 : i32
      %dma_start3A_252 = tpu.memref_slice %arg7[%dma_start3A_248, %dma_start3A_250, %dma_start3A_251] : memref<4x80x128xf32, #tpu.memory_space<vmem>> -> memref<1x80x128xf32, #tpu.memory_space<vmem>>
      %dma_start3A_253 = tpu.memref_squeeze %dma_start3A_252 : memref<1x80x128xf32, #tpu.memory_space<vmem>> -> memref<80x128xf32, #tpu.memory_space<vmem>>
      %dma_start3A_254 = arith.constant 0 : i32
      %dma_start3A_255 = tpu.memref_slice %arg9[%rem3A_147, %dma_start3A_249, %dma_start3A_254] : memref<2x8x80xi32, #tpu.memory_space<vmem>> -> memref<1x1x80xi32, #tpu.memory_space<vmem>>
      %dma_start3A_256 = tpu.memref_squeeze %dma_start3A_255 : memref<1x1x80xi32, #tpu.memory_space<vmem>> -> memref<80xi32, #tpu.memory_space<vmem>>
      %dma_start3A_257 = arith.constant 0 : i32
      %dma_start3A_258 = arith.constant 0 : i32
      %dma_start3A_259 = tpu.memref_slice %arg6[%dma_start3A_257, %dma_start3A_258] : memref<10240x128xf32, #tpu.memory_space<vmem_shared>> -> memref<10240x128xf32, #tpu.memory_space<vmem_shared>>
      tpu.enqueue_indirect_dma source(%dma_start3A_253 : memref<80x128xf32, #tpu.memory_space<vmem>>) target(%dma_start3A_259 : memref<10240x128xf32, #tpu.memory_space<vmem_shared>>) offsets(%dma_start3A_256 : memref<80xi32, #tpu.memory_space<vmem>>) semaphore(%arg16 : memref<!tpu.dma_semaphore, #tpu.memory_space<semaphore_mem>>) {add = true}
      %dma_wait3A_260 = arith.constant 0 : i32
      %dma_wait3A_261 = arith.constant 0 : i32
      %dma_wait3A_262 = arith.constant 0 : i32
      %dma_wait3A_263 = tpu.memref_slice %arg7[%dma_wait3A_260, %dma_wait3A_261, %dma_wait3A_262] : memref<4x80x128xf32, #tpu.memory_space<vmem>> -> memref<1x80x128xf32, #tpu.memory_space<vmem>>
      %dma_wait3A_264 = tpu.memref_squeeze %dma_wait3A_263 : memref<1x80x128xf32, #tpu.memory_space<vmem>> -> memref<80x128xf32, #tpu.memory_space<vmem>>
      %dma_wait3A_265 = arith.constant 0 : i32
      %dma_wait3A_266 = arith.constant 0 : i32
      %dma_wait3A_267 = tpu.memref_slice %arg6[%dma_wait3A_265, %dma_wait3A_266] : memref<10240x128xf32, #tpu.memory_space<vmem_shared>> -> memref<80x128xf32, #tpu.memory_space<vmem_shared>>
      %dma_wait3A_268 = arith.constant 0 : i32
      %dma_wait3A_269 = arith.constant 0 : i32
      %dma_wait3A_270 = tpu.memref_slice %arg6[%dma_wait3A_268, %dma_wait3A_269] : memref<10240x128xf32, #tpu.memory_space<vmem_shared>> -> memref<80x128xf32, #tpu.memory_space<vmem_shared>>
      %dma_wait3A_271 = arith.constant 0 : i32
      %dma_wait3A_272 = arith.constant 0 : i32
      %dma_wait3A_273 = tpu.memref_slice %arg7[%dma_wait3A_260, %dma_wait3A_271, %dma_wait3A_272] : memref<4x80x128xf32, #tpu.memory_space<vmem>> -> memref<1x80x128xf32, #tpu.memory_space<vmem>>
      %dma_wait3A_274 = tpu.memref_squeeze %dma_wait3A_273 : memref<1x80x128xf32, #tpu.memory_space<vmem>> -> memref<80x128xf32, #tpu.memory_space<vmem>>
      tpu.wait_dma2 semaphore(%arg14 : memref<!tpu.dma_semaphore, #tpu.memory_space<semaphore_mem>>) src(%dma_wait3A_274 : memref<80x128xf32, #tpu.memory_space<vmem>>) dst(%dma_wait3A_270 : memref<80x128xf32, #tpu.memory_space<vmem_shared>>)
      %dma_start3A_275 = arith.constant 4 : i32
      %dma_start3A_276 = arith.constant 0 : i32
      %dma_start3A_277 = arith.constant 0 : i32
      %dma_start3A_278 = arith.constant 0 : i32
      %dma_start3A_279 = tpu.memref_slice %arg7[%dma_start3A_276, %dma_start3A_277, %dma_start3A_278] : memref<4x80x128xf32, #tpu.memory_space<vmem>> -> memref<1x80x128xf32, #tpu.memory_space<vmem>>
      %dma_start3A_280 = tpu.memref_squeeze %dma_start3A_279 : memref<1x80x128xf32, #tpu.memory_space<vmem>> -> memref<80x128xf32, #tpu.memory_space<vmem>>
      %dma_start3A_281 = arith.constant 0 : i32
      %dma_start3A_282 = tpu.memref_slice %arg8[%rem3A_147, %dma_start3A_275, %dma_start3A_281] : memref<2x8x80xi32, #tpu.memory_space<vmem>> -> memref<1x1x80xi32, #tpu.memory_space<vmem>>
      %dma_start3A_283 = tpu.memref_squeeze %dma_start3A_282 : memref<1x1x80xi32, #tpu.memory_space<vmem>> -> memref<80xi32, #tpu.memory_space<vmem>>
      %dma_start3A_284 = arith.constant 0 : i32
      %dma_start3A_285 = arith.constant 0 : i32
      %dma_start3A_286 = tpu.memref_slice %arg2[%dma_start3A_284, %dma_start3A_285] : memref<10000x128xf32, #tpu.memory_space<hbm>> -> memref<10000x128xf32, #tpu.memory_space<hbm>>
      tpu.enqueue_indirect_dma source(%dma_start3A_286 : memref<10000x128xf32, #tpu.memory_space<hbm>>) target(%dma_start3A_280 : memref<80x128xf32, #tpu.memory_space<vmem>>) offsets(%dma_start3A_283 : memref<80xi32, #tpu.memory_space<vmem>>) semaphore(%arg10 : memref<!tpu.dma_semaphore, #tpu.memory_space<semaphore_mem>>)
      %dma_wait3A_287 = arith.constant 3 : i32
      %dma_wait3A_288 = arith.constant 3 : i32
      %dma_wait3A_289 = arith.constant 0 : i32
      %dma_wait3A_290 = arith.constant 0 : i32
      %dma_wait3A_291 = tpu.memref_slice %arg7[%dma_wait3A_288, %dma_wait3A_289, %dma_wait3A_290] : memref<4x80x128xf32, #tpu.memory_space<vmem>> -> memref<1x80x128xf32, #tpu.memory_space<vmem>>
      %dma_wait3A_292 = tpu.memref_squeeze %dma_wait3A_291 : memref<1x80x128xf32, #tpu.memory_space<vmem>> -> memref<80x128xf32, #tpu.memory_space<vmem>>
      %dma_wait3A_293 = arith.constant 0 : i32
      %dma_wait3A_294 = tpu.memref_slice %arg8[%rem3A_147, %dma_wait3A_287, %dma_wait3A_293] : memref<2x8x80xi32, #tpu.memory_space<vmem>> -> memref<1x1x80xi32, #tpu.memory_space<vmem>>
      %dma_wait3A_295 = tpu.memref_squeeze %dma_wait3A_294 : memref<1x1x80xi32, #tpu.memory_space<vmem>> -> memref<80xi32, #tpu.memory_space<vmem>>
      %dma_wait3A_296 = arith.constant 0 : i32
      %dma_wait3A_297 = arith.constant 0 : i32
      %dma_wait3A_298 = tpu.memref_slice %arg2[%dma_wait3A_296, %dma_wait3A_297] : memref<10000x128xf32, #tpu.memory_space<hbm>> -> memref<10000x128xf32, #tpu.memory_space<hbm>>
      tpu.wait_indirect_dma semaphore(%arg13 : memref<!tpu.dma_semaphore, #tpu.memory_space<semaphore_mem>>) src(%dma_wait3A_298 : memref<10000x128xf32, #tpu.memory_space<hbm>>) dst(%dma_wait3A_292 : memref<80x128xf32, #tpu.memory_space<vmem>>)
      %dma_start3A_299 = arith.constant 3 : i32
      %dma_start3A_300 = arith.constant 3 : i32
      %dma_start3A_301 = arith.constant 0 : i32
      %dma_start3A_302 = arith.constant 0 : i32
      %dma_start3A_303 = tpu.memref_slice %arg7[%dma_start3A_299, %dma_start3A_301, %dma_start3A_302] : memref<4x80x128xf32, #tpu.memory_space<vmem>> -> memref<1x80x128xf32, #tpu.memory_space<vmem>>
      %dma_start3A_304 = tpu.memref_squeeze %dma_start3A_303 : memref<1x80x128xf32, #tpu.memory_space<vmem>> -> memref<80x128xf32, #tpu.memory_space<vmem>>
      %dma_start3A_305 = arith.constant 0 : i32
      %dma_start3A_306 = tpu.memref_slice %arg9[%rem3A_147, %dma_start3A_300, %dma_start3A_305] : memref<2x8x80xi32, #tpu.memory_space<vmem>> -> memref<1x1x80xi32, #tpu.memory_space<vmem>>
      %dma_start3A_307 = tpu.memref_squeeze %dma_start3A_306 : memref<1x1x80xi32, #tpu.memory_space<vmem>> -> memref<80xi32, #tpu.memory_space<vmem>>
      %dma_start3A_308 = arith.constant 0 : i32
      %dma_start3A_309 = arith.constant 0 : i32
      %dma_start3A_310 = tpu.memref_slice %arg6[%dma_start3A_308, %dma_start3A_309] : memref<10240x128xf32, #tpu.memory_space<vmem_shared>> -> memref<10240x128xf32, #tpu.memory_space<vmem_shared>>
      tpu.enqueue_indirect_dma source(%dma_start3A_304 : memref<80x128xf32, #tpu.memory_space<vmem>>) target(%dma_start3A_310 : memref<10240x128xf32, #tpu.memory_space<vmem_shared>>) offsets(%dma_start3A_307 : memref<80xi32, #tpu.memory_space<vmem>>) semaphore(%arg17 : memref<!tpu.dma_semaphore, #tpu.memory_space<semaphore_mem>>) {add = true}
      %dma_wait3A_311 = arith.constant 1 : i32
      %dma_wait3A_312 = arith.constant 0 : i32
      %dma_wait3A_313 = arith.constant 0 : i32
      %dma_wait3A_314 = tpu.memref_slice %arg7[%dma_wait3A_311, %dma_wait3A_312, %dma_wait3A_313] : memref<4x80x128xf32, #tpu.memory_space<vmem>> -> memref<1x80x128xf32, #tpu.memory_space<vmem>>
      %dma_wait3A_315 = tpu.memref_squeeze %dma_wait3A_314 : memref<1x80x128xf32, #tpu.memory_space<vmem>> -> memref<80x128xf32, #tpu.memory_space<vmem>>
      %dma_wait3A_316 = arith.constant 0 : i32
      %dma_wait3A_317 = arith.constant 0 : i32
      %dma_wait3A_318 = tpu.memref_slice %arg6[%dma_wait3A_316, %dma_wait3A_317] : memref<10240x128xf32, #tpu.memory_space<vmem_shared>> -> memref<80x128xf32, #tpu.memory_space<vmem_shared>>
      %dma_wait3A_319 = arith.constant 0 : i32
      %dma_wait3A_320 = arith.constant 0 : i32
      %dma_wait3A_321 = tpu.memref_slice %arg6[%dma_wait3A_319, %dma_wait3A_320] : memref<10240x128xf32, #tpu.memory_space<vmem_shared>> -> memref<80x128xf32, #tpu.memory_space<vmem_shared>>
      %dma_wait3A_322 = arith.constant 0 : i32
      %dma_wait3A_323 = arith.constant 0 : i32
      %dma_wait3A_324 = tpu.memref_slice %arg7[%dma_wait3A_311, %dma_wait3A_322, %dma_wait3A_323] : memref<4x80x128xf32, #tpu.memory_space<vmem>> -> memref<1x80x128xf32, #tpu.memory_space<vmem>>
      %dma_wait3A_325 = tpu.memref_squeeze %dma_wait3A_324 : memref<1x80x128xf32, #tpu.memory_space<vmem>> -> memref<80x128xf32, #tpu.memory_space<vmem>>
      tpu.wait_dma2 semaphore(%arg15 : memref<!tpu.dma_semaphore, #tpu.memory_space<semaphore_mem>>) src(%dma_wait3A_325 : memref<80x128xf32, #tpu.memory_space<vmem>>) dst(%dma_wait3A_321 : memref<80x128xf32, #tpu.memory_space<vmem_shared>>)
      %dma_start3A_326 = arith.constant 5 : i32
      %dma_start3A_327 = arith.constant 1 : i32
      %dma_start3A_328 = arith.constant 0 : i32
      %dma_start3A_329 = arith.constant 0 : i32
      %dma_start3A_330 = tpu.memref_slice %arg7[%dma_start3A_327, %dma_start3A_328, %dma_start3A_329] : memref<4x80x128xf32, #tpu.memory_space<vmem>> -> memref<1x80x128xf32, #tpu.memory_space<vmem>>
      %dma_start3A_331 = tpu.memref_squeeze %dma_start3A_330 : memref<1x80x128xf32, #tpu.memory_space<vmem>> -> memref<80x128xf32, #tpu.memory_space<vmem>>
      %dma_start3A_332 = arith.constant 0 : i32
      %dma_start3A_333 = tpu.memref_slice %arg8[%rem3A_147, %dma_start3A_326, %dma_start3A_332] : memref<2x8x80xi32, #tpu.memory_space<vmem>> -> memref<1x1x80xi32, #tpu.memory_space<vmem>>
      %dma_start3A_334 = tpu.memref_squeeze %dma_start3A_333 : memref<1x1x80xi32, #tpu.memory_space<vmem>> -> memref<80xi32, #tpu.memory_space<vmem>>
      %dma_start3A_335 = arith.constant 0 : i32
      %dma_start3A_336 = arith.constant 0 : i32
      %dma_start3A_337 = tpu.memref_slice %arg2[%dma_start3A_335, %dma_start3A_336] : memref<10000x128xf32, #tpu.memory_space<hbm>> -> memref<10000x128xf32, #tpu.memory_space<hbm>>
      tpu.enqueue_indirect_dma source(%dma_start3A_337 : memref<10000x128xf32, #tpu.memory_space<hbm>>) target(%dma_start3A_331 : memref<80x128xf32, #tpu.memory_space<vmem>>) offsets(%dma_start3A_334 : memref<80xi32, #tpu.memory_space<vmem>>) semaphore(%arg11 : memref<!tpu.dma_semaphore, #tpu.memory_space<semaphore_mem>>)
      %dma_wait3A_338 = arith.constant 4 : i32
      %dma_wait3A_339 = arith.constant 0 : i32
      %dma_wait3A_340 = arith.constant 0 : i32
      %dma_wait3A_341 = arith.constant 0 : i32
      %dma_wait3A_342 = tpu.memref_slice %arg7[%dma_wait3A_339, %dma_wait3A_340, %dma_wait3A_341] : memref<4x80x128xf32, #tpu.memory_space<vmem>> -> memref<1x80x128xf32, #tpu.memory_space<vmem>>
      %dma_wait3A_343 = tpu.memref_squeeze %dma_wait3A_342 : memref<1x80x128xf32, #tpu.memory_space<vmem>> -> memref<80x128xf32, #tpu.memory_space<vmem>>
      %dma_wait3A_344 = arith.constant 0 : i32
      %dma_wait3A_345 = tpu.memref_slice %arg8[%rem3A_147, %dma_wait3A_338, %dma_wait3A_344] : memref<2x8x80xi32, #tpu.memory_space<vmem>> -> memref<1x1x80xi32, #tpu.memory_space<vmem>>
      %dma_wait3A_346 = tpu.memref_squeeze %dma_wait3A_345 : memref<1x1x80xi32, #tpu.memory_space<vmem>> -> memref<80xi32, #tpu.memory_space<vmem>>
      %dma_wait3A_347 = arith.constant 0 : i32
      %dma_wait3A_348 = arith.constant 0 : i32
      %dma_wait3A_349 = tpu.memref_slice %arg2[%dma_wait3A_347, %dma_wait3A_348] : memref<10000x128xf32, #tpu.memory_space<hbm>> -> memref<10000x128xf32, #tpu.memory_space<hbm>>
      tpu.wait_indirect_dma semaphore(%arg10 : memref<!tpu.dma_semaphore, #tpu.memory_space<semaphore_mem>>) src(%dma_wait3A_349 : memref<10000x128xf32, #tpu.memory_space<hbm>>) dst(%dma_wait3A_343 : memref<80x128xf32, #tpu.memory_space<vmem>>)
      %dma_start3A_350 = arith.constant 0 : i32
      %dma_start3A_351 = arith.constant 4 : i32
      %dma_start3A_352 = arith.constant 0 : i32
      %dma_start3A_353 = arith.constant 0 : i32
      %dma_start3A_354 = tpu.memref_slice %arg7[%dma_start3A_350, %dma_start3A_352, %dma_start3A_353] : memref<4x80x128xf32, #tpu.memory_space<vmem>> -> memref<1x80x128xf32, #tpu.memory_space<vmem>>
      %dma_start3A_355 = tpu.memref_squeeze %dma_start3A_354 : memref<1x80x128xf32, #tpu.memory_space<vmem>> -> memref<80x128xf32, #tpu.memory_space<vmem>>
      %dma_start3A_356 = arith.constant 0 : i32
      %dma_start3A_357 = tpu.memref_slice %arg9[%rem3A_147, %dma_start3A_351, %dma_start3A_356] : memref<2x8x80xi32, #tpu.memory_space<vmem>> -> memref<1x1x80xi32, #tpu.memory_space<vmem>>
      %dma_start3A_358 = tpu.memref_squeeze %dma_start3A_357 : memref<1x1x80xi32, #tpu.memory_space<vmem>> -> memref<80xi32, #tpu.memory_space<vmem>>
      %dma_start3A_359 = arith.constant 0 : i32
      %dma_start3A_360 = arith.constant 0 : i32
      %dma_start3A_361 = tpu.memref_slice %arg6[%dma_start3A_359, %dma_start3A_360] : memref<10240x128xf32, #tpu.memory_space<vmem_shared>> -> memref<10240x128xf32, #tpu.memory_space<vmem_shared>>
      tpu.enqueue_indirect_dma source(%dma_start3A_355 : memref<80x128xf32, #tpu.memory_space<vmem>>) target(%dma_start3A_361 : memref<10240x128xf32, #tpu.memory_space<vmem_shared>>) offsets(%dma_start3A_358 : memref<80xi32, #tpu.memory_space<vmem>>) semaphore(%arg14 : memref<!tpu.dma_semaphore, #tpu.memory_space<semaphore_mem>>) {add = true}
      %dma_wait3A_362 = arith.constant 2 : i32
      %dma_wait3A_363 = arith.constant 0 : i32
      %dma_wait3A_364 = arith.constant 0 : i32
      %dma_wait3A_365 = tpu.memref_slice %arg7[%dma_wait3A_362, %dma_wait3A_363, %dma_wait3A_364] : memref<4x80x128xf32, #tpu.memory_space<vmem>> -> memref<1x80x128xf32, #tpu.memory_space<vmem>>
      %dma_wait3A_366 = tpu.memref_squeeze %dma_wait3A_365 : memref<1x80x128xf32, #tpu.memory_space<vmem>> -> memref<80x128xf32, #tpu.memory_space<vmem>>
      %dma_wait3A_367 = arith.constant 0 : i32
      %dma_wait3A_368 = arith.constant 0 : i32
      %dma_wait3A_369 = tpu.memref_slice %arg6[%dma_wait3A_367, %dma_wait3A_368] : memref<10240x128xf32, #tpu.memory_space<vmem_shared>> -> memref<80x128xf32, #tpu.memory_space<vmem_shared>>
      %dma_wait3A_370 = arith.constant 0 : i32
      %dma_wait3A_371 = arith.constant 0 : i32
      %dma_wait3A_372 = tpu.memref_slice %arg6[%dma_wait3A_370, %dma_wait3A_371] : memref<10240x128xf32, #tpu.memory_space<vmem_shared>> -> memref<80x128xf32, #tpu.memory_space<vmem_shared>>
      %dma_wait3A_373 = arith.constant 0 : i32
      %dma_wait3A_374 = arith.constant 0 : i32
      %dma_wait3A_375 = tpu.memref_slice %arg7[%dma_wait3A_362, %dma_wait3A_373, %dma_wait3A_374] : memref<4x80x128xf32, #tpu.memory_space<vmem>> -> memref<1x80x128xf32, #tpu.memory_space<vmem>>
      %dma_wait3A_376 = tpu.memref_squeeze %dma_wait3A_375 : memref<1x80x128xf32, #tpu.memory_space<vmem>> -> memref<80x128xf32, #tpu.memory_space<vmem>>
      tpu.wait_dma2 semaphore(%arg16 : memref<!tpu.dma_semaphore, #tpu.memory_space<semaphore_mem>>) src(%dma_wait3A_376 : memref<80x128xf32, #tpu.memory_space<vmem>>) dst(%dma_wait3A_372 : memref<80x128xf32, #tpu.memory_space<vmem_shared>>)
      %dma_start3A_377 = arith.constant 6 : i32
      %dma_start3A_378 = arith.constant 2 : i32
      %dma_start3A_379 = arith.constant 0 : i32
      %dma_start3A_380 = arith.constant 0 : i32
      %dma_start3A_381 = tpu.memref_slice %arg7[%dma_start3A_378, %dma_start3A_379, %dma_start3A_380] : memref<4x80x128xf32, #tpu.memory_space<vmem>> -> memref<1x80x128xf32, #tpu.memory_space<vmem>>
      %dma_start3A_382 = tpu.memref_squeeze %dma_start3A_381 : memref<1x80x128xf32, #tpu.memory_space<vmem>> -> memref<80x128xf32, #tpu.memory_space<vmem>>
      %dma_start3A_383 = arith.constant 0 : i32
      %dma_start3A_384 = tpu.memref_slice %arg8[%rem3A_147, %dma_start3A_377, %dma_start3A_383] : memref<2x8x80xi32, #tpu.memory_space<vmem>> -> memref<1x1x80xi32, #tpu.memory_space<vmem>>
      %dma_start3A_385 = tpu.memref_squeeze %dma_start3A_384 : memref<1x1x80xi32, #tpu.memory_space<vmem>> -> memref<80xi32, #tpu.memory_space<vmem>>
      %dma_start3A_386 = arith.constant 0 : i32
      %dma_start3A_387 = arith.constant 0 : i32
      %dma_start3A_388 = tpu.memref_slice %arg2[%dma_start3A_386, %dma_start3A_387] : memref<10000x128xf32, #tpu.memory_space<hbm>> -> memref<10000x128xf32, #tpu.memory_space<hbm>>
      tpu.enqueue_indirect_dma source(%dma_start3A_388 : memref<10000x128xf32, #tpu.memory_space<hbm>>) target(%dma_start3A_382 : memref<80x128xf32, #tpu.memory_space<vmem>>) offsets(%dma_start3A_385 : memref<80xi32, #tpu.memory_space<vmem>>) semaphore(%arg12 : memref<!tpu.dma_semaphore, #tpu.memory_space<semaphore_mem>>)
      %dma_wait3A_389 = arith.constant 5 : i32
      %dma_wait3A_390 = arith.constant 1 : i32
      %dma_wait3A_391 = arith.constant 0 : i32
      %dma_wait3A_392 = arith.constant 0 : i32
      %dma_wait3A_393 = tpu.memref_slice %arg7[%dma_wait3A_390, %dma_wait3A_391, %dma_wait3A_392] : memref<4x80x128xf32, #tpu.memory_space<vmem>> -> memref<1x80x128xf32, #tpu.memory_space<vmem>>
      %dma_wait3A_394 = tpu.memref_squeeze %dma_wait3A_393 : memref<1x80x128xf32, #tpu.memory_space<vmem>> -> memref<80x128xf32, #tpu.memory_space<vmem>>
      %dma_wait3A_395 = arith.constant 0 : i32
      %dma_wait3A_396 = tpu.memref_slice %arg8[%rem3A_147, %dma_wait3A_389, %dma_wait3A_395] : memref<2x8x80xi32, #tpu.memory_space<vmem>> -> memref<1x1x80xi32, #tpu.memory_space<vmem>>
      %dma_wait3A_397 = tpu.memref_squeeze %dma_wait3A_396 : memref<1x1x80xi32, #tpu.memory_space<vmem>> -> memref<80xi32, #tpu.memory_space<vmem>>
      %dma_wait3A_398 = arith.constant 0 : i32
      %dma_wait3A_399 = arith.constant 0 : i32
      %dma_wait3A_400 = tpu.memref_slice %arg2[%dma_wait3A_398, %dma_wait3A_399] : memref<10000x128xf32, #tpu.memory_space<hbm>> -> memref<10000x128xf32, #tpu.memory_space<hbm>>
      tpu.wait_indirect_dma semaphore(%arg11 : memref<!tpu.dma_semaphore, #tpu.memory_space<semaphore_mem>>) src(%dma_wait3A_400 : memref<10000x128xf32, #tpu.memory_space<hbm>>) dst(%dma_wait3A_394 : memref<80x128xf32, #tpu.memory_space<vmem>>)
      %dma_start3A_401 = arith.constant 1 : i32
      %dma_start3A_402 = arith.constant 5 : i32
      %dma_start3A_403 = arith.constant 0 : i32
      %dma_start3A_404 = arith.constant 0 : i32
      %dma_start3A_405 = tpu.memref_slice %arg7[%dma_start3A_401, %dma_start3A_403, %dma_start3A_404] : memref<4x80x128xf32, #tpu.memory_space<vmem>> -> memref<1x80x128xf32, #tpu.memory_space<vmem>>
      %dma_start3A_406 = tpu.memref_squeeze %dma_start3A_405 : memref<1x80x128xf32, #tpu.memory_space<vmem>> -> memref<80x128xf32, #tpu.memory_space<vmem>>
      %dma_start3A_407 = arith.constant 0 : i32
      %dma_start3A_408 = tpu.memref_slice %arg9[%rem3A_147, %dma_start3A_402, %dma_start3A_407] : memref<2x8x80xi32, #tpu.memory_space<vmem>> -> memref<1x1x80xi32, #tpu.memory_space<vmem>>
      %dma_start3A_409 = tpu.memref_squeeze %dma_start3A_408 : memref<1x1x80xi32, #tpu.memory_space<vmem>> -> memref<80xi32, #tpu.memory_space<vmem>>
      %dma_start3A_410 = arith.constant 0 : i32
      %dma_start3A_411 = arith.constant 0 : i32
      %dma_start3A_412 = tpu.memref_slice %arg6[%dma_start3A_410, %dma_start3A_411] : memref<10240x128xf32, #tpu.memory_space<vmem_shared>> -> memref<10240x128xf32, #tpu.memory_space<vmem_shared>>
      tpu.enqueue_indirect_dma source(%dma_start3A_406 : memref<80x128xf32, #tpu.memory_space<vmem>>) target(%dma_start3A_412 : memref<10240x128xf32, #tpu.memory_space<vmem_shared>>) offsets(%dma_start3A_409 : memref<80xi32, #tpu.memory_space<vmem>>) semaphore(%arg15 : memref<!tpu.dma_semaphore, #tpu.memory_space<semaphore_mem>>) {add = true}
      %dma_wait3A_413 = arith.constant 3 : i32
      %dma_wait3A_414 = arith.constant 0 : i32
      %dma_wait3A_415 = arith.constant 0 : i32
      %dma_wait3A_416 = tpu.memref_slice %arg7[%dma_wait3A_413, %dma_wait3A_414, %dma_wait3A_415] : memref<4x80x128xf32, #tpu.memory_space<vmem>> -> memref<1x80x128xf32, #tpu.memory_space<vmem>>
      %dma_wait3A_417 = tpu.memref_squeeze %dma_wait3A_416 : memref<1x80x128xf32, #tpu.memory_space<vmem>> -> memref<80x128xf32, #tpu.memory_space<vmem>>
      %dma_wait3A_418 = arith.constant 0 : i32
      %dma_wait3A_419 = arith.constant 0 : i32
      %dma_wait3A_420 = tpu.memref_slice %arg6[%dma_wait3A_418, %dma_wait3A_419] : memref<10240x128xf32, #tpu.memory_space<vmem_shared>> -> memref<80x128xf32, #tpu.memory_space<vmem_shared>>
      %dma_wait3A_421 = arith.constant 0 : i32
      %dma_wait3A_422 = arith.constant 0 : i32
      %dma_wait3A_423 = tpu.memref_slice %arg6[%dma_wait3A_421, %dma_wait3A_422] : memref<10240x128xf32, #tpu.memory_space<vmem_shared>> -> memref<80x128xf32, #tpu.memory_space<vmem_shared>>
      %dma_wait3A_424 = arith.constant 0 : i32
      %dma_wait3A_425 = arith.constant 0 : i32
      %dma_wait3A_426 = tpu.memref_slice %arg7[%dma_wait3A_413, %dma_wait3A_424, %dma_wait3A_425] : memref<4x80x128xf32, #tpu.memory_space<vmem>> -> memref<1x80x128xf32, #tpu.memory_space<vmem>>
      %dma_wait3A_427 = tpu.memref_squeeze %dma_wait3A_426 : memref<1x80x128xf32, #tpu.memory_space<vmem>> -> memref<80x128xf32, #tpu.memory_space<vmem>>
      tpu.wait_dma2 semaphore(%arg17 : memref<!tpu.dma_semaphore, #tpu.memory_space<semaphore_mem>>) src(%dma_wait3A_427 : memref<80x128xf32, #tpu.memory_space<vmem>>) dst(%dma_wait3A_423 : memref<80x128xf32, #tpu.memory_space<vmem_shared>>)
      %dma_start3A_428 = arith.constant 7 : i32
      %dma_start3A_429 = arith.constant 3 : i32
      %dma_start3A_430 = arith.constant 0 : i32
      %dma_start3A_431 = arith.constant 0 : i32
      %dma_start3A_432 = tpu.memref_slice %arg7[%dma_start3A_429, %dma_start3A_430, %dma_start3A_431] : memref<4x80x128xf32, #tpu.memory_space<vmem>> -> memref<1x80x128xf32, #tpu.memory_space<vmem>>
      %dma_start3A_433 = tpu.memref_squeeze %dma_start3A_432 : memref<1x80x128xf32, #tpu.memory_space<vmem>> -> memref<80x128xf32, #tpu.memory_space<vmem>>
      %dma_start3A_434 = arith.constant 0 : i32
      %dma_start3A_435 = tpu.memref_slice %arg8[%rem3A_147, %dma_start3A_428, %dma_start3A_434] : memref<2x8x80xi32, #tpu.memory_space<vmem>> -> memref<1x1x80xi32, #tpu.memory_space<vmem>>
      %dma_start3A_436 = tpu.memref_squeeze %dma_start3A_435 : memref<1x1x80xi32, #tpu.memory_space<vmem>> -> memref<80xi32, #tpu.memory_space<vmem>>
      %dma_start3A_437 = arith.constant 0 : i32
      %dma_start3A_438 = arith.constant 0 : i32
      %dma_start3A_439 = tpu.memref_slice %arg2[%dma_start3A_437, %dma_start3A_438] : memref<10000x128xf32, #tpu.memory_space<hbm>> -> memref<10000x128xf32, #tpu.memory_space<hbm>>
      tpu.enqueue_indirect_dma source(%dma_start3A_439 : memref<10000x128xf32, #tpu.memory_space<hbm>>) target(%dma_start3A_433 : memref<80x128xf32, #tpu.memory_space<vmem>>) offsets(%dma_start3A_436 : memref<80xi32, #tpu.memory_space<vmem>>) semaphore(%arg13 : memref<!tpu.dma_semaphore, #tpu.memory_space<semaphore_mem>>)
      %dma_wait3A_440 = arith.constant 6 : i32
      %dma_wait3A_441 = arith.constant 2 : i32
      %dma_wait3A_442 = arith.constant 0 : i32
      %dma_wait3A_443 = arith.constant 0 : i32
      %dma_wait3A_444 = tpu.memref_slice %arg7[%dma_wait3A_441, %dma_wait3A_442, %dma_wait3A_443] : memref<4x80x128xf32, #tpu.memory_space<vmem>> -> memref<1x80x128xf32, #tpu.memory_space<vmem>>
      %dma_wait3A_445 = tpu.memref_squeeze %dma_wait3A_444 : memref<1x80x128xf32, #tpu.memory_space<vmem>> -> memref<80x128xf32, #tpu.memory_space<vmem>>
      %dma_wait3A_446 = arith.constant 0 : i32
      %dma_wait3A_447 = tpu.memref_slice %arg8[%rem3A_147, %dma_wait3A_440, %dma_wait3A_446] : memref<2x8x80xi32, #tpu.memory_space<vmem>> -> memref<1x1x80xi32, #tpu.memory_space<vmem>>
      %dma_wait3A_448 = tpu.memref_squeeze %dma_wait3A_447 : memref<1x1x80xi32, #tpu.memory_space<vmem>> -> memref<80xi32, #tpu.memory_space<vmem>>
      %dma_wait3A_449 = arith.constant 0 : i32
      %dma_wait3A_450 = arith.constant 0 : i32
      %dma_wait3A_451 = tpu.memref_slice %arg2[%dma_wait3A_449, %dma_wait3A_450] : memref<10000x128xf32, #tpu.memory_space<hbm>> -> memref<10000x128xf32, #tpu.memory_space<hbm>>
      tpu.wait_indirect_dma semaphore(%arg12 : memref<!tpu.dma_semaphore, #tpu.memory_space<semaphore_mem>>) src(%dma_wait3A_451 : memref<10000x128xf32, #tpu.memory_space<hbm>>) dst(%dma_wait3A_445 : memref<80x128xf32, #tpu.memory_space<vmem>>)
      %dma_start3A_452 = arith.constant 2 : i32
      %dma_start3A_453 = arith.constant 6 : i32
      %dma_start3A_454 = arith.constant 0 : i32
      %dma_start3A_455 = arith.constant 0 : i32
      %dma_start3A_456 = tpu.memref_slice %arg7[%dma_start3A_452, %dma_start3A_454, %dma_start3A_455] : memref<4x80x128xf32, #tpu.memory_space<vmem>> -> memref<1x80x128xf32, #tpu.memory_space<vmem>>
      %dma_start3A_457 = tpu.memref_squeeze %dma_start3A_456 : memref<1x80x128xf32, #tpu.memory_space<vmem>> -> memref<80x128xf32, #tpu.memory_space<vmem>>
      %dma_start3A_458 = arith.constant 0 : i32
      %dma_start3A_459 = tpu.memref_slice %arg9[%rem3A_147, %dma_start3A_453, %dma_start3A_458] : memref<2x8x80xi32, #tpu.memory_space<vmem>> -> memref<1x1x80xi32, #tpu.memory_space<vmem>>
      %dma_start3A_460 = tpu.memref_squeeze %dma_start3A_459 : memref<1x1x80xi32, #tpu.memory_space<vmem>> -> memref<80xi32, #tpu.memory_space<vmem>>
      %dma_start3A_461 = arith.constant 0 : i32
      %dma_start3A_462 = arith.constant 0 : i32
      %dma_start3A_463 = tpu.memref_slice %arg6[%dma_start3A_461, %dma_start3A_462] : memref<10240x128xf32, #tpu.memory_space<vmem_shared>> -> memref<10240x128xf32, #tpu.memory_space<vmem_shared>>
      tpu.enqueue_indirect_dma source(%dma_start3A_457 : memref<80x128xf32, #tpu.memory_space<vmem>>) target(%dma_start3A_463 : memref<10240x128xf32, #tpu.memory_space<vmem_shared>>) offsets(%dma_start3A_460 : memref<80xi32, #tpu.memory_space<vmem>>) semaphore(%arg16 : memref<!tpu.dma_semaphore, #tpu.memory_space<semaphore_mem>>) {add = true}
      %dma_wait3A_464 = arith.constant 0 : i32
      %dma_wait3A_465 = arith.constant 0 : i32
      %dma_wait3A_466 = arith.constant 0 : i32
      %dma_wait3A_467 = tpu.memref_slice %arg7[%dma_wait3A_464, %dma_wait3A_465, %dma_wait3A_466] : memref<4x80x128xf32, #tpu.memory_space<vmem>> -> memref<1x80x128xf32, #tpu.memory_space<vmem>>
      %dma_wait3A_468 = tpu.memref_squeeze %dma_wait3A_467 : memref<1x80x128xf32, #tpu.memory_space<vmem>> -> memref<80x128xf32, #tpu.memory_space<vmem>>
      %dma_wait3A_469 = arith.constant 0 : i32
      %dma_wait3A_470 = arith.constant 0 : i32
      %dma_wait3A_471 = tpu.memref_slice %arg6[%dma_wait3A_469, %dma_wait3A_470] : memref<10240x128xf32, #tpu.memory_space<vmem_shared>> -> memref<80x128xf32, #tpu.memory_space<vmem_shared>>
      %dma_wait3A_472 = arith.constant 0 : i32
      %dma_wait3A_473 = arith.constant 0 : i32
      %dma_wait3A_474 = tpu.memref_slice %arg6[%dma_wait3A_472, %dma_wait3A_473] : memref<10240x128xf32, #tpu.memory_space<vmem_shared>> -> memref<80x128xf32, #tpu.memory_space<vmem_shared>>
      %dma_wait3A_475 = arith.constant 0 : i32
      %dma_wait3A_476 = arith.constant 0 : i32
      %dma_wait3A_477 = tpu.memref_slice %arg7[%dma_wait3A_464, %dma_wait3A_475, %dma_wait3A_476] : memref<4x80x128xf32, #tpu.memory_space<vmem>> -> memref<1x80x128xf32, #tpu.memory_space<vmem>>
      %dma_wait3A_478 = tpu.memref_squeeze %dma_wait3A_477 : memref<1x80x128xf32, #tpu.memory_space<vmem>> -> memref<80x128xf32, #tpu.memory_space<vmem>>
      tpu.wait_dma2 semaphore(%arg14 : memref<!tpu.dma_semaphore, #tpu.memory_space<semaphore_mem>>) src(%dma_wait3A_478 : memref<80x128xf32, #tpu.memory_space<vmem>>) dst(%dma_wait3A_474 : memref<80x128xf32, #tpu.memory_space<vmem_shared>>)
      %add3A_479 = arith.constant 1 : i32
      %add3A_480 = arith.addi %while3A_144, %add3A_479 : i32
      %lt3A_481 = arith.cmpi slt, %add3A_480, %select_n3A_19 : i32
      %convert_element_type3A_482 = arith.extui %lt3A_481 : i1 to i32
      %cond3A_483 = arith.constant 0 : i32
      %cond3A_484 = arith.cmpi ne, %convert_element_type3A_482, %cond3A_483 : i32
      scf.if %cond3A_484 {
        %dma_start3A_531 = arith.constant 0 : i32
        %dma_start3A_532 = arith.constant 0 : i32
        %dma_start3A_533 = arith.constant 0 : i32
        %dma_start3A_534 = arith.constant 0 : i32
        %dma_start3A_535 = tpu.memref_slice %arg7[%dma_start3A_532, %dma_start3A_533, %dma_start3A_534] : memref<4x80x128xf32, #tpu.memory_space<vmem>> -> memref<1x80x128xf32, #tpu.memory_space<vmem>>
        %dma_start3A_536 = tpu.memref_squeeze %dma_start3A_535 : memref<1x80x128xf32, #tpu.memory_space<vmem>> -> memref<80x128xf32, #tpu.memory_space<vmem>>
        %dma_start3A_537 = arith.constant 0 : i32
        %dma_start3A_538 = tpu.memref_slice %arg8[%rem3A_151, %dma_start3A_531, %dma_start3A_537] : memref<2x8x80xi32, #tpu.memory_space<vmem>> -> memref<1x1x80xi32, #tpu.memory_space<vmem>>
        %dma_start3A_539 = tpu.memref_squeeze %dma_start3A_538 : memref<1x1x80xi32, #tpu.memory_space<vmem>> -> memref<80xi32, #tpu.memory_space<vmem>>
        %dma_start3A_540 = arith.constant 0 : i32
        %dma_start3A_541 = arith.constant 0 : i32
        %dma_start3A_542 = tpu.memref_slice %arg2[%dma_start3A_540, %dma_start3A_541] : memref<10000x128xf32, #tpu.memory_space<hbm>> -> memref<10000x128xf32, #tpu.memory_space<hbm>>
        tpu.enqueue_indirect_dma source(%dma_start3A_542 : memref<10000x128xf32, #tpu.memory_space<hbm>>) target(%dma_start3A_536 : memref<80x128xf32, #tpu.memory_space<vmem>>) offsets(%dma_start3A_539 : memref<80xi32, #tpu.memory_space<vmem>>) semaphore(%arg10 : memref<!tpu.dma_semaphore, #tpu.memory_space<semaphore_mem>>)
      } else {
      }
      %dma_wait3A_485 = arith.constant 7 : i32
      %dma_wait3A_486 = arith.constant 3 : i32
      %dma_wait3A_487 = arith.constant 0 : i32
      %dma_wait3A_488 = arith.constant 0 : i32
      %dma_wait3A_489 = tpu.memref_slice %arg7[%dma_wait3A_486, %dma_wait3A_487, %dma_wait3A_488] : memref<4x80x128xf32, #tpu.memory_space<vmem>> -> memref<1x80x128xf32, #tpu.memory_space<vmem>>
      %dma_wait3A_490 = tpu.memref_squeeze %dma_wait3A_489 : memref<1x80x128xf32, #tpu.memory_space<vmem>> -> memref<80x128xf32, #tpu.memory_space<vmem>>
      %dma_wait3A_491 = arith.constant 0 : i32
      %dma_wait3A_492 = tpu.memref_slice %arg8[%rem3A_147, %dma_wait3A_485, %dma_wait3A_491] : memref<2x8x80xi32, #tpu.memory_space<vmem>> -> memref<1x1x80xi32, #tpu.memory_space<vmem>>
      %dma_wait3A_493 = tpu.memref_squeeze %dma_wait3A_492 : memref<1x1x80xi32, #tpu.memory_space<vmem>> -> memref<80xi32, #tpu.memory_space<vmem>>
      %dma_wait3A_494 = arith.constant 0 : i32
      %dma_wait3A_495 = arith.constant 0 : i32
      %dma_wait3A_496 = tpu.memref_slice %arg2[%dma_wait3A_494, %dma_wait3A_495] : memref<10000x128xf32, #tpu.memory_space<hbm>> -> memref<10000x128xf32, #tpu.memory_space<hbm>>
      tpu.wait_indirect_dma semaphore(%arg13 : memref<!tpu.dma_semaphore, #tpu.memory_space<semaphore_mem>>) src(%dma_wait3A_496 : memref<10000x128xf32, #tpu.memory_space<hbm>>) dst(%dma_wait3A_490 : memref<80x128xf32, #tpu.memory_space<vmem>>)
      %dma_start3A_497 = arith.constant 3 : i32
      %dma_start3A_498 = arith.constant 7 : i32
      %dma_start3A_499 = arith.constant 0 : i32
      %dma_start3A_500 = arith.constant 0 : i32
      %dma_start3A_501 = tpu.memref_slice %arg7[%dma_start3A_497, %dma_start3A_499, %dma_start3A_500] : memref<4x80x128xf32, #tpu.memory_space<vmem>> -> memref<1x80x128xf32, #tpu.memory_space<vmem>>
      %dma_start3A_502 = tpu.memref_squeeze %dma_start3A_501 : memref<1x80x128xf32, #tpu.memory_space<vmem>> -> memref<80x128xf32, #tpu.memory_space<vmem>>
      %dma_start3A_503 = arith.constant 0 : i32
      %dma_start3A_504 = tpu.memref_slice %arg9[%rem3A_147, %dma_start3A_498, %dma_start3A_503] : memref<2x8x80xi32, #tpu.memory_space<vmem>> -> memref<1x1x80xi32, #tpu.memory_space<vmem>>
      %dma_start3A_505 = tpu.memref_squeeze %dma_start3A_504 : memref<1x1x80xi32, #tpu.memory_space<vmem>> -> memref<80xi32, #tpu.memory_space<vmem>>
      %dma_start3A_506 = arith.constant 0 : i32
      %dma_start3A_507 = arith.constant 0 : i32
      %dma_start3A_508 = tpu.memref_slice %arg6[%dma_start3A_506, %dma_start3A_507] : memref<10240x128xf32, #tpu.memory_space<vmem_shared>> -> memref<10240x128xf32, #tpu.memory_space<vmem_shared>>
      tpu.enqueue_indirect_dma source(%dma_start3A_502 : memref<80x128xf32, #tpu.memory_space<vmem>>) target(%dma_start3A_508 : memref<10240x128xf32, #tpu.memory_space<vmem_shared>>) offsets(%dma_start3A_505 : memref<80xi32, #tpu.memory_space<vmem>>) semaphore(%arg17 : memref<!tpu.dma_semaphore, #tpu.memory_space<semaphore_mem>>) {add = true}
      %dma_wait3A_509 = arith.constant 1 : i32
      %dma_wait3A_510 = arith.constant 0 : i32
      %dma_wait3A_511 = arith.constant 0 : i32
      %dma_wait3A_512 = tpu.memref_slice %arg7[%dma_wait3A_509, %dma_wait3A_510, %dma_wait3A_511] : memref<4x80x128xf32, #tpu.memory_space<vmem>> -> memref<1x80x128xf32, #tpu.memory_space<vmem>>
      %dma_wait3A_513 = tpu.memref_squeeze %dma_wait3A_512 : memref<1x80x128xf32, #tpu.memory_space<vmem>> -> memref<80x128xf32, #tpu.memory_space<vmem>>
      %dma_wait3A_514 = arith.constant 0 : i32
      %dma_wait3A_515 = arith.constant 0 : i32
      %dma_wait3A_516 = tpu.memref_slice %arg6[%dma_wait3A_514, %dma_wait3A_515] : memref<10240x128xf32, #tpu.memory_space<vmem_shared>> -> memref<80x128xf32, #tpu.memory_space<vmem_shared>>
      %dma_wait3A_517 = arith.constant 0 : i32
      %dma_wait3A_518 = arith.constant 0 : i32
      %dma_wait3A_519 = tpu.memref_slice %arg6[%dma_wait3A_517, %dma_wait3A_518] : memref<10240x128xf32, #tpu.memory_space<vmem_shared>> -> memref<80x128xf32, #tpu.memory_space<vmem_shared>>
      %dma_wait3A_520 = arith.constant 0 : i32
      %dma_wait3A_521 = arith.constant 0 : i32
      %dma_wait3A_522 = tpu.memref_slice %arg7[%dma_wait3A_509, %dma_wait3A_520, %dma_wait3A_521] : memref<4x80x128xf32, #tpu.memory_space<vmem>> -> memref<1x80x128xf32, #tpu.memory_space<vmem>>
      %dma_wait3A_523 = tpu.memref_squeeze %dma_wait3A_522 : memref<1x80x128xf32, #tpu.memory_space<vmem>> -> memref<80x128xf32, #tpu.memory_space<vmem>>
      tpu.wait_dma2 semaphore(%arg15 : memref<!tpu.dma_semaphore, #tpu.memory_space<semaphore_mem>>) src(%dma_wait3A_523 : memref<80x128xf32, #tpu.memory_space<vmem>>) dst(%dma_wait3A_519 : memref<80x128xf32, #tpu.memory_space<vmem_shared>>)
      %add3A_524 = arith.constant 1 : i32
      %add3A_525 = arith.addi %while3A_144, %add3A_524 : i32
      %lt3A_526 = arith.cmpi slt, %add3A_525, %select_n3A_19 : i32
      %convert_element_type3A_527 = arith.extui %lt3A_526 : i1 to i32
      %cond3A_528 = arith.constant 0 : i32
      %cond3A_529 = arith.cmpi ne, %convert_element_type3A_527, %cond3A_528 : i32
      scf.if %cond3A_529 {
        %dma_start3A_531 = arith.constant 1 : i32
        %dma_start3A_532 = arith.constant 1 : i32
        %dma_start3A_533 = arith.constant 0 : i32
        %dma_start3A_534 = arith.constant 0 : i32
        %dma_start3A_535 = tpu.memref_slice %arg7[%dma_start3A_532, %dma_start3A_533, %dma_start3A_534] : memref<4x80x128xf32, #tpu.memory_space<vmem>> -> memref<1x80x128xf32, #tpu.memory_space<vmem>>
        %dma_start3A_536 = tpu.memref_squeeze %dma_start3A_535 : memref<1x80x128xf32, #tpu.memory_space<vmem>> -> memref<80x128xf32, #tpu.memory_space<vmem>>
        %dma_start3A_537 = arith.constant 0 : i32
        %dma_start3A_538 = tpu.memref_slice %arg8[%rem3A_151, %dma_start3A_531, %dma_start3A_537] : memref<2x8x80xi32, #tpu.memory_space<vmem>> -> memref<1x1x80xi32, #tpu.memory_space<vmem>>
        %dma_start3A_539 = tpu.memref_squeeze %dma_start3A_538 : memref<1x1x80xi32, #tpu.memory_space<vmem>> -> memref<80xi32, #tpu.memory_space<vmem>>
        %dma_start3A_540 = arith.constant 0 : i32
        %dma_start3A_541 = arith.constant 0 : i32
        %dma_start3A_542 = tpu.memref_slice %arg2[%dma_start3A_540, %dma_start3A_541] : memref<10000x128xf32, #tpu.memory_space<hbm>> -> memref<10000x128xf32, #tpu.memory_space<hbm>>
        tpu.enqueue_indirect_dma source(%dma_start3A_542 : memref<10000x128xf32, #tpu.memory_space<hbm>>) target(%dma_start3A_536 : memref<80x128xf32, #tpu.memory_space<vmem>>) offsets(%dma_start3A_539 : memref<80xi32, #tpu.memory_space<vmem>>) semaphore(%arg11 : memref<!tpu.dma_semaphore, #tpu.memory_space<semaphore_mem>>)
      } else {
      }
      %while3A_530 = arith.constant 0 : i32
      scf.yield %while3A_530 : i32
    }
    %while3A_108 = arith.constant 1 : i32
    %while3A_109 = scf.for %while3A_144 = %while3A_105 to %while3A_101 step %while3A_108 iter_args(%while3A_145 = %while3A_107) -> (i32)  : i32 {
      %rem3A_146 = arith.constant 2 : i32
      %rem3A_147 = arith.remsi %while3A_144, %rem3A_146 : i32
      %add3A_148 = arith.constant 1 : i32
      %add3A_149 = arith.addi %while3A_144, %add3A_148 : i32
      %rem3A_150 = arith.constant 2 : i32
      %rem3A_151 = arith.remsi %add3A_149, %rem3A_150 : i32
      %dma_wait3A_152 = arith.constant 0 : i32
      %dma_wait3A_153 = arith.constant 0 : i32
      %dma_wait3A_154 = arith.constant 0 : i32
      %dma_wait3A_155 = arith.constant 0 : i32
      %dma_wait3A_156 = tpu.memref_slice %arg7[%dma_wait3A_153, %dma_wait3A_154, %dma_wait3A_155] : memref<4x80x128xf32, #tpu.memory_space<vmem>> -> memref<1x80x128xf32, #tpu.memory_space<vmem>>
      %dma_wait3A_157 = tpu.memref_squeeze %dma_wait3A_156 : memref<1x80x128xf32, #tpu.memory_space<vmem>> -> memref<80x128xf32, #tpu.memory_space<vmem>>
      %dma_wait3A_158 = arith.constant 0 : i32
      %dma_wait3A_159 = tpu.memref_slice %arg8[%rem3A_147, %dma_wait3A_152, %dma_wait3A_158] : memref<2x8x80xi32, #tpu.memory_space<vmem>> -> memref<1x1x80xi32, #tpu.memory_space<vmem>>
      %dma_wait3A_160 = tpu.memref_squeeze %dma_wait3A_159 : memref<1x1x80xi32, #tpu.memory_space<vmem>> -> memref<80xi32, #tpu.memory_space<vmem>>
      %dma_wait3A_161 = arith.constant 0 : i32
      %dma_wait3A_162 = arith.constant 0 : i32
      %dma_wait3A_163 = tpu.memref_slice %arg2[%dma_wait3A_161, %dma_wait3A_162] : memref<10000x128xf32, #tpu.memory_space<hbm>> -> memref<10000x128xf32, #tpu.memory_space<hbm>>
      tpu.wait_indirect_dma semaphore(%arg10 : memref<!tpu.dma_semaphore, #tpu.memory_space<semaphore_mem>>) src(%dma_wait3A_163 : memref<10000x128xf32, #tpu.memory_space<hbm>>) dst(%dma_wait3A_157 : memref<80x128xf32, #tpu.memory_space<vmem>>)
      %dma_start3A_164 = arith.constant 0 : i32
      %dma_start3A_165 = arith.constant 0 : i32
      %dma_start3A_166 = arith.constant 0 : i32
      %dma_start3A_167 = arith.constant 0 : i32
      %dma_start3A_168 = tpu.memref_slice %arg7[%dma_start3A_164, %dma_start3A_166, %dma_start3A_167] : memref<4x80x128xf32, #tpu.memory_space<vmem>> -> memref<1x80x128xf32, #tpu.memory_space<vmem>>
      %dma_start3A_169 = tpu.memref_squeeze %dma_start3A_168 : memref<1x80x128xf32, #tpu.memory_space<vmem>> -> memref<80x128xf32, #tpu.memory_space<vmem>>
      %dma_start3A_170 = arith.constant 0 : i32
      %dma_start3A_171 = tpu.memref_slice %arg9[%rem3A_147, %dma_start3A_165, %dma_start3A_170] : memref<2x8x80xi32, #tpu.memory_space<vmem>> -> memref<1x1x80xi32, #tpu.memory_space<vmem>>
      %dma_start3A_172 = tpu.memref_squeeze %dma_start3A_171 : memref<1x1x80xi32, #tpu.memory_space<vmem>> -> memref<80xi32, #tpu.memory_space<vmem>>
      %dma_start3A_173 = arith.constant 0 : i32
      %dma_start3A_174 = arith.constant 0 : i32
      %dma_start3A_175 = tpu.memref_slice %arg6[%dma_start3A_173, %dma_start3A_174] : memref<10240x128xf32, #tpu.memory_space<vmem_shared>> -> memref<10240x128xf32, #tpu.memory_space<vmem_shared>>
      tpu.enqueue_indirect_dma source(%dma_start3A_169 : memref<80x128xf32, #tpu.memory_space<vmem>>) target(%dma_start3A_175 : memref<10240x128xf32, #tpu.memory_space<vmem_shared>>) offsets(%dma_start3A_172 : memref<80xi32, #tpu.memory_space<vmem>>) semaphore(%arg14 : memref<!tpu.dma_semaphore, #tpu.memory_space<semaphore_mem>>) {add = true}
      %ge3A = arith.constant 1 : i32
      %ge3A_176 = arith.cmpi sge, %while3A_144, %ge3A : i32
      %convert_element_type3A = arith.extui %ge3A_176 : i1 to i32
      %cond3A = arith.constant 0 : i32
      %cond3A_177 = arith.cmpi ne, %convert_element_type3A, %cond3A : i32
      scf.if %cond3A_177 {
        %dma_wait3A_531 = arith.constant 2 : i32
        %dma_wait3A_532 = arith.constant 0 : i32
        %dma_wait3A_533 = arith.constant 0 : i32
        %dma_wait3A_534 = tpu.memref_slice %arg7[%dma_wait3A_531, %dma_wait3A_532, %dma_wait3A_533] : memref<4x80x128xf32, #tpu.memory_space<vmem>> -> memref<1x80x128xf32, #tpu.memory_space<vmem>>
        %dma_wait3A_535 = tpu.memref_squeeze %dma_wait3A_534 : memref<1x80x128xf32, #tpu.memory_space<vmem>> -> memref<80x128xf32, #tpu.memory_space<vmem>>
        %dma_wait3A_536 = arith.constant 0 : i32
        %dma_wait3A_537 = arith.constant 0 : i32
        %dma_wait3A_538 = tpu.memref_slice %arg6[%dma_wait3A_536, %dma_wait3A_537] : memref<10240x128xf32, #tpu.memory_space<vmem_shared>> -> memref<80x128xf32, #tpu.memory_space<vmem_shared>>
        %dma_wait3A_539 = arith.constant 0 : i32
        %dma_wait3A_540 = arith.constant 0 : i32
        %dma_wait3A_541 = tpu.memref_slice %arg6[%dma_wait3A_539, %dma_wait3A_540] : memref<10240x128xf32, #tpu.memory_space<vmem_shared>> -> memref<80x128xf32, #tpu.memory_space<vmem_shared>>
        %dma_wait3A_542 = arith.constant 0 : i32
        %dma_wait3A_543 = arith.constant 0 : i32
        %dma_wait3A_544 = tpu.memref_slice %arg7[%dma_wait3A_531, %dma_wait3A_542, %dma_wait3A_543] : memref<4x80x128xf32, #tpu.memory_space<vmem>> -> memref<1x80x128xf32, #tpu.memory_space<vmem>>
        %dma_wait3A_545 = tpu.memref_squeeze %dma_wait3A_544 : memref<1x80x128xf32, #tpu.memory_space<vmem>> -> memref<80x128xf32, #tpu.memory_space<vmem>>
        tpu.wait_dma2 semaphore(%arg16 : memref<!tpu.dma_semaphore, #tpu.memory_space<semaphore_mem>>) src(%dma_wait3A_545 : memref<80x128xf32, #tpu.memory_space<vmem>>) dst(%dma_wait3A_541 : memref<80x128xf32, #tpu.memory_space<vmem_shared>>)
      } else {
      }
      %dma_start3A_178 = arith.constant 2 : i32
      %dma_start3A_179 = arith.constant 2 : i32
      %dma_start3A_180 = arith.constant 0 : i32
      %dma_start3A_181 = arith.constant 0 : i32
      %dma_start3A_182 = tpu.memref_slice %arg7[%dma_start3A_179, %dma_start3A_180, %dma_start3A_181] : memref<4x80x128xf32, #tpu.memory_space<vmem>> -> memref<1x80x128xf32, #tpu.memory_space<vmem>>
      %dma_start3A_183 = tpu.memref_squeeze %dma_start3A_182 : memref<1x80x128xf32, #tpu.memory_space<vmem>> -> memref<80x128xf32, #tpu.memory_space<vmem>>
      %dma_start3A_184 = arith.constant 0 : i32
      %dma_start3A_185 = tpu.memref_slice %arg8[%rem3A_147, %dma_start3A_178, %dma_start3A_184] : memref<2x8x80xi32, #tpu.memory_space<vmem>> -> memref<1x1x80xi32, #tpu.memory_space<vmem>>
      %dma_start3A_186 = tpu.memref_squeeze %dma_start3A_185 : memref<1x1x80xi32, #tpu.memory_space<vmem>> -> memref<80xi32, #tpu.memory_space<vmem>>
      %dma_start3A_187 = arith.constant 0 : i32
      %dma_start3A_188 = arith.constant 0 : i32
      %dma_start3A_189 = tpu.memref_slice %arg2[%dma_start3A_187, %dma_start3A_188] : memref<10000x128xf32, #tpu.memory_space<hbm>> -> memref<10000x128xf32, #tpu.memory_space<hbm>>
      tpu.enqueue_indirect_dma source(%dma_start3A_189 : memref<10000x128xf32, #tpu.memory_space<hbm>>) target(%dma_start3A_183 : memref<80x128xf32, #tpu.memory_space<vmem>>) offsets(%dma_start3A_186 : memref<80xi32, #tpu.memory_space<vmem>>) semaphore(%arg12 : memref<!tpu.dma_semaphore, #tpu.memory_space<semaphore_mem>>)
      %dma_wait3A_190 = arith.constant 1 : i32
      %dma_wait3A_191 = arith.constant 1 : i32
      %dma_wait3A_192 = arith.constant 0 : i32
      %dma_wait3A_193 = arith.constant 0 : i32
      %dma_wait3A_194 = tpu.memref_slice %arg7[%dma_wait3A_191, %dma_wait3A_192, %dma_wait3A_193] : memref<4x80x128xf32, #tpu.memory_space<vmem>> -> memref<1x80x128xf32, #tpu.memory_space<vmem>>
      %dma_wait3A_195 = tpu.memref_squeeze %dma_wait3A_194 : memref<1x80x128xf32, #tpu.memory_space<vmem>> -> memref<80x128xf32, #tpu.memory_space<vmem>>
      %dma_wait3A_196 = arith.constant 0 : i32
      %dma_wait3A_197 = tpu.memref_slice %arg8[%rem3A_147, %dma_wait3A_190, %dma_wait3A_196] : memref<2x8x80xi32, #tpu.memory_space<vmem>> -> memref<1x1x80xi32, #tpu.memory_space<vmem>>
      %dma_wait3A_198 = tpu.memref_squeeze %dma_wait3A_197 : memref<1x1x80xi32, #tpu.memory_space<vmem>> -> memref<80xi32, #tpu.memory_space<vmem>>
      %dma_wait3A_199 = arith.constant 0 : i32
      %dma_wait3A_200 = arith.constant 0 : i32
      %dma_wait3A_201 = tpu.memref_slice %arg2[%dma_wait3A_199, %dma_wait3A_200] : memref<10000x128xf32, #tpu.memory_space<hbm>> -> memref<10000x128xf32, #tpu.memory_space<hbm>>
      tpu.wait_indirect_dma semaphore(%arg11 : memref<!tpu.dma_semaphore, #tpu.memory_space<semaphore_mem>>) src(%dma_wait3A_201 : memref<10000x128xf32, #tpu.memory_space<hbm>>) dst(%dma_wait3A_195 : memref<80x128xf32, #tpu.memory_space<vmem>>)
      %dma_start3A_202 = arith.constant 1 : i32
      %dma_start3A_203 = arith.constant 1 : i32
      %dma_start3A_204 = arith.constant 0 : i32
      %dma_start3A_205 = arith.constant 0 : i32
      %dma_start3A_206 = tpu.memref_slice %arg7[%dma_start3A_202, %dma_start3A_204, %dma_start3A_205] : memref<4x80x128xf32, #tpu.memory_space<vmem>> -> memref<1x80x128xf32, #tpu.memory_space<vmem>>
      %dma_start3A_207 = tpu.memref_squeeze %dma_start3A_206 : memref<1x80x128xf32, #tpu.memory_space<vmem>> -> memref<80x128xf32, #tpu.memory_space<vmem>>
      %dma_start3A_208 = arith.constant 0 : i32
      %dma_start3A_209 = tpu.memref_slice %arg9[%rem3A_147, %dma_start3A_203, %dma_start3A_208] : memref<2x8x80xi32, #tpu.memory_space<vmem>> -> memref<1x1x80xi32, #tpu.memory_space<vmem>>
      %dma_start3A_210 = tpu.memref_squeeze %dma_start3A_209 : memref<1x1x80xi32, #tpu.memory_space<vmem>> -> memref<80xi32, #tpu.memory_space<vmem>>
      %dma_start3A_211 = arith.constant 0 : i32
      %dma_start3A_212 = arith.constant 0 : i32
      %dma_start3A_213 = tpu.memref_slice %arg6[%dma_start3A_211, %dma_start3A_212] : memref<10240x128xf32, #tpu.memory_space<vmem_shared>> -> memref<10240x128xf32, #tpu.memory_space<vmem_shared>>
      tpu.enqueue_indirect_dma source(%dma_start3A_207 : memref<80x128xf32, #tpu.memory_space<vmem>>) target(%dma_start3A_213 : memref<10240x128xf32, #tpu.memory_space<vmem_shared>>) offsets(%dma_start3A_210 : memref<80xi32, #tpu.memory_space<vmem>>) semaphore(%arg15 : memref<!tpu.dma_semaphore, #tpu.memory_space<semaphore_mem>>) {add = true}
      %ge3A_214 = arith.constant 1 : i32
      %ge3A_215 = arith.cmpi sge, %while3A_144, %ge3A_214 : i32
      %convert_element_type3A_216 = arith.extui %ge3A_215 : i1 to i32
      %cond3A_217 = arith.constant 0 : i32
      %cond3A_218 = arith.cmpi ne, %convert_element_type3A_216, %cond3A_217 : i32
      scf.if %cond3A_218 {
        %dma_wait3A_531 = arith.constant 3 : i32
        %dma_wait3A_532 = arith.constant 0 : i32
        %dma_wait3A_533 = arith.constant 0 : i32
        %dma_wait3A_534 = tpu.memref_slice %arg7[%dma_wait3A_531, %dma_wait3A_532, %dma_wait3A_533] : memref<4x80x128xf32, #tpu.memory_space<vmem>> -> memref<1x80x128xf32, #tpu.memory_space<vmem>>
        %dma_wait3A_535 = tpu.memref_squeeze %dma_wait3A_534 : memref<1x80x128xf32, #tpu.memory_space<vmem>> -> memref<80x128xf32, #tpu.memory_space<vmem>>
        %dma_wait3A_536 = arith.constant 0 : i32
        %dma_wait3A_537 = arith.constant 0 : i32
        %dma_wait3A_538 = tpu.memref_slice %arg6[%dma_wait3A_536, %dma_wait3A_537] : memref<10240x128xf32, #tpu.memory_space<vmem_shared>> -> memref<80x128xf32, #tpu.memory_space<vmem_shared>>
        %dma_wait3A_539 = arith.constant 0 : i32
        %dma_wait3A_540 = arith.constant 0 : i32
        %dma_wait3A_541 = tpu.memref_slice %arg6[%dma_wait3A_539, %dma_wait3A_540] : memref<10240x128xf32, #tpu.memory_space<vmem_shared>> -> memref<80x128xf32, #tpu.memory_space<vmem_shared>>
        %dma_wait3A_542 = arith.constant 0 : i32
        %dma_wait3A_543 = arith.constant 0 : i32
        %dma_wait3A_544 = tpu.memref_slice %arg7[%dma_wait3A_531, %dma_wait3A_542, %dma_wait3A_543] : memref<4x80x128xf32, #tpu.memory_space<vmem>> -> memref<1x80x128xf32, #tpu.memory_space<vmem>>
        %dma_wait3A_545 = tpu.memref_squeeze %dma_wait3A_544 : memref<1x80x128xf32, #tpu.memory_space<vmem>> -> memref<80x128xf32, #tpu.memory_space<vmem>>
        tpu.wait_dma2 semaphore(%arg17 : memref<!tpu.dma_semaphore, #tpu.memory_space<semaphore_mem>>) src(%dma_wait3A_545 : memref<80x128xf32, #tpu.memory_space<vmem>>) dst(%dma_wait3A_541 : memref<80x128xf32, #tpu.memory_space<vmem_shared>>)
      } else {
      }
      %add3A_219 = arith.constant 1 : i32
      %add3A_220 = arith.addi %while3A_144, %add3A_219 : i32
      %lt3A = arith.cmpi slt, %add3A_220, %select_n3A_19 : i32
      %convert_element_type3A_221 = arith.extui %lt3A : i1 to i32
      %cond3A_222 = arith.constant 0 : i32
      %cond3A_223 = arith.cmpi ne, %convert_element_type3A_221, %cond3A_222 : i32
      scf.if %cond3A_223 {
        %add3A_531 = arith.constant 1 : i32
        %add3A_532 = arith.addi %while3A_144, %add3A_531 : i32
        %mul3A_533 = arith.constant 8 : i32
        %mul3A_534 = arith.muli %add3A_532, %mul3A_533 : i32
        %add3A_535 = arith.addi %select_n3A_26, %mul3A_534 : i32
        "tpu.region"() ({
          %run_scoped3A_541 = tpu.sem_alloc : memref<!tpu.dma_semaphore, #tpu.memory_space<semaphore_mem>>
          %dma_start3A_542 = arith.constant 0 : i32
          %dma_start3A_543 = arith.constant 0 : i32
          %dma_start3A_544 = tpu.memref_slice %arg8[%rem3A_151, %dma_start3A_542, %dma_start3A_543] : memref<2x8x80xi32, #tpu.memory_space<vmem>> -> memref<1x8x80xi32, #tpu.memory_space<vmem>>
          %dma_start3A_545 = tpu.memref_squeeze %dma_start3A_544 : memref<1x8x80xi32, #tpu.memory_space<vmem>> -> memref<8x80xi32, #tpu.memory_space<vmem>>
          %dma_start3A_546 = arith.constant 0 : i32
          %dma_start3A_547 = tpu.memref_slice %arg3[%add3A_535, %dma_start3A_546] : memref<4096x80xi32, #tpu.memory_space<hbm>> -> memref<8x80xi32, #tpu.memory_space<hbm>>
          %dma_start3A_548 = arith.constant 0 : i32
          %dma_start3A_549 = arith.constant 0 : i32
          %dma_start3A_550 = tpu.memref_slice %arg8[%rem3A_151, %dma_start3A_548, %dma_start3A_549] : memref<2x8x80xi32, #tpu.memory_space<vmem>> -> memref<1x8x80xi32, #tpu.memory_space<vmem>>
          %dma_start3A_551 = tpu.memref_squeeze %dma_start3A_550 : memref<1x8x80xi32, #tpu.memory_space<vmem>> -> memref<8x80xi32, #tpu.memory_space<vmem>>
          %dma_start3A_552 = arith.constant 0 : i32
          %dma_start3A_553 = tpu.memref_slice %arg3[%add3A_535, %dma_start3A_552] : memref<4096x80xi32, #tpu.memory_space<hbm>> -> memref<8x80xi32, #tpu.memory_space<hbm>>
          tpu.enqueue_dma source(%dma_start3A_553 : memref<8x80xi32, #tpu.memory_space<hbm>>) target(%dma_start3A_551 : memref<8x80xi32, #tpu.memory_space<vmem>>) target_semaphore(%run_scoped3A_541 : memref<!tpu.dma_semaphore, #tpu.memory_space<semaphore_mem>>)
          %dma_wait3A_554 = arith.constant 0 : i32
          %dma_wait3A_555 = arith.constant 0 : i32
          %dma_wait3A_556 = tpu.memref_slice %arg8[%rem3A_151, %dma_wait3A_554, %dma_wait3A_555] : memref<2x8x80xi32, #tpu.memory_space<vmem>> -> memref<1x8x80xi32, #tpu.memory_space<vmem>>
          %dma_wait3A_557 = tpu.memref_squeeze %dma_wait3A_556 : memref<1x8x80xi32, #tpu.memory_space<vmem>> -> memref<8x80xi32, #tpu.memory_space<vmem>>
          %dma_wait3A_558 = arith.constant 0 : i32
          %dma_wait3A_559 = tpu.memref_slice %arg3[%add3A_535, %dma_wait3A_558] : memref<4096x80xi32, #tpu.memory_space<hbm>> -> memref<8x80xi32, #tpu.memory_space<hbm>>
          %dma_wait3A_560 = arith.constant 0 : i32
          %dma_wait3A_561 = arith.constant 0 : i32
          %dma_wait3A_562 = tpu.memref_slice %arg8[%rem3A_151, %dma_wait3A_560, %dma_wait3A_561] : memref<2x8x80xi32, #tpu.memory_space<vmem>> -> memref<1x8x80xi32, #tpu.memory_space<vmem>>
          %dma_wait3A_563 = tpu.memref_squeeze %dma_wait3A_562 : memref<1x8x80xi32, #tpu.memory_space<vmem>> -> memref<8x80xi32, #tpu.memory_space<vmem>>
          %dma_wait3A_564 = arith.constant 0 : i32
          %dma_wait3A_565 = tpu.memref_slice %arg3[%add3A_535, %dma_wait3A_564] : memref<4096x80xi32, #tpu.memory_space<hbm>> -> memref<8x80xi32, #tpu.memory_space<hbm>>
          tpu.wait_dma2 semaphore(%run_scoped3A_541 : memref<!tpu.dma_semaphore, #tpu.memory_space<semaphore_mem>>) src(%dma_wait3A_565 : memref<8x80xi32, #tpu.memory_space<hbm>>) dst(%dma_wait3A_563 : memref<8x80xi32, #tpu.memory_space<vmem>>)
          tpu.yield
        }) : () -> ()
        %add3A_536 = arith.constant 1 : i32
        %add3A_537 = arith.addi %while3A_144, %add3A_536 : i32
        %mul3A_538 = arith.constant 8 : i32
        %mul3A_539 = arith.muli %add3A_537, %mul3A_538 : i32
        %add3A_540 = arith.addi %select_n3A_26, %mul3A_539 : i32
        "tpu.region"() ({
          %run_scoped3A_541 = tpu.sem_alloc : memref<!tpu.dma_semaphore, #tpu.memory_space<semaphore_mem>>
          %dma_start3A_542 = arith.constant 0 : i32
          %dma_start3A_543 = arith.constant 0 : i32
          %dma_start3A_544 = tpu.memref_slice %arg9[%rem3A_151, %dma_start3A_542, %dma_start3A_543] : memref<2x8x80xi32, #tpu.memory_space<vmem>> -> memref<1x8x80xi32, #tpu.memory_space<vmem>>
          %dma_start3A_545 = tpu.memref_squeeze %dma_start3A_544 : memref<1x8x80xi32, #tpu.memory_space<vmem>> -> memref<8x80xi32, #tpu.memory_space<vmem>>
          %dma_start3A_546 = arith.constant 0 : i32
          %dma_start3A_547 = tpu.memref_slice %arg4[%add3A_540, %dma_start3A_546] : memref<4096x80xi32, #tpu.memory_space<hbm>> -> memref<8x80xi32, #tpu.memory_space<hbm>>
          %dma_start3A_548 = arith.constant 0 : i32
          %dma_start3A_549 = arith.constant 0 : i32
          %dma_start3A_550 = tpu.memref_slice %arg9[%rem3A_151, %dma_start3A_548, %dma_start3A_549] : memref<2x8x80xi32, #tpu.memory_space<vmem>> -> memref<1x8x80xi32, #tpu.memory_space<vmem>>
          %dma_start3A_551 = tpu.memref_squeeze %dma_start3A_550 : memref<1x8x80xi32, #tpu.memory_space<vmem>> -> memref<8x80xi32, #tpu.memory_space<vmem>>
          %dma_start3A_552 = arith.constant 0 : i32
          %dma_start3A_553 = tpu.memref_slice %arg4[%add3A_540, %dma_start3A_552] : memref<4096x80xi32, #tpu.memory_space<hbm>> -> memref<8x80xi32, #tpu.memory_space<hbm>>
          tpu.enqueue_dma source(%dma_start3A_553 : memref<8x80xi32, #tpu.memory_space<hbm>>) target(%dma_start3A_551 : memref<8x80xi32, #tpu.memory_space<vmem>>) target_semaphore(%run_scoped3A_541 : memref<!tpu.dma_semaphore, #tpu.memory_space<semaphore_mem>>)
          %dma_wait3A_554 = arith.constant 0 : i32
          %dma_wait3A_555 = arith.constant 0 : i32
          %dma_wait3A_556 = tpu.memref_slice %arg9[%rem3A_151, %dma_wait3A_554, %dma_wait3A_555] : memref<2x8x80xi32, #tpu.memory_space<vmem>> -> memref<1x8x80xi32, #tpu.memory_space<vmem>>
          %dma_wait3A_557 = tpu.memref_squeeze %dma_wait3A_556 : memref<1x8x80xi32, #tpu.memory_space<vmem>> -> memref<8x80xi32, #tpu.memory_space<vmem>>
          %dma_wait3A_558 = arith.constant 0 : i32
          %dma_wait3A_559 = tpu.memref_slice %arg4[%add3A_540, %dma_wait3A_558] : memref<4096x80xi32, #tpu.memory_space<hbm>> -> memref<8x80xi32, #tpu.memory_space<hbm>>
          %dma_wait3A_560 = arith.constant 0 : i32
          %dma_wait3A_561 = arith.constant 0 : i32
          %dma_wait3A_562 = tpu.memref_slice %arg9[%rem3A_151, %dma_wait3A_560, %dma_wait3A_561] : memref<2x8x80xi32, #tpu.memory_space<vmem>> -> memref<1x8x80xi32, #tpu.memory_space<vmem>>
          %dma_wait3A_563 = tpu.memref_squeeze %dma_wait3A_562 : memref<1x8x80xi32, #tpu.memory_space<vmem>> -> memref<8x80xi32, #tpu.memory_space<vmem>>
          %dma_wait3A_564 = arith.constant 0 : i32
          %dma_wait3A_565 = tpu.memref_slice %arg4[%add3A_540, %dma_wait3A_564] : memref<4096x80xi32, #tpu.memory_space<hbm>> -> memref<8x80xi32, #tpu.memory_space<hbm>>
          tpu.wait_dma2 semaphore(%run_scoped3A_541 : memref<!tpu.dma_semaphore, #tpu.memory_space<semaphore_mem>>) src(%dma_wait3A_565 : memref<8x80xi32, #tpu.memory_space<hbm>>) dst(%dma_wait3A_563 : memref<8x80xi32, #tpu.memory_space<vmem>>)
          tpu.yield
        }) : () -> ()
      } else {
      }
      %dma_start3A_224 = arith.constant 3 : i32
      %dma_start3A_225 = arith.constant 3 : i32
      %dma_start3A_226 = arith.constant 0 : i32
      %dma_start3A_227 = arith.constant 0 : i32
      %dma_start3A_228 = tpu.memref_slice %arg7[%dma_start3A_225, %dma_start3A_226, %dma_start3A_227] : memref<4x80x128xf32, #tpu.memory_space<vmem>> -> memref<1x80x128xf32, #tpu.memory_space<vmem>>
      %dma_start3A_229 = tpu.memref_squeeze %dma_start3A_228 : memref<1x80x128xf32, #tpu.memory_space<vmem>> -> memref<80x128xf32, #tpu.memory_space<vmem>>
      %dma_start3A_230 = arith.constant 0 : i32
      %dma_start3A_231 = tpu.memref_slice %arg8[%rem3A_147, %dma_start3A_224, %dma_start3A_230] : memref<2x8x80xi32, #tpu.memory_space<vmem>> -> memref<1x1x80xi32, #tpu.memory_space<vmem>>
      %dma_start3A_232 = tpu.memref_squeeze %dma_start3A_231 : memref<1x1x80xi32, #tpu.memory_space<vmem>> -> memref<80xi32, #tpu.memory_space<vmem>>
      %dma_start3A_233 = arith.constant 0 : i32
      %dma_start3A_234 = arith.constant 0 : i32
      %dma_start3A_235 = tpu.memref_slice %arg2[%dma_start3A_233, %dma_start3A_234] : memref<10000x128xf32, #tpu.memory_space<hbm>> -> memref<10000x128xf32, #tpu.memory_space<hbm>>
      tpu.enqueue_indirect_dma source(%dma_start3A_235 : memref<10000x128xf32, #tpu.memory_space<hbm>>) target(%dma_start3A_229 : memref<80x128xf32, #tpu.memory_space<vmem>>) offsets(%dma_start3A_232 : memref<80xi32, #tpu.memory_space<vmem>>) semaphore(%arg13 : memref<!tpu.dma_semaphore, #tpu.memory_space<semaphore_mem>>)
      %dma_wait3A_236 = arith.constant 2 : i32
      %dma_wait3A_237 = arith.constant 2 : i32
      %dma_wait3A_238 = arith.constant 0 : i32
      %dma_wait3A_239 = arith.constant 0 : i32
      %dma_wait3A_240 = tpu.memref_slice %arg7[%dma_wait3A_237, %dma_wait3A_238, %dma_wait3A_239] : memref<4x80x128xf32, #tpu.memory_space<vmem>> -> memref<1x80x128xf32, #tpu.memory_space<vmem>>
      %dma_wait3A_241 = tpu.memref_squeeze %dma_wait3A_240 : memref<1x80x128xf32, #tpu.memory_space<vmem>> -> memref<80x128xf32, #tpu.memory_space<vmem>>
      %dma_wait3A_242 = arith.constant 0 : i32
      %dma_wait3A_243 = tpu.memref_slice %arg8[%rem3A_147, %dma_wait3A_236, %dma_wait3A_242] : memref<2x8x80xi32, #tpu.memory_space<vmem>> -> memref<1x1x80xi32, #tpu.memory_space<vmem>>
      %dma_wait3A_244 = tpu.memref_squeeze %dma_wait3A_243 : memref<1x1x80xi32, #tpu.memory_space<vmem>> -> memref<80xi32, #tpu.memory_space<vmem>>
      %dma_wait3A_245 = arith.constant 0 : i32
      %dma_wait3A_246 = arith.constant 0 : i32
      %dma_wait3A_247 = tpu.memref_slice %arg2[%dma_wait3A_245, %dma_wait3A_246] : memref<10000x128xf32, #tpu.memory_space<hbm>> -> memref<10000x128xf32, #tpu.memory_space<hbm>>
      tpu.wait_indirect_dma semaphore(%arg12 : memref<!tpu.dma_semaphore, #tpu.memory_space<semaphore_mem>>) src(%dma_wait3A_247 : memref<10000x128xf32, #tpu.memory_space<hbm>>) dst(%dma_wait3A_241 : memref<80x128xf32, #tpu.memory_space<vmem>>)
      %dma_start3A_248 = arith.constant 2 : i32
      %dma_start3A_249 = arith.constant 2 : i32
      %dma_start3A_250 = arith.constant 0 : i32
      %dma_start3A_251 = arith.constant 0 : i32
      %dma_start3A_252 = tpu.memref_slice %arg7[%dma_start3A_248, %dma_start3A_250, %dma_start3A_251] : memref<4x80x128xf32, #tpu.memory_space<vmem>> -> memref<1x80x128xf32, #tpu.memory_space<vmem>>
      %dma_start3A_253 = tpu.memref_squeeze %dma_start3A_252 : memref<1x80x128xf32, #tpu.memory_space<vmem>> -> memref<80x128xf32, #tpu.memory_space<vmem>>
      %dma_start3A_254 = arith.constant 0 : i32
      %dma_start3A_255 = tpu.memref_slice %arg9[%rem3A_147, %dma_start3A_249, %dma_start3A_254] : memref<2x8x80xi32, #tpu.memory_space<vmem>> -> memref<1x1x80xi32, #tpu.memory_space<vmem>>
      %dma_start3A_256 = tpu.memref_squeeze %dma_start3A_255 : memref<1x1x80xi32, #tpu.memory_space<vmem>> -> memref<80xi32, #tpu.memory_space<vmem>>
      %dma_start3A_257 = arith.constant 0 : i32
      %dma_start3A_258 = arith.constant 0 : i32
      %dma_start3A_259 = tpu.memref_slice %arg6[%dma_start3A_257, %dma_start3A_258] : memref<10240x128xf32, #tpu.memory_space<vmem_shared>> -> memref<10240x128xf32, #tpu.memory_space<vmem_shared>>
      tpu.enqueue_indirect_dma source(%dma_start3A_253 : memref<80x128xf32, #tpu.memory_space<vmem>>) target(%dma_start3A_259 : memref<10240x128xf32, #tpu.memory_space<vmem_shared>>) offsets(%dma_start3A_256 : memref<80xi32, #tpu.memory_space<vmem>>) semaphore(%arg16 : memref<!tpu.dma_semaphore, #tpu.memory_space<semaphore_mem>>) {add = true}
      %dma_wait3A_260 = arith.constant 0 : i32
      %dma_wait3A_261 = arith.constant 0 : i32
      %dma_wait3A_262 = arith.constant 0 : i32
      %dma_wait3A_263 = tpu.memref_slice %arg7[%dma_wait3A_260, %dma_wait3A_261, %dma_wait3A_262] : memref<4x80x128xf32, #tpu.memory_space<vmem>> -> memref<1x80x128xf32, #tpu.memory_space<vmem>>
      %dma_wait3A_264 = tpu.memref_squeeze %dma_wait3A_263 : memref<1x80x128xf32, #tpu.memory_space<vmem>> -> memref<80x128xf32, #tpu.memory_space<vmem>>
      %dma_wait3A_265 = arith.constant 0 : i32
      %dma_wait3A_266 = arith.constant 0 : i32
      %dma_wait3A_267 = tpu.memref_slice %arg6[%dma_wait3A_265, %dma_wait3A_266] : memref<10240x128xf32, #tpu.memory_space<vmem_shared>> -> memref<80x128xf32, #tpu.memory_space<vmem_shared>>
      %dma_wait3A_268 = arith.constant 0 : i32
      %dma_wait3A_269 = arith.constant 0 : i32
      %dma_wait3A_270 = tpu.memref_slice %arg6[%dma_wait3A_268, %dma_wait3A_269] : memref<10240x128xf32, #tpu.memory_space<vmem_shared>> -> memref<80x128xf32, #tpu.memory_space<vmem_shared>>
      %dma_wait3A_271 = arith.constant 0 : i32
      %dma_wait3A_272 = arith.constant 0 : i32
      %dma_wait3A_273 = tpu.memref_slice %arg7[%dma_wait3A_260, %dma_wait3A_271, %dma_wait3A_272] : memref<4x80x128xf32, #tpu.memory_space<vmem>> -> memref<1x80x128xf32, #tpu.memory_space<vmem>>
      %dma_wait3A_274 = tpu.memref_squeeze %dma_wait3A_273 : memref<1x80x128xf32, #tpu.memory_space<vmem>> -> memref<80x128xf32, #tpu.memory_space<vmem>>
      tpu.wait_dma2 semaphore(%arg14 : memref<!tpu.dma_semaphore, #tpu.memory_space<semaphore_mem>>) src(%dma_wait3A_274 : memref<80x128xf32, #tpu.memory_space<vmem>>) dst(%dma_wait3A_270 : memref<80x128xf32, #tpu.memory_space<vmem_shared>>)
      %dma_start3A_275 = arith.constant 4 : i32
      %dma_start3A_276 = arith.constant 0 : i32
      %dma_start3A_277 = arith.constant 0 : i32
      %dma_start3A_278 = arith.constant 0 : i32
      %dma_start3A_279 = tpu.memref_slice %arg7[%dma_start3A_276, %dma_start3A_277, %dma_start3A_278] : memref<4x80x128xf32, #tpu.memory_space<vmem>> -> memref<1x80x128xf32, #tpu.memory_space<vmem>>
      %dma_start3A_280 = tpu.memref_squeeze %dma_start3A_279 : memref<1x80x128xf32, #tpu.memory_space<vmem>> -> memref<80x128xf32, #tpu.memory_space<vmem>>
      %dma_start3A_281 = arith.constant 0 : i32
      %dma_start3A_282 = tpu.memref_slice %arg8[%rem3A_147, %dma_start3A_275, %dma_start3A_281] : memref<2x8x80xi32, #tpu.memory_space<vmem>> -> memref<1x1x80xi32, #tpu.memory_space<vmem>>
      %dma_start3A_283 = tpu.memref_squeeze %dma_start3A_282 : memref<1x1x80xi32, #tpu.memory_space<vmem>> -> memref<80xi32, #tpu.memory_space<vmem>>
      %dma_start3A_284 = arith.constant 0 : i32
      %dma_start3A_285 = arith.constant 0 : i32
      %dma_start3A_286 = tpu.memref_slice %arg2[%dma_start3A_284, %dma_start3A_285] : memref<10000x128xf32, #tpu.memory_space<hbm>> -> memref<10000x128xf32, #tpu.memory_space<hbm>>
      tpu.enqueue_indirect_dma source(%dma_start3A_286 : memref<10000x128xf32, #tpu.memory_space<hbm>>) target(%dma_start3A_280 : memref<80x128xf32, #tpu.memory_space<vmem>>) offsets(%dma_start3A_283 : memref<80xi32, #tpu.memory_space<vmem>>) semaphore(%arg10 : memref<!tpu.dma_semaphore, #tpu.memory_space<semaphore_mem>>)
      %dma_wait3A_287 = arith.constant 3 : i32
      %dma_wait3A_288 = arith.constant 3 : i32
      %dma_wait3A_289 = arith.constant 0 : i32
      %dma_wait3A_290 = arith.constant 0 : i32
      %dma_wait3A_291 = tpu.memref_slice %arg7[%dma_wait3A_288, %dma_wait3A_289, %dma_wait3A_290] : memref<4x80x128xf32, #tpu.memory_space<vmem>> -> memref<1x80x128xf32, #tpu.memory_space<vmem>>
      %dma_wait3A_292 = tpu.memref_squeeze %dma_wait3A_291 : memref<1x80x128xf32, #tpu.memory_space<vmem>> -> memref<80x128xf32, #tpu.memory_space<vmem>>
      %dma_wait3A_293 = arith.constant 0 : i32
      %dma_wait3A_294 = tpu.memref_slice %arg8[%rem3A_147, %dma_wait3A_287, %dma_wait3A_293] : memref<2x8x80xi32, #tpu.memory_space<vmem>> -> memref<1x1x80xi32, #tpu.memory_space<vmem>>
      %dma_wait3A_295 = tpu.memref_squeeze %dma_wait3A_294 : memref<1x1x80xi32, #tpu.memory_space<vmem>> -> memref<80xi32, #tpu.memory_space<vmem>>
      %dma_wait3A_296 = arith.constant 0 : i32
      %dma_wait3A_297 = arith.constant 0 : i32
      %dma_wait3A_298 = tpu.memref_slice %arg2[%dma_wait3A_296, %dma_wait3A_297] : memref<10000x128xf32, #tpu.memory_space<hbm>> -> memref<10000x128xf32, #tpu.memory_space<hbm>>
      tpu.wait_indirect_dma semaphore(%arg13 : memref<!tpu.dma_semaphore, #tpu.memory_space<semaphore_mem>>) src(%dma_wait3A_298 : memref<10000x128xf32, #tpu.memory_space<hbm>>) dst(%dma_wait3A_292 : memref<80x128xf32, #tpu.memory_space<vmem>>)
      %dma_start3A_299 = arith.constant 3 : i32
      %dma_start3A_300 = arith.constant 3 : i32
      %dma_start3A_301 = arith.constant 0 : i32
      %dma_start3A_302 = arith.constant 0 : i32
      %dma_start3A_303 = tpu.memref_slice %arg7[%dma_start3A_299, %dma_start3A_301, %dma_start3A_302] : memref<4x80x128xf32, #tpu.memory_space<vmem>> -> memref<1x80x128xf32, #tpu.memory_space<vmem>>
      %dma_start3A_304 = tpu.memref_squeeze %dma_start3A_303 : memref<1x80x128xf32, #tpu.memory_space<vmem>> -> memref<80x128xf32, #tpu.memory_space<vmem>>
      %dma_start3A_305 = arith.constant 0 : i32
      %dma_start3A_306 = tpu.memref_slice %arg9[%rem3A_147, %dma_start3A_300, %dma_start3A_305] : memref<2x8x80xi32, #tpu.memory_space<vmem>> -> memref<1x1x80xi32, #tpu.memory_space<vmem>>
      %dma_start3A_307 = tpu.memref_squeeze %dma_start3A_306 : memref<1x1x80xi32, #tpu.memory_space<vmem>> -> memref<80xi32, #tpu.memory_space<vmem>>
      %dma_start3A_308 = arith.constant 0 : i32
      %dma_start3A_309 = arith.constant 0 : i32
      %dma_start3A_310 = tpu.memref_slice %arg6[%dma_start3A_308, %dma_start3A_309] : memref<10240x128xf32, #tpu.memory_space<vmem_shared>> -> memref<10240x128xf32, #tpu.memory_space<vmem_shared>>
      tpu.enqueue_indirect_dma source(%dma_start3A_304 : memref<80x128xf32, #tpu.memory_space<vmem>>) target(%dma_start3A_310 : memref<10240x128xf32, #tpu.memory_space<vmem_shared>>) offsets(%dma_start3A_307 : memref<80xi32, #tpu.memory_space<vmem>>) semaphore(%arg17 : memref<!tpu.dma_semaphore, #tpu.memory_space<semaphore_mem>>) {add = true}
      %dma_wait3A_311 = arith.constant 1 : i32
      %dma_wait3A_312 = arith.constant 0 : i32
      %dma_wait3A_313 = arith.constant 0 : i32
      %dma_wait3A_314 = tpu.memref_slice %arg7[%dma_wait3A_311, %dma_wait3A_312, %dma_wait3A_313] : memref<4x80x128xf32, #tpu.memory_space<vmem>> -> memref<1x80x128xf32, #tpu.memory_space<vmem>>
      %dma_wait3A_315 = tpu.memref_squeeze %dma_wait3A_314 : memref<1x80x128xf32, #tpu.memory_space<vmem>> -> memref<80x128xf32, #tpu.memory_space<vmem>>
      %dma_wait3A_316 = arith.constant 0 : i32
      %dma_wait3A_317 = arith.constant 0 : i32
      %dma_wait3A_318 = tpu.memref_slice %arg6[%dma_wait3A_316, %dma_wait3A_317] : memref<10240x128xf32, #tpu.memory_space<vmem_shared>> -> memref<80x128xf32, #tpu.memory_space<vmem_shared>>
      %dma_wait3A_319 = arith.constant 0 : i32
      %dma_wait3A_320 = arith.constant 0 : i32
      %dma_wait3A_321 = tpu.memref_slice %arg6[%dma_wait3A_319, %dma_wait3A_320] : memref<10240x128xf32, #tpu.memory_space<vmem_shared>> -> memref<80x128xf32, #tpu.memory_space<vmem_shared>>
      %dma_wait3A_322 = arith.constant 0 : i32
      %dma_wait3A_323 = arith.constant 0 : i32
      %dma_wait3A_324 = tpu.memref_slice %arg7[%dma_wait3A_311, %dma_wait3A_322, %dma_wait3A_323] : memref<4x80x128xf32, #tpu.memory_space<vmem>> -> memref<1x80x128xf32, #tpu.memory_space<vmem>>
      %dma_wait3A_325 = tpu.memref_squeeze %dma_wait3A_324 : memref<1x80x128xf32, #tpu.memory_space<vmem>> -> memref<80x128xf32, #tpu.memory_space<vmem>>
      tpu.wait_dma2 semaphore(%arg15 : memref<!tpu.dma_semaphore, #tpu.memory_space<semaphore_mem>>) src(%dma_wait3A_325 : memref<80x128xf32, #tpu.memory_space<vmem>>) dst(%dma_wait3A_321 : memref<80x128xf32, #tpu.memory_space<vmem_shared>>)
      %dma_start3A_326 = arith.constant 5 : i32
      %dma_start3A_327 = arith.constant 1 : i32
      %dma_start3A_328 = arith.constant 0 : i32
      %dma_start3A_329 = arith.constant 0 : i32
      %dma_start3A_330 = tpu.memref_slice %arg7[%dma_start3A_327, %dma_start3A_328, %dma_start3A_329] : memref<4x80x128xf32, #tpu.memory_space<vmem>> -> memref<1x80x128xf32, #tpu.memory_space<vmem>>
      %dma_start3A_331 = tpu.memref_squeeze %dma_start3A_330 : memref<1x80x128xf32, #tpu.memory_space<vmem>> -> memref<80x128xf32, #tpu.memory_space<vmem>>
      %dma_start3A_332 = arith.constant 0 : i32
      %dma_start3A_333 = tpu.memref_slice %arg8[%rem3A_147, %dma_start3A_326, %dma_start3A_332] : memref<2x8x80xi32, #tpu.memory_space<vmem>> -> memref<1x1x80xi32, #tpu.memory_space<vmem>>
      %dma_start3A_334 = tpu.memref_squeeze %dma_start3A_333 : memref<1x1x80xi32, #tpu.memory_space<vmem>> -> memref<80xi32, #tpu.memory_space<vmem>>
      %dma_start3A_335 = arith.constant 0 : i32
      %dma_start3A_336 = arith.constant 0 : i32
      %dma_start3A_337 = tpu.memref_slice %arg2[%dma_start3A_335, %dma_start3A_336] : memref<10000x128xf32, #tpu.memory_space<hbm>> -> memref<10000x128xf32, #tpu.memory_space<hbm>>
      tpu.enqueue_indirect_dma source(%dma_start3A_337 : memref<10000x128xf32, #tpu.memory_space<hbm>>) target(%dma_start3A_331 : memref<80x128xf32, #tpu.memory_space<vmem>>) offsets(%dma_start3A_334 : memref<80xi32, #tpu.memory_space<vmem>>) semaphore(%arg11 : memref<!tpu.dma_semaphore, #tpu.memory_space<semaphore_mem>>)
      %dma_wait3A_338 = arith.constant 4 : i32
      %dma_wait3A_339 = arith.constant 0 : i32
      %dma_wait3A_340 = arith.constant 0 : i32
      %dma_wait3A_341 = arith.constant 0 : i32
      %dma_wait3A_342 = tpu.memref_slice %arg7[%dma_wait3A_339, %dma_wait3A_340, %dma_wait3A_341] : memref<4x80x128xf32, #tpu.memory_space<vmem>> -> memref<1x80x128xf32, #tpu.memory_space<vmem>>
      %dma_wait3A_343 = tpu.memref_squeeze %dma_wait3A_342 : memref<1x80x128xf32, #tpu.memory_space<vmem>> -> memref<80x128xf32, #tpu.memory_space<vmem>>
      %dma_wait3A_344 = arith.constant 0 : i32
      %dma_wait3A_345 = tpu.memref_slice %arg8[%rem3A_147, %dma_wait3A_338, %dma_wait3A_344] : memref<2x8x80xi32, #tpu.memory_space<vmem>> -> memref<1x1x80xi32, #tpu.memory_space<vmem>>
      %dma_wait3A_346 = tpu.memref_squeeze %dma_wait3A_345 : memref<1x1x80xi32, #tpu.memory_space<vmem>> -> memref<80xi32, #tpu.memory_space<vmem>>
      %dma_wait3A_347 = arith.constant 0 : i32
      %dma_wait3A_348 = arith.constant 0 : i32
      %dma_wait3A_349 = tpu.memref_slice %arg2[%dma_wait3A_347, %dma_wait3A_348] : memref<10000x128xf32, #tpu.memory_space<hbm>> -> memref<10000x128xf32, #tpu.memory_space<hbm>>
      tpu.wait_indirect_dma semaphore(%arg10 : memref<!tpu.dma_semaphore, #tpu.memory_space<semaphore_mem>>) src(%dma_wait3A_349 : memref<10000x128xf32, #tpu.memory_space<hbm>>) dst(%dma_wait3A_343 : memref<80x128xf32, #tpu.memory_space<vmem>>)
      %dma_start3A_350 = arith.constant 0 : i32
      %dma_start3A_351 = arith.constant 4 : i32
      %dma_start3A_352 = arith.constant 0 : i32
      %dma_start3A_353 = arith.constant 0 : i32
      %dma_start3A_354 = tpu.memref_slice %arg7[%dma_start3A_350, %dma_start3A_352, %dma_start3A_353] : memref<4x80x128xf32, #tpu.memory_space<vmem>> -> memref<1x80x128xf32, #tpu.memory_space<vmem>>
      %dma_start3A_355 = tpu.memref_squeeze %dma_start3A_354 : memref<1x80x128xf32, #tpu.memory_space<vmem>> -> memref<80x128xf32, #tpu.memory_space<vmem>>
      %dma_start3A_356 = arith.constant 0 : i32
      %dma_start3A_357 = tpu.memref_slice %arg9[%rem3A_147, %dma_start3A_351, %dma_start3A_356] : memref<2x8x80xi32, #tpu.memory_space<vmem>> -> memref<1x1x80xi32, #tpu.memory_space<vmem>>
      %dma_start3A_358 = tpu.memref_squeeze %dma_start3A_357 : memref<1x1x80xi32, #tpu.memory_space<vmem>> -> memref<80xi32, #tpu.memory_space<vmem>>
      %dma_start3A_359 = arith.constant 0 : i32
      %dma_start3A_360 = arith.constant 0 : i32
      %dma_start3A_361 = tpu.memref_slice %arg6[%dma_start3A_359, %dma_start3A_360] : memref<10240x128xf32, #tpu.memory_space<vmem_shared>> -> memref<10240x128xf32, #tpu.memory_space<vmem_shared>>
      tpu.enqueue_indirect_dma source(%dma_start3A_355 : memref<80x128xf32, #tpu.memory_space<vmem>>) target(%dma_start3A_361 : memref<10240x128xf32, #tpu.memory_space<vmem_shared>>) offsets(%dma_start3A_358 : memref<80xi32, #tpu.memory_space<vmem>>) semaphore(%arg14 : memref<!tpu.dma_semaphore, #tpu.memory_space<semaphore_mem>>) {add = true}
      %dma_wait3A_362 = arith.constant 2 : i32
      %dma_wait3A_363 = arith.constant 0 : i32
      %dma_wait3A_364 = arith.constant 0 : i32
      %dma_wait3A_365 = tpu.memref_slice %arg7[%dma_wait3A_362, %dma_wait3A_363, %dma_wait3A_364] : memref<4x80x128xf32, #tpu.memory_space<vmem>> -> memref<1x80x128xf32, #tpu.memory_space<vmem>>
      %dma_wait3A_366 = tpu.memref_squeeze %dma_wait3A_365 : memref<1x80x128xf32, #tpu.memory_space<vmem>> -> memref<80x128xf32, #tpu.memory_space<vmem>>
      %dma_wait3A_367 = arith.constant 0 : i32
      %dma_wait3A_368 = arith.constant 0 : i32
      %dma_wait3A_369 = tpu.memref_slice %arg6[%dma_wait3A_367, %dma_wait3A_368] : memref<10240x128xf32, #tpu.memory_space<vmem_shared>> -> memref<80x128xf32, #tpu.memory_space<vmem_shared>>
      %dma_wait3A_370 = arith.constant 0 : i32
      %dma_wait3A_371 = arith.constant 0 : i32
      %dma_wait3A_372 = tpu.memref_slice %arg6[%dma_wait3A_370, %dma_wait3A_371] : memref<10240x128xf32, #tpu.memory_space<vmem_shared>> -> memref<80x128xf32, #tpu.memory_space<vmem_shared>>
      %dma_wait3A_373 = arith.constant 0 : i32
      %dma_wait3A_374 = arith.constant 0 : i32
      %dma_wait3A_375 = tpu.memref_slice %arg7[%dma_wait3A_362, %dma_wait3A_373, %dma_wait3A_374] : memref<4x80x128xf32, #tpu.memory_space<vmem>> -> memref<1x80x128xf32, #tpu.memory_space<vmem>>
      %dma_wait3A_376 = tpu.memref_squeeze %dma_wait3A_375 : memref<1x80x128xf32, #tpu.memory_space<vmem>> -> memref<80x128xf32, #tpu.memory_space<vmem>>
      tpu.wait_dma2 semaphore(%arg16 : memref<!tpu.dma_semaphore, #tpu.memory_space<semaphore_mem>>) src(%dma_wait3A_376 : memref<80x128xf32, #tpu.memory_space<vmem>>) dst(%dma_wait3A_372 : memref<80x128xf32, #tpu.memory_space<vmem_shared>>)
      %dma_start3A_377 = arith.constant 6 : i32
      %dma_start3A_378 = arith.constant 2 : i32
      %dma_start3A_379 = arith.constant 0 : i32
      %dma_start3A_380 = arith.constant 0 : i32
      %dma_start3A_381 = tpu.memref_slice %arg7[%dma_start3A_378, %dma_start3A_379, %dma_start3A_380] : memref<4x80x128xf32, #tpu.memory_space<vmem>> -> memref<1x80x128xf32, #tpu.memory_space<vmem>>
      %dma_start3A_382 = tpu.memref_squeeze %dma_start3A_381 : memref<1x80x128xf32, #tpu.memory_space<vmem>> -> memref<80x128xf32, #tpu.memory_space<vmem>>
      %dma_start3A_383 = arith.constant 0 : i32
      %dma_start3A_384 = tpu.memref_slice %arg8[%rem3A_147, %dma_start3A_377, %dma_start3A_383] : memref<2x8x80xi32, #tpu.memory_space<vmem>> -> memref<1x1x80xi32, #tpu.memory_space<vmem>>
      %dma_start3A_385 = tpu.memref_squeeze %dma_start3A_384 : memref<1x1x80xi32, #tpu.memory_space<vmem>> -> memref<80xi32, #tpu.memory_space<vmem>>
      %dma_start3A_386 = arith.constant 0 : i32
      %dma_start3A_387 = arith.constant 0 : i32
      %dma_start3A_388 = tpu.memref_slice %arg2[%dma_start3A_386, %dma_start3A_387] : memref<10000x128xf32, #tpu.memory_space<hbm>> -> memref<10000x128xf32, #tpu.memory_space<hbm>>
      tpu.enqueue_indirect_dma source(%dma_start3A_388 : memref<10000x128xf32, #tpu.memory_space<hbm>>) target(%dma_start3A_382 : memref<80x128xf32, #tpu.memory_space<vmem>>) offsets(%dma_start3A_385 : memref<80xi32, #tpu.memory_space<vmem>>) semaphore(%arg12 : memref<!tpu.dma_semaphore, #tpu.memory_space<semaphore_mem>>)
      %dma_wait3A_389 = arith.constant 5 : i32
      %dma_wait3A_390 = arith.constant 1 : i32
      %dma_wait3A_391 = arith.constant 0 : i32
      %dma_wait3A_392 = arith.constant 0 : i32
      %dma_wait3A_393 = tpu.memref_slice %arg7[%dma_wait3A_390, %dma_wait3A_391, %dma_wait3A_392] : memref<4x80x128xf32, #tpu.memory_space<vmem>> -> memref<1x80x128xf32, #tpu.memory_space<vmem>>
      %dma_wait3A_394 = tpu.memref_squeeze %dma_wait3A_393 : memref<1x80x128xf32, #tpu.memory_space<vmem>> -> memref<80x128xf32, #tpu.memory_space<vmem>>
      %dma_wait3A_395 = arith.constant 0 : i32
      %dma_wait3A_396 = tpu.memref_slice %arg8[%rem3A_147, %dma_wait3A_389, %dma_wait3A_395] : memref<2x8x80xi32, #tpu.memory_space<vmem>> -> memref<1x1x80xi32, #tpu.memory_space<vmem>>
      %dma_wait3A_397 = tpu.memref_squeeze %dma_wait3A_396 : memref<1x1x80xi32, #tpu.memory_space<vmem>> -> memref<80xi32, #tpu.memory_space<vmem>>
      %dma_wait3A_398 = arith.constant 0 : i32
      %dma_wait3A_399 = arith.constant 0 : i32
      %dma_wait3A_400 = tpu.memref_slice %arg2[%dma_wait3A_398, %dma_wait3A_399] : memref<10000x128xf32, #tpu.memory_space<hbm>> -> memref<10000x128xf32, #tpu.memory_space<hbm>>
      tpu.wait_indirect_dma semaphore(%arg11 : memref<!tpu.dma_semaphore, #tpu.memory_space<semaphore_mem>>) src(%dma_wait3A_400 : memref<10000x128xf32, #tpu.memory_space<hbm>>) dst(%dma_wait3A_394 : memref<80x128xf32, #tpu.memory_space<vmem>>)
      %dma_start3A_401 = arith.constant 1 : i32
      %dma_start3A_402 = arith.constant 5 : i32
      %dma_start3A_403 = arith.constant 0 : i32
      %dma_start3A_404 = arith.constant 0 : i32
      %dma_start3A_405 = tpu.memref_slice %arg7[%dma_start3A_401, %dma_start3A_403, %dma_start3A_404] : memref<4x80x128xf32, #tpu.memory_space<vmem>> -> memref<1x80x128xf32, #tpu.memory_space<vmem>>
      %dma_start3A_406 = tpu.memref_squeeze %dma_start3A_405 : memref<1x80x128xf32, #tpu.memory_space<vmem>> -> memref<80x128xf32, #tpu.memory_space<vmem>>
      %dma_start3A_407 = arith.constant 0 : i32
      %dma_start3A_408 = tpu.memref_slice %arg9[%rem3A_147, %dma_start3A_402, %dma_start3A_407] : memref<2x8x80xi32, #tpu.memory_space<vmem>> -> memref<1x1x80xi32, #tpu.memory_space<vmem>>
      %dma_start3A_409 = tpu.memref_squeeze %dma_start3A_408 : memref<1x1x80xi32, #tpu.memory_space<vmem>> -> memref<80xi32, #tpu.memory_space<vmem>>
      %dma_start3A_410 = arith.constant 0 : i32
      %dma_start3A_411 = arith.constant 0 : i32
      %dma_start3A_412 = tpu.memref_slice %arg6[%dma_start3A_410, %dma_start3A_411] : memref<10240x128xf32, #tpu.memory_space<vmem_shared>> -> memref<10240x128xf32, #tpu.memory_space<vmem_shared>>
      tpu.enqueue_indirect_dma source(%dma_start3A_406 : memref<80x128xf32, #tpu.memory_space<vmem>>) target(%dma_start3A_412 : memref<10240x128xf32, #tpu.memory_space<vmem_shared>>) offsets(%dma_start3A_409 : memref<80xi32, #tpu.memory_space<vmem>>) semaphore(%arg15 : memref<!tpu.dma_semaphore, #tpu.memory_space<semaphore_mem>>) {add = true}
      %dma_wait3A_413 = arith.constant 3 : i32
      %dma_wait3A_414 = arith.constant 0 : i32
      %dma_wait3A_415 = arith.constant 0 : i32
      %dma_wait3A_416 = tpu.memref_slice %arg7[%dma_wait3A_413, %dma_wait3A_414, %dma_wait3A_415] : memref<4x80x128xf32, #tpu.memory_space<vmem>> -> memref<1x80x128xf32, #tpu.memory_space<vmem>>
      %dma_wait3A_417 = tpu.memref_squeeze %dma_wait3A_416 : memref<1x80x128xf32, #tpu.memory_space<vmem>> -> memref<80x128xf32, #tpu.memory_space<vmem>>
      %dma_wait3A_418 = arith.constant 0 : i32
      %dma_wait3A_419 = arith.constant 0 : i32
      %dma_wait3A_420 = tpu.memref_slice %arg6[%dma_wait3A_418, %dma_wait3A_419] : memref<10240x128xf32, #tpu.memory_space<vmem_shared>> -> memref<80x128xf32, #tpu.memory_space<vmem_shared>>
      %dma_wait3A_421 = arith.constant 0 : i32
      %dma_wait3A_422 = arith.constant 0 : i32
      %dma_wait3A_423 = tpu.memref_slice %arg6[%dma_wait3A_421, %dma_wait3A_422] : memref<10240x128xf32, #tpu.memory_space<vmem_shared>> -> memref<80x128xf32, #tpu.memory_space<vmem_shared>>
      %dma_wait3A_424 = arith.constant 0 : i32
      %dma_wait3A_425 = arith.constant 0 : i32
      %dma_wait3A_426 = tpu.memref_slice %arg7[%dma_wait3A_413, %dma_wait3A_424, %dma_wait3A_425] : memref<4x80x128xf32, #tpu.memory_space<vmem>> -> memref<1x80x128xf32, #tpu.memory_space<vmem>>
      %dma_wait3A_427 = tpu.memref_squeeze %dma_wait3A_426 : memref<1x80x128xf32, #tpu.memory_space<vmem>> -> memref<80x128xf32, #tpu.memory_space<vmem>>
      tpu.wait_dma2 semaphore(%arg17 : memref<!tpu.dma_semaphore, #tpu.memory_space<semaphore_mem>>) src(%dma_wait3A_427 : memref<80x128xf32, #tpu.memory_space<vmem>>) dst(%dma_wait3A_423 : memref<80x128xf32, #tpu.memory_space<vmem_shared>>)
      %dma_start3A_428 = arith.constant 7 : i32
      %dma_start3A_429 = arith.constant 3 : i32
      %dma_start3A_430 = arith.constant 0 : i32
      %dma_start3A_431 = arith.constant 0 : i32
      %dma_start3A_432 = tpu.memref_slice %arg7[%dma_start3A_429, %dma_start3A_430, %dma_start3A_431] : memref<4x80x128xf32, #tpu.memory_space<vmem>> -> memref<1x80x128xf32, #tpu.memory_space<vmem>>
      %dma_start3A_433 = tpu.memref_squeeze %dma_start3A_432 : memref<1x80x128xf32, #tpu.memory_space<vmem>> -> memref<80x128xf32, #tpu.memory_space<vmem>>
      %dma_start3A_434 = arith.constant 0 : i32
      %dma_start3A_435 = tpu.memref_slice %arg8[%rem3A_147, %dma_start3A_428, %dma_start3A_434] : memref<2x8x80xi32, #tpu.memory_space<vmem>> -> memref<1x1x80xi32, #tpu.memory_space<vmem>>
      %dma_start3A_436 = tpu.memref_squeeze %dma_start3A_435 : memref<1x1x80xi32, #tpu.memory_space<vmem>> -> memref<80xi32, #tpu.memory_space<vmem>>
      %dma_start3A_437 = arith.constant 0 : i32
      %dma_start3A_438 = arith.constant 0 : i32
      %dma_start3A_439 = tpu.memref_slice %arg2[%dma_start3A_437, %dma_start3A_438] : memref<10000x128xf32, #tpu.memory_space<hbm>> -> memref<10000x128xf32, #tpu.memory_space<hbm>>
      tpu.enqueue_indirect_dma source(%dma_start3A_439 : memref<10000x128xf32, #tpu.memory_space<hbm>>) target(%dma_start3A_433 : memref<80x128xf32, #tpu.memory_space<vmem>>) offsets(%dma_start3A_436 : memref<80xi32, #tpu.memory_space<vmem>>) semaphore(%arg13 : memref<!tpu.dma_semaphore, #tpu.memory_space<semaphore_mem>>)
      %dma_wait3A_440 = arith.constant 6 : i32
      %dma_wait3A_441 = arith.constant 2 : i32
      %dma_wait3A_442 = arith.constant 0 : i32
      %dma_wait3A_443 = arith.constant 0 : i32
      %dma_wait3A_444 = tpu.memref_slice %arg7[%dma_wait3A_441, %dma_wait3A_442, %dma_wait3A_443] : memref<4x80x128xf32, #tpu.memory_space<vmem>> -> memref<1x80x128xf32, #tpu.memory_space<vmem>>
      %dma_wait3A_445 = tpu.memref_squeeze %dma_wait3A_444 : memref<1x80x128xf32, #tpu.memory_space<vmem>> -> memref<80x128xf32, #tpu.memory_space<vmem>>
      %dma_wait3A_446 = arith.constant 0 : i32
      %dma_wait3A_447 = tpu.memref_slice %arg8[%rem3A_147, %dma_wait3A_440, %dma_wait3A_446] : memref<2x8x80xi32, #tpu.memory_space<vmem>> -> memref<1x1x80xi32, #tpu.memory_space<vmem>>
      %dma_wait3A_448 = tpu.memref_squeeze %dma_wait3A_447 : memref<1x1x80xi32, #tpu.memory_space<vmem>> -> memref<80xi32, #tpu.memory_space<vmem>>
      %dma_wait3A_449 = arith.constant 0 : i32
      %dma_wait3A_450 = arith.constant 0 : i32
      %dma_wait3A_451 = tpu.memref_slice %arg2[%dma_wait3A_449, %dma_wait3A_450] : memref<10000x128xf32, #tpu.memory_space<hbm>> -> memref<10000x128xf32, #tpu.memory_space<hbm>>
      tpu.wait_indirect_dma semaphore(%arg12 : memref<!tpu.dma_semaphore, #tpu.memory_space<semaphore_mem>>) src(%dma_wait3A_451 : memref<10000x128xf32, #tpu.memory_space<hbm>>) dst(%dma_wait3A_445 : memref<80x128xf32, #tpu.memory_space<vmem>>)
      %dma_start3A_452 = arith.constant 2 : i32
      %dma_start3A_453 = arith.constant 6 : i32
      %dma_start3A_454 = arith.constant 0 : i32
      %dma_start3A_455 = arith.constant 0 : i32
      %dma_start3A_456 = tpu.memref_slice %arg7[%dma_start3A_452, %dma_start3A_454, %dma_start3A_455] : memref<4x80x128xf32, #tpu.memory_space<vmem>> -> memref<1x80x128xf32, #tpu.memory_space<vmem>>
      %dma_start3A_457 = tpu.memref_squeeze %dma_start3A_456 : memref<1x80x128xf32, #tpu.memory_space<vmem>> -> memref<80x128xf32, #tpu.memory_space<vmem>>
      %dma_start3A_458 = arith.constant 0 : i32
      %dma_start3A_459 = tpu.memref_slice %arg9[%rem3A_147, %dma_start3A_453, %dma_start3A_458] : memref<2x8x80xi32, #tpu.memory_space<vmem>> -> memref<1x1x80xi32, #tpu.memory_space<vmem>>
      %dma_start3A_460 = tpu.memref_squeeze %dma_start3A_459 : memref<1x1x80xi32, #tpu.memory_space<vmem>> -> memref<80xi32, #tpu.memory_space<vmem>>
      %dma_start3A_461 = arith.constant 0 : i32
      %dma_start3A_462 = arith.constant 0 : i32
      %dma_start3A_463 = tpu.memref_slice %arg6[%dma_start3A_461, %dma_start3A_462] : memref<10240x128xf32, #tpu.memory_space<vmem_shared>> -> memref<10240x128xf32, #tpu.memory_space<vmem_shared>>
      tpu.enqueue_indirect_dma source(%dma_start3A_457 : memref<80x128xf32, #tpu.memory_space<vmem>>) target(%dma_start3A_463 : memref<10240x128xf32, #tpu.memory_space<vmem_shared>>) offsets(%dma_start3A_460 : memref<80xi32, #tpu.memory_space<vmem>>) semaphore(%arg16 : memref<!tpu.dma_semaphore, #tpu.memory_space<semaphore_mem>>) {add = true}
      %dma_wait3A_464 = arith.constant 0 : i32
      %dma_wait3A_465 = arith.constant 0 : i32
      %dma_wait3A_466 = arith.constant 0 : i32
      %dma_wait3A_467 = tpu.memref_slice %arg7[%dma_wait3A_464, %dma_wait3A_465, %dma_wait3A_466] : memref<4x80x128xf32, #tpu.memory_space<vmem>> -> memref<1x80x128xf32, #tpu.memory_space<vmem>>
      %dma_wait3A_468 = tpu.memref_squeeze %dma_wait3A_467 : memref<1x80x128xf32, #tpu.memory_space<vmem>> -> memref<80x128xf32, #tpu.memory_space<vmem>>
      %dma_wait3A_469 = arith.constant 0 : i32
      %dma_wait3A_470 = arith.constant 0 : i32
      %dma_wait3A_471 = tpu.memref_slice %arg6[%dma_wait3A_469, %dma_wait3A_470] : memref<10240x128xf32, #tpu.memory_space<vmem_shared>> -> memref<80x128xf32, #tpu.memory_space<vmem_shared>>
      %dma_wait3A_472 = arith.constant 0 : i32
      %dma_wait3A_473 = arith.constant 0 : i32
      %dma_wait3A_474 = tpu.memref_slice %arg6[%dma_wait3A_472, %dma_wait3A_473] : memref<10240x128xf32, #tpu.memory_space<vmem_shared>> -> memref<80x128xf32, #tpu.memory_space<vmem_shared>>
      %dma_wait3A_475 = arith.constant 0 : i32
      %dma_wait3A_476 = arith.constant 0 : i32
      %dma_wait3A_477 = tpu.memref_slice %arg7[%dma_wait3A_464, %dma_wait3A_475, %dma_wait3A_476] : memref<4x80x128xf32, #tpu.memory_space<vmem>> -> memref<1x80x128xf32, #tpu.memory_space<vmem>>
      %dma_wait3A_478 = tpu.memref_squeeze %dma_wait3A_477 : memref<1x80x128xf32, #tpu.memory_space<vmem>> -> memref<80x128xf32, #tpu.memory_space<vmem>>
      tpu.wait_dma2 semaphore(%arg14 : memref<!tpu.dma_semaphore, #tpu.memory_space<semaphore_mem>>) src(%dma_wait3A_478 : memref<80x128xf32, #tpu.memory_space<vmem>>) dst(%dma_wait3A_474 : memref<80x128xf32, #tpu.memory_space<vmem_shared>>)
      %add3A_479 = arith.constant 1 : i32
      %add3A_480 = arith.addi %while3A_144, %add3A_479 : i32
      %lt3A_481 = arith.cmpi slt, %add3A_480, %select_n3A_19 : i32
      %convert_element_type3A_482 = arith.extui %lt3A_481 : i1 to i32
      %cond3A_483 = arith.constant 0 : i32
      %cond3A_484 = arith.cmpi ne, %convert_element_type3A_482, %cond3A_483 : i32
      scf.if %cond3A_484 {
        %dma_start3A_531 = arith.constant 0 : i32
        %dma_start3A_532 = arith.constant 0 : i32
        %dma_start3A_533 = arith.constant 0 : i32
        %dma_start3A_534 = arith.constant 0 : i32
        %dma_start3A_535 = tpu.memref_slice %arg7[%dma_start3A_532, %dma_start3A_533, %dma_start3A_534] : memref<4x80x128xf32, #tpu.memory_space<vmem>> -> memref<1x80x128xf32, #tpu.memory_space<vmem>>
        %dma_start3A_536 = tpu.memref_squeeze %dma_start3A_535 : memref<1x80x128xf32, #tpu.memory_space<vmem>> -> memref<80x128xf32, #tpu.memory_space<vmem>>
        %dma_start3A_537 = arith.constant 0 : i32
        %dma_start3A_538 = tpu.memref_slice %arg8[%rem3A_151, %dma_start3A_531, %dma_start3A_537] : memref<2x8x80xi32, #tpu.memory_space<vmem>> -> memref<1x1x80xi32, #tpu.memory_space<vmem>>
        %dma_start3A_539 = tpu.memref_squeeze %dma_start3A_538 : memref<1x1x80xi32, #tpu.memory_space<vmem>> -> memref<80xi32, #tpu.memory_space<vmem>>
        %dma_start3A_540 = arith.constant 0 : i32
        %dma_start3A_541 = arith.constant 0 : i32
        %dma_start3A_542 = tpu.memref_slice %arg2[%dma_start3A_540, %dma_start3A_541] : memref<10000x128xf32, #tpu.memory_space<hbm>> -> memref<10000x128xf32, #tpu.memory_space<hbm>>
        tpu.enqueue_indirect_dma source(%dma_start3A_542 : memref<10000x128xf32, #tpu.memory_space<hbm>>) target(%dma_start3A_536 : memref<80x128xf32, #tpu.memory_space<vmem>>) offsets(%dma_start3A_539 : memref<80xi32, #tpu.memory_space<vmem>>) semaphore(%arg10 : memref<!tpu.dma_semaphore, #tpu.memory_space<semaphore_mem>>)
      } else {
      }
      %dma_wait3A_485 = arith.constant 7 : i32
      %dma_wait3A_486 = arith.constant 3 : i32
      %dma_wait3A_487 = arith.constant 0 : i32
      %dma_wait3A_488 = arith.constant 0 : i32
      %dma_wait3A_489 = tpu.memref_slice %arg7[%dma_wait3A_486, %dma_wait3A_487, %dma_wait3A_488] : memref<4x80x128xf32, #tpu.memory_space<vmem>> -> memref<1x80x128xf32, #tpu.memory_space<vmem>>
      %dma_wait3A_490 = tpu.memref_squeeze %dma_wait3A_489 : memref<1x80x128xf32, #tpu.memory_space<vmem>> -> memref<80x128xf32, #tpu.memory_space<vmem>>
      %dma_wait3A_491 = arith.constant 0 : i32
      %dma_wait3A_492 = tpu.memref_slice %arg8[%rem3A_147, %dma_wait3A_485, %dma_wait3A_491] : memref<2x8x80xi32, #tpu.memory_space<vmem>> -> memref<1x1x80xi32, #tpu.memory_space<vmem>>
      %dma_wait3A_493 = tpu.memref_squeeze %dma_wait3A_492 : memref<1x1x80xi32, #tpu.memory_space<vmem>> -> memref<80xi32, #tpu.memory_space<vmem>>
      %dma_wait3A_494 = arith.constant 0 : i32
      %dma_wait3A_495 = arith.constant 0 : i32
      %dma_wait3A_496 = tpu.memref_slice %arg2[%dma_wait3A_494, %dma_wait3A_495] : memref<10000x128xf32, #tpu.memory_space<hbm>> -> memref<10000x128xf32, #tpu.memory_space<hbm>>
      tpu.wait_indirect_dma semaphore(%arg13 : memref<!tpu.dma_semaphore, #tpu.memory_space<semaphore_mem>>) src(%dma_wait3A_496 : memref<10000x128xf32, #tpu.memory_space<hbm>>) dst(%dma_wait3A_490 : memref<80x128xf32, #tpu.memory_space<vmem>>)
      %dma_start3A_497 = arith.constant 3 : i32
      %dma_start3A_498 = arith.constant 7 : i32
      %dma_start3A_499 = arith.constant 0 : i32
      %dma_start3A_500 = arith.constant 0 : i32
      %dma_start3A_501 = tpu.memref_slice %arg7[%dma_start3A_497, %dma_start3A_499, %dma_start3A_500] : memref<4x80x128xf32, #tpu.memory_space<vmem>> -> memref<1x80x128xf32, #tpu.memory_space<vmem>>
      %dma_start3A_502 = tpu.memref_squeeze %dma_start3A_501 : memref<1x80x128xf32, #tpu.memory_space<vmem>> -> memref<80x128xf32, #tpu.memory_space<vmem>>
      %dma_start3A_503 = arith.constant 0 : i32
      %dma_start3A_504 = tpu.memref_slice %arg9[%rem3A_147, %dma_start3A_498, %dma_start3A_503] : memref<2x8x80xi32, #tpu.memory_space<vmem>> -> memref<1x1x80xi32, #tpu.memory_space<vmem>>
      %dma_start3A_505 = tpu.memref_squeeze %dma_start3A_504 : memref<1x1x80xi32, #tpu.memory_space<vmem>> -> memref<80xi32, #tpu.memory_space<vmem>>
      %dma_start3A_506 = arith.constant 0 : i32
      %dma_start3A_507 = arith.constant 0 : i32
      %dma_start3A_508 = tpu.memref_slice %arg6[%dma_start3A_506, %dma_start3A_507] : memref<10240x128xf32, #tpu.memory_space<vmem_shared>> -> memref<10240x128xf32, #tpu.memory_space<vmem_shared>>
      tpu.enqueue_indirect_dma source(%dma_start3A_502 : memref<80x128xf32, #tpu.memory_space<vmem>>) target(%dma_start3A_508 : memref<10240x128xf32, #tpu.memory_space<vmem_shared>>) offsets(%dma_start3A_505 : memref<80xi32, #tpu.memory_space<vmem>>) semaphore(%arg17 : memref<!tpu.dma_semaphore, #tpu.memory_space<semaphore_mem>>) {add = true}
      %dma_wait3A_509 = arith.constant 1 : i32
      %dma_wait3A_510 = arith.constant 0 : i32
      %dma_wait3A_511 = arith.constant 0 : i32
      %dma_wait3A_512 = tpu.memref_slice %arg7[%dma_wait3A_509, %dma_wait3A_510, %dma_wait3A_511] : memref<4x80x128xf32, #tpu.memory_space<vmem>> -> memref<1x80x128xf32, #tpu.memory_space<vmem>>
      %dma_wait3A_513 = tpu.memref_squeeze %dma_wait3A_512 : memref<1x80x128xf32, #tpu.memory_space<vmem>> -> memref<80x128xf32, #tpu.memory_space<vmem>>
      %dma_wait3A_514 = arith.constant 0 : i32
      %dma_wait3A_515 = arith.constant 0 : i32
      %dma_wait3A_516 = tpu.memref_slice %arg6[%dma_wait3A_514, %dma_wait3A_515] : memref<10240x128xf32, #tpu.memory_space<vmem_shared>> -> memref<80x128xf32, #tpu.memory_space<vmem_shared>>
      %dma_wait3A_517 = arith.constant 0 : i32
      %dma_wait3A_518 = arith.constant 0 : i32
      %dma_wait3A_519 = tpu.memref_slice %arg6[%dma_wait3A_517, %dma_wait3A_518] : memref<10240x128xf32, #tpu.memory_space<vmem_shared>> -> memref<80x128xf32, #tpu.memory_space<vmem_shared>>
      %dma_wait3A_520 = arith.constant 0 : i32
      %dma_wait3A_521 = arith.constant 0 : i32
      %dma_wait3A_522 = tpu.memref_slice %arg7[%dma_wait3A_509, %dma_wait3A_520, %dma_wait3A_521] : memref<4x80x128xf32, #tpu.memory_space<vmem>> -> memref<1x80x128xf32, #tpu.memory_space<vmem>>
      %dma_wait3A_523 = tpu.memref_squeeze %dma_wait3A_522 : memref<1x80x128xf32, #tpu.memory_space<vmem>> -> memref<80x128xf32, #tpu.memory_space<vmem>>
      tpu.wait_dma2 semaphore(%arg15 : memref<!tpu.dma_semaphore, #tpu.memory_space<semaphore_mem>>) src(%dma_wait3A_523 : memref<80x128xf32, #tpu.memory_space<vmem>>) dst(%dma_wait3A_519 : memref<80x128xf32, #tpu.memory_space<vmem_shared>>)
      %add3A_524 = arith.constant 1 : i32
      %add3A_525 = arith.addi %while3A_144, %add3A_524 : i32
      %lt3A_526 = arith.cmpi slt, %add3A_525, %select_n3A_19 : i32
      %convert_element_type3A_527 = arith.extui %lt3A_526 : i1 to i32
      %cond3A_528 = arith.constant 0 : i32
      %cond3A_529 = arith.cmpi ne, %convert_element_type3A_527, %cond3A_528 : i32
      scf.if %cond3A_529 {
        %dma_start3A_531 = arith.constant 1 : i32
        %dma_start3A_532 = arith.constant 1 : i32
        %dma_start3A_533 = arith.constant 0 : i32
        %dma_start3A_534 = arith.constant 0 : i32
        %dma_start3A_535 = tpu.memref_slice %arg7[%dma_start3A_532, %dma_start3A_533, %dma_start3A_534] : memref<4x80x128xf32, #tpu.memory_space<vmem>> -> memref<1x80x128xf32, #tpu.memory_space<vmem>>
        %dma_start3A_536 = tpu.memref_squeeze %dma_start3A_535 : memref<1x80x128xf32, #tpu.memory_space<vmem>> -> memref<80x128xf32, #tpu.memory_space<vmem>>
        %dma_start3A_537 = arith.constant 0 : i32
        %dma_start3A_538 = tpu.memref_slice %arg8[%rem3A_151, %dma_start3A_531, %dma_start3A_537] : memref<2x8x80xi32, #tpu.memory_space<vmem>> -> memref<1x1x80xi32, #tpu.memory_space<vmem>>
        %dma_start3A_539 = tpu.memref_squeeze %dma_start3A_538 : memref<1x1x80xi32, #tpu.memory_space<vmem>> -> memref<80xi32, #tpu.memory_space<vmem>>
        %dma_start3A_540 = arith.constant 0 : i32
        %dma_start3A_541 = arith.constant 0 : i32
        %dma_start3A_542 = tpu.memref_slice %arg2[%dma_start3A_540, %dma_start3A_541] : memref<10000x128xf32, #tpu.memory_space<hbm>> -> memref<10000x128xf32, #tpu.memory_space<hbm>>
        tpu.enqueue_indirect_dma source(%dma_start3A_542 : memref<10000x128xf32, #tpu.memory_space<hbm>>) target(%dma_start3A_536 : memref<80x128xf32, #tpu.memory_space<vmem>>) offsets(%dma_start3A_539 : memref<80xi32, #tpu.memory_space<vmem>>) semaphore(%arg11 : memref<!tpu.dma_semaphore, #tpu.memory_space<semaphore_mem>>)
      } else {
      }
      %while3A_530 = arith.constant 0 : i32
      scf.yield %while3A_530 : i32
    }
    %dma_wait3A = arith.constant 2 : i32
    %dma_wait3A_110 = arith.constant 0 : i32
    %dma_wait3A_111 = arith.constant 0 : i32
    %dma_wait3A_112 = tpu.memref_slice %arg7[%dma_wait3A, %dma_wait3A_110, %dma_wait3A_111] : memref<4x80x128xf32, #tpu.memory_space<vmem>> -> memref<1x80x128xf32, #tpu.memory_space<vmem>>
    %dma_wait3A_113 = tpu.memref_squeeze %dma_wait3A_112 : memref<1x80x128xf32, #tpu.memory_space<vmem>> -> memref<80x128xf32, #tpu.memory_space<vmem>>
    %dma_wait3A_114 = arith.constant 0 : i32
    %dma_wait3A_115 = arith.constant 0 : i32
    %dma_wait3A_116 = tpu.memref_slice %arg6[%dma_wait3A_114, %dma_wait3A_115] : memref<10240x128xf32, #tpu.memory_space<vmem_shared>> -> memref<80x128xf32, #tpu.memory_space<vmem_shared>>
    %dma_wait3A_117 = arith.constant 0 : i32
    %dma_wait3A_118 = arith.constant 0 : i32
    %dma_wait3A_119 = tpu.memref_slice %arg6[%dma_wait3A_117, %dma_wait3A_118] : memref<10240x128xf32, #tpu.memory_space<vmem_shared>> -> memref<80x128xf32, #tpu.memory_space<vmem_shared>>
    %dma_wait3A_120 = arith.constant 0 : i32
    %dma_wait3A_121 = arith.constant 0 : i32
    %dma_wait3A_122 = tpu.memref_slice %arg7[%dma_wait3A, %dma_wait3A_120, %dma_wait3A_121] : memref<4x80x128xf32, #tpu.memory_space<vmem>> -> memref<1x80x128xf32, #tpu.memory_space<vmem>>
    %dma_wait3A_123 = tpu.memref_squeeze %dma_wait3A_122 : memref<1x80x128xf32, #tpu.memory_space<vmem>> -> memref<80x128xf32, #tpu.memory_space<vmem>>
    tpu.wait_dma2 semaphore(%arg16 : memref<!tpu.dma_semaphore, #tpu.memory_space<semaphore_mem>>) src(%dma_wait3A_123 : memref<80x128xf32, #tpu.memory_space<vmem>>) dst(%dma_wait3A_119 : memref<80x128xf32, #tpu.memory_space<vmem_shared>>)
    %dma_wait3A_124 = arith.constant 3 : i32
    %dma_wait3A_125 = arith.constant 0 : i32
    %dma_wait3A_126 = arith.constant 0 : i32
    %dma_wait3A_127 = tpu.memref_slice %arg7[%dma_wait3A_124, %dma_wait3A_125, %dma_wait3A_126] : memref<4x80x128xf32, #tpu.memory_space<vmem>> -> memref<1x80x128xf32, #tpu.memory_space<vmem>>
    %dma_wait3A_128 = tpu.memref_squeeze %dma_wait3A_127 : memref<1x80x128xf32, #tpu.memory_space<vmem>> -> memref<80x128xf32, #tpu.memory_space<vmem>>
    %dma_wait3A_129 = arith.constant 0 : i32
    %dma_wait3A_130 = arith.constant 0 : i32
    %dma_wait3A_131 = tpu.memref_slice %arg6[%dma_wait3A_129, %dma_wait3A_130] : memref<10240x128xf32, #tpu.memory_space<vmem_shared>> -> memref<80x128xf32, #tpu.memory_space<vmem_shared>>
    %dma_wait3A_132 = arith.constant 0 : i32
    %dma_wait3A_133 = arith.constant 0 : i32
    %dma_wait3A_134 = tpu.memref_slice %arg6[%dma_wait3A_132, %dma_wait3A_133] : memref<10240x128xf32, #tpu.memory_space<vmem_shared>> -> memref<80x128xf32, #tpu.memory_space<vmem_shared>>
    %dma_wait3A_135 = arith.constant 0 : i32
    %dma_wait3A_136 = arith.constant 0 : i32
    %dma_wait3A_137 = tpu.memref_slice %arg7[%dma_wait3A_124, %dma_wait3A_135, %dma_wait3A_136] : memref<4x80x128xf32, #tpu.memory_space<vmem>> -> memref<1x80x128xf32, #tpu.memory_space<vmem>>
    %dma_wait3A_138 = tpu.memref_squeeze %dma_wait3A_137 : memref<1x80x128xf32, #tpu.memory_space<vmem>> -> memref<80x128xf32, #tpu.memory_space<vmem>>
    tpu.wait_dma2 semaphore(%arg17 : memref<!tpu.dma_semaphore, #tpu.memory_space<semaphore_mem>>) src(%dma_wait3A_138 : memref<80x128xf32, #tpu.memory_space<vmem>>) dst(%dma_wait3A_134 : memref<80x128xf32, #tpu.memory_space<vmem_shared>>)
    %barrier3A_139 = arith.constant 0 : index
    tpu.barrier barrier_id(%barrier3A_139)
    %mul3A_140 = arith.constant 640 : i32
    %mul3A_141 = arith.muli %arg1, %mul3A_140 : i32
    %mul3A_142 = arith.constant 640 : i32
    %mul3A_143 = arith.muli %arg1, %mul3A_142 : i32
    "tpu.region"() ({
      %run_scoped3A_144 = tpu.sem_alloc : memref<!tpu.dma_semaphore, #tpu.memory_space<semaphore_mem>>
      %dma_start3A_145 = arith.constant 0 : i32
      %dma_start3A_146 = tpu.memref_slice %arg5[%arg0, %mul3A_143, %dma_start3A_145] : memref<2x10240x128xf32, #tpu.memory_space<hbm>> -> memref<1x640x128xf32, #tpu.memory_space<hbm>>
      %dma_start3A_147 = tpu.memref_squeeze %dma_start3A_146 : memref<1x640x128xf32, #tpu.memory_space<hbm>> -> memref<640x128xf32, #tpu.memory_space<hbm>>
      %dma_start3A_148 = arith.constant 0 : i32
      %dma_start3A_149 = tpu.memref_slice %arg6[%mul3A_141, %dma_start3A_148] : memref<10240x128xf32, #tpu.memory_space<vmem_shared>> -> memref<640x128xf32, #tpu.memory_space<vmem_shared>>
      tpu.enqueue_dma source(%dma_start3A_149 : memref<640x128xf32, #tpu.memory_space<vmem_shared>>) target(%dma_start3A_147 : memref<640x128xf32, #tpu.memory_space<hbm>>) target_semaphore(%run_scoped3A_144 : memref<!tpu.dma_semaphore, #tpu.memory_space<semaphore_mem>>)
      %dma_wait3A_150 = arith.constant 0 : i32
      %dma_wait3A_151 = tpu.memref_slice %arg5[%arg0, %mul3A_143, %dma_wait3A_150] : memref<2x10240x128xf32, #tpu.memory_space<hbm>> -> memref<1x640x128xf32, #tpu.memory_space<hbm>>
      %dma_wait3A_152 = tpu.memref_squeeze %dma_wait3A_151 : memref<1x640x128xf32, #tpu.memory_space<hbm>> -> memref<640x128xf32, #tpu.memory_space<hbm>>
      %dma_wait3A_153 = arith.constant 0 : i32
      %dma_wait3A_154 = tpu.memref_slice %arg6[%mul3A_141, %dma_wait3A_153] : memref<10240x128xf32, #tpu.memory_space<vmem_shared>> -> memref<640x128xf32, #tpu.memory_space<vmem_shared>>
      tpu.wait_dma2 semaphore(%run_scoped3A_144 : memref<!tpu.dma_semaphore, #tpu.memory_space<semaphore_mem>>) src(%dma_wait3A_154 : memref<640x128xf32, #tpu.memory_space<vmem_shared>>) dst(%dma_wait3A_152 : memref<640x128xf32, #tpu.memory_space<hbm>>)
      tpu.yield
    }) : () -> ()
    return
  }
}

module attributes {stable_mosaic.version = 14 : i64} {
  func.func @_tc_first_body(%arg0: i32, %arg1: memref<400x128xf32, #tpu.memory_space<vmem>>, %arg2: memref<128x128xf32, #tpu.memory_space<vmem>>, %arg3: memref<1x400x1xf32, #tpu.memory_space<vmem>>, %arg4: memref<1x400x1xf32, #tpu.memory_space<vmem>>, %arg5: memref<400x128xf32, #tpu.memory_space<vmem>>, %arg6: memref<400x1xf32, #tpu.memory_space<vmem>>) attributes {dimension_semantics = [#tpu.dimension_semantics<arbitrary>], iteration_bounds = array<i64: 25>, scalar_prefetch = 0 : i64, scratch_operands = 0 : i64, tpu.core_type = #tpu.core_type<tc>, window_params = [{transform_indices = @transform_0, window_bounds = array<i64: 400, 128>}, {pipeline_mode = #tpu.pipeline_mode<synchronous>, transform_indices = @transform_1, window_bounds = array<i64: 128, 128>}, {transform_indices = @transform_2, window_bounds = array<i64: 1, 400, 1>}, {transform_indices = @transform_3, window_bounds = array<i64: 1, 400, 1>}, {transform_indices = @transform_4, window_bounds = array<i64: 400, 128>}, {transform_indices = @transform_5, window_bounds = array<i64: 400, 1>}]} {
    %get3A = arith.constant 0 : index
    %get3A_0 = arith.constant 0 : index
    %get3A_1 = arith.constant 0 : index
    %get3A_2 = vector.load %arg3[%get3A, %get3A_0, %get3A_1] : memref<1x400x1xf32, #tpu.memory_space<vmem>>, vector<1x400x1xf32>
    %get3A_3 = vector.shape_cast %get3A_2 : vector<1x400x1xf32> to vector<400x1xf32>
    %get3A_4 = arith.constant 0 : index
    %get3A_5 = arith.constant 0 : index
    %get3A_6 = arith.constant 0 : index
    %get3A_7 = vector.load %arg4[%get3A_4, %get3A_5, %get3A_6] : memref<1x400x1xf32, #tpu.memory_space<vmem>>, vector<1x400x1xf32>
    %get3A_8 = vector.shape_cast %get3A_7 : vector<1x400x1xf32> to vector<400x1xf32>
    %add3A = arith.addf %get3A_3, %get3A_8 : vector<400x1xf32>
    %add3A_9 = arith.constant 1.000000e+00 : f32
    %add3A_10 = vector.broadcast %add3A_9 : f32 to vector<400x1xf32>
    %add3A_11 = arith.addf %add3A, %add3A_10 : vector<400x1xf32>
    %rsqrt3A = math.rsqrt %add3A_11 : vector<400x1xf32>
    %get3A_12 = arith.constant 0 : index
    %get3A_13 = arith.constant 0 : index
    %get3A_14 = vector.load %arg1[%get3A_12, %get3A_13] : memref<400x128xf32, #tpu.memory_space<vmem>>, vector<400x128xf32>
    %get3A_15 = arith.constant 0 : index
    %get3A_16 = arith.constant 0 : index
    %get3A_17 = vector.load %arg2[%get3A_15, %get3A_16] : memref<128x128xf32, #tpu.memory_space<vmem>>, vector<128x128xf32>
    %dot_general3A = arith.constant dense<0.000000e+00> : vector<400x128xf32>
    %dot_general3A_18 = tpu.matmul %get3A_14, %get3A_17, %dot_general3A {dimension_numbers = #tpu.dot_dimension_numbers<[1], [0], [0], [1], [0, 0, 1, 1], [], []>, transpose_lhs_hint = false} : vector<400x128xf32>, vector<128x128xf32>, vector<400x128xf32> -> vector<400x128xf32>
    %mul3A = vector.broadcast %rsqrt3A : vector<400x1xf32> to vector<400x128xf32>
    %mul3A_19 = arith.mulf %mul3A, %dot_general3A_18 : vector<400x128xf32>
    %swap3A = arith.constant 0 : index
    %swap3A_20 = arith.constant 0 : index
    %swap3A_21 = vector.load %arg5[%swap3A, %swap3A_20] : memref<400x128xf32, #tpu.memory_space<vmem>>, vector<400x128xf32>
    tpu.vector_store %arg5[%swap3A, %swap3A_20], %mul3A_19 {strides = array<i32>} : memref<400x128xf32, #tpu.memory_space<vmem>>, vector<400x128xf32>,
    %swap3A_22 = arith.constant 0 : index
    %swap3A_23 = arith.constant 0 : index
    %swap3A_24 = vector.load %arg6[%swap3A_22, %swap3A_23] : memref<400x1xf32, #tpu.memory_space<vmem>>, vector<400x1xf32>
    tpu.vector_store %arg6[%swap3A_22, %swap3A_23], %rsqrt3A {strides = array<i32>} : memref<400x1xf32, #tpu.memory_space<vmem>>, vector<400x1xf32>,
    return
  }
  func.func @transform_0(%arg0: i32) -> (i32, i32) {
    %c0_i32 = arith.constant 0 : i32
    %c0_i32_0 = arith.constant 0 : i32
    return %arg0, %c0_i32 : i32, i32
  }
  func.func @transform_1(%arg0: i32) -> (i32, i32) {
    %c0_i32 = arith.constant 0 : i32
    %c0_i32_0 = arith.constant 0 : i32
    %c0_i32_1 = arith.constant 0 : i32
    return %c0_i32, %c0_i32_0 : i32, i32
  }
  func.func @transform_2(%arg0: i32) -> (i32, i32, i32) {
    %c0_i32 = arith.constant 0 : i32
    %c0_i32_0 = arith.constant 0 : i32
    %c0_i32_1 = arith.constant 0 : i32
    return %c0_i32, %arg0, %c0_i32_0 : i32, i32, i32
  }
  func.func @transform_3(%arg0: i32) -> (i32, i32, i32) {
    %c1_i32 = arith.constant 1 : i32
    %c0_i32 = arith.constant 0 : i32
    %c0_i32_0 = arith.constant 0 : i32
    return %c1_i32, %arg0, %c0_i32 : i32, i32, i32
  }
  func.func @transform_4(%arg0: i32) -> (i32, i32) {
    %c0_i32 = arith.constant 0 : i32
    %c0_i32_0 = arith.constant 0 : i32
    return %arg0, %c0_i32 : i32, i32
  }
  func.func @transform_5(%arg0: i32) -> (i32, i32) {
    %c0_i32 = arith.constant 0 : i32
    %c0_i32_0 = arith.constant 0 : i32
    return %arg0, %c0_i32 : i32, i32
  }
}

module attributes {stable_mosaic.version = 14 : i64} {
  func.func @_tc_mid_body(%arg0: i32, %arg1: memref<1x400x128xf32, #tpu.memory_space<vmem>>, %arg2: memref<1x400x128xf32, #tpu.memory_space<vmem>>, %arg3: memref<400x128xf32, #tpu.memory_space<vmem>>, %arg4: memref<400x1xf32, #tpu.memory_space<vmem>>, %arg5: memref<128x128xf32, #tpu.memory_space<vmem>>, %arg6: memref<1x128xf32, #tpu.memory_space<vmem>>, %arg7: memref<400x128xf32, #tpu.memory_space<vmem>>) attributes {dimension_semantics = [#tpu.dimension_semantics<arbitrary>], iteration_bounds = array<i64: 25>, scalar_prefetch = 0 : i64, scratch_operands = 0 : i64, tpu.core_type = #tpu.core_type<tc>, window_params = [{transform_indices = @transform_0, window_bounds = array<i64: 1, 400, 128>}, {transform_indices = @transform_1, window_bounds = array<i64: 1, 400, 128>}, {transform_indices = @transform_2, window_bounds = array<i64: 400, 128>}, {transform_indices = @transform_3, window_bounds = array<i64: 400, 1>}, {pipeline_mode = #tpu.pipeline_mode<synchronous>, transform_indices = @transform_4, window_bounds = array<i64: 128, 128>}, {pipeline_mode = #tpu.pipeline_mode<synchronous>, transform_indices = @transform_5, window_bounds = array<i64: 1, 128>}, {transform_indices = @transform_6, window_bounds = array<i64: 400, 128>}]} {
    %get3A = arith.constant 0 : index
    %get3A_0 = arith.constant 0 : index
    %get3A_1 = vector.load %arg4[%get3A, %get3A_0] : memref<400x1xf32, #tpu.memory_space<vmem>>, vector<400x1xf32>
    %get3A_2 = arith.constant 0 : index
    %get3A_3 = arith.constant 0 : index
    %get3A_4 = arith.constant 0 : index
    %get3A_5 = vector.load %arg1[%get3A_2, %get3A_3, %get3A_4] : memref<1x400x128xf32, #tpu.memory_space<vmem>>, vector<1x400x128xf32>
    %get3A_6 = vector.shape_cast %get3A_5 : vector<1x400x128xf32> to vector<400x128xf32>
    %get3A_7 = arith.constant 0 : index
    %get3A_8 = arith.constant 0 : index
    %get3A_9 = arith.constant 0 : index
    %get3A_10 = vector.load %arg2[%get3A_7, %get3A_8, %get3A_9] : memref<1x400x128xf32, #tpu.memory_space<vmem>>, vector<1x400x128xf32>
    %get3A_11 = vector.shape_cast %get3A_10 : vector<1x400x128xf32> to vector<400x128xf32>
    %add3A = arith.addf %get3A_6, %get3A_11 : vector<400x128xf32>
    %get3A_12 = arith.constant 0 : index
    %get3A_13 = arith.constant 0 : index
    %get3A_14 = vector.load %arg3[%get3A_12, %get3A_13] : memref<400x128xf32, #tpu.memory_space<vmem>>, vector<400x128xf32>
    %add3A_15 = arith.addf %add3A, %get3A_14 : vector<400x128xf32>
    %mul3A = vector.broadcast %get3A_1 : vector<400x1xf32> to vector<400x128xf32>
    %mul3A_16 = arith.mulf %mul3A, %add3A_15 : vector<400x128xf32>
    %get3A_17 = arith.constant 0 : index
    %get3A_18 = arith.constant 0 : index
    %get3A_19 = vector.load %arg6[%get3A_17, %get3A_18] : memref<1x128xf32, #tpu.memory_space<vmem>>, vector<1x128xf32>
    %add3A_20 = vector.broadcast %get3A_19 : vector<1x128xf32> to vector<400x128xf32>
    %add3A_21 = arith.addf %mul3A_16, %add3A_20 : vector<400x128xf32>
    %max3A = arith.constant 0.000000e+00 : f32
    %max3A_22 = vector.broadcast %max3A : f32 to vector<400x128xf32>
    %max3A_23 = arith.maximumf %add3A_21, %max3A_22 : vector<400x128xf32>
    %get3A_24 = arith.constant 0 : index
    %get3A_25 = arith.constant 0 : index
    %get3A_26 = vector.load %arg5[%get3A_24, %get3A_25] : memref<128x128xf32, #tpu.memory_space<vmem>>, vector<128x128xf32>
    %dot_general3A = arith.constant dense<0.000000e+00> : vector<400x128xf32>
    %dot_general3A_27 = tpu.matmul %max3A_23, %get3A_26, %dot_general3A {dimension_numbers = #tpu.dot_dimension_numbers<[1], [0], [0], [1], [0, 0, 1, 1], [], []>, transpose_lhs_hint = false} : vector<400x128xf32>, vector<128x128xf32>, vector<400x128xf32> -> vector<400x128xf32>
    %mul3A_28 = vector.broadcast %get3A_1 : vector<400x1xf32> to vector<400x128xf32>
    %mul3A_29 = arith.mulf %mul3A_28, %dot_general3A_27 : vector<400x128xf32>
    %swap3A = arith.constant 0 : index
    %swap3A_30 = arith.constant 0 : index
    %swap3A_31 = vector.load %arg7[%swap3A, %swap3A_30] : memref<400x128xf32, #tpu.memory_space<vmem>>, vector<400x128xf32>
    tpu.vector_store %arg7[%swap3A, %swap3A_30], %mul3A_29 {strides = array<i32>} : memref<400x128xf32, #tpu.memory_space<vmem>>, vector<400x128xf32>,
    return
  }
  func.func @transform_0(%arg0: i32) -> (i32, i32, i32) {
    %c0_i32 = arith.constant 0 : i32
    %c0_i32_0 = arith.constant 0 : i32
    %c0_i32_1 = arith.constant 0 : i32
    return %c0_i32, %arg0, %c0_i32_0 : i32, i32, i32
  }
  func.func @transform_1(%arg0: i32) -> (i32, i32, i32) {
    %c1_i32 = arith.constant 1 : i32
    %c0_i32 = arith.constant 0 : i32
    %c0_i32_0 = arith.constant 0 : i32
    return %c1_i32, %arg0, %c0_i32 : i32, i32, i32
  }
  func.func @transform_2(%arg0: i32) -> (i32, i32) {
    %c0_i32 = arith.constant 0 : i32
    %c0_i32_0 = arith.constant 0 : i32
    return %arg0, %c0_i32 : i32, i32
  }
  func.func @transform_3(%arg0: i32) -> (i32, i32) {
    %c0_i32 = arith.constant 0 : i32
    %c0_i32_0 = arith.constant 0 : i32
    return %arg0, %c0_i32 : i32, i32
  }
  func.func @transform_4(%arg0: i32) -> (i32, i32) {
    %c0_i32 = arith.constant 0 : i32
    %c0_i32_0 = arith.constant 0 : i32
    %c0_i32_1 = arith.constant 0 : i32
    return %c0_i32, %c0_i32_0 : i32, i32
  }
  func.func @transform_5(%arg0: i32) -> (i32, i32) {
    %c0_i32 = arith.constant 0 : i32
    %c0_i32_0 = arith.constant 0 : i32
    %c0_i32_1 = arith.constant 0 : i32
    return %c0_i32, %c0_i32_0 : i32, i32
  }
  func.func @transform_6(%arg0: i32) -> (i32, i32) {
    %c0_i32 = arith.constant 0 : i32
    %c0_i32_0 = arith.constant 0 : i32
    return %arg0, %c0_i32 : i32, i32
  }
}

module attributes {stable_mosaic.version = 14 : i64} {
  func.func @_tc_last_body(%arg0: i32, %arg1: memref<1x400x128xf32, #tpu.memory_space<vmem>>, %arg2: memref<1x400x128xf32, #tpu.memory_space<vmem>>, %arg3: memref<400x128xf32, #tpu.memory_space<vmem>>, %arg4: memref<400x1xf32, #tpu.memory_space<vmem>>, %arg5: memref<1x128xf32, #tpu.memory_space<vmem>>, %arg6: memref<400x128xf32, #tpu.memory_space<vmem>>) attributes {dimension_semantics = [#tpu.dimension_semantics<arbitrary>], iteration_bounds = array<i64: 25>, scalar_prefetch = 0 : i64, scratch_operands = 0 : i64, tpu.core_type = #tpu.core_type<tc>, window_params = [{transform_indices = @transform_0, window_bounds = array<i64: 1, 400, 128>}, {transform_indices = @transform_1, window_bounds = array<i64: 1, 400, 128>}, {transform_indices = @transform_2, window_bounds = array<i64: 400, 128>}, {transform_indices = @transform_3, window_bounds = array<i64: 400, 1>}, {pipeline_mode = #tpu.pipeline_mode<synchronous>, transform_indices = @transform_4, window_bounds = array<i64: 1, 128>}, {transform_indices = @transform_5, window_bounds = array<i64: 400, 128>}]} {
    %get3A = arith.constant 0 : index
    %get3A_0 = arith.constant 0 : index
    %get3A_1 = vector.load %arg4[%get3A, %get3A_0] : memref<400x1xf32, #tpu.memory_space<vmem>>, vector<400x1xf32>
    %get3A_2 = arith.constant 0 : index
    %get3A_3 = arith.constant 0 : index
    %get3A_4 = arith.constant 0 : index
    %get3A_5 = vector.load %arg1[%get3A_2, %get3A_3, %get3A_4] : memref<1x400x128xf32, #tpu.memory_space<vmem>>, vector<1x400x128xf32>
    %get3A_6 = vector.shape_cast %get3A_5 : vector<1x400x128xf32> to vector<400x128xf32>
    %get3A_7 = arith.constant 0 : index
    %get3A_8 = arith.constant 0 : index
    %get3A_9 = arith.constant 0 : index
    %get3A_10 = vector.load %arg2[%get3A_7, %get3A_8, %get3A_9] : memref<1x400x128xf32, #tpu.memory_space<vmem>>, vector<1x400x128xf32>
    %get3A_11 = vector.shape_cast %get3A_10 : vector<1x400x128xf32> to vector<400x128xf32>
    %add3A = arith.addf %get3A_6, %get3A_11 : vector<400x128xf32>
    %get3A_12 = arith.constant 0 : index
    %get3A_13 = arith.constant 0 : index
    %get3A_14 = vector.load %arg3[%get3A_12, %get3A_13] : memref<400x128xf32, #tpu.memory_space<vmem>>, vector<400x128xf32>
    %add3A_15 = arith.addf %add3A, %get3A_14 : vector<400x128xf32>
    %mul3A = vector.broadcast %get3A_1 : vector<400x1xf32> to vector<400x128xf32>
    %mul3A_16 = arith.mulf %mul3A, %add3A_15 : vector<400x128xf32>
    %get3A_17 = arith.constant 0 : index
    %get3A_18 = arith.constant 0 : index
    %get3A_19 = vector.load %arg5[%get3A_17, %get3A_18] : memref<1x128xf32, #tpu.memory_space<vmem>>, vector<1x128xf32>
    %add3A_20 = vector.broadcast %get3A_19 : vector<1x128xf32> to vector<400x128xf32>
    %add3A_21 = arith.addf %mul3A_16, %add3A_20 : vector<400x128xf32>
    %swap3A = arith.constant 0 : index
    %swap3A_22 = arith.constant 0 : index
    %swap3A_23 = vector.load %arg6[%swap3A, %swap3A_22] : memref<400x128xf32, #tpu.memory_space<vmem>>, vector<400x128xf32>
    tpu.vector_store %arg6[%swap3A, %swap3A_22], %add3A_21 {strides = array<i32>} : memref<400x128xf32, #tpu.memory_space<vmem>>, vector<400x128xf32>,
    return
  }
  func.func @transform_0(%arg0: i32) -> (i32, i32, i32) {
    %c0_i32 = arith.constant 0 : i32
    %c0_i32_0 = arith.constant 0 : i32
    %c0_i32_1 = arith.constant 0 : i32
    return %c0_i32, %arg0, %c0_i32_0 : i32, i32, i32
  }
  func.func @transform_1(%arg0: i32) -> (i32, i32, i32) {
    %c1_i32 = arith.constant 1 : i32
    %c0_i32 = arith.constant 0 : i32
    %c0_i32_0 = arith.constant 0 : i32
    return %c1_i32, %arg0, %c0_i32 : i32, i32, i32
  }
  func.func @transform_2(%arg0: i32) -> (i32, i32) {
    %c0_i32 = arith.constant 0 : i32
    %c0_i32_0 = arith.constant 0 : i32
    return %arg0, %c0_i32 : i32, i32
  }
  func.func @transform_3(%arg0: i32) -> (i32, i32) {
    %c0_i32 = arith.constant 0 : i32
    %c0_i32_0 = arith.constant 0 : i32
    return %arg0, %c0_i32 : i32, i32
  }
  func.func @transform_4(%arg0: i32) -> (i32, i32) {
    %c0_i32 = arith.constant 0 : i32
    %c0_i32_0 = arith.constant 0 : i32
    %c0_i32_1 = arith.constant 0 : i32
    return %c0_i32, %c0_i32_0 : i32, i32
  }
  func.func @transform_5(%arg0: i32) -> (i32, i32) {
    %c0_i32 = arith.constant 0 : i32
    %c0_i32_0 = arith.constant 0 : i32
    return %arg0, %c0_i32 : i32, i32
  }
}

</mosaic_0001>

<sc_bundles>
// kernel: kernel.11.cloned.1.call-start
scs
__scs_entry_jumppad:
0x0: {  	(pc) =	sbr.rel $0x88, $3  }
0x1: {  	(tag) =	ssettag $0x0;
	lr =	simm.s32 $0x1  }
0x2: {  	[smem:$0x3F9B] =	sst lr;
	_ =	strace $0xD0000000  }
0x3: {  	_ = 	snop  }
0x4: {  	_ = 	snop  }
0x5: {  	_ = 	snop  }
0x6: {  	_ = 	snop  }
0x7: {  	_ = 	snop  }
__scs_overlays_trampoline_lowered:
0x8: {  	[smem:$0x3FAA] =	sst s0  }
0x9: {  	[smem:$0x3FAB] =	sst s1  }
0xa: {  	[smem:$0x3FAC] =	sst s2  }
0xb: {  	[smem:$0x3FAD] =	sst s3  }
0xc: {  	[smem:$0x3FAE] =	sst s4  }
0xd: {  	[smem:$0x3FAF] =	sst s5  }
0xe: {  	[smem:$0x3FB0] =	sst s6  }
0xf: {  	[smem:$0x3FB1] =	sst s7  }
0x10: {  	[smem:$0x3FB2] =	sst s8  }
0x11: {  	[smem:$0x3FB3] =	sst s9;
	s0 =	simm.s32 @!p0 $0x0  }
0x12: {  	s1 =	sld [smem:$0x3F99];
	s0 =	simm.s32 @p0 $0x1  }
0x13: {  	[smem:$0x3FB4] =	sst s0;
	s0 =	simm.s32 @!p1 $0x0  }
0x14: {  	s2 =	sld [smem:$0x3F98];
	s0 =	simm.s32 @p1 $0x1  }
0x15: {  	[smem:$0x3FB5] =	sst s0;
	s0 =	simm.s32 @!p2 $0x0  }
0x16: {  	s3 =	sld [smem:$0x3FDB];
	s0 =	simm.s32 @p2 $0x1  }
0x17: {  	s4 =	simm.s32 $0x1BF5;
	[smem:$0x3FB7] =	sst s0  }
0x18: {  	s0 =	sld [smem:$0x3F9A];
	_ =	swait.ge [sflag:s4], $0x0  }
0x19: {  	s7 =	sld [smem:$0x3F9B]  }
0x1a: {  	s8 =	sadd.s32 $0xFFFFE003, lr  }
0x1b: {  	s9 =	sadd.s32 $0xFFFFFEF7, lr;
	s5 =	simm.s32 $0xFFFFFFFF;
	p2 =	slt.u32 s8, $0xFFFFF086  }
0x1c: {  	p1 =	slt.u32 s9, $0xF7A;
	s5 =	simm.s32 @!p2 $0x0  }
0x1d: {  	s5 =	simm.s32 @p1 $0x1;
	p0 =	seq.s32 s7, s2  }
0x1e: {  	s7 =	smul.u32 @!p0 $0xF7A, s2;
	p2 =	seq.s32 @!p0 s5, $0x0  }
0x1f: {  	s9 =	smul.u32 $0xF7A, s1;
	s8 =	simm.s32 @!p0 $0x1BF5;
	p2 =	por !p2, p0  }
0x20: {  	[sflag:s8] =	ssyncset.s32 @!p0 $0xFFFFF086;
	s6 =	sadd.s32 @!p0 s3, s7;
	s7 =	simm.s32 @!p0 $0x108  }
0x21: {  	s3 =	sadd.s32 s3, s9;
	s6 =	sadd.s32 @!p0 $0x88, s6;
	s7 =	simm.s32 @p2 $0x1082  }
0x22: {  	[simem:s7], [sflag:s8] =	dma.local @!p0 [hbm:s6], $0xF7A  }
0x23: {  	s9 =	sor.u32 $0xD0000000, s2;
	s6 =	simm.s32 $0x108;
	_ =	swait.ge @!p0 [sflag:s8], $0x0  }
0x24: {  	s3 =	sadd.s32 $0x88, s3;
	s6 =	simm.s32 @!p1 $0x1082;
	[sflag:s4] =	ssyncset.s32 $0xFFFFF086  }
0x25: {  	[simem:s6], [sflag:s4] =	dma.local [hbm:s3], $0xF7A  }
0x26: {  	[smem:$0x3F9B] =	sst s1;
	(tag) =	ssettag s2;
	_ =	strace s9  }
0x27: {  	s1 =	sld [smem:$0x3FAB]  }
0x28: {  	s2 =	sld [smem:$0x3FAC]  }
0x29: {  	s4 =	sld [smem:$0x3FAE]  }
0x2a: {  	p0 =	seq.s32 s5, $0x0;
	s5 =	sld [smem:$0x3FAF]  }
0x2b: {  	s6 =	sld [smem:$0x3FB0]  }
0x2c: {  	s7 =	sld [smem:$0x3FB1]  }
0x2d: {  	s3 =	simm.s32 $0x108;
	s8 =	sld [smem:$0x3FB2]  }
0x2e: {  	s3 =	simm.s32 @!p0 $0x1082;
	s9 =	sld [smem:$0x3FB3]  }
0x2f: {  	lr =	sadd.s32 s0, s3;
	s0 =	sld [smem:$0x3FAA]  }
0x30: {  	s3 =	sld [smem:$0x3FAD]  }
0x31: {  	[smem:$0x3FB6] =	sst s10  }
0x32: {  	s10 =	sld [smem:$0x3FB4];
	_ =	sdelay $0x3  }
0x33: {  	p0 =	seq.s32 s10, $0x1;
	s10 =	sld [smem:$0x3FB6];
	_ =	sdelay $0x3  }
0x34: {  	[smem:$0x3FB6] =	sst s10  }
0x35: {  	s10 =	sld [smem:$0x3FB5];
	_ =	sdelay $0x3  }
0x36: {  	p1 =	seq.s32 s10, $0x1;
	s10 =	sld [smem:$0x3FB6];
	_ =	sdelay $0x3  }
0x37: {  	[smem:$0x3FB6] =	sst s10  }
0x38: {  	s10 =	sld [smem:$0x3FB7]  }
0x39: {  	_ = 	snop;
	(pc) =	sbr.ind lr, $3  }
0x3a: {  	_ = 	snop  }
0x3b: {  	_ = 	snop  }
0x3c: {  	p2 =	seq.s32 s10, $0x1;
	s10 =	sld [smem:$0x3FB6]  }
0x3d: {  	_ =	shalt  }
0x3e: {  	_ =	shalt  }
0x3f: {  	_ =	shalt  }
0x40: {  	_ =	shalt  }
0x41: {  	_ =	shalt  }
0x42: {  	_ =	shalt  }
0x43: {  	_ =	shalt  }
0x44: {  	_ =	shalt  }
0x45: {  	_ =	shalt  }
0x46: {  	_ =	shalt  }
0x47: {  	_ =	shalt  }
0x48: {  	_ =	shalt  }
0x49: {  	_ =	shalt  }
0x4a: {  	_ =	shalt  }
0x4b: {  	_ =	shalt  }
0x4c: {  	_ =	shalt  }
0x4d: {  	_ =	shalt  }
0x4e: {  	_ =	shalt  }
0x4f: {  	_ =	shalt  }
0x50: {  	_ =	shalt  }
0x51: {  	_ =	shalt  }
0x52: {  	_ =	shalt  }
0x53: {  	_ =	shalt  }
0x54: {  	_ =	shalt  }
0x55: {  	_ =	shalt  }
0x56: {  	_ =	shalt  }
0x57: {  	_ =	shalt  }
0x58: {  	_ =	shalt  }
0x59: {  	_ =	shalt  }
0x5a: {  	_ =	shalt  }
0x5b: {  	_ =	shalt  }
0x5c: {  	_ =	shalt  }
0x5d: {  	_ =	shalt  }
0x5e: {  	_ =	shalt  }
0x5f: {  	_ =	shalt  }
0x60: {  	_ =	shalt  }
0x61: {  	_ =	shalt  }
0x62: {  	_ =	shalt  }
0x63: {  	_ =	shalt  }
0x64: {  	_ =	shalt  }
0x65: {  	_ =	shalt  }
0x66: {  	_ =	shalt  }
0x67: {  	_ =	shalt  }
0x68: {  	_ =	shalt  }
0x69: {  	_ =	shalt  }
0x6a: {  	_ =	shalt  }
0x6b: {  	_ =	shalt  }
0x6c: {  	_ =	shalt  }
0x6d: {  	_ =	shalt  }
0x6e: {  	_ =	shalt  }
0x6f: {  	_ =	shalt  }
0x70: {  	_ =	shalt  }
0x71: {  	_ =	shalt  }
0x72: {  	_ =	shalt  }
0x73: {  	_ =	shalt  }
0x74: {  	_ =	shalt  }
0x75: {  	_ =	shalt  }
0x76: {  	_ =	shalt  }
0x77: {  	_ =	shalt  }
0x78: {  	_ =	shalt  }
0x79: {  	_ =	shalt  }
0x7a: {  	_ =	shalt  }
0x7b: {  	_ =	shalt  }
0x7c: {  	_ =	shalt  }
0x7d: {  	_ =	shalt  }
0x7e: {  	_ =	shalt  }
0x7f: {  	_ =	shalt  }
0x80: {  	_ =	shalt  }
0x81: {  	_ =	shalt  }
0x82: {  	_ =	shalt  }
0x83: {  	_ =	shalt  }
0x84: {  	_ =	shalt  }
0x85: {  	_ =	shalt  }
0x86: {  	_ =	shalt  }
0x87: {  	_ =	shalt  }
.Lfunc_end0:
.L_simem_size_0:
called_computation.1_lowered:
.L_overlay_start_0:
0x88: {  	s2 =	sld [smem:$0x3FD9]  }
0x89: {  	s3 =	sld [smem:$0x3FFE];
	_ =	sdelay $0x1  }
0x8a: {  	s1 =	srdreg.scid  }
0x8b: {  	s0 =	sand.u32 $0x1, s1  }
0x8c: {  	s17 =	sshll.u32 s0, $0xA;
	s2 =	sadd.s32 s3, s2  }
0x8d: {  	s2 =	sadd.s32 s2, s17  }
0x8e: {  	[smem:$0x3FC2] =	sst s2  }
0x8f: {  	_ = 	snop  }
0x90: {  	s2 =	sld [smem:$0x3FD0];
	(tm) =	ssettm $0x1  }
0x91: {  	s18 =	sld [smem:$0x3FFB];
	_ =	sdelay $0x3  }
0x92: {  	_ =	strace s18  }
0x93: {  	s3 =	sld [smem:$0x3FFC];
	_ =	sdelay $0x3  }
0x94: {  	_ =	strace s3  }
0x95: {  	s3 =	sld [smem:$0x3FFD];
	_ =	sdelay $0x3  }
0x96: {  	_ =	strace s3  }
0x97: {  	_ =	strace $0x8FFFFFFF  }
0x98: {  	s19 =	sld [smem:$0x3FDB];
	_ =	sdelay $0x1  }
0x99: {  	s4 =	simm.s32 $_scs_section_size  }
0x9a: {  	s5 =	simm.s32 $_size__tile_overlayer_lowered;
	s6 =	simm.s32 $_tile_overlayer_lowered  }
0x9b: {  	s22 =	simm.s32 $0x1BFF;
	s21 =	sshll.u32 s6, $0x1;
	s3 =	sadd.s32 s4, s19  }
0x9c: {  	s7 =	simm.s32 $0x0;
	s20 =	sshll.u32 s5, $0x1;
	s5 =	sadd.s32 s21, s3  }
0x9d: {  	[timem:s7], [sflag:s22] =	dma.local [hbm:s5], s20  }
0x9e: {  	_ =	swait.ge [sflag:s22], s20  }
0x9f: {  	s4 =	ssub.s32 $0x0, s20;
	[sflag:s22] =	ssyncset.done $0x0  }
0xa0: {  	[sflag:s22] =	ssyncadd.s32 s4;
	_ =	sdelay $0x1  }
0xa1: {  	s23 =	simm.s32 $0x1B8B  }
0xa2: {  	_ =	swait.ge [sflag:s23], $0x1  }
0xa3: {  	[sflag:s23] =	ssyncset.done $0x0  }
0xa4: {  	s25 =	simm.s32 $0x1B8E;
	s24 =	sld [smem:$0x3FFE];
	[sflag:s23] =	ssyncadd.s32 $0xFFFFFFFF  }
0xa5: {  	s26 =	simm.s32 $execute0_lowered;
	[smem:$0x3FD2] =	sst s25  }
0xa6: {  	s5 =	sshll.u32 s26, $0x1;
	_ =	strace $0x80000049;
	[dreg:$0x1] =	wrdreg $0xFFFFFFFF  }
0xa7: {  	s28 =	simm.s32 $_size_execute0_lowered;
	s3 =	sadd.s32 s3, s5;
	[dreg:$0x0] =	wrdreg $0x0  }
0xa8: {  	s5 =	sshll.u32 s28, $0x1;
	[dreg:$0x2] =	wrdreg s3  }
0xa9: {  	[dreg:$0x3] =	wrdreg s5  }
0xaa: {  	[dreg:$0x4] =	wrdreg $0xC0  }
0xab: {  	_ =	task [dreg:s7], $0x5FFFF  }
0xac: {  	[dreg:$0x1] =	wrdreg $0xFFFFFFFF  }
0xad: {  	[dreg:$0x0] =	wrdreg $0x60  }
0xae: {  	[dreg:$0x2] =	wrdreg s2  }
0xaf: {  	[dreg:$0x3] =	wrdreg s24  }
0xb0: {  	[dreg:$0x4] =	wrdreg $0x0  }
0xb1: {  	[dreg:$0x5] =	wrdreg $0x9  }
0xb2: {  	_ =	task.clear_ibuf [dreg:s7], $0x6FFFF;
	_ =	strace $0x90000049  }
0xb3: {  	s29 =	simm.s32 $0x9;
	_ =	strace $0x8000004B  }
0xb4: {  	_ =	swait.ge [sflag:s29], $0x1  }
0xb5: {  	[sflag:s29] =	ssyncadd.s32 $0xFFFFFFFF  }
0xb6: {  	_ =	strace $0x9000004B  }
0xb7: {  	_ =	sfence  }
0xb8: {  	s30 =	sld [smem:$0x0];
	_ =	sdelay $0x2  }
0xb9: {  	s31 =	sshll.u32 s1, $0xD;
	s1 =	sshrl.u32 s1, $0x2  }
0xba: {  	s3 =	sand.u32 $0x4000, s31;
	s1 =	sadd.s32 s1, s30  }
0xbb: {  	s0 =	sor.u32 s3, s0;
	s1 =	sshll.u32 s1, $0x11  }
0xbc: {  	s0 =	sor.u32 s1, s0  }
0xbd: {  	s0 =	sadd.s32 $0x8F2B, s0  }
0xbe: {  	[sflag:s0] =	ssyncadd.remote.s32 $0x1  }
0xbf: {  	_ =	sfence.sel $0xFFFF  }
0xc0: {  	[dreg:$0x0] =	wrdreg $0xFFFFFFFF;
	(pc) =	sbr.abs _section_cstart, $3  }
0xc1: {  	[dreg:$0x1] =	wrdreg $0xFFFFFFFF  }
0xc2: {  	_ =	task.clear_ibuf [dreg:s7], $0x2FFFF;
	_ =	strace $0x9FFFFFFF  }
0xc3: {  	(tm) =	ssettm $0x7FFFFFFF  }
tec
execute0_lowered:
.L_overlay_start_1:
0x0: {  	(tag) =	ssettag $0x1  }
0x1: {  	s1 =	rddreg [dreg:$0x0]  }
0x2: {  	s0 =	rddreg [dreg:$0x1]  }
0x3: {  	s3 =	rddreg [dreg:$0x2]  }
0x4: {  	s2 =	srdreg.scid;
	s9 =	stileid.u32;
	s4 =	simm.s32 $0x0  }
0x5: {  	s28 =	simm.s32 $0x1;
	s29 =	simm.s32 $0x19000;
	s5 =	smul.u32 $0xF0, s9  }
0x6: {  	s30 =	simm.s32 $0x2;
	s31 =	simm.s32 $0x1B800;
	s8 =	smul.u32 $0x14000, s9  }
0x7: {  	s2 =	sand.u32 $0x1, s2;
	[smem:$0x7FF] =	sst s4;
	s10 =	smul.u32 $0x50000, s9  }
0x8: {  	s6 =	sshll.u32 s9, $0x4;
	s7 =	smul.u32 $0x140000, s2;
	p0 =	seq.s32 s2, $0x0  }
0x9: {  	s6 =	sor.u32 $0xF00, s6;
	_ =	strace $0x8000004A;
	s2 =	ssub.s32 $0x2, s2  }
0xa: {  	s6 =	smov.u32 @p0 s5;
	s14 =	sshrl.u32 s2, $0x1;
	s15 =	sshrl.u32 s10, $0x2  }
0xb: {  	s5 =	sshll.u32 s6, $0x4;
	s8 =	sadd.s32 s8, s7;
	s6 =	sadd.s32 s15, s3  }
0xc: {  	s2 =	ssub.s32 s2, s14;
	s7 =	simm.s32 $0x7;
	s16 =	sadd.s32 $0x2800, s6  }
0xd: {  	s11 =	sadd.s32 s5, s0;
	s17 =	sadd.s32 $0x5000, s6;
	[dreg:$0x5] =	wrdreg s16  }
0xe: {  	s13 =	sshrl.u32 s8, $0x3;
	s18 =	sadd.s32 $0x7800, s6;
	[dreg:$0x6] =	wrdreg s17  }
0xf: {  	s5 =	simm.s32 $0x1E;
	s19 =	sadd.s32 $0xA000, s6;
	[dreg:$0x7] =	wrdreg s18  }
0x10: {  	s20 =	sadd.s32 $0xC800, s6;
	s21 =	sadd.s32 $0xF000, s6;
	[dreg:$0x8] =	wrdreg s19  }
0x11: {  	s22 =	sadd.s32 $0x11800, s6;
	s25 =	smax.u32 s2, $0x1;
	[dreg:$0x9] =	wrdreg s20  }
0x12: {  	s2 =	simm.s32 $0x5;
	s8 =	simm.s32 $0x8;
	[dreg:$0xa] =	wrdreg s21  }
0x13: {  	s0 =	sadd.s32 s13, s0;
	s5 =	simm.s32 @!p0 $0x2;
	[dreg:$0xb] =	wrdreg s22  }
0x14: {  	s23 =	sadd.s32 $0x3200, s11;
	s24 =	sadd.s32 $0x13200, s11;
	[dreg:$0xf] =	wrdreg s25  }
0x15: {  	s12 =	sadd.s32 $0x13280, s11;
	s11 =	sadd.s32 $0x3280, s11;
	s20 =	simm.s32 $0x14000  }
0x16: {  	s21 =	simm.s32 $0x9;
	s25 =	simm.s32 $0x6;
	[dreg:$0xc] =	wrdreg s23  }
0x17: {  	[dreg:$0xd] =	wrdreg s24;
	s0 =	sadd.s32 $0x23200, s0;
	s26 =	sshll.u32 s5, $0xA  }
0x18: {  	s24 =	simm.s32 $0x50;
	s23 =	simm.s32 $0x4;
	[dreg:$0xe] =	wrdreg s0  }
0x19: {  	v0 =	vimm.f32 $0.0e+00;
	[dreg:$0x4] =	wrdreg s26;
	s26 =	simm.s32 $0x16800;
	s0 =	simm.s32 $0x3  }
.LBB2_1:
0x1a: {  	s9 =	simm.s32 $0x0;
	s10 =	simm.s32 $0x200  }
.LBB2_2:
0x1b: {  	p0 =	sne.s32 s10, $0x9E00;
	[tilespmem:s9+$0x14070] =	vst v0  }
0x1c: {  	[tilespmem:s9+$0x14000] =	vst v0  }
0x1d: {  	[tilespmem:s9+$0x14010] =	vst v0  }
.Ltmp0:
0x1e: {  	[tilespmem:s9+$0x14020] =	vst v0;
	(pc) =	sbr.rel @p0 .LBB2_2-.Ltmp0, $4  }
0x1f: {  	[tilespmem:s9+$0x14030] =	vst v0  }
0x20: {  	[tilespmem:s9+$0x14040] =	vst v0  }
0x21: {  	[tilespmem:s9+$0x14050] =	vst v0  }
0x22: {  	[tilespmem:s9+$0x14060] =	vst v0;
	s9 =	sshra.s32 s10, $0x2;
	s10 =	sadd.s32 $0x200, s10  }
0x23: {  	[tilespmem:s9+$0x14070] =	vst v0  }
0x24: {  	[tilespmem:s9+$0x14000] =	vst v0  }
0x25: {  	[tilespmem:s9+$0x14010] =	vst v0  }
0x26: {  	[tilespmem:s9+$0x14020] =	vst v0  }
0x27: {  	[tilespmem:s9+$0x14030] =	vst v0  }
0x28: {  	[tilespmem:s9+$0x14040] =	vst v0  }
0x29: {  	[tilespmem:s9+$0x14050] =	vst v0  }
0x2a: {  	[tilespmem:s9+$0x14060] =	vst v0  }
0x2b: {  	[spmem:s6] =	stream.linear.scatter [tilespmem:s20], [sflag:$0x9], $0x2800, $0x38;
	[tilespmem:$0x1F000] =	vst v63  }
0x2c: {  	_ =	swait.ge [sflag:s21], $0x2800  }
0x2d: {  	[sflag:s21] =	ssyncset.done $0x0  }
0x2e: {  	s10 =	rddreg [dreg:$0x5];
	[sflag:s21] =	ssyncadd.s32 $0xFFFFD800  }
0x2f: {  	[spmem:s10] =	stream.linear.scatter [tilespmem:s20], [sflag:$0x9], $0x2800, $0x38;
	[tilespmem:$0x1F000] =	vst v63  }
0x30: {  	_ =	swait.ge [sflag:s21], $0x2800  }
0x31: {  	[sflag:s21] =	ssyncset.done $0x0  }
0x32: {  	s13 =	rddreg [dreg:$0x6];
	[sflag:s21] =	ssyncadd.s32 $0xFFFFD800  }
0x33: {  	[spmem:s13] =	stream.linear.scatter [tilespmem:s20], [sflag:$0x9], $0x2800, $0x38;
	[tilespmem:$0x1F000] =	vst v63  }
0x34: {  	_ =	swait.ge [sflag:s21], $0x2800  }
0x35: {  	[sflag:s21] =	ssyncset.done $0x0  }
0x36: {  	s14 =	rddreg [dreg:$0x7];
	[sflag:s21] =	ssyncadd.s32 $0xFFFFD800  }
0x37: {  	[spmem:s14] =	stream.linear.scatter [tilespmem:s20], [sflag:$0x9], $0x2800, $0x38;
	[tilespmem:$0x1F000] =	vst v63  }
0x38: {  	_ =	swait.ge [sflag:s21], $0x2800  }
0x39: {  	[sflag:s21] =	ssyncset.done $0x0  }
0x3a: {  	s15 =	rddreg [dreg:$0x8];
	[sflag:s21] =	ssyncadd.s32 $0xFFFFD800  }
0x3b: {  	[spmem:s15] =	stream.linear.scatter [tilespmem:s20], [sflag:$0x9], $0x2800, $0x38;
	[tilespmem:$0x1F000] =	vst v63  }
0x3c: {  	_ =	swait.ge [sflag:s21], $0x2800  }
0x3d: {  	[sflag:s21] =	ssyncset.done $0x0  }
0x3e: {  	s16 =	rddreg [dreg:$0x9];
	[sflag:s21] =	ssyncadd.s32 $0xFFFFD800  }
0x3f: {  	[spmem:s16] =	stream.linear.scatter [tilespmem:s20], [sflag:$0x9], $0x2800, $0x38;
	[tilespmem:$0x1F000] =	vst v63  }
0x40: {  	_ =	swait.ge [sflag:s21], $0x2800  }
0x41: {  	[sflag:s21] =	ssyncset.done $0x0  }
0x42: {  	s17 =	rddreg [dreg:$0xa];
	[sflag:s21] =	ssyncadd.s32 $0xFFFFD800  }
0x43: {  	[spmem:s17] =	stream.linear.scatter [tilespmem:s20], [sflag:$0x9], $0x2800, $0x38;
	[tilespmem:$0x1F000] =	vst v63  }
0x44: {  	_ =	swait.ge [sflag:s21], $0x2800  }
0x45: {  	[sflag:s21] =	ssyncset.done $0x0  }
0x46: {  	s18 =	rddreg [dreg:$0xb];
	[sflag:s21] =	ssyncadd.s32 $0xFFFFD800  }
0x47: {  	[spmem:s18] =	stream.linear.scatter [tilespmem:s20], [sflag:$0x9], $0x2800, $0x38;
	[tilespmem:$0x1F000] =	vst v63  }
0x48: {  	_ =	swait.ge [sflag:s21], $0x2800  }
0x49: {  	[sflag:s21] =	ssyncset.done $0x0  }
0x4a: {  	[sflag:s21] =	ssyncadd.s32 $0xFFFFD800  }
0x4b: {  	[bflag:$0x0] =	sbarrier.arrive $0xFFFF  }
0x4c: {  	s9 =	simm.s32 $0x0;
	s13 =	simm.s32 $0x1E000;
	s10 =	rddreg [dreg:$0xc]  }
0x4d: {  	[tilespmem:s13], [sflag:$0x9] =	stream.linear.gather [hbm4b:s10+s9], $0x400, $0x38;
	[tilespmem:$0x1F000] =	vst v63  }
0x4e: {  	_ =	swait.ge [sflag:s21], $0x400  }
0x4f: {  	[sflag:s21] =	ssyncset.done $0x0  }
0x50: {  	s14 =	simm.s32 $0x1E800;
	s19 =	rddreg [dreg:$0xd];
	[sflag:s21] =	ssyncadd.s32 $0xFFFFFC00  }
0x51: {  	[tilespmem:s14], [sflag:$0x9] =	stream.linear.gather [hbm4b:s19+s9], $0x400, $0x38;
	[tilespmem:$0x1F000] =	vst v63  }
0x52: {  	_ =	swait.ge [sflag:s21], $0x400  }
0x53: {  	[sflag:s21] =	ssyncset.done $0x0  }
0x54: {  	s22 =	simm.s32 $0x1E080;
	[sflag:s21] =	ssyncadd.s32 $0xFFFFFC00  }
0x55: {  	[tilespmem:s20], [sflag:$0x1] =	stream.indirect.gather [hbm4b:s1+s24], $0x80, s13, s24, $0xb8;
	[tilespmem:$0x1F000] =	vst v63  }
0x56: {  	s18 =	smov.u32 s12;
	s10 =	simm.s32 $0x1;
	s19 =	smov.u32 s11  }
0x57: {  	[tilespmem:s26], [sflag:$0x2] =	stream.indirect.gather [hbm4b:s1+s24], $0x80, s22, s24, $0xb8;
	[tilespmem:$0x1F000] =	vst v63  }
.LBB2_4:
0x58: {  	_ =	swait.ge [sflag:s28], $0x2800  }
0x59: {  	s14 =	sand.u32 $0x400, s9;
	[sflag:s28] =	ssyncset.done $0x0  }
0x5a: {  	p1 =	seq.s32 s9, $0x0;
	s13 =	sor.u32 $0x1E800, s14;
	[sflag:s28] =	ssyncadd.s32 $0xFFFFD800  }
0x5b: {  	[spmem:s3] =	stream.indirect.scatter.add.f32 [tilespmem:s20], [sflag:$0x5], $0x80, s13, s24, $0xb8;
	[tilespmem:$0x1F000] =	vst v63  }
0x5c: {  	s13 =	simm.s32 @!p1 $0x7  }
0x5d: {  	_ =	swait.ge @!p1 [sflag:s13], $0x2800  }
0x5e: {  	[sflag:s13] =	ssyncset.done @!p1 $0x0  }
0x5f: {  	s16 =	sor.u32 $0x1E100, s14;
	[sflag:s13] =	ssyncadd.s32 @!p1 $0xFFFFD800  }
0x60: {  	[tilespmem:s29], [sflag:$0x3] =	stream.indirect.gather [hbm4b:s1+s24], $0x80, s16, s24, $0xb8;
	[tilespmem:$0x1F000] =	vst v63  }
0x61: {  	_ =	swait.ge [sflag:s30], $0x2800  }
0x62: {  	[sflag:s30] =	ssyncset.done $0x0  }
0x63: {  	s17 =	sadd.s32 $0x1E880, s14;
	s15 =	simm.s32 @!p1 $0x8;
	[sflag:s30] =	ssyncadd.s32 $0xFFFFD800  }
0x64: {  	[spmem:s3] =	stream.indirect.scatter.add.f32 [tilespmem:s26], [sflag:$0x6], $0x80, s17, s24, $0xb8;
	[tilespmem:$0x1F000] =	vst v63  }
0x65: {  	p0 =	sge.u32 s10, s5;
	s13 =	sand.u32 $0x1, s10;
	_ =	swait.ge @!p1 [sflag:s15], $0x2800  }
0x66: {  	s13 =	sshll.u32 @!p0 s13, $0xA;
	s16 =	simm.s32 @!p0 $0x0;
	[sflag:s15] =	ssyncset.done @!p1 $0x0  }
0x67: {  	s17 =	simm.s32 @!p0 $0x9;
	[sflag:s15] =	ssyncadd.s32 @!p1 $0xFFFFD800;
	s15 =	sor.u32 @!p0 $0x1E000, s13  }
0x68: {  	[tilespmem:s15], [sflag:$0x9] =	stream.linear.gather @!p0 [hbm4b:s19+s16], $0x400, $0x38;
	[tilespmem:$0x1F000] =	vst v63  }
0x69: {  	_ =	swait.ge @!p0 [sflag:s17], $0x400  }
0x6a: {  	[sflag:s17] =	ssyncset.done @!p0 $0x0  }
0x6b: {  	s22 =	sor.u32 @!p0 $0x1E800, s13;
	[sflag:s17] =	ssyncadd.s32 @!p0 $0xFFFFFC00  }
0x6c: {  	[tilespmem:s22], [sflag:$0x9] =	stream.linear.gather @!p0 [hbm4b:s18+s16], $0x400, $0x38;
	[tilespmem:$0x1F000] =	vst v63  }
0x6d: {  	_ =	swait.ge @!p0 [sflag:s17], $0x400  }
0x6e: {  	[sflag:s17] =	ssyncset.done @!p0 $0x0  }
0x6f: {  	s22 =	sor.u32 $0x1E180, s14;
	[sflag:s17] =	ssyncadd.s32 @!p0 $0xFFFFFC00  }
0x70: {  	[tilespmem:s31], [sflag:$0x4] =	stream.indirect.gather [hbm4b:s1+s24], $0x80, s22, s24, $0xb8;
	[tilespmem:$0x1F000] =	vst v63  }
0x71: {  	_ =	swait.ge [sflag:s0], $0x2800  }
0x72: {  	s17 =	sor.u32 $0x100, s14;
	[sflag:s0] =	ssyncset.done $0x0  }
0x73: {  	s16 =	sor.u32 $0x1E800, s17;
	[sflag:s0] =	ssyncadd.s32 $0xFFFFD800  }
0x74: {  	[spmem:s3] =	stream.indirect.scatter.add.f32 [tilespmem:s29], [sflag:$0x7], $0x80, s16, s24, $0xb8;
	[tilespmem:$0x1F000] =	vst v63  }
0x75: {  	_ =	swait.ge [sflag:s2], $0x2800  }
0x76: {  	[sflag:s2] =	ssyncset.done $0x0  }
0x77: {  	s22 =	sor.u32 $0x1E200, s14;
	[sflag:s2] =	ssyncadd.s32 $0xFFFFD800  }
0x78: {  	[tilespmem:s20], [sflag:$0x1] =	stream.indirect.gather [hbm4b:s1+s24], $0x80, s22, s24, $0xb8;
	[tilespmem:$0x1F000] =	vst v63  }
0x79: {  	_ =	swait.ge [sflag:s23], $0x2800  }
0x7a: {  	[sflag:s23] =	ssyncset.done $0x0  }
0x7b: {  	s17 =	sor.u32 $0x1E980, s14;
	[sflag:s23] =	ssyncadd.s32 $0xFFFFD800  }
0x7c: {  	[spmem:s3] =	stream.indirect.scatter.add.f32 [tilespmem:s31], [sflag:$0x8], $0x80, s17, s24, $0xb8;
	[tilespmem:$0x1F000] =	vst v63  }
0x7d: {  	_ =	swait.ge [sflag:s25], $0x2800  }
0x7e: {  	[sflag:s25] =	ssyncset.done $0x0  }
0x7f: {  	s22 =	sor.u32 $0x1E280, s14;
	[sflag:s25] =	ssyncadd.s32 $0xFFFFD800  }
0x80: {  	[tilespmem:s26], [sflag:$0x2] =	stream.indirect.gather [hbm4b:s1+s24], $0x80, s22, s24, $0xb8;
	[tilespmem:$0x1F000] =	vst v63  }
0x81: {  	_ =	swait.ge [sflag:s28], $0x2800  }
0x82: {  	[sflag:s28] =	ssyncset.done $0x0  }
0x83: {  	s17 =	sor.u32 $0x1EA00, s14;
	[sflag:s28] =	ssyncadd.s32 $0xFFFFD800  }
0x84: {  	[spmem:s3] =	stream.indirect.scatter.add.f32 [tilespmem:s20], [sflag:$0x5], $0x80, s17, s24, $0xb8;
	[tilespmem:$0x1F000] =	vst v63  }
0x85: {  	_ =	swait.ge [sflag:s7], $0x2800  }
0x86: {  	[sflag:s7] =	ssyncset.done $0x0  }
0x87: {  	s22 =	sor.u32 $0x1E300, s14;
	[sflag:s7] =	ssyncadd.s32 $0xFFFFD800  }
0x88: {  	[tilespmem:s29], [sflag:$0x3] =	stream.indirect.gather [hbm4b:s1+s24], $0x80, s22, s24, $0xb8;
	[tilespmem:$0x1F000] =	vst v63  }
0x89: {  	_ =	swait.ge [sflag:s30], $0x2800  }
0x8a: {  	[sflag:s30] =	ssyncset.done $0x0  }
0x8b: {  	s17 =	sor.u32 $0x1EA80, s14;
	[sflag:s30] =	ssyncadd.s32 $0xFFFFD800  }
0x8c: {  	[spmem:s3] =	stream.indirect.scatter.add.f32 [tilespmem:s26], [sflag:$0x6], $0x80, s17, s24, $0xb8;
	[tilespmem:$0x1F000] =	vst v63  }
0x8d: {  	_ =	swait.ge [sflag:s8], $0x2800  }
0x8e: {  	[sflag:s8] =	ssyncset.done $0x0  }
0x8f: {  	s22 =	sor.u32 $0x1E380, s14;
	[sflag:s8] =	ssyncadd.s32 $0xFFFFD800  }
0x90: {  	[tilespmem:s31], [sflag:$0x4] =	stream.indirect.gather [hbm4b:s1+s24], $0x80, s22, s24, $0xb8;
	[tilespmem:$0x1F000] =	vst v63  }
0x91: {  	_ =	swait.ge [sflag:s0], $0x2800  }
0x92: {  	[sflag:s0] =	ssyncset.done $0x0  }
0x93: {  	s17 =	sor.u32 $0x1EB00, s14;
	[sflag:s0] =	ssyncadd.s32 $0xFFFFD800  }
0x94: {  	[spmem:s3] =	stream.indirect.scatter.add.f32 [tilespmem:s29], [sflag:$0x7], $0x80, s17, s24, $0xb8;
	[tilespmem:$0x1F000] =	vst v63  }
0x95: {  	_ =	swait.ge [sflag:s2], $0x2800  }
0x96: {  	[sflag:s2] =	ssyncset.done $0x0  }
0x97: {  	s16 =	simm.s32 @p0 $0x4;
	[sflag:s2] =	ssyncadd.s32 $0xFFFFD800  }
0x98: {  	_ =	swait.ge @p0 [sflag:s16], $0x2800  }
0x99: {  	s14 =	sor.u32 $0x380, s14;
	s22 =	simm.s32 @p0 $0x1B800;
	[sflag:s16] =	ssyncset.done @p0 $0x0  }
0x9a: {  	s17 =	simm.s32 @p0 $0x50;
	[sflag:s16] =	ssyncadd.s32 @p0 $0xFFFFD800;
	s16 =	sor.u32 @p0 $0x1E800, s14  }
0x9b: {  	[spmem:s3] =	stream.indirect.scatter.add.f32 @p0 [tilespmem:s22], [sflag:$0x8], $0x80, s16, s17, $0xb8;
	[tilespmem:$0x1F000] =	vst v63  }
0x9c: {  	s16 =	simm.s32 @p0 $0x6  }
0x9d: {  	_ =	swait.ge @p0 [sflag:s16], $0x2800  }
0x9e: {  	[sflag:s16] =	ssyncset.done @p0 $0x0  }
0x9f: {  	s17 =	simm.s32 @!p0 $0x14000;
	[sflag:s16] =	ssyncadd.s32 @p0 $0xFFFFD800;
	s16 =	simm.s32 @!p0 $0x50  }
0xa0: {  	[tilespmem:s17], [sflag:$0x1] =	stream.indirect.gather @!p0 [hbm4b:s1+s16], $0x80, s15, s16, $0xb8;
	[tilespmem:$0x1F000] =	vst v63  }
0xa1: {  	s15 =	simm.s32 @!p0 $0x4  }
0xa2: {  	_ =	swait.ge @!p0 [sflag:s15], $0x2800  }
0xa3: {  	[sflag:s15] =	ssyncset.done @!p0 $0x0  }
0xa4: {  	s14 =	sor.u32 @!p0 $0x1E800, s14;
	[sflag:s15] =	ssyncadd.s32 @!p0 $0xFFFFD800;
	s15 =	simm.s32 @!p0 $0x1B800  }
0xa5: {  	[spmem:s3] =	stream.indirect.scatter.add.f32 @!p0 [tilespmem:s15], [sflag:$0x8], $0x80, s14, s16, $0xb8;
	[tilespmem:$0x1F000] =	vst v63  }
0xa6: {  	s14 =	simm.s32 @!p0 $0x6  }
0xa7: {  	_ =	swait.ge @!p0 [sflag:s14], $0x2800  }
0xa8: {  	s9 =	sadd.s32 $0x400, s9;
	s13 =	sor.u32 @!p0 $0x1E080, s13;
	[sflag:s14] =	ssyncset.done @!p0 $0x0  }
0xa9: {  	s22 =	rddreg [dreg:$0x4];
	[sflag:s14] =	ssyncadd.s32 @!p0 $0xFFFFD800;
	s14 =	simm.s32 @!p0 $0x16800  }
0xaa: {  	[tilespmem:s14], [sflag:$0x2] =	stream.indirect.gather @!p0 [hbm4b:s1+s16], $0x80, s13, s16, $0xb8;
	[tilespmem:$0x1F000] =	vst v63  }
0xab: {  	p0 =	sne.s32 s22, s9  }
.Ltmp1:
0xac: {  	_ = 	snop;
	(pc) =	sbr.rel @p0 .LBB2_4-.Ltmp1, $2  }
0xad: {  	_ =	sdelay $0x2  }
0xae: {  	s10 =	sadd.s32 $0x1, s10;
	s19 =	sadd.s32 $0x80, s19;
	s18 =	sadd.s32 $0x80, s18  }
0xaf: {  	_ =	swait.ge [sflag:s7], $0x2800  }
0xb0: {  	[sflag:s7] =	ssyncset.done $0x0  }
0xb1: {  	[sflag:s7] =	ssyncadd.s32 $0xFFFFD800  }
0xb2: {  	_ =	swait.ge [sflag:s8], $0x2800  }
0xb3: {  	[sflag:s8] =	ssyncset.done $0x0  }
0xb4: {  	s9 =	stileid.u32;
	[sflag:s8] =	ssyncadd.s32 $0xFFFFD800  }
0xb5: {  	s9 =	sshll.u32 s9, $0x6;
	[bflag:$0x0] =	sbarrier.arrive $0xFFFF  }
0xb6: {  	s10 =	sshrl.u32 s6, $0x3;
	s9 =	sor.u32 $0x1C09, s9;
	s13 =	rddreg [dreg:$0xe]  }
0xb7: {  	[hbm:s13], [sflag:s9] =	dma.local [spmem:s10], $0x2800  }
0xb8: {  	_ =	swait.ge [sflag:s21], $0x2800  }
0xb9: {  	s4 =	sadd.s32 $0x1, s4;
	s22 =	rddreg [dreg:$0xf]  }
0xba: {  	p0 =	sne.s32 s4, s22  }
.Ltmp2:
0xbb: {  	_ = 	snop;
	(pc) =	sbr.rel @p0 .LBB2_1-.Ltmp2, $3  }
0xbc: {  	_ =	sdelay $0x1  }
0xbd: {  	[sflag:s21] =	ssyncset.done $0x0  }
0xbe: {  	[sflag:s21] =	ssyncadd.s32 $0xFFFFD800  }
0xbf: {  	_ =	sfence.sel $0x180000  }
0xc0: {  	[bflag:$0x0] =	sbarrier.arrive $0xFFFF  }
0xc1: {  	_ =	strace $0x9000004A  }
0xc2: {  	s0 =	stileid.u32;
	[bflag:$0x2] =	sbarrier.arrive $0xFFFF  }
0xc3: {  	p0 =	sne.s32 s0, $0x0;
	s0 =	rddreg [dreg:$0x3]  }
0xc4: {  	s0 =	sadd.s32 @!p0 $0x100000, s0  }
0xc5: {  	[sflag:s0] =	ssyncadd.tile.s32 @!p0 $0x1;
	_ =	shalt  }
.Lfunc_end2:
_tile_overlayer_lowered:
.L_overlay_start_2:
0xc6: {  	(tag) =	ssettag $0x2  }
0xc7: {  	s0 =	rddreg [dreg:$0x0];
	s2 =	stileid.u32  }
0xc8: {  	s1 =	rddreg [dreg:$0x1];
	p0 =	sne.s32 s2, $0x0  }
0xc9: {  	s3 =	rddreg [dreg:$0x2];
	[bflag:$0x3] =	sbarrier.arrive $0xFFFF;
	s2 =	simm.s32 @!p0 $0x1C09  }
0xca: {  	[timem:s3], [sflag:s2] =	dma.local @!p0 [hbm:s0], s1  }
0xcb: {  	s0 =	simm.s32 @!p0 $0x9  }
0xcc: {  	_ =	swait.ge @!p0 [sflag:s0], s1  }
0xcd: {  	s1 =	ssub.s32 @!p0 $0x0, s1;
	[sflag:s0] =	ssyncset.done @!p0 $0x0  }
0xce: {  	[sflag:s0] =	ssyncadd.s32 @!p0 s1  }
0xcf: {  	[bflag:$0x3] =	sbarrier.arrive $0xFFFF  }
0xd0: {  	_ =	shalt  }

// kernel: kernel.14.cloned.1.call-start
scs
__scs_entry_jumppad:
0x0: {  	(pc) =	sbr.rel $0x88, $3  }
0x1: {  	(tag) =	ssettag $0x0;
	lr =	simm.s32 $0x1  }
0x2: {  	[smem:$0x3F9B] =	sst lr;
	_ =	strace $0xD0000000  }
0x3: {  	_ = 	snop  }
0x4: {  	_ = 	snop  }
0x5: {  	_ = 	snop  }
0x6: {  	_ = 	snop  }
0x7: {  	_ = 	snop  }
__scs_overlays_trampoline_lowered:
0x8: {  	[smem:$0x3FAA] =	sst s0  }
0x9: {  	[smem:$0x3FAB] =	sst s1  }
0xa: {  	[smem:$0x3FAC] =	sst s2  }
0xb: {  	[smem:$0x3FAD] =	sst s3  }
0xc: {  	[smem:$0x3FAE] =	sst s4  }
0xd: {  	[smem:$0x3FAF] =	sst s5  }
0xe: {  	[smem:$0x3FB0] =	sst s6  }
0xf: {  	[smem:$0x3FB1] =	sst s7  }
0x10: {  	[smem:$0x3FB2] =	sst s8  }
0x11: {  	[smem:$0x3FB3] =	sst s9;
	s0 =	simm.s32 @!p0 $0x0  }
0x12: {  	s1 =	sld [smem:$0x3F99];
	s0 =	simm.s32 @p0 $0x1  }
0x13: {  	[smem:$0x3FB4] =	sst s0;
	s0 =	simm.s32 @!p1 $0x0  }
0x14: {  	s2 =	sld [smem:$0x3F98];
	s0 =	simm.s32 @p1 $0x1  }
0x15: {  	[smem:$0x3FB5] =	sst s0;
	s0 =	simm.s32 @!p2 $0x0  }
0x16: {  	s3 =	sld [smem:$0x3FDB];
	s0 =	simm.s32 @p2 $0x1  }
0x17: {  	s4 =	simm.s32 $0x1BF5;
	[smem:$0x3FB7] =	sst s0  }
0x18: {  	s0 =	sld [smem:$0x3F9A];
	_ =	swait.ge [sflag:s4], $0x0  }
0x19: {  	s7 =	sld [smem:$0x3F9B]  }
0x1a: {  	s8 =	sadd.s32 $0xFFFFE003, lr  }
0x1b: {  	s9 =	sadd.s32 $0xFFFFFEF7, lr;
	s5 =	simm.s32 $0xFFFFFFFF;
	p2 =	slt.u32 s8, $0xFFFFF086  }
0x1c: {  	p1 =	slt.u32 s9, $0xF7A;
	s5 =	simm.s32 @!p2 $0x0  }
0x1d: {  	s5 =	simm.s32 @p1 $0x1;
	p0 =	seq.s32 s7, s2  }
0x1e: {  	s7 =	smul.u32 @!p0 $0xF7A, s2;
	p2 =	seq.s32 @!p0 s5, $0x0  }
0x1f: {  	s9 =	smul.u32 $0xF7A, s1;
	s8 =	simm.s32 @!p0 $0x1BF5;
	p2 =	por !p2, p0  }
0x20: {  	[sflag:s8] =	ssyncset.s32 @!p0 $0xFFFFF086;
	s6 =	sadd.s32 @!p0 s3, s7;
	s7 =	simm.s32 @!p0 $0x108  }
0x21: {  	s3 =	sadd.s32 s3, s9;
	s6 =	sadd.s32 @!p0 $0x88, s6;
	s7 =	simm.s32 @p2 $0x1082  }
0x22: {  	[simem:s7], [sflag:s8] =	dma.local @!p0 [hbm:s6], $0xF7A  }
0x23: {  	s9 =	sor.u32 $0xD0000000, s2;
	s6 =	simm.s32 $0x108;
	_ =	swait.ge @!p0 [sflag:s8], $0x0  }
0x24: {  	s3 =	sadd.s32 $0x88, s3;
	s6 =	simm.s32 @!p1 $0x1082;
	[sflag:s4] =	ssyncset.s32 $0xFFFFF086  }
0x25: {  	[simem:s6], [sflag:s4] =	dma.local [hbm:s3], $0xF7A  }
0x26: {  	[smem:$0x3F9B] =	sst s1;
	(tag) =	ssettag s2;
	_ =	strace s9  }
0x27: {  	s1 =	sld [smem:$0x3FAB]  }
0x28: {  	s2 =	sld [smem:$0x3FAC]  }
0x29: {  	s4 =	sld [smem:$0x3FAE]  }
0x2a: {  	p0 =	seq.s32 s5, $0x0;
	s5 =	sld [smem:$0x3FAF]  }
0x2b: {  	s6 =	sld [smem:$0x3FB0]  }
0x2c: {  	s7 =	sld [smem:$0x3FB1]  }
0x2d: {  	s3 =	simm.s32 $0x108;
	s8 =	sld [smem:$0x3FB2]  }
0x2e: {  	s3 =	simm.s32 @!p0 $0x1082;
	s9 =	sld [smem:$0x3FB3]  }
0x2f: {  	lr =	sadd.s32 s0, s3;
	s0 =	sld [smem:$0x3FAA]  }
0x30: {  	s3 =	sld [smem:$0x3FAD]  }
0x31: {  	[smem:$0x3FB6] =	sst s10  }
0x32: {  	s10 =	sld [smem:$0x3FB4];
	_ =	sdelay $0x3  }
0x33: {  	p0 =	seq.s32 s10, $0x1;
	s10 =	sld [smem:$0x3FB6];
	_ =	sdelay $0x3  }
0x34: {  	[smem:$0x3FB6] =	sst s10  }
0x35: {  	s10 =	sld [smem:$0x3FB5];
	_ =	sdelay $0x3  }
0x36: {  	p1 =	seq.s32 s10, $0x1;
	s10 =	sld [smem:$0x3FB6];
	_ =	sdelay $0x3  }
0x37: {  	[smem:$0x3FB6] =	sst s10  }
0x38: {  	s10 =	sld [smem:$0x3FB7]  }
0x39: {  	_ = 	snop;
	(pc) =	sbr.ind lr, $3  }
0x3a: {  	_ = 	snop  }
0x3b: {  	_ = 	snop  }
0x3c: {  	p2 =	seq.s32 s10, $0x1;
	s10 =	sld [smem:$0x3FB6]  }
0x3d: {  	_ =	shalt  }
0x3e: {  	_ =	shalt  }
0x3f: {  	_ =	shalt  }
0x40: {  	_ =	shalt  }
0x41: {  	_ =	shalt  }
0x42: {  	_ =	shalt  }
0x43: {  	_ =	shalt  }
0x44: {  	_ =	shalt  }
0x45: {  	_ =	shalt  }
0x46: {  	_ =	shalt  }
0x47: {  	_ =	shalt  }
0x48: {  	_ =	shalt  }
0x49: {  	_ =	shalt  }
0x4a: {  	_ =	shalt  }
0x4b: {  	_ =	shalt  }
0x4c: {  	_ =	shalt  }
0x4d: {  	_ =	shalt  }
0x4e: {  	_ =	shalt  }
0x4f: {  	_ =	shalt  }
0x50: {  	_ =	shalt  }
0x51: {  	_ =	shalt  }
0x52: {  	_ =	shalt  }
0x53: {  	_ =	shalt  }
0x54: {  	_ =	shalt  }
0x55: {  	_ =	shalt  }
0x56: {  	_ =	shalt  }
0x57: {  	_ =	shalt  }
0x58: {  	_ =	shalt  }
0x59: {  	_ =	shalt  }
0x5a: {  	_ =	shalt  }
0x5b: {  	_ =	shalt  }
0x5c: {  	_ =	shalt  }
0x5d: {  	_ =	shalt  }
0x5e: {  	_ =	shalt  }
0x5f: {  	_ =	shalt  }
0x60: {  	_ =	shalt  }
0x61: {  	_ =	shalt  }
0x62: {  	_ =	shalt  }
0x63: {  	_ =	shalt  }
0x64: {  	_ =	shalt  }
0x65: {  	_ =	shalt  }
0x66: {  	_ =	shalt  }
0x67: {  	_ =	shalt  }
0x68: {  	_ =	shalt  }
0x69: {  	_ =	shalt  }
0x6a: {  	_ =	shalt  }
0x6b: {  	_ =	shalt  }
0x6c: {  	_ =	shalt  }
0x6d: {  	_ =	shalt  }
0x6e: {  	_ =	shalt  }
0x6f: {  	_ =	shalt  }
0x70: {  	_ =	shalt  }
0x71: {  	_ =	shalt  }
0x72: {  	_ =	shalt  }
0x73: {  	_ =	shalt  }
0x74: {  	_ =	shalt  }
0x75: {  	_ =	shalt  }
0x76: {  	_ =	shalt  }
0x77: {  	_ =	shalt  }
0x78: {  	_ =	shalt  }
0x79: {  	_ =	shalt  }
0x7a: {  	_ =	shalt  }
0x7b: {  	_ =	shalt  }
0x7c: {  	_ =	shalt  }
0x7d: {  	_ =	shalt  }
0x7e: {  	_ =	shalt  }
0x7f: {  	_ =	shalt  }
0x80: {  	_ =	shalt  }
0x81: {  	_ =	shalt  }
0x82: {  	_ =	shalt  }
0x83: {  	_ =	shalt  }
0x84: {  	_ =	shalt  }
0x85: {  	_ =	shalt  }
0x86: {  	_ =	shalt  }
0x87: {  	_ =	shalt  }
.Lfunc_end0:
.L_simem_size_0:
called_computation.2_lowered:
.L_overlay_start_0:
0x88: {  	s2 =	sld [smem:$0x3FD9]  }
0x89: {  	s3 =	sld [smem:$0x3FFE];
	_ =	sdelay $0x1  }
0x8a: {  	s1 =	srdreg.scid  }
0x8b: {  	s0 =	sand.u32 $0x1, s1  }
0x8c: {  	s17 =	sshll.u32 s0, $0xA;
	s2 =	sadd.s32 s3, s2  }
0x8d: {  	s2 =	sadd.s32 s2, s17  }
0x8e: {  	[smem:$0x3FC2] =	sst s2  }
0x8f: {  	_ = 	snop  }
0x90: {  	s2 =	sld [smem:$0x3FD0];
	(tm) =	ssettm $0x1  }
0x91: {  	s18 =	sld [smem:$0x3FFB];
	_ =	sdelay $0x3  }
0x92: {  	_ =	strace s18  }
0x93: {  	s3 =	sld [smem:$0x3FFC];
	_ =	sdelay $0x3  }
0x94: {  	_ =	strace s3  }
0x95: {  	s3 =	sld [smem:$0x3FFD];
	_ =	sdelay $0x3  }
0x96: {  	_ =	strace s3  }
0x97: {  	_ =	strace $0x8FFFFFFF  }
0x98: {  	s19 =	sld [smem:$0x3FDB];
	_ =	sdelay $0x1  }
0x99: {  	s4 =	simm.s32 $_scs_section_size  }
0x9a: {  	s5 =	simm.s32 $_size__tile_overlayer_lowered;
	s6 =	simm.s32 $_tile_overlayer_lowered  }
0x9b: {  	s22 =	simm.s32 $0x1BFF;
	s21 =	sshll.u32 s6, $0x1;
	s3 =	sadd.s32 s4, s19  }
0x9c: {  	s7 =	simm.s32 $0x0;
	s20 =	sshll.u32 s5, $0x1;
	s5 =	sadd.s32 s21, s3  }
0x9d: {  	[timem:s7], [sflag:s22] =	dma.local [hbm:s5], s20  }
0x9e: {  	_ =	swait.ge [sflag:s22], s20  }
0x9f: {  	s4 =	ssub.s32 $0x0, s20;
	[sflag:s22] =	ssyncset.done $0x0  }
0xa0: {  	[sflag:s22] =	ssyncadd.s32 s4;
	_ =	sdelay $0x1  }
0xa1: {  	s23 =	simm.s32 $0x1B8B  }
0xa2: {  	_ =	swait.ge [sflag:s23], $0x1  }
0xa3: {  	[sflag:s23] =	ssyncset.done $0x0  }
0xa4: {  	s25 =	simm.s32 $0x1B8E;
	s24 =	sld [smem:$0x3FFE];
	[sflag:s23] =	ssyncadd.s32 $0xFFFFFFFF  }
0xa5: {  	s26 =	simm.s32 $execute0_lowered;
	[smem:$0x3FD2] =	sst s25  }
0xa6: {  	s5 =	sshll.u32 s26, $0x1;
	_ =	strace $0x8000004C;
	[dreg:$0x1] =	wrdreg $0xFFFFFFFF  }
0xa7: {  	s28 =	simm.s32 $_size_execute0_lowered;
	s3 =	sadd.s32 s3, s5;
	[dreg:$0x0] =	wrdreg $0x0  }
0xa8: {  	s5 =	sshll.u32 s28, $0x1;
	[dreg:$0x2] =	wrdreg s3  }
0xa9: {  	[dreg:$0x3] =	wrdreg s5  }
0xaa: {  	[dreg:$0x4] =	wrdreg $0xC0  }
0xab: {  	_ =	task [dreg:s7], $0x5FFFF  }
0xac: {  	[dreg:$0x1] =	wrdreg $0xFFFFFFFF  }
0xad: {  	[dreg:$0x0] =	wrdreg $0x60  }
0xae: {  	[dreg:$0x2] =	wrdreg s2  }
0xaf: {  	[dreg:$0x3] =	wrdreg s24  }
0xb0: {  	[dreg:$0x4] =	wrdreg $0x0  }
0xb1: {  	[dreg:$0x5] =	wrdreg $0x9  }
0xb2: {  	_ =	task.clear_ibuf [dreg:s7], $0x6FFFF;
	_ =	strace $0x9000004C  }
0xb3: {  	s29 =	simm.s32 $0x9;
	_ =	strace $0x8000004E  }
0xb4: {  	_ =	swait.ge [sflag:s29], $0x1  }
0xb5: {  	[sflag:s29] =	ssyncadd.s32 $0xFFFFFFFF  }
0xb6: {  	_ =	strace $0x9000004E  }
0xb7: {  	_ =	sfence  }
0xb8: {  	s30 =	sld [smem:$0x0];
	_ =	sdelay $0x2  }
0xb9: {  	s31 =	sshll.u32 s1, $0xD;
	s1 =	sshrl.u32 s1, $0x2  }
0xba: {  	s3 =	sand.u32 $0x4000, s31;
	s1 =	sadd.s32 s1, s30  }
0xbb: {  	s0 =	sor.u32 s3, s0;
	s1 =	sshll.u32 s1, $0x11  }
0xbc: {  	s0 =	sor.u32 s1, s0  }
0xbd: {  	s0 =	sadd.s32 $0x8F2B, s0  }
0xbe: {  	[sflag:s0] =	ssyncadd.remote.s32 $0x1  }
0xbf: {  	_ =	sfence.sel $0xFFFF  }
0xc0: {  	[dreg:$0x0] =	wrdreg $0xFFFFFFFF;
	(pc) =	sbr.abs _section_cstart, $3  }
0xc1: {  	[dreg:$0x1] =	wrdreg $0xFFFFFFFF  }
0xc2: {  	_ =	task.clear_ibuf [dreg:s7], $0x2FFFF;
	_ =	strace $0x9FFFFFFF  }
0xc3: {  	(tm) =	ssettm $0x7FFFFFFF  }
tec
execute0_lowered:
.L_overlay_start_1:
0x0: {  	(tag) =	ssettag $0x1  }
0x1: {  	s1 =	rddreg [dreg:$0x0]  }
0x2: {  	s0 =	rddreg [dreg:$0x1]  }
0x3: {  	s3 =	rddreg [dreg:$0x2]  }
0x4: {  	s2 =	srdreg.scid;
	s9 =	stileid.u32;
	s4 =	simm.s32 $0x0  }
0x5: {  	s28 =	simm.s32 $0x1;
	s29 =	simm.s32 $0x19000;
	s5 =	smul.u32 $0xF0, s9  }
0x6: {  	s30 =	simm.s32 $0x2;
	s31 =	simm.s32 $0x1B800;
	s8 =	smul.u32 $0x14000, s9  }
0x7: {  	s2 =	sand.u32 $0x1, s2;
	[smem:$0x7FF] =	sst s4;
	s10 =	smul.u32 $0x50000, s9  }
0x8: {  	s6 =	sshll.u32 s9, $0x4;
	s7 =	smul.u32 $0x140000, s2;
	p0 =	seq.s32 s2, $0x0  }
0x9: {  	s6 =	sor.u32 $0xF00, s6;
	_ =	strace $0x8000004D;
	s2 =	ssub.s32 $0x2, s2  }
0xa: {  	s6 =	smov.u32 @p0 s5;
	s14 =	sshrl.u32 s2, $0x1;
	s15 =	sshrl.u32 s10, $0x2  }
0xb: {  	s5 =	sshll.u32 s6, $0x4;
	s8 =	sadd.s32 s8, s7;
	s6 =	sadd.s32 s15, s3  }
0xc: {  	s2 =	ssub.s32 s2, s14;
	s7 =	simm.s32 $0x7;
	s16 =	sadd.s32 $0x2800, s6  }
0xd: {  	s11 =	sadd.s32 s5, s0;
	s17 =	sadd.s32 $0x5000, s6;
	[dreg:$0x5] =	wrdreg s16  }
0xe: {  	s13 =	sshrl.u32 s8, $0x3;
	s18 =	sadd.s32 $0x7800, s6;
	[dreg:$0x6] =	wrdreg s17  }
0xf: {  	s5 =	simm.s32 $0x1E;
	s19 =	sadd.s32 $0xA000, s6;
	[dreg:$0x7] =	wrdreg s18  }
0x10: {  	s20 =	sadd.s32 $0xC800, s6;
	s21 =	sadd.s32 $0xF000, s6;
	[dreg:$0x8] =	wrdreg s19  }
0x11: {  	s22 =	sadd.s32 $0x11800, s6;
	s25 =	smax.u32 s2, $0x1;
	[dreg:$0x9] =	wrdreg s20  }
0x12: {  	s2 =	simm.s32 $0x5;
	s8 =	simm.s32 $0x8;
	[dreg:$0xa] =	wrdreg s21  }
0x13: {  	s0 =	sadd.s32 s13, s0;
	s5 =	simm.s32 @!p0 $0x2;
	[dreg:$0xb] =	wrdreg s22  }
0x14: {  	s23 =	sadd.s32 $0x3200, s11;
	s24 =	sadd.s32 $0x13200, s11;
	[dreg:$0xf] =	wrdreg s25  }
0x15: {  	s12 =	sadd.s32 $0x13280, s11;
	s11 =	sadd.s32 $0x3280, s11;
	s20 =	simm.s32 $0x14000  }
0x16: {  	s21 =	simm.s32 $0x9;
	s25 =	simm.s32 $0x6;
	[dreg:$0xc] =	wrdreg s23  }
0x17: {  	[dreg:$0xd] =	wrdreg s24;
	s0 =	sadd.s32 $0x23200, s0;
	s26 =	sshll.u32 s5, $0xA  }
0x18: {  	s24 =	simm.s32 $0x50;
	s23 =	simm.s32 $0x4;
	[dreg:$0xe] =	wrdreg s0  }
0x19: {  	v0 =	vimm.f32 $0.0e+00;
	[dreg:$0x4] =	wrdreg s26;
	s26 =	simm.s32 $0x16800;
	s0 =	simm.s32 $0x3  }
.LBB2_1:
0x1a: {  	s9 =	simm.s32 $0x0;
	s10 =	simm.s32 $0x200  }
.LBB2_2:
0x1b: {  	p0 =	sne.s32 s10, $0x9E00;
	[tilespmem:s9+$0x14070] =	vst v0  }
0x1c: {  	[tilespmem:s9+$0x14000] =	vst v0  }
0x1d: {  	[tilespmem:s9+$0x14010] =	vst v0  }
.Ltmp0:
0x1e: {  	[tilespmem:s9+$0x14020] =	vst v0;
	(pc) =	sbr.rel @p0 .LBB2_2-.Ltmp0, $4  }
0x1f: {  	[tilespmem:s9+$0x14030] =	vst v0  }
0x20: {  	[tilespmem:s9+$0x14040] =	vst v0  }
0x21: {  	[tilespmem:s9+$0x14050] =	vst v0  }
0x22: {  	[tilespmem:s9+$0x14060] =	vst v0;
	s9 =	sshra.s32 s10, $0x2;
	s10 =	sadd.s32 $0x200, s10  }
0x23: {  	[tilespmem:s9+$0x14070] =	vst v0  }
0x24: {  	[tilespmem:s9+$0x14000] =	vst v0  }
0x25: {  	[tilespmem:s9+$0x14010] =	vst v0  }
0x26: {  	[tilespmem:s9+$0x14020] =	vst v0  }
0x27: {  	[tilespmem:s9+$0x14030] =	vst v0  }
0x28: {  	[tilespmem:s9+$0x14040] =	vst v0  }
0x29: {  	[tilespmem:s9+$0x14050] =	vst v0  }
0x2a: {  	[tilespmem:s9+$0x14060] =	vst v0  }
0x2b: {  	[spmem:s6] =	stream.linear.scatter [tilespmem:s20], [sflag:$0x9], $0x2800, $0x38;
	[tilespmem:$0x1F000] =	vst v63  }
0x2c: {  	_ =	swait.ge [sflag:s21], $0x2800  }
0x2d: {  	[sflag:s21] =	ssyncset.done $0x0  }
0x2e: {  	s10 =	rddreg [dreg:$0x5];
	[sflag:s21] =	ssyncadd.s32 $0xFFFFD800  }
0x2f: {  	[spmem:s10] =	stream.linear.scatter [tilespmem:s20], [sflag:$0x9], $0x2800, $0x38;
	[tilespmem:$0x1F000] =	vst v63  }
0x30: {  	_ =	swait.ge [sflag:s21], $0x2800  }
0x31: {  	[sflag:s21] =	ssyncset.done $0x0  }
0x32: {  	s13 =	rddreg [dreg:$0x6];
	[sflag:s21] =	ssyncadd.s32 $0xFFFFD800  }
0x33: {  	[spmem:s13] =	stream.linear.scatter [tilespmem:s20], [sflag:$0x9], $0x2800, $0x38;
	[tilespmem:$0x1F000] =	vst v63  }
0x34: {  	_ =	swait.ge [sflag:s21], $0x2800  }
0x35: {  	[sflag:s21] =	ssyncset.done $0x0  }
0x36: {  	s14 =	rddreg [dreg:$0x7];
	[sflag:s21] =	ssyncadd.s32 $0xFFFFD800  }
0x37: {  	[spmem:s14] =	stream.linear.scatter [tilespmem:s20], [sflag:$0x9], $0x2800, $0x38;
	[tilespmem:$0x1F000] =	vst v63  }
0x38: {  	_ =	swait.ge [sflag:s21], $0x2800  }
0x39: {  	[sflag:s21] =	ssyncset.done $0x0  }
0x3a: {  	s15 =	rddreg [dreg:$0x8];
	[sflag:s21] =	ssyncadd.s32 $0xFFFFD800  }
0x3b: {  	[spmem:s15] =	stream.linear.scatter [tilespmem:s20], [sflag:$0x9], $0x2800, $0x38;
	[tilespmem:$0x1F000] =	vst v63  }
0x3c: {  	_ =	swait.ge [sflag:s21], $0x2800  }
0x3d: {  	[sflag:s21] =	ssyncset.done $0x0  }
0x3e: {  	s16 =	rddreg [dreg:$0x9];
	[sflag:s21] =	ssyncadd.s32 $0xFFFFD800  }
0x3f: {  	[spmem:s16] =	stream.linear.scatter [tilespmem:s20], [sflag:$0x9], $0x2800, $0x38;
	[tilespmem:$0x1F000] =	vst v63  }
0x40: {  	_ =	swait.ge [sflag:s21], $0x2800  }
0x41: {  	[sflag:s21] =	ssyncset.done $0x0  }
0x42: {  	s17 =	rddreg [dreg:$0xa];
	[sflag:s21] =	ssyncadd.s32 $0xFFFFD800  }
0x43: {  	[spmem:s17] =	stream.linear.scatter [tilespmem:s20], [sflag:$0x9], $0x2800, $0x38;
	[tilespmem:$0x1F000] =	vst v63  }
0x44: {  	_ =	swait.ge [sflag:s21], $0x2800  }
0x45: {  	[sflag:s21] =	ssyncset.done $0x0  }
0x46: {  	s18 =	rddreg [dreg:$0xb];
	[sflag:s21] =	ssyncadd.s32 $0xFFFFD800  }
0x47: {  	[spmem:s18] =	stream.linear.scatter [tilespmem:s20], [sflag:$0x9], $0x2800, $0x38;
	[tilespmem:$0x1F000] =	vst v63  }
0x48: {  	_ =	swait.ge [sflag:s21], $0x2800  }
0x49: {  	[sflag:s21] =	ssyncset.done $0x0  }
0x4a: {  	[sflag:s21] =	ssyncadd.s32 $0xFFFFD800  }
0x4b: {  	[bflag:$0x0] =	sbarrier.arrive $0xFFFF  }
0x4c: {  	s9 =	simm.s32 $0x0;
	s13 =	simm.s32 $0x1E000;
	s10 =	rddreg [dreg:$0xc]  }
0x4d: {  	[tilespmem:s13], [sflag:$0x9] =	stream.linear.gather [hbm4b:s10+s9], $0x400, $0x38;
	[tilespmem:$0x1F000] =	vst v63  }
0x4e: {  	_ =	swait.ge [sflag:s21], $0x400  }
0x4f: {  	[sflag:s21] =	ssyncset.done $0x0  }
0x50: {  	s14 =	simm.s32 $0x1E800;
	s19 =	rddreg [dreg:$0xd];
	[sflag:s21] =	ssyncadd.s32 $0xFFFFFC00  }
0x51: {  	[tilespmem:s14], [sflag:$0x9] =	stream.linear.gather [hbm4b:s19+s9], $0x400, $0x38;
	[tilespmem:$0x1F000] =	vst v63  }
0x52: {  	_ =	swait.ge [sflag:s21], $0x400  }
0x53: {  	[sflag:s21] =	ssyncset.done $0x0  }
0x54: {  	s22 =	simm.s32 $0x1E080;
	[sflag:s21] =	ssyncadd.s32 $0xFFFFFC00  }
0x55: {  	[tilespmem:s20], [sflag:$0x1] =	stream.indirect.gather [hbm4b:s1+s24], $0x80, s13, s24, $0xb8;
	[tilespmem:$0x1F000] =	vst v63  }
0x56: {  	s18 =	smov.u32 s12;
	s10 =	simm.s32 $0x1;
	s19 =	smov.u32 s11  }
0x57: {  	[tilespmem:s26], [sflag:$0x2] =	stream.indirect.gather [hbm4b:s1+s24], $0x80, s22, s24, $0xb8;
	[tilespmem:$0x1F000] =	vst v63  }
.LBB2_4:
0x58: {  	_ =	swait.ge [sflag:s28], $0x2800  }
0x59: {  	s14 =	sand.u32 $0x400, s9;
	[sflag:s28] =	ssyncset.done $0x0  }
0x5a: {  	p1 =	seq.s32 s9, $0x0;
	s13 =	sor.u32 $0x1E800, s14;
	[sflag:s28] =	ssyncadd.s32 $0xFFFFD800  }
0x5b: {  	[spmem:s3] =	stream.indirect.scatter.add.f32 [tilespmem:s20], [sflag:$0x5], $0x80, s13, s24, $0xb8;
	[tilespmem:$0x1F000] =	vst v63  }
0x5c: {  	s13 =	simm.s32 @!p1 $0x7  }
0x5d: {  	_ =	swait.ge @!p1 [sflag:s13], $0x2800  }
0x5e: {  	[sflag:s13] =	ssyncset.done @!p1 $0x0  }
0x5f: {  	s16 =	sor.u32 $0x1E100, s14;
	[sflag:s13] =	ssyncadd.s32 @!p1 $0xFFFFD800  }
0x60: {  	[tilespmem:s29], [sflag:$0x3] =	stream.indirect.gather [hbm4b:s1+s24], $0x80, s16, s24, $0xb8;
	[tilespmem:$0x1F000] =	vst v63  }
0x61: {  	_ =	swait.ge [sflag:s30], $0x2800  }
0x62: {  	[sflag:s30] =	ssyncset.done $0x0  }
0x63: {  	s17 =	sadd.s32 $0x1E880, s14;
	s15 =	simm.s32 @!p1 $0x8;
	[sflag:s30] =	ssyncadd.s32 $0xFFFFD800  }
0x64: {  	[spmem:s3] =	stream.indirect.scatter.add.f32 [tilespmem:s26], [sflag:$0x6], $0x80, s17, s24, $0xb8;
	[tilespmem:$0x1F000] =	vst v63  }
0x65: {  	p0 =	sge.u32 s10, s5;
	s13 =	sand.u32 $0x1, s10;
	_ =	swait.ge @!p1 [sflag:s15], $0x2800  }
0x66: {  	s13 =	sshll.u32 @!p0 s13, $0xA;
	s16 =	simm.s32 @!p0 $0x0;
	[sflag:s15] =	ssyncset.done @!p1 $0x0  }
0x67: {  	s17 =	simm.s32 @!p0 $0x9;
	[sflag:s15] =	ssyncadd.s32 @!p1 $0xFFFFD800;
	s15 =	sor.u32 @!p0 $0x1E000, s13  }
0x68: {  	[tilespmem:s15], [sflag:$0x9] =	stream.linear.gather @!p0 [hbm4b:s19+s16], $0x400, $0x38;
	[tilespmem:$0x1F000] =	vst v63  }
0x69: {  	_ =	swait.ge @!p0 [sflag:s17], $0x400  }
0x6a: {  	[sflag:s17] =	ssyncset.done @!p0 $0x0  }
0x6b: {  	s22 =	sor.u32 @!p0 $0x1E800, s13;
	[sflag:s17] =	ssyncadd.s32 @!p0 $0xFFFFFC00  }
0x6c: {  	[tilespmem:s22], [sflag:$0x9] =	stream.linear.gather @!p0 [hbm4b:s18+s16], $0x400, $0x38;
	[tilespmem:$0x1F000] =	vst v63  }
0x6d: {  	_ =	swait.ge @!p0 [sflag:s17], $0x400  }
0x6e: {  	[sflag:s17] =	ssyncset.done @!p0 $0x0  }
0x6f: {  	s22 =	sor.u32 $0x1E180, s14;
	[sflag:s17] =	ssyncadd.s32 @!p0 $0xFFFFFC00  }
0x70: {  	[tilespmem:s31], [sflag:$0x4] =	stream.indirect.gather [hbm4b:s1+s24], $0x80, s22, s24, $0xb8;
	[tilespmem:$0x1F000] =	vst v63  }
0x71: {  	_ =	swait.ge [sflag:s0], $0x2800  }
0x72: {  	s17 =	sor.u32 $0x100, s14;
	[sflag:s0] =	ssyncset.done $0x0  }
0x73: {  	s16 =	sor.u32 $0x1E800, s17;
	[sflag:s0] =	ssyncadd.s32 $0xFFFFD800  }
0x74: {  	[spmem:s3] =	stream.indirect.scatter.add.f32 [tilespmem:s29], [sflag:$0x7], $0x80, s16, s24, $0xb8;
	[tilespmem:$0x1F000] =	vst v63  }
0x75: {  	_ =	swait.ge [sflag:s2], $0x2800  }
0x76: {  	[sflag:s2] =	ssyncset.done $0x0  }
0x77: {  	s22 =	sor.u32 $0x1E200, s14;
	[sflag:s2] =	ssyncadd.s32 $0xFFFFD800  }
0x78: {  	[tilespmem:s20], [sflag:$0x1] =	stream.indirect.gather [hbm4b:s1+s24], $0x80, s22, s24, $0xb8;
	[tilespmem:$0x1F000] =	vst v63  }
0x79: {  	_ =	swait.ge [sflag:s23], $0x2800  }
0x7a: {  	[sflag:s23] =	ssyncset.done $0x0  }
0x7b: {  	s17 =	sor.u32 $0x1E980, s14;
	[sflag:s23] =	ssyncadd.s32 $0xFFFFD800  }
0x7c: {  	[spmem:s3] =	stream.indirect.scatter.add.f32 [tilespmem:s31], [sflag:$0x8], $0x80, s17, s24, $0xb8;
	[tilespmem:$0x1F000] =	vst v63  }
0x7d: {  	_ =	swait.ge [sflag:s25], $0x2800  }
0x7e: {  	[sflag:s25] =	ssyncset.done $0x0  }
0x7f: {  	s22 =	sor.u32 $0x1E280, s14;
	[sflag:s25] =	ssyncadd.s32 $0xFFFFD800  }
0x80: {  	[tilespmem:s26], [sflag:$0x2] =	stream.indirect.gather [hbm4b:s1+s24], $0x80, s22, s24, $0xb8;
	[tilespmem:$0x1F000] =	vst v63  }
0x81: {  	_ =	swait.ge [sflag:s28], $0x2800  }
0x82: {  	[sflag:s28] =	ssyncset.done $0x0  }
0x83: {  	s17 =	sor.u32 $0x1EA00, s14;
	[sflag:s28] =	ssyncadd.s32 $0xFFFFD800  }
0x84: {  	[spmem:s3] =	stream.indirect.scatter.add.f32 [tilespmem:s20], [sflag:$0x5], $0x80, s17, s24, $0xb8;
	[tilespmem:$0x1F000] =	vst v63  }
0x85: {  	_ =	swait.ge [sflag:s7], $0x2800  }
0x86: {  	[sflag:s7] =	ssyncset.done $0x0  }
0x87: {  	s22 =	sor.u32 $0x1E300, s14;
	[sflag:s7] =	ssyncadd.s32 $0xFFFFD800  }
0x88: {  	[tilespmem:s29], [sflag:$0x3] =	stream.indirect.gather [hbm4b:s1+s24], $0x80, s22, s24, $0xb8;
	[tilespmem:$0x1F000] =	vst v63  }
0x89: {  	_ =	swait.ge [sflag:s30], $0x2800  }
0x8a: {  	[sflag:s30] =	ssyncset.done $0x0  }
0x8b: {  	s17 =	sor.u32 $0x1EA80, s14;
	[sflag:s30] =	ssyncadd.s32 $0xFFFFD800  }
0x8c: {  	[spmem:s3] =	stream.indirect.scatter.add.f32 [tilespmem:s26], [sflag:$0x6], $0x80, s17, s24, $0xb8;
	[tilespmem:$0x1F000] =	vst v63  }
0x8d: {  	_ =	swait.ge [sflag:s8], $0x2800  }
0x8e: {  	[sflag:s8] =	ssyncset.done $0x0  }
0x8f: {  	s22 =	sor.u32 $0x1E380, s14;
	[sflag:s8] =	ssyncadd.s32 $0xFFFFD800  }
0x90: {  	[tilespmem:s31], [sflag:$0x4] =	stream.indirect.gather [hbm4b:s1+s24], $0x80, s22, s24, $0xb8;
	[tilespmem:$0x1F000] =	vst v63  }
0x91: {  	_ =	swait.ge [sflag:s0], $0x2800  }
0x92: {  	[sflag:s0] =	ssyncset.done $0x0  }
0x93: {  	s17 =	sor.u32 $0x1EB00, s14;
	[sflag:s0] =	ssyncadd.s32 $0xFFFFD800  }
0x94: {  	[spmem:s3] =	stream.indirect.scatter.add.f32 [tilespmem:s29], [sflag:$0x7], $0x80, s17, s24, $0xb8;
	[tilespmem:$0x1F000] =	vst v63  }
0x95: {  	_ =	swait.ge [sflag:s2], $0x2800  }
0x96: {  	[sflag:s2] =	ssyncset.done $0x0  }
0x97: {  	s16 =	simm.s32 @p0 $0x4;
	[sflag:s2] =	ssyncadd.s32 $0xFFFFD800  }
0x98: {  	_ =	swait.ge @p0 [sflag:s16], $0x2800  }
0x99: {  	s14 =	sor.u32 $0x380, s14;
	s22 =	simm.s32 @p0 $0x1B800;
	[sflag:s16] =	ssyncset.done @p0 $0x0  }
0x9a: {  	s17 =	simm.s32 @p0 $0x50;
	[sflag:s16] =	ssyncadd.s32 @p0 $0xFFFFD800;
	s16 =	sor.u32 @p0 $0x1E800, s14  }
0x9b: {  	[spmem:s3] =	stream.indirect.scatter.add.f32 @p0 [tilespmem:s22], [sflag:$0x8], $0x80, s16, s17, $0xb8;
	[tilespmem:$0x1F000] =	vst v63  }
0x9c: {  	s16 =	simm.s32 @p0 $0x6  }
0x9d: {  	_ =	swait.ge @p0 [sflag:s16], $0x2800  }
0x9e: {  	[sflag:s16] =	ssyncset.done @p0 $0x0  }
0x9f: {  	s17 =	simm.s32 @!p0 $0x14000;
	[sflag:s16] =	ssyncadd.s32 @p0 $0xFFFFD800;
	s16 =	simm.s32 @!p0 $0x50  }
0xa0: {  	[tilespmem:s17], [sflag:$0x1] =	stream.indirect.gather @!p0 [hbm4b:s1+s16], $0x80, s15, s16, $0xb8;
	[tilespmem:$0x1F000] =	vst v63  }
0xa1: {  	s15 =	simm.s32 @!p0 $0x4  }
0xa2: {  	_ =	swait.ge @!p0 [sflag:s15], $0x2800  }
0xa3: {  	[sflag:s15] =	ssyncset.done @!p0 $0x0  }
0xa4: {  	s14 =	sor.u32 @!p0 $0x1E800, s14;
	[sflag:s15] =	ssyncadd.s32 @!p0 $0xFFFFD800;
	s15 =	simm.s32 @!p0 $0x1B800  }
0xa5: {  	[spmem:s3] =	stream.indirect.scatter.add.f32 @!p0 [tilespmem:s15], [sflag:$0x8], $0x80, s14, s16, $0xb8;
	[tilespmem:$0x1F000] =	vst v63  }
0xa6: {  	s14 =	simm.s32 @!p0 $0x6  }
0xa7: {  	_ =	swait.ge @!p0 [sflag:s14], $0x2800  }
0xa8: {  	s9 =	sadd.s32 $0x400, s9;
	s13 =	sor.u32 @!p0 $0x1E080, s13;
	[sflag:s14] =	ssyncset.done @!p0 $0x0  }
0xa9: {  	s22 =	rddreg [dreg:$0x4];
	[sflag:s14] =	ssyncadd.s32 @!p0 $0xFFFFD800;
	s14 =	simm.s32 @!p0 $0x16800  }
0xaa: {  	[tilespmem:s14], [sflag:$0x2] =	stream.indirect.gather @!p0 [hbm4b:s1+s16], $0x80, s13, s16, $0xb8;
	[tilespmem:$0x1F000] =	vst v63  }
0xab: {  	p0 =	sne.s32 s22, s9  }
.Ltmp1:
0xac: {  	_ = 	snop;
	(pc) =	sbr.rel @p0 .LBB2_4-.Ltmp1, $2  }
0xad: {  	_ =	sdelay $0x2  }
0xae: {  	s10 =	sadd.s32 $0x1, s10;
	s19 =	sadd.s32 $0x80, s19;
	s18 =	sadd.s32 $0x80, s18  }
0xaf: {  	_ =	swait.ge [sflag:s7], $0x2800  }
0xb0: {  	[sflag:s7] =	ssyncset.done $0x0  }
0xb1: {  	[sflag:s7] =	ssyncadd.s32 $0xFFFFD800  }
0xb2: {  	_ =	swait.ge [sflag:s8], $0x2800  }
0xb3: {  	[sflag:s8] =	ssyncset.done $0x0  }
0xb4: {  	s9 =	stileid.u32;
	[sflag:s8] =	ssyncadd.s32 $0xFFFFD800  }
0xb5: {  	s9 =	sshll.u32 s9, $0x6;
	[bflag:$0x0] =	sbarrier.arrive $0xFFFF  }
0xb6: {  	s10 =	sshrl.u32 s6, $0x3;
	s9 =	sor.u32 $0x1C09, s9;
	s13 =	rddreg [dreg:$0xe]  }
0xb7: {  	[hbm:s13], [sflag:s9] =	dma.local [spmem:s10], $0x2800  }
0xb8: {  	_ =	swait.ge [sflag:s21], $0x2800  }
0xb9: {  	s4 =	sadd.s32 $0x1, s4;
	s22 =	rddreg [dreg:$0xf]  }
0xba: {  	p0 =	sne.s32 s4, s22  }
.Ltmp2:
0xbb: {  	_ = 	snop;
	(pc) =	sbr.rel @p0 .LBB2_1-.Ltmp2, $3  }
0xbc: {  	_ =	sdelay $0x1  }
0xbd: {  	[sflag:s21] =	ssyncset.done $0x0  }
0xbe: {  	[sflag:s21] =	ssyncadd.s32 $0xFFFFD800  }
0xbf: {  	_ =	sfence.sel $0x180000  }
0xc0: {  	[bflag:$0x0] =	sbarrier.arrive $0xFFFF  }
0xc1: {  	_ =	strace $0x9000004D  }
0xc2: {  	s0 =	stileid.u32;
	[bflag:$0x2] =	sbarrier.arrive $0xFFFF  }
0xc3: {  	p0 =	sne.s32 s0, $0x0;
	s0 =	rddreg [dreg:$0x3]  }
0xc4: {  	s0 =	sadd.s32 @!p0 $0x100000, s0  }
0xc5: {  	[sflag:s0] =	ssyncadd.tile.s32 @!p0 $0x1;
	_ =	shalt  }
.Lfunc_end2:
_tile_overlayer_lowered:
.L_overlay_start_2:
0xc6: {  	(tag) =	ssettag $0x2  }
0xc7: {  	s0 =	rddreg [dreg:$0x0];
	s2 =	stileid.u32  }
0xc8: {  	s1 =	rddreg [dreg:$0x1];
	p0 =	sne.s32 s2, $0x0  }
0xc9: {  	s3 =	rddreg [dreg:$0x2];
	[bflag:$0x3] =	sbarrier.arrive $0xFFFF;
	s2 =	simm.s32 @!p0 $0x1C09  }
0xca: {  	[timem:s3], [sflag:s2] =	dma.local @!p0 [hbm:s0], s1  }
0xcb: {  	s0 =	simm.s32 @!p0 $0x9  }
0xcc: {  	_ =	swait.ge @!p0 [sflag:s0], s1  }
0xcd: {  	s1 =	ssub.s32 @!p0 $0x0, s1;
	[sflag:s0] =	ssyncset.done @!p0 $0x0  }
0xce: {  	[sflag:s0] =	ssyncadd.s32 @!p0 s1  }
0xcf: {  	[bflag:$0x3] =	sbarrier.arrive $0xFFFF  }
0xd0: {  	_ =	shalt  }

// kernel: kernel.8.cloned.1.call-start
scs
__scs_entry_jumppad:
0x0: {  	(pc) =	sbr.rel $0x88, $3  }
0x1: {  	(tag) =	ssettag $0x0;
	lr =	simm.s32 $0x1  }
0x2: {  	[smem:$0x3F9B] =	sst lr;
	_ =	strace $0xD0000000  }
0x3: {  	_ = 	snop  }
0x4: {  	_ = 	snop  }
0x5: {  	_ = 	snop  }
0x6: {  	_ = 	snop  }
0x7: {  	_ = 	snop  }
__scs_overlays_trampoline_lowered:
0x8: {  	[smem:$0x3FAA] =	sst s0  }
0x9: {  	[smem:$0x3FAB] =	sst s1  }
0xa: {  	[smem:$0x3FAC] =	sst s2  }
0xb: {  	[smem:$0x3FAD] =	sst s3  }
0xc: {  	[smem:$0x3FAE] =	sst s4  }
0xd: {  	[smem:$0x3FAF] =	sst s5  }
0xe: {  	[smem:$0x3FB0] =	sst s6  }
0xf: {  	[smem:$0x3FB1] =	sst s7  }
0x10: {  	[smem:$0x3FB2] =	sst s8  }
0x11: {  	[smem:$0x3FB3] =	sst s9;
	s0 =	simm.s32 @!p0 $0x0  }
0x12: {  	s1 =	sld [smem:$0x3F99];
	s0 =	simm.s32 @p0 $0x1  }
0x13: {  	[smem:$0x3FB4] =	sst s0;
	s0 =	simm.s32 @!p1 $0x0  }
0x14: {  	s2 =	sld [smem:$0x3F98];
	s0 =	simm.s32 @p1 $0x1  }
0x15: {  	[smem:$0x3FB5] =	sst s0;
	s0 =	simm.s32 @!p2 $0x0  }
0x16: {  	s3 =	sld [smem:$0x3FDB];
	s0 =	simm.s32 @p2 $0x1  }
0x17: {  	s4 =	simm.s32 $0x1BF5;
	[smem:$0x3FB7] =	sst s0  }
0x18: {  	s0 =	sld [smem:$0x3F9A];
	_ =	swait.ge [sflag:s4], $0x0  }
0x19: {  	s7 =	sld [smem:$0x3F9B]  }
0x1a: {  	s8 =	sadd.s32 $0xFFFFE003, lr  }
0x1b: {  	s9 =	sadd.s32 $0xFFFFFEF7, lr;
	s5 =	simm.s32 $0xFFFFFFFF;
	p2 =	slt.u32 s8, $0xFFFFF086  }
0x1c: {  	p1 =	slt.u32 s9, $0xF7A;
	s5 =	simm.s32 @!p2 $0x0  }
0x1d: {  	s5 =	simm.s32 @p1 $0x1;
	p0 =	seq.s32 s7, s2  }
0x1e: {  	s7 =	smul.u32 @!p0 $0xF7A, s2;
	p2 =	seq.s32 @!p0 s5, $0x0  }
0x1f: {  	s9 =	smul.u32 $0xF7A, s1;
	s8 =	simm.s32 @!p0 $0x1BF5;
	p2 =	por !p2, p0  }
0x20: {  	[sflag:s8] =	ssyncset.s32 @!p0 $0xFFFFF086;
	s6 =	sadd.s32 @!p0 s3, s7;
	s7 =	simm.s32 @!p0 $0x108  }
0x21: {  	s3 =	sadd.s32 s3, s9;
	s6 =	sadd.s32 @!p0 $0x88, s6;
	s7 =	simm.s32 @p2 $0x1082  }
0x22: {  	[simem:s7], [sflag:s8] =	dma.local @!p0 [hbm:s6], $0xF7A  }
0x23: {  	s9 =	sor.u32 $0xD0000000, s2;
	s6 =	simm.s32 $0x108;
	_ =	swait.ge @!p0 [sflag:s8], $0x0  }
0x24: {  	s3 =	sadd.s32 $0x88, s3;
	s6 =	simm.s32 @!p1 $0x1082;
	[sflag:s4] =	ssyncset.s32 $0xFFFFF086  }
0x25: {  	[simem:s6], [sflag:s4] =	dma.local [hbm:s3], $0xF7A  }
0x26: {  	[smem:$0x3F9B] =	sst s1;
	(tag) =	ssettag s2;
	_ =	strace s9  }
0x27: {  	s1 =	sld [smem:$0x3FAB]  }
0x28: {  	s2 =	sld [smem:$0x3FAC]  }
0x29: {  	s4 =	sld [smem:$0x3FAE]  }
0x2a: {  	p0 =	seq.s32 s5, $0x0;
	s5 =	sld [smem:$0x3FAF]  }
0x2b: {  	s6 =	sld [smem:$0x3FB0]  }
0x2c: {  	s7 =	sld [smem:$0x3FB1]  }
0x2d: {  	s3 =	simm.s32 $0x108;
	s8 =	sld [smem:$0x3FB2]  }
0x2e: {  	s3 =	simm.s32 @!p0 $0x1082;
	s9 =	sld [smem:$0x3FB3]  }
0x2f: {  	lr =	sadd.s32 s0, s3;
	s0 =	sld [smem:$0x3FAA]  }
0x30: {  	s3 =	sld [smem:$0x3FAD]  }
0x31: {  	[smem:$0x3FB6] =	sst s10  }
0x32: {  	s10 =	sld [smem:$0x3FB4];
	_ =	sdelay $0x3  }
0x33: {  	p0 =	seq.s32 s10, $0x1;
	s10 =	sld [smem:$0x3FB6];
	_ =	sdelay $0x3  }
0x34: {  	[smem:$0x3FB6] =	sst s10  }
0x35: {  	s10 =	sld [smem:$0x3FB5];
	_ =	sdelay $0x3  }
0x36: {  	p1 =	seq.s32 s10, $0x1;
	s10 =	sld [smem:$0x3FB6];
	_ =	sdelay $0x3  }
0x37: {  	[smem:$0x3FB6] =	sst s10  }
0x38: {  	s10 =	sld [smem:$0x3FB7]  }
0x39: {  	_ = 	snop;
	(pc) =	sbr.ind lr, $3  }
0x3a: {  	_ = 	snop  }
0x3b: {  	_ = 	snop  }
0x3c: {  	p2 =	seq.s32 s10, $0x1;
	s10 =	sld [smem:$0x3FB6]  }
0x3d: {  	_ =	shalt  }
0x3e: {  	_ =	shalt  }
0x3f: {  	_ =	shalt  }
0x40: {  	_ =	shalt  }
0x41: {  	_ =	shalt  }
0x42: {  	_ =	shalt  }
0x43: {  	_ =	shalt  }
0x44: {  	_ =	shalt  }
0x45: {  	_ =	shalt  }
0x46: {  	_ =	shalt  }
0x47: {  	_ =	shalt  }
0x48: {  	_ =	shalt  }
0x49: {  	_ =	shalt  }
0x4a: {  	_ =	shalt  }
0x4b: {  	_ =	shalt  }
0x4c: {  	_ =	shalt  }
0x4d: {  	_ =	shalt  }
0x4e: {  	_ =	shalt  }
0x4f: {  	_ =	shalt  }
0x50: {  	_ =	shalt  }
0x51: {  	_ =	shalt  }
0x52: {  	_ =	shalt  }
0x53: {  	_ =	shalt  }
0x54: {  	_ =	shalt  }
0x55: {  	_ =	shalt  }
0x56: {  	_ =	shalt  }
0x57: {  	_ =	shalt  }
0x58: {  	_ =	shalt  }
0x59: {  	_ =	shalt  }
0x5a: {  	_ =	shalt  }
0x5b: {  	_ =	shalt  }
0x5c: {  	_ =	shalt  }
0x5d: {  	_ =	shalt  }
0x5e: {  	_ =	shalt  }
0x5f: {  	_ =	shalt  }
0x60: {  	_ =	shalt  }
0x61: {  	_ =	shalt  }
0x62: {  	_ =	shalt  }
0x63: {  	_ =	shalt  }
0x64: {  	_ =	shalt  }
0x65: {  	_ =	shalt  }
0x66: {  	_ =	shalt  }
0x67: {  	_ =	shalt  }
0x68: {  	_ =	shalt  }
0x69: {  	_ =	shalt  }
0x6a: {  	_ =	shalt  }
0x6b: {  	_ =	shalt  }
0x6c: {  	_ =	shalt  }
0x6d: {  	_ =	shalt  }
0x6e: {  	_ =	shalt  }
0x6f: {  	_ =	shalt  }
0x70: {  	_ =	shalt  }
0x71: {  	_ =	shalt  }
0x72: {  	_ =	shalt  }
0x73: {  	_ =	shalt  }
0x74: {  	_ =	shalt  }
0x75: {  	_ =	shalt  }
0x76: {  	_ =	shalt  }
0x77: {  	_ =	shalt  }
0x78: {  	_ =	shalt  }
0x79: {  	_ =	shalt  }
0x7a: {  	_ =	shalt  }
0x7b: {  	_ =	shalt  }
0x7c: {  	_ =	shalt  }
0x7d: {  	_ =	shalt  }
0x7e: {  	_ =	shalt  }
0x7f: {  	_ =	shalt  }
0x80: {  	_ =	shalt  }
0x81: {  	_ =	shalt  }
0x82: {  	_ =	shalt  }
0x83: {  	_ =	shalt  }
0x84: {  	_ =	shalt  }
0x85: {  	_ =	shalt  }
0x86: {  	_ =	shalt  }
0x87: {  	_ =	shalt  }
.Lfunc_end0:
.L_simem_size_0:
called_computation_lowered:
.L_overlay_start_0:
0x88: {  	s2 =	sld [smem:$0x3FD9]  }
0x89: {  	s3 =	sld [smem:$0x3FFE];
	_ =	sdelay $0x1  }
0x8a: {  	s1 =	srdreg.scid  }
0x8b: {  	s0 =	sand.u32 $0x1, s1  }
0x8c: {  	s17 =	sshll.u32 s0, $0xA;
	s2 =	sadd.s32 s3, s2  }
0x8d: {  	s2 =	sadd.s32 s2, s17  }
0x8e: {  	[smem:$0x3FC2] =	sst s2  }
0x8f: {  	_ = 	snop  }
0x90: {  	s2 =	sld [smem:$0x3FD0];
	(tm) =	ssettm $0x1  }
0x91: {  	s18 =	sld [smem:$0x3FFB];
	_ =	sdelay $0x3  }
0x92: {  	_ =	strace s18  }
0x93: {  	s3 =	sld [smem:$0x3FFC];
	_ =	sdelay $0x3  }
0x94: {  	_ =	strace s3  }
0x95: {  	s3 =	sld [smem:$0x3FFD];
	_ =	sdelay $0x3  }
0x96: {  	_ =	strace s3  }
0x97: {  	_ =	strace $0x8FFFFFFF  }
0x98: {  	s19 =	sld [smem:$0x3FDB];
	_ =	sdelay $0x1  }
0x99: {  	s4 =	simm.s32 $_scs_section_size  }
0x9a: {  	s5 =	simm.s32 $_size__tile_overlayer_lowered;
	s6 =	simm.s32 $_tile_overlayer_lowered  }
0x9b: {  	s22 =	simm.s32 $0x1BFF;
	s21 =	sshll.u32 s6, $0x1;
	s3 =	sadd.s32 s4, s19  }
0x9c: {  	s7 =	simm.s32 $0x0;
	s20 =	sshll.u32 s5, $0x1;
	s5 =	sadd.s32 s21, s3  }
0x9d: {  	[timem:s7], [sflag:s22] =	dma.local [hbm:s5], s20  }
0x9e: {  	_ =	swait.ge [sflag:s22], s20  }
0x9f: {  	s4 =	ssub.s32 $0x0, s20;
	[sflag:s22] =	ssyncset.done $0x0  }
0xa0: {  	[sflag:s22] =	ssyncadd.s32 s4;
	_ =	sdelay $0x1  }
0xa1: {  	s23 =	simm.s32 $0x1B8B  }
0xa2: {  	_ =	swait.ge [sflag:s23], $0x1  }
0xa3: {  	[sflag:s23] =	ssyncset.done $0x0  }
0xa4: {  	s25 =	simm.s32 $0x1B8E;
	s24 =	sld [smem:$0x3FFE];
	[sflag:s23] =	ssyncadd.s32 $0xFFFFFFFF  }
0xa5: {  	s26 =	simm.s32 $execute0_lowered;
	[smem:$0x3FD2] =	sst s25  }
0xa6: {  	s5 =	sshll.u32 s26, $0x1;
	_ =	strace $0x80000046;
	[dreg:$0x1] =	wrdreg $0xFFFFFFFF  }
0xa7: {  	s28 =	simm.s32 $_size_execute0_lowered;
	s3 =	sadd.s32 s3, s5;
	[dreg:$0x0] =	wrdreg $0x0  }
0xa8: {  	s5 =	sshll.u32 s28, $0x1;
	[dreg:$0x2] =	wrdreg s3  }
0xa9: {  	[dreg:$0x3] =	wrdreg s5  }
0xaa: {  	[dreg:$0x4] =	wrdreg $0xC0  }
0xab: {  	_ =	task [dreg:s7], $0x5FFFF  }
0xac: {  	[dreg:$0x1] =	wrdreg $0xFFFFFFFF  }
0xad: {  	[dreg:$0x0] =	wrdreg $0x60  }
0xae: {  	[dreg:$0x2] =	wrdreg s2  }
0xaf: {  	[dreg:$0x3] =	wrdreg s24  }
0xb0: {  	[dreg:$0x4] =	wrdreg $0x0  }
0xb1: {  	[dreg:$0x5] =	wrdreg $0x9  }
0xb2: {  	_ =	task.clear_ibuf [dreg:s7], $0x6FFFF;
	_ =	strace $0x90000046  }
0xb3: {  	s29 =	simm.s32 $0x9;
	_ =	strace $0x80000048  }
0xb4: {  	_ =	swait.ge [sflag:s29], $0x1  }
0xb5: {  	[sflag:s29] =	ssyncadd.s32 $0xFFFFFFFF  }
0xb6: {  	_ =	strace $0x90000048  }
0xb7: {  	_ =	sfence  }
0xb8: {  	s30 =	sld [smem:$0x0];
	_ =	sdelay $0x2  }
0xb9: {  	s31 =	sshll.u32 s1, $0xD;
	s1 =	sshrl.u32 s1, $0x2  }
0xba: {  	s3 =	sand.u32 $0x4000, s31;
	s1 =	sadd.s32 s1, s30  }
0xbb: {  	s0 =	sor.u32 s3, s0;
	s1 =	sshll.u32 s1, $0x11  }
0xbc: {  	s0 =	sor.u32 s1, s0  }
0xbd: {  	s0 =	sadd.s32 $0x8F2B, s0  }
0xbe: {  	[sflag:s0] =	ssyncadd.remote.s32 $0x1  }
0xbf: {  	_ =	sfence.sel $0xFFFF  }
0xc0: {  	[dreg:$0x0] =	wrdreg $0xFFFFFFFF;
	(pc) =	sbr.abs _section_cstart, $3  }
0xc1: {  	[dreg:$0x1] =	wrdreg $0xFFFFFFFF  }
0xc2: {  	_ =	task.clear_ibuf [dreg:s7], $0x2FFFF;
	_ =	strace $0x9FFFFFFF  }
0xc3: {  	(tm) =	ssettm $0x7FFFFFFF  }
tec
execute0_lowered:
.L_overlay_start_1:
0x0: {  	(tag) =	ssettag $0x1  }
0x1: {  	s5 =	rddreg [dreg:$0x0]  }
0x2: {  	s4 =	rddreg [dreg:$0x1]  }
0x3: {  	s2 =	rddreg [dreg:$0x2]  }
0x4: {  	s0 =	rddreg [dreg:$0x3];
	s6 =	srdreg.scid  }
0x5: {  	s1 =	stileid.u32;
	s3 =	simm.s32 $0x0;
	s11 =	simm.s32 $0x80  }
0x6: {  	s12 =	simm.s32 $0x280;
	s15 =	simm.s32 $0x20;
	s16 =	simm.s32 $0x10  }
0x7: {  	s17 =	simm.s32 $0x0;
	s6 =	sand.u32 $0x1, s6;
	s7 =	smul.u32 $0x500, s1  }
0x8: {  	[smem:$0x7FF] =	sst s3;
	s9 =	smul.u32 $0xA00, s1;
	s13 =	sshll.u32 s1, $0x6  }
0x9: {  	s8 =	sshll.u32 s6, $0x7;
	_ =	strace $0x80000047;
	s30 =	sshll.u32 s6, $0x4  }
0xa: {  	s6 =	ssub.s32 $0x2, s6;
	s13 =	sor.u32 $0x1C01, s13;
	s7 =	sor.u32 s8, s7  }
0xb: {  	s8 =	sor.u32 s1, s30;
	s10 =	sshrl.u32 s6, $0x1;
	s31 =	sshrl.u32 s9, $0x2  }
0xc: {  	s9 =	simm.s32 $0x1;
	s7 =	sshrl.u32 s7, $0x3;
	s8 =	smul.u32 $0x500, s8  }
0xd: {  	s10 =	ssub.s32 s6, s10;
	s7 =	sadd.s32 s7, s4;
	s4 =	sadd.s32 s31, s2  }
0xe: {  	s5 =	sadd.s32 s5, s8;
	s6 =	sadd.s32 $0x2800, s7;
	s7 =	smax.u32 s10, $0x1  }
0xf: {  	v0 =	vimm.f32 $0.0e+00;
	v1 =	vimm.f32 $1.000000000e+00;
	s8 =	simm.s32 $0x300;
	s10 =	simm.s32 $0x580;
	s14 =	sshrl.u32 s4, $0x3  }
.LBB2_1:
0x10: {  	[tilespmem:$0x300] =	vst v0  }
0x11: {  	[tilespmem:$0x310] =	vst v0  }
0x12: {  	[tilespmem:$0x320] =	vst v0  }
0x13: {  	[tilespmem:$0x330] =	vst v0  }
0x14: {  	[tilespmem:$0x340] =	vst v0  }
0x15: {  	[tilespmem:$0x350] =	vst v0  }
0x16: {  	[tilespmem:$0x360] =	vst v0  }
0x17: {  	[tilespmem:$0x370] =	vst v0  }
0x18: {  	[tilespmem:$0x380] =	vst v0  }
0x19: {  	[tilespmem:$0x390] =	vst v0  }
0x1a: {  	[tilespmem:$0x3A0] =	vst v0  }
0x1b: {  	[tilespmem:$0x3B0] =	vst v0  }
0x1c: {  	[tilespmem:$0x3C0] =	vst v0  }
0x1d: {  	[tilespmem:$0x3D0] =	vst v0  }
0x1e: {  	[tilespmem:$0x3E0] =	vst v0  }
0x1f: {  	[tilespmem:$0x3F0] =	vst v0  }
0x20: {  	[tilespmem:$0x400] =	vst v0  }
0x21: {  	[tilespmem:$0x410] =	vst v0  }
0x22: {  	[tilespmem:$0x420] =	vst v0  }
0x23: {  	[tilespmem:$0x430] =	vst v0  }
0x24: {  	[tilespmem:$0x440] =	vst v0  }
0x25: {  	[tilespmem:$0x450] =	vst v0  }
0x26: {  	[tilespmem:$0x460] =	vst v0  }
0x27: {  	[tilespmem:$0x470] =	vst v0  }
0x28: {  	[tilespmem:$0x480] =	vst v0  }
0x29: {  	[tilespmem:$0x490] =	vst v0  }
0x2a: {  	[tilespmem:$0x4A0] =	vst v0  }
0x2b: {  	[tilespmem:$0x4B0] =	vst v0  }
0x2c: {  	[tilespmem:$0x4C0] =	vst v0  }
0x2d: {  	[tilespmem:$0x4D0] =	vst v0  }
0x2e: {  	[tilespmem:$0x4E0] =	vst v0  }
0x2f: {  	[tilespmem:$0x4F0] =	vst v0  }
0x30: {  	[tilespmem:$0x500] =	vst v0  }
0x31: {  	[tilespmem:$0x510] =	vst v0  }
0x32: {  	[tilespmem:$0x520] =	vst v0  }
0x33: {  	[tilespmem:$0x530] =	vst v0  }
0x34: {  	[tilespmem:$0x540] =	vst v0  }
0x35: {  	[tilespmem:$0x550] =	vst v0  }
0x36: {  	[tilespmem:$0x560] =	vst v0  }
0x37: {  	[tilespmem:$0x570] =	vst v0  }
0x38: {  	[tilespmem:$0x280] =	vst v1  }
0x39: {  	[tilespmem:$0x290] =	vst v1  }
0x3a: {  	[tilespmem:$0x2A0] =	vst v1  }
0x3b: {  	[tilespmem:$0x2B0] =	vst v1  }
0x3c: {  	[tilespmem:$0x2C0] =	vst v1  }
0x3d: {  	[tilespmem:$0x2D0] =	vst v1  }
0x3e: {  	[tilespmem:$0x2E0] =	vst v1  }
0x3f: {  	[tilespmem:$0x2F0] =	vst v1  }
0x40: {  	[spmem:s4] =	stream.linear.scatter [tilespmem:s8], [sflag:$0x1], $0x280, $0x38;
	[tilespmem:$0x2D80] =	vst v63  }
0x41: {  	_ =	swait.ge [sflag:s9], $0x280  }
0x42: {  	[sflag:s9] =	ssyncset.done $0x0  }
0x43: {  	[sflag:s9] =	ssyncadd.s32 $0xFFFFFD80  }
0x44: {  	[bflag:$0x0] =	sbarrier.arrive $0xFFFF  }
0x45: {  	[tilespmem:s10], [sflag:$0x1] =	stream.linear.gather [hbm4b:s5+s3], $0x2800, $0x38;
	[tilespmem:$0x2D80] =	vst v63  }
0x46: {  	_ =	swait.ge [sflag:s9], $0x2800  }
0x47: {  	[sflag:s9] =	ssyncset.done $0x0  }
0x48: {  	s18 =	simm.s32 $0x580;
	[sflag:s9] =	ssyncadd.s32 $0xFFFFD800  }
0x49: {  	[spmem:s2] =	stream.indirect.scatter.add.f32 [tilespmem:s12], [sflag:$0x1], $0x1, s18, s11, $0xb8;
	[tilespmem:$0x2D80] =	vst v63  }
0x4a: {  	s18 =	simm.s32 $0x200;
	_ =	swait.ge [sflag:s9], $0x80  }
.LBB2_2:
0x4b: {  	s19 =	sshra.s32 s18, $0x2;
	[sflag:s9] =	ssyncset.done $0x0;
	p0 =	sne.s32 s18, $0x9E00  }
.Ltmp0:
0x4c: {  	s19 =	sadd.s32 $0x580, s19;
	[sflag:s9] =	ssyncadd.s32 $0xFFFFFF80;
	(pc) =	sbr.rel @p0 .LBB2_2-.Ltmp0, $3  }
0x4d: {  	[spmem:s2] =	stream.indirect.scatter.add.f32 [tilespmem:s12], [sflag:$0x1], $0x1, s19, s11, $0xb8;
	[tilespmem:$0x2D80] =	vst v63  }
0x4e: {  	s18 =	sadd.s32 $0x200, s18;
	_ =	sdelay $0x1  }
0x4f: {  	_ =	swait.ge [sflag:s9], $0x80  }
0x50: {  	[sflag:s9] =	ssyncset.done $0x0;
	s17 =	sadd.s32 $0x1, s17  }
0x51: {  	[sflag:s9] =	ssyncadd.s32 $0xFFFFFF80;
	p0 =	sne.s32 s17, s7  }
.Ltmp1:
0x52: {  	[bflag:$0x0] =	sbarrier.arrive $0xFFFF;
	(pc) =	sbr.rel @p0 .LBB2_1-.Ltmp1, $4  }
0x53: {  	[hbm:s6@s15], [sflag:s13] =	dma.strided [spmem:s14@s16], $0x50, s9, $0x10   }
0x54: {  	_ =	swait.ge [sflag:s9], $0x50  }
0x55: {  	[sflag:s9] =	ssyncset.done $0x0  }
0x56: {  	[sflag:s9] =	ssyncadd.s32 $0xFFFFFFB0  }
0x57: {  	_ =	sfence.sel $0x180000  }
0x58: {  	[bflag:$0x0] =	sbarrier.arrive $0xFFFF  }
0x59: {  	p0 =	sne.s32 s1, $0x0;
	_ =	strace $0x90000047  }
0x5a: {  	s0 =	sadd.s32 @!p0 $0x100000, s0;
	[bflag:$0x2] =	sbarrier.arrive $0xFFFF  }
0x5b: {  	[sflag:s0] =	ssyncadd.tile.s32 @!p0 $0x1;
	_ =	shalt  }
.Lfunc_end2:
_tile_overlayer_lowered:
.L_overlay_start_2:
0x5c: {  	(tag) =	ssettag $0x2  }
0x5d: {  	s0 =	rddreg [dreg:$0x0];
	s2 =	stileid.u32  }
0x5e: {  	s1 =	rddreg [dreg:$0x1];
	p0 =	sne.s32 s2, $0x0  }
0x5f: {  	s3 =	rddreg [dreg:$0x2];
	[bflag:$0x3] =	sbarrier.arrive $0xFFFF;
	s2 =	simm.s32 @!p0 $0x1C01  }
0x60: {  	[timem:s3], [sflag:s2] =	dma.local @!p0 [hbm:s0], s1  }
0x61: {  	s0 =	simm.s32 @!p0 $0x1  }
0x62: {  	_ =	swait.ge @!p0 [sflag:s0], s1  }
0x63: {  	s1 =	ssub.s32 @!p0 $0x0, s1;
	[sflag:s0] =	ssyncset.done @!p0 $0x0  }
0x64: {  	[sflag:s0] =	ssyncadd.s32 @!p0 s1  }
0x65: {  	[bflag:$0x3] =	sbarrier.arrive $0xFFFF  }
0x66: {  	_ =	shalt  }

</sc_bundles>
